<compile_context>
chip_gen: v7x
topology: tpu7x:2x2x1
jax: 0.10.2.dev20260603
libtpu: 0.0.44.dev20260713+nightly
codegen_flags: <defaults>
</compile_context>

<pallas_src>
import functools

import jax
import jax.numpy as jnp
from jax import lax
from jax.experimental import pallas as pl
from jax.experimental.pallas import tpu as pltpu
from jax.experimental.pallas import tpu_sc as plsc

NC, NS, L = 2, 16, 16
NW = NC * NS
ROWS, COLS = 16384, 360
RPW = ROWS // NW
CC = 128
NCH = RPW // CC
GROUPS = CC // L
OCTS = COLS // 8

_mesh = plsc.VectorSubcoreMesh(core_axis_name="c", subcore_axis_name="s")


@functools.partial(
    pl.kernel,
    mesh=_mesh,
    compiler_params=pltpu.CompilerParams(needs_layout_passes=False,
                                         use_tc_tiling_on_sc=True),
    out_type=jax.ShapeDtypeStruct((ROWS,), jnp.float32),
    scratch_types=[
        pltpu.VMEM((COLS, CC), jnp.float32),
        pltpu.VMEM((COLS, CC), jnp.float32),
        pltpu.VMEM((COLS,), jnp.int32),
        pltpu.VMEM((RPW,), jnp.float32),
        pltpu.SemaphoreType.DMA,
        pltpu.SemaphoreType.DMA,
    ],
)
def _argmax_deg_kernel(xt_hbm, degs_hbm, out_hbm, buf0, buf1, degs_v, out_v,
                       sem0, sem1):
    wid = lax.axis_index("s") * NC + lax.axis_index("c")
    col_base = wid * RPW

    pltpu.sync_copy(degs_hbm, degs_v)

    iota = lax.iota(jnp.int32, L)
    neg_inf = jnp.full((L,), -jnp.inf, jnp.float32)
    zero = jnp.zeros((L,), jnp.int32)
    consts = [jnp.full((L,), v, jnp.int32) for v in range(8)]

    bufs = [buf0, buf1]
    sems = [sem0, sem1]
    copies = [None, None]

    def start(ci, b):
        src = xt_hbm.at[:, pl.ds(col_base + ci * CC, CC)]
        copies[b] = pltpu.async_copy(src, bufs[b], sems[b])

    start(0, 0)
    for ci in range(NCH):
        b = ci & 1
        if ci + 1 < NCH:
            start(ci + 1, 1 - b)
        copies[b].wait()
        buf = bufs[b]

        for gp in range(GROUPS // 2):
            c0 = [(2 * gp) * L, (2 * gp + 1) * L]

            def oct_body(o, carry):
                b0, o0, b1, o1 = carry
                r = 8 * o
                ov = jnp.full((L,), o, jnp.int32)
                m = []
                for k in range(2):
                    v = [buf[r + j, pl.ds(c0[k], L)] for j in range(8)]
                    t = [jnp.maximum(v[2 * j], v[2 * j + 1]) for j in range(4)]
                    m.append(jnp.maximum(jnp.maximum(t[0], t[1]),
                                         jnp.maximum(t[2], t[3])))
                p0 = m[0] > b0
                p1 = m[1] > b1
                b0 = jnp.maximum(m[0], b0)
                b1 = jnp.maximum(m[1], b1)
                o0 = jnp.where(p0, ov, o0)
                o1 = jnp.where(p1, ov, o1)
                return b0, o0, b1, o1

            b0, o0, b1, o1 = lax.fori_loop(
                0, OCTS, oct_body, (neg_inf, zero, neg_inf, zero))

            for k, (best, bo) in enumerate(((b0, o0), (b1, o1))):
                r0 = bo * 8
                lanes = c0[k] + iota
                v = [plsc.load_gather(buf, [r0 + consts[j], lanes])
                     for j in range(7)]
                off = consts[7]
                for j in range(6, -1, -1):
                    off = jnp.where(v[j] == best, consts[j], off)
                row = r0 + off
                d = plsc.load_gather(degs_v, [row])
                out_v[pl.ds(ci * CC + c0[k], L)] = d.astype(jnp.float32)

    pltpu.sync_copy(out_v, out_hbm.at[pl.ds(col_base, RPW)])


@jax.jit
def kernel(inputs, degs):
    return _argmax_deg_kernel(inputs.T, degs)

# --- scband reference (transcript-rebuilt; emitter-appended) ---
"""Pipeline reference for scband-rot-classifier-22222160789959 (READ-ONLY COPY).

The authoritative reference and input builder live on the scoring server;
editing this copy changes nothing except your own understanding.
"""

import jax, jax.numpy as jnp
import numpy as np


def setup_inputs(seed: int = 0) -> dict:
    key = jax.random.key(seed)
    inputs = jax.random.normal(key, (16384, 360), dtype=jnp.float32)
    # degs buffer: arange(deg_min=0, deg_max+deg_step=360, step=1), int (non-trainable Parameter)
    degs = jnp.arange(0, 360, 1, dtype=jnp.int32)
    return {"inputs": inputs, "degs": degs}


def reference(inputs, degs):
    # degs[argmax(inputs, dim=1)].to(inputs.dtype)
    idx = jnp.argmax(inputs, axis=1)
    return jnp.take(degs, idx, axis=0).astype(inputs.dtype)

if __name__ == "__main__":
    import jax
    _d = setup_inputs()
    print(jax.jit(kernel)(*tuple(_d.values())))

</pallas_src>

<mosaic_0001>
#map = affine_map<(d0, d1) -> (0, 0)>
#map1 = affine_map<(d0, d1) -> (0)>
module attributes {stable_mosaic.version = 14 : i64} {
  func.func @_argmax_deg_kernel(%arg0: i32, %arg1: i32, %arg2: memref<360x16384xf32, #tpu.memory_space<hbm>>, %arg3: memref<360xi32, #tpu.memory_space<hbm>>, %arg4: memref<16384xf32, #tpu.memory_space<hbm>>, %arg5: memref<360x128xf32, #tpu.memory_space<vmem>>, %arg6: memref<360x128xf32, #tpu.memory_space<vmem>>, %arg7: memref<360xi32, #tpu.memory_space<vmem>>, %arg8: memref<512xf32, #tpu.memory_space<vmem>>, %arg9: memref<!tpu.dma_semaphore, #tpu.memory_space<semaphore_mem>>, %arg10: memref<!tpu.dma_semaphore, #tpu.memory_space<semaphore_mem>>) attributes {dimension_semantics = [#tpu.dimension_semantics<core_parallel>, #tpu.dimension_semantics<subcore_parallel>], iteration_bounds = array<i64: 2, 16>, scalar_prefetch = 0 : i64, scratch_operands = 6 : i64, tpu.core_type = #tpu.core_type<sc_vector_subcore>, window_params = [{transform_indices = #map}, {transform_indices = #map1}, {transform_indices = #map1}]} {
    %mul3A = arith.constant 2 : i32
    %mul3A_0 = arith.muli %arg1, %mul3A : i32
    %add3A = arith.addi %mul3A_0, %arg0 : i32
    %mul3A_1 = arith.constant 512 : i32
    %mul3A_2 = arith.muli %add3A, %mul3A_1 : i32
    "tpu.region"() ({
      %run_scoped3A = tpu.sem_alloc : memref<!tpu.dma_semaphore, #tpu.memory_space<semaphore_mem>>
      tpu.enqueue_dma source(%arg3 : memref<360xi32, #tpu.memory_space<hbm>>) target(%arg7 : memref<360xi32, #tpu.memory_space<vmem>>) target_semaphore(%run_scoped3A : memref<!tpu.dma_semaphore, #tpu.memory_space<semaphore_mem>>)
      tpu.wait_dma2 semaphore(%run_scoped3A : memref<!tpu.dma_semaphore, #tpu.memory_space<semaphore_mem>>) src(%arg3 : memref<360xi32, #tpu.memory_space<hbm>>) dst(%arg7 : memref<360xi32, #tpu.memory_space<vmem>>)
      tpu.yield
    }) : () -> ()
    %iota3A = tpu.iota {dimensions = array<i32: 0>} : vector<16xi32>
    %broadcast_in_dim3A = arith.constant 0xFF800000 : f32
    %broadcast_in_dim3A_3 = vector.broadcast %broadcast_in_dim3A : f32 to vector<16xf32>
    %broadcast_in_dim3A_4 = arith.constant 0 : i32
    %broadcast_in_dim3A_5 = vector.broadcast %broadcast_in_dim3A_4 : i32 to vector<16xi32>
    %broadcast_in_dim3A_6 = arith.constant 0 : i32
    %broadcast_in_dim3A_7 = vector.broadcast %broadcast_in_dim3A_6 : i32 to vector<16xi32>
    %broadcast_in_dim3A_8 = arith.constant 1 : i32
    %broadcast_in_dim3A_9 = vector.broadcast %broadcast_in_dim3A_8 : i32 to vector<16xi32>
    %broadcast_in_dim3A_10 = arith.constant 2 : i32
    %broadcast_in_dim3A_11 = vector.broadcast %broadcast_in_dim3A_10 : i32 to vector<16xi32>
    %broadcast_in_dim3A_12 = arith.constant 3 : i32
    %broadcast_in_dim3A_13 = vector.broadcast %broadcast_in_dim3A_12 : i32 to vector<16xi32>
    %broadcast_in_dim3A_14 = arith.constant 4 : i32
    %broadcast_in_dim3A_15 = vector.broadcast %broadcast_in_dim3A_14 : i32 to vector<16xi32>
    %broadcast_in_dim3A_16 = arith.constant 5 : i32
    %broadcast_in_dim3A_17 = vector.broadcast %broadcast_in_dim3A_16 : i32 to vector<16xi32>
    %broadcast_in_dim3A_18 = arith.constant 6 : i32
    %broadcast_in_dim3A_19 = vector.broadcast %broadcast_in_dim3A_18 : i32 to vector<16xi32>
    %broadcast_in_dim3A_20 = arith.constant 7 : i32
    %broadcast_in_dim3A_21 = vector.broadcast %broadcast_in_dim3A_20 : i32 to vector<16xi32>
    %add3A_22 = arith.constant 0 : i32
    %add3A_23 = arith.addi %mul3A_2, %add3A_22 : i32
    %dma_start3A = arith.constant 0 : i32
    %dma_start3A_24 = tpu.memref_slice %arg2[%dma_start3A, %add3A_23] : memref<360x16384xf32, #tpu.memory_space<hbm>> -> memref<360x128xf32, #tpu.memory_space<hbm>>
    %dma_start3A_25 = arith.constant 0 : i32
    %dma_start3A_26 = tpu.memref_slice %arg2[%dma_start3A_25, %add3A_23] : memref<360x16384xf32, #tpu.memory_space<hbm>> -> memref<360x128xf32, #tpu.memory_space<hbm>>
    tpu.enqueue_dma source(%dma_start3A_26 : memref<360x128xf32, #tpu.memory_space<hbm>>) target(%arg5 : memref<360x128xf32, #tpu.memory_space<vmem>>) target_semaphore(%arg9 : memref<!tpu.dma_semaphore, #tpu.memory_space<semaphore_mem>>)
    %add3A_27 = arith.constant 128 : i32
    %add3A_28 = arith.addi %mul3A_2, %add3A_27 : i32
    %dma_start3A_29 = arith.constant 0 : i32
    %dma_start3A_30 = tpu.memref_slice %arg2[%dma_start3A_29, %add3A_28] : memref<360x16384xf32, #tpu.memory_space<hbm>> -> memref<360x128xf32, #tpu.memory_space<hbm>>
    %dma_start3A_31 = arith.constant 0 : i32
    %dma_start3A_32 = tpu.memref_slice %arg2[%dma_start3A_31, %add3A_28] : memref<360x16384xf32, #tpu.memory_space<hbm>> -> memref<360x128xf32, #tpu.memory_space<hbm>>
    tpu.enqueue_dma source(%dma_start3A_32 : memref<360x128xf32, #tpu.memory_space<hbm>>) target(%arg6 : memref<360x128xf32, #tpu.memory_space<vmem>>) target_semaphore(%arg10 : memref<!tpu.dma_semaphore, #tpu.memory_space<semaphore_mem>>)
    %dma_wait3A = arith.constant 0 : i32
    %dma_wait3A_33 = tpu.memref_slice %arg2[%dma_wait3A, %add3A_23] : memref<360x16384xf32, #tpu.memory_space<hbm>> -> memref<360x128xf32, #tpu.memory_space<hbm>>
    %dma_wait3A_34 = arith.constant 0 : i32
    %dma_wait3A_35 = tpu.memref_slice %arg2[%dma_wait3A_34, %add3A_23] : memref<360x16384xf32, #tpu.memory_space<hbm>> -> memref<360x128xf32, #tpu.memory_space<hbm>>
    tpu.wait_dma2 semaphore(%arg9 : memref<!tpu.dma_semaphore, #tpu.memory_space<semaphore_mem>>) src(%dma_wait3A_35 : memref<360x128xf32, #tpu.memory_space<hbm>>) dst(%arg5 : memref<360x128xf32, #tpu.memory_space<vmem>>)
    %scan3A = arith.constant 0 : i32
    %scan3A_36 = arith.constant 45 : i32
    %scan3A_37 = arith.addi %scan3A, %scan3A_36 : i32
    %scan3A_38 = arith.constant 1 : i32
    %scan3A_39:4 = scf.for %scan3A_1398 = %scan3A to %scan3A_37 step %scan3A_38 iter_args(%scan3A_1399 = %broadcast_in_dim3A_3, %scan3A_1400 = %broadcast_in_dim3A_5, %scan3A_1401 = %broadcast_in_dim3A_3, %scan3A_1402 = %broadcast_in_dim3A_5) -> (vector<16xf32>, vector<16xi32>, vector<16xf32>, vector<16xi32>)  : i32 {
      %mul3A_1403 = arith.constant 8 : i32
      %mul3A_1404 = arith.muli %mul3A_1403, %scan3A_1398 : i32
      %broadcast_in_dim3A_1405 = vector.broadcast %scan3A_1398 : i32 to vector<16xi32>
      %add3A_1406 = arith.constant 0 : i32
      %add3A_1407 = arith.addi %mul3A_1404, %add3A_1406 : i32
      %get3A = arith.index_cast %add3A_1407 : i32 to index
      %get3A_1408 = arith.constant 0 : index
      %get3A_1409 = tpu.vector_load %arg5[%get3A, %get3A_1408] {strides = array<i32>} : memref<360x128xf32, #tpu.memory_space<vmem>>, vector<16xf32>,
      %add3A_1410 = arith.constant 1 : i32
      %add3A_1411 = arith.addi %mul3A_1404, %add3A_1410 : i32
      %get3A_1412 = arith.index_cast %add3A_1411 : i32 to index
      %get3A_1413 = arith.constant 0 : index
      %get3A_1414 = tpu.vector_load %arg5[%get3A_1412, %get3A_1413] {strides = array<i32>} : memref<360x128xf32, #tpu.memory_space<vmem>>, vector<16xf32>,
      %add3A_1415 = arith.constant 2 : i32
      %add3A_1416 = arith.addi %mul3A_1404, %add3A_1415 : i32
      %get3A_1417 = arith.index_cast %add3A_1416 : i32 to index
      %get3A_1418 = arith.constant 0 : index
      %get3A_1419 = tpu.vector_load %arg5[%get3A_1417, %get3A_1418] {strides = array<i32>} : memref<360x128xf32, #tpu.memory_space<vmem>>, vector<16xf32>,
      %add3A_1420 = arith.constant 3 : i32
      %add3A_1421 = arith.addi %mul3A_1404, %add3A_1420 : i32
      %get3A_1422 = arith.index_cast %add3A_1421 : i32 to index
      %get3A_1423 = arith.constant 0 : index
      %get3A_1424 = tpu.vector_load %arg5[%get3A_1422, %get3A_1423] {strides = array<i32>} : memref<360x128xf32, #tpu.memory_space<vmem>>, vector<16xf32>,
      %add3A_1425 = arith.constant 4 : i32
      %add3A_1426 = arith.addi %mul3A_1404, %add3A_1425 : i32
      %get3A_1427 = arith.index_cast %add3A_1426 : i32 to index
      %get3A_1428 = arith.constant 0 : index
      %get3A_1429 = tpu.vector_load %arg5[%get3A_1427, %get3A_1428] {strides = array<i32>} : memref<360x128xf32, #tpu.memory_space<vmem>>, vector<16xf32>,
      %add3A_1430 = arith.constant 5 : i32
      %add3A_1431 = arith.addi %mul3A_1404, %add3A_1430 : i32
      %get3A_1432 = arith.index_cast %add3A_1431 : i32 to index
      %get3A_1433 = arith.constant 0 : index
      %get3A_1434 = tpu.vector_load %arg5[%get3A_1432, %get3A_1433] {strides = array<i32>} : memref<360x128xf32, #tpu.memory_space<vmem>>, vector<16xf32>,
      %add3A_1435 = arith.constant 6 : i32
      %add3A_1436 = arith.addi %mul3A_1404, %add3A_1435 : i32
      %get3A_1437 = arith.index_cast %add3A_1436 : i32 to index
      %get3A_1438 = arith.constant 0 : index
      %get3A_1439 = tpu.vector_load %arg5[%get3A_1437, %get3A_1438] {strides = array<i32>} : memref<360x128xf32, #tpu.memory_space<vmem>>, vector<16xf32>,
      %add3A_1440 = arith.constant 7 : i32
      %add3A_1441 = arith.addi %mul3A_1404, %add3A_1440 : i32
      %get3A_1442 = arith.index_cast %add3A_1441 : i32 to index
      %get3A_1443 = arith.constant 0 : index
      %get3A_1444 = tpu.vector_load %arg5[%get3A_1442, %get3A_1443] {strides = array<i32>} : memref<360x128xf32, #tpu.memory_space<vmem>>, vector<16xf32>,
      %max3A = arith.maximumf %get3A_1409, %get3A_1414 : vector<16xf32>
      %max3A_1445 = arith.maximumf %get3A_1419, %get3A_1424 : vector<16xf32>
      %max3A_1446 = arith.maximumf %get3A_1429, %get3A_1434 : vector<16xf32>
      %max3A_1447 = arith.maximumf %get3A_1439, %get3A_1444 : vector<16xf32>
      %max3A_1448 = arith.maximumf %max3A, %max3A_1445 : vector<16xf32>
      %max3A_1449 = arith.maximumf %max3A_1446, %max3A_1447 : vector<16xf32>
      %max3A_1450 = arith.maximumf %max3A_1448, %max3A_1449 : vector<16xf32>
      %add3A_1451 = arith.constant 0 : i32
      %add3A_1452 = arith.addi %mul3A_1404, %add3A_1451 : i32
      %get3A_1453 = arith.index_cast %add3A_1452 : i32 to index
      %get3A_1454 = arith.constant 16 : index
      %get3A_1455 = tpu.vector_load %arg5[%get3A_1453, %get3A_1454] {strides = array<i32>} : memref<360x128xf32, #tpu.memory_space<vmem>>, vector<16xf32>,
      %add3A_1456 = arith.constant 1 : i32
      %add3A_1457 = arith.addi %mul3A_1404, %add3A_1456 : i32
      %get3A_1458 = arith.index_cast %add3A_1457 : i32 to index
      %get3A_1459 = arith.constant 16 : index
      %get3A_1460 = tpu.vector_load %arg5[%get3A_1458, %get3A_1459] {strides = array<i32>} : memref<360x128xf32, #tpu.memory_space<vmem>>, vector<16xf32>,
      %add3A_1461 = arith.constant 2 : i32
      %add3A_1462 = arith.addi %mul3A_1404, %add3A_1461 : i32
      %get3A_1463 = arith.index_cast %add3A_1462 : i32 to index
      %get3A_1464 = arith.constant 16 : index
      %get3A_1465 = tpu.vector_load %arg5[%get3A_1463, %get3A_1464] {strides = array<i32>} : memref<360x128xf32, #tpu.memory_space<vmem>>, vector<16xf32>,
      %add3A_1466 = arith.constant 3 : i32
      %add3A_1467 = arith.addi %mul3A_1404, %add3A_1466 : i32
      %get3A_1468 = arith.index_cast %add3A_1467 : i32 to index
      %get3A_1469 = arith.constant 16 : index
      %get3A_1470 = tpu.vector_load %arg5[%get3A_1468, %get3A_1469] {strides = array<i32>} : memref<360x128xf32, #tpu.memory_space<vmem>>, vector<16xf32>,
      %add3A_1471 = arith.constant 4 : i32
      %add3A_1472 = arith.addi %mul3A_1404, %add3A_1471 : i32
      %get3A_1473 = arith.index_cast %add3A_1472 : i32 to index
      %get3A_1474 = arith.constant 16 : index
      %get3A_1475 = tpu.vector_load %arg5[%get3A_1473, %get3A_1474] {strides = array<i32>} : memref<360x128xf32, #tpu.memory_space<vmem>>, vector<16xf32>,
      %add3A_1476 = arith.constant 5 : i32
      %add3A_1477 = arith.addi %mul3A_1404, %add3A_1476 : i32
      %get3A_1478 = arith.index_cast %add3A_1477 : i32 to index
      %get3A_1479 = arith.constant 16 : index
      %get3A_1480 = tpu.vector_load %arg5[%get3A_1478, %get3A_1479] {strides = array<i32>} : memref<360x128xf32, #tpu.memory_space<vmem>>, vector<16xf32>,
      %add3A_1481 = arith.constant 6 : i32
      %add3A_1482 = arith.addi %mul3A_1404, %add3A_1481 : i32
      %get3A_1483 = arith.index_cast %add3A_1482 : i32 to index
      %get3A_1484 = arith.constant 16 : index
      %get3A_1485 = tpu.vector_load %arg5[%get3A_1483, %get3A_1484] {strides = array<i32>} : memref<360x128xf32, #tpu.memory_space<vmem>>, vector<16xf32>,
      %add3A_1486 = arith.constant 7 : i32
      %add3A_1487 = arith.addi %mul3A_1404, %add3A_1486 : i32
      %get3A_1488 = arith.index_cast %add3A_1487 : i32 to index
      %get3A_1489 = arith.constant 16 : index
      %get3A_1490 = tpu.vector_load %arg5[%get3A_1488, %get3A_1489] {strides = array<i32>} : memref<360x128xf32, #tpu.memory_space<vmem>>, vector<16xf32>,
      %max3A_1491 = arith.maximumf %get3A_1455, %get3A_1460 : vector<16xf32>
      %max3A_1492 = arith.maximumf %get3A_1465, %get3A_1470 : vector<16xf32>
      %max3A_1493 = arith.maximumf %get3A_1475, %get3A_1480 : vector<16xf32>
      %max3A_1494 = arith.maximumf %get3A_1485, %get3A_1490 : vector<16xf32>
      %max3A_1495 = arith.maximumf %max3A_1491, %max3A_1492 : vector<16xf32>
      %max3A_1496 = arith.maximumf %max3A_1493, %max3A_1494 : vector<16xf32>
      %max3A_1497 = arith.maximumf %max3A_1495, %max3A_1496 : vector<16xf32>
      %gt3A = arith.cmpf ogt, %max3A_1450, %scan3A_1399 : vector<16xf32>
      %gt3A_1498 = arith.cmpf ogt, %max3A_1497, %scan3A_1401 : vector<16xf32>
      %max3A_1499 = arith.maximumf %max3A_1450, %scan3A_1399 : vector<16xf32>
      %max3A_1500 = arith.maximumf %max3A_1497, %scan3A_1401 : vector<16xf32>
      %select_n3A_1501 = arith.select %gt3A, %broadcast_in_dim3A_1405, %scan3A_1400 : vector<16xi1>, vector<16xi32>
      %select_n3A_1502 = arith.select %gt3A_1498, %broadcast_in_dim3A_1405, %scan3A_1402 : vector<16xi1>, vector<16xi32>
      scf.yield %max3A_1499, %select_n3A_1501, %max3A_1500, %select_n3A_1502 : vector<16xf32>, vector<16xi32>, vector<16xf32>, vector<16xi32>
    }
    %scan3A_40 = arith.constant 45 : i32
    %mul3A_41 = arith.constant 8 : i32
    %mul3A_42 = vector.broadcast %mul3A_41 : i32 to vector<16xi32>
    %mul3A_43 = arith.muli %scan3A_39#1, %mul3A_42 : vector<16xi32>
    %add3A_44 = arith.constant 0 : i32
    %add3A_45 = vector.broadcast %add3A_44 : i32 to vector<16xi32>
    %add3A_46 = arith.addi %add3A_45, %iota3A : vector<16xi32>
    %add3A_47 = arith.addi %mul3A_43, %broadcast_in_dim3A_7 : vector<16xi32>
    %gather3A = tpu.vector_load_idx %arg5[%add3A_47, %add3A_46] : memref<360x128xf32, #tpu.memory_space<vmem>>[vector<16xi32>, vector<16xi32>], vector<16xf32>,
    %add3A_48 = arith.addi %mul3A_43, %broadcast_in_dim3A_9 : vector<16xi32>
    %gather3A_49 = tpu.vector_load_idx %arg5[%add3A_48, %add3A_46] : memref<360x128xf32, #tpu.memory_space<vmem>>[vector<16xi32>, vector<16xi32>], vector<16xf32>,
    %add3A_50 = arith.addi %mul3A_43, %broadcast_in_dim3A_11 : vector<16xi32>
    %gather3A_51 = tpu.vector_load_idx %arg5[%add3A_50, %add3A_46] : memref<360x128xf32, #tpu.memory_space<vmem>>[vector<16xi32>, vector<16xi32>], vector<16xf32>,
    %add3A_52 = arith.addi %mul3A_43, %broadcast_in_dim3A_13 : vector<16xi32>
    %gather3A_53 = tpu.vector_load_idx %arg5[%add3A_52, %add3A_46] : memref<360x128xf32, #tpu.memory_space<vmem>>[vector<16xi32>, vector<16xi32>], vector<16xf32>,
    %add3A_54 = arith.addi %mul3A_43, %broadcast_in_dim3A_15 : vector<16xi32>
    %gather3A_55 = tpu.vector_load_idx %arg5[%add3A_54, %add3A_46] : memref<360x128xf32, #tpu.memory_space<vmem>>[vector<16xi32>, vector<16xi32>], vector<16xf32>,
    %add3A_56 = arith.addi %mul3A_43, %broadcast_in_dim3A_17 : vector<16xi32>
    %gather3A_57 = tpu.vector_load_idx %arg5[%add3A_56, %add3A_46] : memref<360x128xf32, #tpu.memory_space<vmem>>[vector<16xi32>, vector<16xi32>], vector<16xf32>,
    %add3A_58 = arith.addi %mul3A_43, %broadcast_in_dim3A_19 : vector<16xi32>
    %gather3A_59 = tpu.vector_load_idx %arg5[%add3A_58, %add3A_46] : memref<360x128xf32, #tpu.memory_space<vmem>>[vector<16xi32>, vector<16xi32>], vector<16xf32>,
    %eq3A = arith.cmpf oeq, %gather3A_59, %scan3A_39#0 : vector<16xf32>
    %select_n3A = arith.select %eq3A, %broadcast_in_dim3A_19, %broadcast_in_dim3A_21 : vector<16xi1>, vector<16xi32>
    %eq3A_60 = arith.cmpf oeq, %gather3A_57, %scan3A_39#0 : vector<16xf32>
    %select_n3A_61 = arith.select %eq3A_60, %broadcast_in_dim3A_17, %select_n3A : vector<16xi1>, vector<16xi32>
    %eq3A_62 = arith.cmpf oeq, %gather3A_55, %scan3A_39#0 : vector<16xf32>
    %select_n3A_63 = arith.select %eq3A_62, %broadcast_in_dim3A_15, %select_n3A_61 : vector<16xi1>, vector<16xi32>
    %eq3A_64 = arith.cmpf oeq, %gather3A_53, %scan3A_39#0 : vector<16xf32>
    %select_n3A_65 = arith.select %eq3A_64, %broadcast_in_dim3A_13, %select_n3A_63 : vector<16xi1>, vector<16xi32>
    %eq3A_66 = arith.cmpf oeq, %gather3A_51, %scan3A_39#0 : vector<16xf32>
    %select_n3A_67 = arith.select %eq3A_66, %broadcast_in_dim3A_11, %select_n3A_65 : vector<16xi1>, vector<16xi32>
    %eq3A_68 = arith.cmpf oeq, %gather3A_49, %scan3A_39#0 : vector<16xf32>
    %select_n3A_69 = arith.select %eq3A_68, %broadcast_in_dim3A_9, %select_n3A_67 : vector<16xi1>, vector<16xi32>
    %eq3A_70 = arith.cmpf oeq, %gather3A, %scan3A_39#0 : vector<16xf32>
    %select_n3A_71 = arith.select %eq3A_70, %broadcast_in_dim3A_7, %select_n3A_69 : vector<16xi1>, vector<16xi32>
    %add3A_72 = arith.addi %mul3A_43, %select_n3A_71 : vector<16xi32>
    %gather3A_73 = tpu.vector_load_idx %arg7[%add3A_72] : memref<360xi32, #tpu.memory_space<vmem>>[vector<16xi32>], vector<16xi32>,
    %convert_element_type3A = arith.sitofp %gather3A_73 : vector<16xi32> to vector<16xf32>
    %swap3A = arith.constant 0 : index
    %swap3A_74 = tpu.vector_load %arg8[%swap3A] {strides = array<i32>} : memref<512xf32, #tpu.memory_space<vmem>>, vector<16xf32>,
    tpu.vector_store %arg8[%swap3A], %convert_element_type3A {strides = array<i32>} : memref<512xf32, #tpu.memory_space<vmem>>, vector<16xf32>,
    %mul3A_75 = arith.constant 8 : i32
    %mul3A_76 = vector.broadcast %mul3A_75 : i32 to vector<16xi32>
    %mul3A_77 = arith.muli %scan3A_39#3, %mul3A_76 : vector<16xi32>
    %add3A_78 = arith.constant 16 : i32
    %add3A_79 = vector.broadcast %add3A_78 : i32 to vector<16xi32>
    %add3A_80 = arith.addi %add3A_79, %iota3A : vector<16xi32>
    %add3A_81 = arith.addi %mul3A_77, %broadcast_in_dim3A_7 : vector<16xi32>
    %gather3A_82 = tpu.vector_load_idx %arg5[%add3A_81, %add3A_80] : memref<360x128xf32, #tpu.memory_space<vmem>>[vector<16xi32>, vector<16xi32>], vector<16xf32>,
    %add3A_83 = arith.addi %mul3A_77, %broadcast_in_dim3A_9 : vector<16xi32>
    %gather3A_84 = tpu.vector_load_idx %arg5[%add3A_83, %add3A_80] : memref<360x128xf32, #tpu.memory_space<vmem>>[vector<16xi32>, vector<16xi32>], vector<16xf32>,
    %add3A_85 = arith.addi %mul3A_77, %broadcast_in_dim3A_11 : vector<16xi32>
    %gather3A_86 = tpu.vector_load_idx %arg5[%add3A_85, %add3A_80] : memref<360x128xf32, #tpu.memory_space<vmem>>[vector<16xi32>, vector<16xi32>], vector<16xf32>,
    %add3A_87 = arith.addi %mul3A_77, %broadcast_in_dim3A_13 : vector<16xi32>
    %gather3A_88 = tpu.vector_load_idx %arg5[%add3A_87, %add3A_80] : memref<360x128xf32, #tpu.memory_space<vmem>>[vector<16xi32>, vector<16xi32>], vector<16xf32>,
    %add3A_89 = arith.addi %mul3A_77, %broadcast_in_dim3A_15 : vector<16xi32>
    %gather3A_90 = tpu.vector_load_idx %arg5[%add3A_89, %add3A_80] : memref<360x128xf32, #tpu.memory_space<vmem>>[vector<16xi32>, vector<16xi32>], vector<16xf32>,
    %add3A_91 = arith.addi %mul3A_77, %broadcast_in_dim3A_17 : vector<16xi32>
    %gather3A_92 = tpu.vector_load_idx %arg5[%add3A_91, %add3A_80] : memref<360x128xf32, #tpu.memory_space<vmem>>[vector<16xi32>, vector<16xi32>], vector<16xf32>,
    %add3A_93 = arith.addi %mul3A_77, %broadcast_in_dim3A_19 : vector<16xi32>
    %gather3A_94 = tpu.vector_load_idx %arg5[%add3A_93, %add3A_80] : memref<360x128xf32, #tpu.memory_space<vmem>>[vector<16xi32>, vector<16xi32>], vector<16xf32>,
    %eq3A_95 = arith.cmpf oeq, %gather3A_94, %scan3A_39#2 : vector<16xf32>
    %select_n3A_96 = arith.select %eq3A_95, %broadcast_in_dim3A_19, %broadcast_in_dim3A_21 : vector<16xi1>, vector<16xi32>
    %eq3A_97 = arith.cmpf oeq, %gather3A_92, %scan3A_39#2 : vector<16xf32>
    %select_n3A_98 = arith.select %eq3A_97, %broadcast_in_dim3A_17, %select_n3A_96 : vector<16xi1>, vector<16xi32>
    %eq3A_99 = arith.cmpf oeq, %gather3A_90, %scan3A_39#2 : vector<16xf32>
    %select_n3A_100 = arith.select %eq3A_99, %broadcast_in_dim3A_15, %select_n3A_98 : vector<16xi1>, vector<16xi32>
    %eq3A_101 = arith.cmpf oeq, %gather3A_88, %scan3A_39#2 : vector<16xf32>
    %select_n3A_102 = arith.select %eq3A_101, %broadcast_in_dim3A_13, %select_n3A_100 : vector<16xi1>, vector<16xi32>
    %eq3A_103 = arith.cmpf oeq, %gather3A_86, %scan3A_39#2 : vector<16xf32>
    %select_n3A_104 = arith.select %eq3A_103, %broadcast_in_dim3A_11, %select_n3A_102 : vector<16xi1>, vector<16xi32>
    %eq3A_105 = arith.cmpf oeq, %gather3A_84, %scan3A_39#2 : vector<16xf32>
    %select_n3A_106 = arith.select %eq3A_105, %broadcast_in_dim3A_9, %select_n3A_104 : vector<16xi1>, vector<16xi32>
    %eq3A_107 = arith.cmpf oeq, %gather3A_82, %scan3A_39#2 : vector<16xf32>
    %select_n3A_108 = arith.select %eq3A_107, %broadcast_in_dim3A_7, %select_n3A_106 : vector<16xi1>, vector<16xi32>
    %add3A_109 = arith.addi %mul3A_77, %select_n3A_108 : vector<16xi32>
    %gather3A_110 = tpu.vector_load_idx %arg7[%add3A_109] : memref<360xi32, #tpu.memory_space<vmem>>[vector<16xi32>], vector<16xi32>,
    %convert_element_type3A_111 = arith.sitofp %gather3A_110 : vector<16xi32> to vector<16xf32>
    %swap3A_112 = arith.constant 16 : index
    %swap3A_113 = tpu.vector_load %arg8[%swap3A_112] {strides = array<i32>} : memref<512xf32, #tpu.memory_space<vmem>>, vector<16xf32>,
    tpu.vector_store %arg8[%swap3A_112], %convert_element_type3A_111 {strides = array<i32>} : memref<512xf32, #tpu.memory_space<vmem>>, vector<16xf32>,
    %scan3A_114 = arith.constant 0 : i32
    %scan3A_115 = arith.constant 45 : i32
    %scan3A_116 = arith.addi %scan3A_114, %scan3A_115 : i32
    %scan3A_117 = arith.constant 1 : i32
    %scan3A_118:4 = scf.for %scan3A_1398 = %scan3A_114 to %scan3A_116 step %scan3A_117 iter_args(%scan3A_1399 = %broadcast_in_dim3A_3, %scan3A_1400 = %broadcast_in_dim3A_5, %scan3A_1401 = %broadcast_in_dim3A_3, %scan3A_1402 = %broadcast_in_dim3A_5) -> (vector<16xf32>, vector<16xi32>, vector<16xf32>, vector<16xi32>)  : i32 {
      %mul3A_1403 = arith.constant 8 : i32
      %mul3A_1404 = arith.muli %mul3A_1403, %scan3A_1398 : i32
      %broadcast_in_dim3A_1405 = vector.broadcast %scan3A_1398 : i32 to vector<16xi32>
      %add3A_1406 = arith.constant 0 : i32
      %add3A_1407 = arith.addi %mul3A_1404, %add3A_1406 : i32
      %get3A = arith.index_cast %add3A_1407 : i32 to index
      %get3A_1408 = arith.constant 32 : index
      %get3A_1409 = tpu.vector_load %arg5[%get3A, %get3A_1408] {strides = array<i32>} : memref<360x128xf32, #tpu.memory_space<vmem>>, vector<16xf32>,
      %add3A_1410 = arith.constant 1 : i32
      %add3A_1411 = arith.addi %mul3A_1404, %add3A_1410 : i32
      %get3A_1412 = arith.index_cast %add3A_1411 : i32 to index
      %get3A_1413 = arith.constant 32 : index
      %get3A_1414 = tpu.vector_load %arg5[%get3A_1412, %get3A_1413] {strides = array<i32>} : memref<360x128xf32, #tpu.memory_space<vmem>>, vector<16xf32>,
      %add3A_1415 = arith.constant 2 : i32
      %add3A_1416 = arith.addi %mul3A_1404, %add3A_1415 : i32
      %get3A_1417 = arith.index_cast %add3A_1416 : i32 to index
      %get3A_1418 = arith.constant 32 : index
      %get3A_1419 = tpu.vector_load %arg5[%get3A_1417, %get3A_1418] {strides = array<i32>} : memref<360x128xf32, #tpu.memory_space<vmem>>, vector<16xf32>,
      %add3A_1420 = arith.constant 3 : i32
      %add3A_1421 = arith.addi %mul3A_1404, %add3A_1420 : i32
      %get3A_1422 = arith.index_cast %add3A_1421 : i32 to index
      %get3A_1423 = arith.constant 32 : index
      %get3A_1424 = tpu.vector_load %arg5[%get3A_1422, %get3A_1423] {strides = array<i32>} : memref<360x128xf32, #tpu.memory_space<vmem>>, vector<16xf32>,
      %add3A_1425 = arith.constant 4 : i32
      %add3A_1426 = arith.addi %mul3A_1404, %add3A_1425 : i32
      %get3A_1427 = arith.index_cast %add3A_1426 : i32 to index
      %get3A_1428 = arith.constant 32 : index
      %get3A_1429 = tpu.vector_load %arg5[%get3A_1427, %get3A_1428] {strides = array<i32>} : memref<360x128xf32, #tpu.memory_space<vmem>>, vector<16xf32>,
      %add3A_1430 = arith.constant 5 : i32
      %add3A_1431 = arith.addi %mul3A_1404, %add3A_1430 : i32
      %get3A_1432 = arith.index_cast %add3A_1431 : i32 to index
      %get3A_1433 = arith.constant 32 : index
      %get3A_1434 = tpu.vector_load %arg5[%get3A_1432, %get3A_1433] {strides = array<i32>} : memref<360x128xf32, #tpu.memory_space<vmem>>, vector<16xf32>,
      %add3A_1435 = arith.constant 6 : i32
      %add3A_1436 = arith.addi %mul3A_1404, %add3A_1435 : i32
      %get3A_1437 = arith.index_cast %add3A_1436 : i32 to index
      %get3A_1438 = arith.constant 32 : index
      %get3A_1439 = tpu.vector_load %arg5[%get3A_1437, %get3A_1438] {strides = array<i32>} : memref<360x128xf32, #tpu.memory_space<vmem>>, vector<16xf32>,
      %add3A_1440 = arith.constant 7 : i32
      %add3A_1441 = arith.addi %mul3A_1404, %add3A_1440 : i32
      %get3A_1442 = arith.index_cast %add3A_1441 : i32 to index
      %get3A_1443 = arith.constant 32 : index
      %get3A_1444 = tpu.vector_load %arg5[%get3A_1442, %get3A_1443] {strides = array<i32>} : memref<360x128xf32, #tpu.memory_space<vmem>>, vector<16xf32>,
      %max3A = arith.maximumf %get3A_1409, %get3A_1414 : vector<16xf32>
      %max3A_1445 = arith.maximumf %get3A_1419, %get3A_1424 : vector<16xf32>
      %max3A_1446 = arith.maximumf %get3A_1429, %get3A_1434 : vector<16xf32>
      %max3A_1447 = arith.maximumf %get3A_1439, %get3A_1444 : vector<16xf32>
      %max3A_1448 = arith.maximumf %max3A, %max3A_1445 : vector<16xf32>
      %max3A_1449 = arith.maximumf %max3A_1446, %max3A_1447 : vector<16xf32>
      %max3A_1450 = arith.maximumf %max3A_1448, %max3A_1449 : vector<16xf32>
      %add3A_1451 = arith.constant 0 : i32
      %add3A_1452 = arith.addi %mul3A_1404, %add3A_1451 : i32
      %get3A_1453 = arith.index_cast %add3A_1452 : i32 to index
      %get3A_1454 = arith.constant 48 : index
      %get3A_1455 = tpu.vector_load %arg5[%get3A_1453, %get3A_1454] {strides = array<i32>} : memref<360x128xf32, #tpu.memory_space<vmem>>, vector<16xf32>,
      %add3A_1456 = arith.constant 1 : i32
      %add3A_1457 = arith.addi %mul3A_1404, %add3A_1456 : i32
      %get3A_1458 = arith.index_cast %add3A_1457 : i32 to index
      %get3A_1459 = arith.constant 48 : index
      %get3A_1460 = tpu.vector_load %arg5[%get3A_1458, %get3A_1459] {strides = array<i32>} : memref<360x128xf32, #tpu.memory_space<vmem>>, vector<16xf32>,
      %add3A_1461 = arith.constant 2 : i32
      %add3A_1462 = arith.addi %mul3A_1404, %add3A_1461 : i32
      %get3A_1463 = arith.index_cast %add3A_1462 : i32 to index
      %get3A_1464 = arith.constant 48 : index
      %get3A_1465 = tpu.vector_load %arg5[%get3A_1463, %get3A_1464] {strides = array<i32>} : memref<360x128xf32, #tpu.memory_space<vmem>>, vector<16xf32>,
      %add3A_1466 = arith.constant 3 : i32
      %add3A_1467 = arith.addi %mul3A_1404, %add3A_1466 : i32
      %get3A_1468 = arith.index_cast %add3A_1467 : i32 to index
      %get3A_1469 = arith.constant 48 : index
      %get3A_1470 = tpu.vector_load %arg5[%get3A_1468, %get3A_1469] {strides = array<i32>} : memref<360x128xf32, #tpu.memory_space<vmem>>, vector<16xf32>,
      %add3A_1471 = arith.constant 4 : i32
      %add3A_1472 = arith.addi %mul3A_1404, %add3A_1471 : i32
      %get3A_1473 = arith.index_cast %add3A_1472 : i32 to index
      %get3A_1474 = arith.constant 48 : index
      %get3A_1475 = tpu.vector_load %arg5[%get3A_1473, %get3A_1474] {strides = array<i32>} : memref<360x128xf32, #tpu.memory_space<vmem>>, vector<16xf32>,
      %add3A_1476 = arith.constant 5 : i32
      %add3A_1477 = arith.addi %mul3A_1404, %add3A_1476 : i32
      %get3A_1478 = arith.index_cast %add3A_1477 : i32 to index
      %get3A_1479 = arith.constant 48 : index
      %get3A_1480 = tpu.vector_load %arg5[%get3A_1478, %get3A_1479] {strides = array<i32>} : memref<360x128xf32, #tpu.memory_space<vmem>>, vector<16xf32>,
      %add3A_1481 = arith.constant 6 : i32
      %add3A_1482 = arith.addi %mul3A_1404, %add3A_1481 : i32
      %get3A_1483 = arith.index_cast %add3A_1482 : i32 to index
      %get3A_1484 = arith.constant 48 : index
      %get3A_1485 = tpu.vector_load %arg5[%get3A_1483, %get3A_1484] {strides = array<i32>} : memref<360x128xf32, #tpu.memory_space<vmem>>, vector<16xf32>,
      %add3A_1486 = arith.constant 7 : i32
      %add3A_1487 = arith.addi %mul3A_1404, %add3A_1486 : i32
      %get3A_1488 = arith.index_cast %add3A_1487 : i32 to index
      %get3A_1489 = arith.constant 48 : index
      %get3A_1490 = tpu.vector_load %arg5[%get3A_1488, %get3A_1489] {strides = array<i32>} : memref<360x128xf32, #tpu.memory_space<vmem>>, vector<16xf32>,
      %max3A_1491 = arith.maximumf %get3A_1455, %get3A_1460 : vector<16xf32>
      %max3A_1492 = arith.maximumf %get3A_1465, %get3A_1470 : vector<16xf32>
      %max3A_1493 = arith.maximumf %get3A_1475, %get3A_1480 : vector<16xf32>
      %max3A_1494 = arith.maximumf %get3A_1485, %get3A_1490 : vector<16xf32>
      %max3A_1495 = arith.maximumf %max3A_1491, %max3A_1492 : vector<16xf32>
      %max3A_1496 = arith.maximumf %max3A_1493, %max3A_1494 : vector<16xf32>
      %max3A_1497 = arith.maximumf %max3A_1495, %max3A_1496 : vector<16xf32>
      %gt3A = arith.cmpf ogt, %max3A_1450, %scan3A_1399 : vector<16xf32>
      %gt3A_1498 = arith.cmpf ogt, %max3A_1497, %scan3A_1401 : vector<16xf32>
      %max3A_1499 = arith.maximumf %max3A_1450, %scan3A_1399 : vector<16xf32>
      %max3A_1500 = arith.maximumf %max3A_1497, %scan3A_1401 : vector<16xf32>
      %select_n3A_1501 = arith.select %gt3A, %broadcast_in_dim3A_1405, %scan3A_1400 : vector<16xi1>, vector<16xi32>
      %select_n3A_1502 = arith.select %gt3A_1498, %broadcast_in_dim3A_1405, %scan3A_1402 : vector<16xi1>, vector<16xi32>
      scf.yield %max3A_1499, %select_n3A_1501, %max3A_1500, %select_n3A_1502 : vector<16xf32>, vector<16xi32>, vector<16xf32>, vector<16xi32>
    }
    %scan3A_119 = arith.constant 45 : i32
    %mul3A_120 = arith.constant 8 : i32
    %mul3A_121 = vector.broadcast %mul3A_120 : i32 to vector<16xi32>
    %mul3A_122 = arith.muli %scan3A_118#1, %mul3A_121 : vector<16xi32>
    %add3A_123 = arith.constant 32 : i32
    %add3A_124 = vector.broadcast %add3A_123 : i32 to vector<16xi32>
    %add3A_125 = arith.addi %add3A_124, %iota3A : vector<16xi32>
    %add3A_126 = arith.addi %mul3A_122, %broadcast_in_dim3A_7 : vector<16xi32>
    %gather3A_127 = tpu.vector_load_idx %arg5[%add3A_126, %add3A_125] : memref<360x128xf32, #tpu.memory_space<vmem>>[vector<16xi32>, vector<16xi32>], vector<16xf32>,
    %add3A_128 = arith.addi %mul3A_122, %broadcast_in_dim3A_9 : vector<16xi32>
    %gather3A_129 = tpu.vector_load_idx %arg5[%add3A_128, %add3A_125] : memref<360x128xf32, #tpu.memory_space<vmem>>[vector<16xi32>, vector<16xi32>], vector<16xf32>,
    %add3A_130 = arith.addi %mul3A_122, %broadcast_in_dim3A_11 : vector<16xi32>
    %gather3A_131 = tpu.vector_load_idx %arg5[%add3A_130, %add3A_125] : memref<360x128xf32, #tpu.memory_space<vmem>>[vector<16xi32>, vector<16xi32>], vector<16xf32>,
    %add3A_132 = arith.addi %mul3A_122, %broadcast_in_dim3A_13 : vector<16xi32>
    %gather3A_133 = tpu.vector_load_idx %arg5[%add3A_132, %add3A_125] : memref<360x128xf32, #tpu.memory_space<vmem>>[vector<16xi32>, vector<16xi32>], vector<16xf32>,
    %add3A_134 = arith.addi %mul3A_122, %broadcast_in_dim3A_15 : vector<16xi32>
    %gather3A_135 = tpu.vector_load_idx %arg5[%add3A_134, %add3A_125] : memref<360x128xf32, #tpu.memory_space<vmem>>[vector<16xi32>, vector<16xi32>], vector<16xf32>,
    %add3A_136 = arith.addi %mul3A_122, %broadcast_in_dim3A_17 : vector<16xi32>
    %gather3A_137 = tpu.vector_load_idx %arg5[%add3A_136, %add3A_125] : memref<360x128xf32, #tpu.memory_space<vmem>>[vector<16xi32>, vector<16xi32>], vector<16xf32>,
    %add3A_138 = arith.addi %mul3A_122, %broadcast_in_dim3A_19 : vector<16xi32>
    %gather3A_139 = tpu.vector_load_idx %arg5[%add3A_138, %add3A_125] : memref<360x128xf32, #tpu.memory_space<vmem>>[vector<16xi32>, vector<16xi32>], vector<16xf32>,
    %eq3A_140 = arith.cmpf oeq, %gather3A_139, %scan3A_118#0 : vector<16xf32>
    %select_n3A_141 = arith.select %eq3A_140, %broadcast_in_dim3A_19, %broadcast_in_dim3A_21 : vector<16xi1>, vector<16xi32>
    %eq3A_142 = arith.cmpf oeq, %gather3A_137, %scan3A_118#0 : vector<16xf32>
    %select_n3A_143 = arith.select %eq3A_142, %broadcast_in_dim3A_17, %select_n3A_141 : vector<16xi1>, vector<16xi32>
    %eq3A_144 = arith.cmpf oeq, %gather3A_135, %scan3A_118#0 : vector<16xf32>
    %select_n3A_145 = arith.select %eq3A_144, %broadcast_in_dim3A_15, %select_n3A_143 : vector<16xi1>, vector<16xi32>
    %eq3A_146 = arith.cmpf oeq, %gather3A_133, %scan3A_118#0 : vector<16xf32>
    %select_n3A_147 = arith.select %eq3A_146, %broadcast_in_dim3A_13, %select_n3A_145 : vector<16xi1>, vector<16xi32>
    %eq3A_148 = arith.cmpf oeq, %gather3A_131, %scan3A_118#0 : vector<16xf32>
    %select_n3A_149 = arith.select %eq3A_148, %broadcast_in_dim3A_11, %select_n3A_147 : vector<16xi1>, vector<16xi32>
    %eq3A_150 = arith.cmpf oeq, %gather3A_129, %scan3A_118#0 : vector<16xf32>
    %select_n3A_151 = arith.select %eq3A_150, %broadcast_in_dim3A_9, %select_n3A_149 : vector<16xi1>, vector<16xi32>
    %eq3A_152 = arith.cmpf oeq, %gather3A_127, %scan3A_118#0 : vector<16xf32>
    %select_n3A_153 = arith.select %eq3A_152, %broadcast_in_dim3A_7, %select_n3A_151 : vector<16xi1>, vector<16xi32>
    %add3A_154 = arith.addi %mul3A_122, %select_n3A_153 : vector<16xi32>
    %gather3A_155 = tpu.vector_load_idx %arg7[%add3A_154] : memref<360xi32, #tpu.memory_space<vmem>>[vector<16xi32>], vector<16xi32>,
    %convert_element_type3A_156 = arith.sitofp %gather3A_155 : vector<16xi32> to vector<16xf32>
    %swap3A_157 = arith.constant 32 : index
    %swap3A_158 = tpu.vector_load %arg8[%swap3A_157] {strides = array<i32>} : memref<512xf32, #tpu.memory_space<vmem>>, vector<16xf32>,
    tpu.vector_store %arg8[%swap3A_157], %convert_element_type3A_156 {strides = array<i32>} : memref<512xf32, #tpu.memory_space<vmem>>, vector<16xf32>,
    %mul3A_159 = arith.constant 8 : i32
    %mul3A_160 = vector.broadcast %mul3A_159 : i32 to vector<16xi32>
    %mul3A_161 = arith.muli %scan3A_118#3, %mul3A_160 : vector<16xi32>
    %add3A_162 = arith.constant 48 : i32
    %add3A_163 = vector.broadcast %add3A_162 : i32 to vector<16xi32>
    %add3A_164 = arith.addi %add3A_163, %iota3A : vector<16xi32>
    %add3A_165 = arith.addi %mul3A_161, %broadcast_in_dim3A_7 : vector<16xi32>
    %gather3A_166 = tpu.vector_load_idx %arg5[%add3A_165, %add3A_164] : memref<360x128xf32, #tpu.memory_space<vmem>>[vector<16xi32>, vector<16xi32>], vector<16xf32>,
    %add3A_167 = arith.addi %mul3A_161, %broadcast_in_dim3A_9 : vector<16xi32>
    %gather3A_168 = tpu.vector_load_idx %arg5[%add3A_167, %add3A_164] : memref<360x128xf32, #tpu.memory_space<vmem>>[vector<16xi32>, vector<16xi32>], vector<16xf32>,
    %add3A_169 = arith.addi %mul3A_161, %broadcast_in_dim3A_11 : vector<16xi32>
    %gather3A_170 = tpu.vector_load_idx %arg5[%add3A_169, %add3A_164] : memref<360x128xf32, #tpu.memory_space<vmem>>[vector<16xi32>, vector<16xi32>], vector<16xf32>,
    %add3A_171 = arith.addi %mul3A_161, %broadcast_in_dim3A_13 : vector<16xi32>
    %gather3A_172 = tpu.vector_load_idx %arg5[%add3A_171, %add3A_164] : memref<360x128xf32, #tpu.memory_space<vmem>>[vector<16xi32>, vector<16xi32>], vector<16xf32>,
    %add3A_173 = arith.addi %mul3A_161, %broadcast_in_dim3A_15 : vector<16xi32>
    %gather3A_174 = tpu.vector_load_idx %arg5[%add3A_173, %add3A_164] : memref<360x128xf32, #tpu.memory_space<vmem>>[vector<16xi32>, vector<16xi32>], vector<16xf32>,
    %add3A_175 = arith.addi %mul3A_161, %broadcast_in_dim3A_17 : vector<16xi32>
    %gather3A_176 = tpu.vector_load_idx %arg5[%add3A_175, %add3A_164] : memref<360x128xf32, #tpu.memory_space<vmem>>[vector<16xi32>, vector<16xi32>], vector<16xf32>,
    %add3A_177 = arith.addi %mul3A_161, %broadcast_in_dim3A_19 : vector<16xi32>
    %gather3A_178 = tpu.vector_load_idx %arg5[%add3A_177, %add3A_164] : memref<360x128xf32, #tpu.memory_space<vmem>>[vector<16xi32>, vector<16xi32>], vector<16xf32>,
    %eq3A_179 = arith.cmpf oeq, %gather3A_178, %scan3A_118#2 : vector<16xf32>
    %select_n3A_180 = arith.select %eq3A_179, %broadcast_in_dim3A_19, %broadcast_in_dim3A_21 : vector<16xi1>, vector<16xi32>
    %eq3A_181 = arith.cmpf oeq, %gather3A_176, %scan3A_118#2 : vector<16xf32>
    %select_n3A_182 = arith.select %eq3A_181, %broadcast_in_dim3A_17, %select_n3A_180 : vector<16xi1>, vector<16xi32>
    %eq3A_183 = arith.cmpf oeq, %gather3A_174, %scan3A_118#2 : vector<16xf32>
    %select_n3A_184 = arith.select %eq3A_183, %broadcast_in_dim3A_15, %select_n3A_182 : vector<16xi1>, vector<16xi32>
    %eq3A_185 = arith.cmpf oeq, %gather3A_172, %scan3A_118#2 : vector<16xf32>
    %select_n3A_186 = arith.select %eq3A_185, %broadcast_in_dim3A_13, %select_n3A_184 : vector<16xi1>, vector<16xi32>
    %eq3A_187 = arith.cmpf oeq, %gather3A_170, %scan3A_118#2 : vector<16xf32>
    %select_n3A_188 = arith.select %eq3A_187, %broadcast_in_dim3A_11, %select_n3A_186 : vector<16xi1>, vector<16xi32>
    %eq3A_189 = arith.cmpf oeq, %gather3A_168, %scan3A_118#2 : vector<16xf32>
    %select_n3A_190 = arith.select %eq3A_189, %broadcast_in_dim3A_9, %select_n3A_188 : vector<16xi1>, vector<16xi32>
    %eq3A_191 = arith.cmpf oeq, %gather3A_166, %scan3A_118#2 : vector<16xf32>
    %select_n3A_192 = arith.select %eq3A_191, %broadcast_in_dim3A_7, %select_n3A_190 : vector<16xi1>, vector<16xi32>
    %add3A_193 = arith.addi %mul3A_161, %select_n3A_192 : vector<16xi32>
    %gather3A_194 = tpu.vector_load_idx %arg7[%add3A_193] : memref<360xi32, #tpu.memory_space<vmem>>[vector<16xi32>], vector<16xi32>,
    %convert_element_type3A_195 = arith.sitofp %gather3A_194 : vector<16xi32> to vector<16xf32>
    %swap3A_196 = arith.constant 48 : index
    %swap3A_197 = tpu.vector_load %arg8[%swap3A_196] {strides = array<i32>} : memref<512xf32, #tpu.memory_space<vmem>>, vector<16xf32>,
    tpu.vector_store %arg8[%swap3A_196], %convert_element_type3A_195 {strides = array<i32>} : memref<512xf32, #tpu.memory_space<vmem>>, vector<16xf32>,
    %scan3A_198 = arith.constant 0 : i32
    %scan3A_199 = arith.constant 45 : i32
    %scan3A_200 = arith.addi %scan3A_198, %scan3A_199 : i32
    %scan3A_201 = arith.constant 1 : i32
    %scan3A_202:4 = scf.for %scan3A_1398 = %scan3A_198 to %scan3A_200 step %scan3A_201 iter_args(%scan3A_1399 = %broadcast_in_dim3A_3, %scan3A_1400 = %broadcast_in_dim3A_5, %scan3A_1401 = %broadcast_in_dim3A_3, %scan3A_1402 = %broadcast_in_dim3A_5) -> (vector<16xf32>, vector<16xi32>, vector<16xf32>, vector<16xi32>)  : i32 {
      %mul3A_1403 = arith.constant 8 : i32
      %mul3A_1404 = arith.muli %mul3A_1403, %scan3A_1398 : i32
      %broadcast_in_dim3A_1405 = vector.broadcast %scan3A_1398 : i32 to vector<16xi32>
      %add3A_1406 = arith.constant 0 : i32
      %add3A_1407 = arith.addi %mul3A_1404, %add3A_1406 : i32
      %get3A = arith.index_cast %add3A_1407 : i32 to index
      %get3A_1408 = arith.constant 64 : index
      %get3A_1409 = tpu.vector_load %arg5[%get3A, %get3A_1408] {strides = array<i32>} : memref<360x128xf32, #tpu.memory_space<vmem>>, vector<16xf32>,
      %add3A_1410 = arith.constant 1 : i32
      %add3A_1411 = arith.addi %mul3A_1404, %add3A_1410 : i32
      %get3A_1412 = arith.index_cast %add3A_1411 : i32 to index
      %get3A_1413 = arith.constant 64 : index
      %get3A_1414 = tpu.vector_load %arg5[%get3A_1412, %get3A_1413] {strides = array<i32>} : memref<360x128xf32, #tpu.memory_space<vmem>>, vector<16xf32>,
      %add3A_1415 = arith.constant 2 : i32
      %add3A_1416 = arith.addi %mul3A_1404, %add3A_1415 : i32
      %get3A_1417 = arith.index_cast %add3A_1416 : i32 to index
      %get3A_1418 = arith.constant 64 : index
      %get3A_1419 = tpu.vector_load %arg5[%get3A_1417, %get3A_1418] {strides = array<i32>} : memref<360x128xf32, #tpu.memory_space<vmem>>, vector<16xf32>,
      %add3A_1420 = arith.constant 3 : i32
      %add3A_1421 = arith.addi %mul3A_1404, %add3A_1420 : i32
      %get3A_1422 = arith.index_cast %add3A_1421 : i32 to index
      %get3A_1423 = arith.constant 64 : index
      %get3A_1424 = tpu.vector_load %arg5[%get3A_1422, %get3A_1423] {strides = array<i32>} : memref<360x128xf32, #tpu.memory_space<vmem>>, vector<16xf32>,
      %add3A_1425 = arith.constant 4 : i32
      %add3A_1426 = arith.addi %mul3A_1404, %add3A_1425 : i32
      %get3A_1427 = arith.index_cast %add3A_1426 : i32 to index
      %get3A_1428 = arith.constant 64 : index
      %get3A_1429 = tpu.vector_load %arg5[%get3A_1427, %get3A_1428] {strides = array<i32>} : memref<360x128xf32, #tpu.memory_space<vmem>>, vector<16xf32>,
      %add3A_1430 = arith.constant 5 : i32
      %add3A_1431 = arith.addi %mul3A_1404, %add3A_1430 : i32
      %get3A_1432 = arith.index_cast %add3A_1431 : i32 to index
      %get3A_1433 = arith.constant 64 : index
      %get3A_1434 = tpu.vector_load %arg5[%get3A_1432, %get3A_1433] {strides = array<i32>} : memref<360x128xf32, #tpu.memory_space<vmem>>, vector<16xf32>,
      %add3A_1435 = arith.constant 6 : i32
      %add3A_1436 = arith.addi %mul3A_1404, %add3A_1435 : i32
      %get3A_1437 = arith.index_cast %add3A_1436 : i32 to index
      %get3A_1438 = arith.constant 64 : index
      %get3A_1439 = tpu.vector_load %arg5[%get3A_1437, %get3A_1438] {strides = array<i32>} : memref<360x128xf32, #tpu.memory_space<vmem>>, vector<16xf32>,
      %add3A_1440 = arith.constant 7 : i32
      %add3A_1441 = arith.addi %mul3A_1404, %add3A_1440 : i32
      %get3A_1442 = arith.index_cast %add3A_1441 : i32 to index
      %get3A_1443 = arith.constant 64 : index
      %get3A_1444 = tpu.vector_load %arg5[%get3A_1442, %get3A_1443] {strides = array<i32>} : memref<360x128xf32, #tpu.memory_space<vmem>>, vector<16xf32>,
      %max3A = arith.maximumf %get3A_1409, %get3A_1414 : vector<16xf32>
      %max3A_1445 = arith.maximumf %get3A_1419, %get3A_1424 : vector<16xf32>
      %max3A_1446 = arith.maximumf %get3A_1429, %get3A_1434 : vector<16xf32>
      %max3A_1447 = arith.maximumf %get3A_1439, %get3A_1444 : vector<16xf32>
      %max3A_1448 = arith.maximumf %max3A, %max3A_1445 : vector<16xf32>
      %max3A_1449 = arith.maximumf %max3A_1446, %max3A_1447 : vector<16xf32>
      %max3A_1450 = arith.maximumf %max3A_1448, %max3A_1449 : vector<16xf32>
      %add3A_1451 = arith.constant 0 : i32
      %add3A_1452 = arith.addi %mul3A_1404, %add3A_1451 : i32
      %get3A_1453 = arith.index_cast %add3A_1452 : i32 to index
      %get3A_1454 = arith.constant 80 : index
      %get3A_1455 = tpu.vector_load %arg5[%get3A_1453, %get3A_1454] {strides = array<i32>} : memref<360x128xf32, #tpu.memory_space<vmem>>, vector<16xf32>,
      %add3A_1456 = arith.constant 1 : i32
      %add3A_1457 = arith.addi %mul3A_1404, %add3A_1456 : i32
      %get3A_1458 = arith.index_cast %add3A_1457 : i32 to index
      %get3A_1459 = arith.constant 80 : index
      %get3A_1460 = tpu.vector_load %arg5[%get3A_1458, %get3A_1459] {strides = array<i32>} : memref<360x128xf32, #tpu.memory_space<vmem>>, vector<16xf32>,
      %add3A_1461 = arith.constant 2 : i32
      %add3A_1462 = arith.addi %mul3A_1404, %add3A_1461 : i32
      %get3A_1463 = arith.index_cast %add3A_1462 : i32 to index
      %get3A_1464 = arith.constant 80 : index
      %get3A_1465 = tpu.vector_load %arg5[%get3A_1463, %get3A_1464] {strides = array<i32>} : memref<360x128xf32, #tpu.memory_space<vmem>>, vector<16xf32>,
      %add3A_1466 = arith.constant 3 : i32
      %add3A_1467 = arith.addi %mul3A_1404, %add3A_1466 : i32
      %get3A_1468 = arith.index_cast %add3A_1467 : i32 to index
      %get3A_1469 = arith.constant 80 : index
      %get3A_1470 = tpu.vector_load %arg5[%get3A_1468, %get3A_1469] {strides = array<i32>} : memref<360x128xf32, #tpu.memory_space<vmem>>, vector<16xf32>,
      %add3A_1471 = arith.constant 4 : i32
      %add3A_1472 = arith.addi %mul3A_1404, %add3A_1471 : i32
      %get3A_1473 = arith.index_cast %add3A_1472 : i32 to index
      %get3A_1474 = arith.constant 80 : index
      %get3A_1475 = tpu.vector_load %arg5[%get3A_1473, %get3A_1474] {strides = array<i32>} : memref<360x128xf32, #tpu.memory_space<vmem>>, vector<16xf32>,
      %add3A_1476 = arith.constant 5 : i32
      %add3A_1477 = arith.addi %mul3A_1404, %add3A_1476 : i32
      %get3A_1478 = arith.index_cast %add3A_1477 : i32 to index
      %get3A_1479 = arith.constant 80 : index
      %get3A_1480 = tpu.vector_load %arg5[%get3A_1478, %get3A_1479] {strides = array<i32>} : memref<360x128xf32, #tpu.memory_space<vmem>>, vector<16xf32>,
      %add3A_1481 = arith.constant 6 : i32
      %add3A_1482 = arith.addi %mul3A_1404, %add3A_1481 : i32
      %get3A_1483 = arith.index_cast %add3A_1482 : i32 to index
      %get3A_1484 = arith.constant 80 : index
      %get3A_1485 = tpu.vector_load %arg5[%get3A_1483, %get3A_1484] {strides = array<i32>} : memref<360x128xf32, #tpu.memory_space<vmem>>, vector<16xf32>,
      %add3A_1486 = arith.constant 7 : i32
      %add3A_1487 = arith.addi %mul3A_1404, %add3A_1486 : i32
      %get3A_1488 = arith.index_cast %add3A_1487 : i32 to index
      %get3A_1489 = arith.constant 80 : index
      %get3A_1490 = tpu.vector_load %arg5[%get3A_1488, %get3A_1489] {strides = array<i32>} : memref<360x128xf32, #tpu.memory_space<vmem>>, vector<16xf32>,
      %max3A_1491 = arith.maximumf %get3A_1455, %get3A_1460 : vector<16xf32>
      %max3A_1492 = arith.maximumf %get3A_1465, %get3A_1470 : vector<16xf32>
      %max3A_1493 = arith.maximumf %get3A_1475, %get3A_1480 : vector<16xf32>
      %max3A_1494 = arith.maximumf %get3A_1485, %get3A_1490 : vector<16xf32>
      %max3A_1495 = arith.maximumf %max3A_1491, %max3A_1492 : vector<16xf32>
      %max3A_1496 = arith.maximumf %max3A_1493, %max3A_1494 : vector<16xf32>
      %max3A_1497 = arith.maximumf %max3A_1495, %max3A_1496 : vector<16xf32>
      %gt3A = arith.cmpf ogt, %max3A_1450, %scan3A_1399 : vector<16xf32>
      %gt3A_1498 = arith.cmpf ogt, %max3A_1497, %scan3A_1401 : vector<16xf32>
      %max3A_1499 = arith.maximumf %max3A_1450, %scan3A_1399 : vector<16xf32>
      %max3A_1500 = arith.maximumf %max3A_1497, %scan3A_1401 : vector<16xf32>
      %select_n3A_1501 = arith.select %gt3A, %broadcast_in_dim3A_1405, %scan3A_1400 : vector<16xi1>, vector<16xi32>
      %select_n3A_1502 = arith.select %gt3A_1498, %broadcast_in_dim3A_1405, %scan3A_1402 : vector<16xi1>, vector<16xi32>
      scf.yield %max3A_1499, %select_n3A_1501, %max3A_1500, %select_n3A_1502 : vector<16xf32>, vector<16xi32>, vector<16xf32>, vector<16xi32>
    }
    %scan3A_203 = arith.constant 45 : i32
    %mul3A_204 = arith.constant 8 : i32
    %mul3A_205 = vector.broadcast %mul3A_204 : i32 to vector<16xi32>
    %mul3A_206 = arith.muli %scan3A_202#1, %mul3A_205 : vector<16xi32>
    %add3A_207 = arith.constant 64 : i32
    %add3A_208 = vector.broadcast %add3A_207 : i32 to vector<16xi32>
    %add3A_209 = arith.addi %add3A_208, %iota3A : vector<16xi32>
    %add3A_210 = arith.addi %mul3A_206, %broadcast_in_dim3A_7 : vector<16xi32>
    %gather3A_211 = tpu.vector_load_idx %arg5[%add3A_210, %add3A_209] : memref<360x128xf32, #tpu.memory_space<vmem>>[vector<16xi32>, vector<16xi32>], vector<16xf32>,
    %add3A_212 = arith.addi %mul3A_206, %broadcast_in_dim3A_9 : vector<16xi32>
    %gather3A_213 = tpu.vector_load_idx %arg5[%add3A_212, %add3A_209] : memref<360x128xf32, #tpu.memory_space<vmem>>[vector<16xi32>, vector<16xi32>], vector<16xf32>,
    %add3A_214 = arith.addi %mul3A_206, %broadcast_in_dim3A_11 : vector<16xi32>
    %gather3A_215 = tpu.vector_load_idx %arg5[%add3A_214, %add3A_209] : memref<360x128xf32, #tpu.memory_space<vmem>>[vector<16xi32>, vector<16xi32>], vector<16xf32>,
    %add3A_216 = arith.addi %mul3A_206, %broadcast_in_dim3A_13 : vector<16xi32>
    %gather3A_217 = tpu.vector_load_idx %arg5[%add3A_216, %add3A_209] : memref<360x128xf32, #tpu.memory_space<vmem>>[vector<16xi32>, vector<16xi32>], vector<16xf32>,
    %add3A_218 = arith.addi %mul3A_206, %broadcast_in_dim3A_15 : vector<16xi32>
    %gather3A_219 = tpu.vector_load_idx %arg5[%add3A_218, %add3A_209] : memref<360x128xf32, #tpu.memory_space<vmem>>[vector<16xi32>, vector<16xi32>], vector<16xf32>,
    %add3A_220 = arith.addi %mul3A_206, %broadcast_in_dim3A_17 : vector<16xi32>
    %gather3A_221 = tpu.vector_load_idx %arg5[%add3A_220, %add3A_209] : memref<360x128xf32, #tpu.memory_space<vmem>>[vector<16xi32>, vector<16xi32>], vector<16xf32>,
    %add3A_222 = arith.addi %mul3A_206, %broadcast_in_dim3A_19 : vector<16xi32>
    %gather3A_223 = tpu.vector_load_idx %arg5[%add3A_222, %add3A_209] : memref<360x128xf32, #tpu.memory_space<vmem>>[vector<16xi32>, vector<16xi32>], vector<16xf32>,
    %eq3A_224 = arith.cmpf oeq, %gather3A_223, %scan3A_202#0 : vector<16xf32>
    %select_n3A_225 = arith.select %eq3A_224, %broadcast_in_dim3A_19, %broadcast_in_dim3A_21 : vector<16xi1>, vector<16xi32>
    %eq3A_226 = arith.cmpf oeq, %gather3A_221, %scan3A_202#0 : vector<16xf32>
    %select_n3A_227 = arith.select %eq3A_226, %broadcast_in_dim3A_17, %select_n3A_225 : vector<16xi1>, vector<16xi32>
    %eq3A_228 = arith.cmpf oeq, %gather3A_219, %scan3A_202#0 : vector<16xf32>
    %select_n3A_229 = arith.select %eq3A_228, %broadcast_in_dim3A_15, %select_n3A_227 : vector<16xi1>, vector<16xi32>
    %eq3A_230 = arith.cmpf oeq, %gather3A_217, %scan3A_202#0 : vector<16xf32>
    %select_n3A_231 = arith.select %eq3A_230, %broadcast_in_dim3A_13, %select_n3A_229 : vector<16xi1>, vector<16xi32>
    %eq3A_232 = arith.cmpf oeq, %gather3A_215, %scan3A_202#0 : vector<16xf32>
    %select_n3A_233 = arith.select %eq3A_232, %broadcast_in_dim3A_11, %select_n3A_231 : vector<16xi1>, vector<16xi32>
    %eq3A_234 = arith.cmpf oeq, %gather3A_213, %scan3A_202#0 : vector<16xf32>
    %select_n3A_235 = arith.select %eq3A_234, %broadcast_in_dim3A_9, %select_n3A_233 : vector<16xi1>, vector<16xi32>
    %eq3A_236 = arith.cmpf oeq, %gather3A_211, %scan3A_202#0 : vector<16xf32>
    %select_n3A_237 = arith.select %eq3A_236, %broadcast_in_dim3A_7, %select_n3A_235 : vector<16xi1>, vector<16xi32>
    %add3A_238 = arith.addi %mul3A_206, %select_n3A_237 : vector<16xi32>
    %gather3A_239 = tpu.vector_load_idx %arg7[%add3A_238] : memref<360xi32, #tpu.memory_space<vmem>>[vector<16xi32>], vector<16xi32>,
    %convert_element_type3A_240 = arith.sitofp %gather3A_239 : vector<16xi32> to vector<16xf32>
    %swap3A_241 = arith.constant 64 : index
    %swap3A_242 = tpu.vector_load %arg8[%swap3A_241] {strides = array<i32>} : memref<512xf32, #tpu.memory_space<vmem>>, vector<16xf32>,
    tpu.vector_store %arg8[%swap3A_241], %convert_element_type3A_240 {strides = array<i32>} : memref<512xf32, #tpu.memory_space<vmem>>, vector<16xf32>,
    %mul3A_243 = arith.constant 8 : i32
    %mul3A_244 = vector.broadcast %mul3A_243 : i32 to vector<16xi32>
    %mul3A_245 = arith.muli %scan3A_202#3, %mul3A_244 : vector<16xi32>
    %add3A_246 = arith.constant 80 : i32
    %add3A_247 = vector.broadcast %add3A_246 : i32 to vector<16xi32>
    %add3A_248 = arith.addi %add3A_247, %iota3A : vector<16xi32>
    %add3A_249 = arith.addi %mul3A_245, %broadcast_in_dim3A_7 : vector<16xi32>
    %gather3A_250 = tpu.vector_load_idx %arg5[%add3A_249, %add3A_248] : memref<360x128xf32, #tpu.memory_space<vmem>>[vector<16xi32>, vector<16xi32>], vector<16xf32>,
    %add3A_251 = arith.addi %mul3A_245, %broadcast_in_dim3A_9 : vector<16xi32>
    %gather3A_252 = tpu.vector_load_idx %arg5[%add3A_251, %add3A_248] : memref<360x128xf32, #tpu.memory_space<vmem>>[vector<16xi32>, vector<16xi32>], vector<16xf32>,
    %add3A_253 = arith.addi %mul3A_245, %broadcast_in_dim3A_11 : vector<16xi32>
    %gather3A_254 = tpu.vector_load_idx %arg5[%add3A_253, %add3A_248] : memref<360x128xf32, #tpu.memory_space<vmem>>[vector<16xi32>, vector<16xi32>], vector<16xf32>,
    %add3A_255 = arith.addi %mul3A_245, %broadcast_in_dim3A_13 : vector<16xi32>
    %gather3A_256 = tpu.vector_load_idx %arg5[%add3A_255, %add3A_248] : memref<360x128xf32, #tpu.memory_space<vmem>>[vector<16xi32>, vector<16xi32>], vector<16xf32>,
    %add3A_257 = arith.addi %mul3A_245, %broadcast_in_dim3A_15 : vector<16xi32>
    %gather3A_258 = tpu.vector_load_idx %arg5[%add3A_257, %add3A_248] : memref<360x128xf32, #tpu.memory_space<vmem>>[vector<16xi32>, vector<16xi32>], vector<16xf32>,
    %add3A_259 = arith.addi %mul3A_245, %broadcast_in_dim3A_17 : vector<16xi32>
    %gather3A_260 = tpu.vector_load_idx %arg5[%add3A_259, %add3A_248] : memref<360x128xf32, #tpu.memory_space<vmem>>[vector<16xi32>, vector<16xi32>], vector<16xf32>,
    %add3A_261 = arith.addi %mul3A_245, %broadcast_in_dim3A_19 : vector<16xi32>
    %gather3A_262 = tpu.vector_load_idx %arg5[%add3A_261, %add3A_248] : memref<360x128xf32, #tpu.memory_space<vmem>>[vector<16xi32>, vector<16xi32>], vector<16xf32>,
    %eq3A_263 = arith.cmpf oeq, %gather3A_262, %scan3A_202#2 : vector<16xf32>
    %select_n3A_264 = arith.select %eq3A_263, %broadcast_in_dim3A_19, %broadcast_in_dim3A_21 : vector<16xi1>, vector<16xi32>
    %eq3A_265 = arith.cmpf oeq, %gather3A_260, %scan3A_202#2 : vector<16xf32>
    %select_n3A_266 = arith.select %eq3A_265, %broadcast_in_dim3A_17, %select_n3A_264 : vector<16xi1>, vector<16xi32>
    %eq3A_267 = arith.cmpf oeq, %gather3A_258, %scan3A_202#2 : vector<16xf32>
    %select_n3A_268 = arith.select %eq3A_267, %broadcast_in_dim3A_15, %select_n3A_266 : vector<16xi1>, vector<16xi32>
    %eq3A_269 = arith.cmpf oeq, %gather3A_256, %scan3A_202#2 : vector<16xf32>
    %select_n3A_270 = arith.select %eq3A_269, %broadcast_in_dim3A_13, %select_n3A_268 : vector<16xi1>, vector<16xi32>
    %eq3A_271 = arith.cmpf oeq, %gather3A_254, %scan3A_202#2 : vector<16xf32>
    %select_n3A_272 = arith.select %eq3A_271, %broadcast_in_dim3A_11, %select_n3A_270 : vector<16xi1>, vector<16xi32>
    %eq3A_273 = arith.cmpf oeq, %gather3A_252, %scan3A_202#2 : vector<16xf32>
    %select_n3A_274 = arith.select %eq3A_273, %broadcast_in_dim3A_9, %select_n3A_272 : vector<16xi1>, vector<16xi32>
    %eq3A_275 = arith.cmpf oeq, %gather3A_250, %scan3A_202#2 : vector<16xf32>
    %select_n3A_276 = arith.select %eq3A_275, %broadcast_in_dim3A_7, %select_n3A_274 : vector<16xi1>, vector<16xi32>
    %add3A_277 = arith.addi %mul3A_245, %select_n3A_276 : vector<16xi32>
    %gather3A_278 = tpu.vector_load_idx %arg7[%add3A_277] : memref<360xi32, #tpu.memory_space<vmem>>[vector<16xi32>], vector<16xi32>,
    %convert_element_type3A_279 = arith.sitofp %gather3A_278 : vector<16xi32> to vector<16xf32>
    %swap3A_280 = arith.constant 80 : index
    %swap3A_281 = tpu.vector_load %arg8[%swap3A_280] {strides = array<i32>} : memref<512xf32, #tpu.memory_space<vmem>>, vector<16xf32>,
    tpu.vector_store %arg8[%swap3A_280], %convert_element_type3A_279 {strides = array<i32>} : memref<512xf32, #tpu.memory_space<vmem>>, vector<16xf32>,
    %scan3A_282 = arith.constant 0 : i32
    %scan3A_283 = arith.constant 45 : i32
    %scan3A_284 = arith.addi %scan3A_282, %scan3A_283 : i32
    %scan3A_285 = arith.constant 1 : i32
    %scan3A_286:4 = scf.for %scan3A_1398 = %scan3A_282 to %scan3A_284 step %scan3A_285 iter_args(%scan3A_1399 = %broadcast_in_dim3A_3, %scan3A_1400 = %broadcast_in_dim3A_5, %scan3A_1401 = %broadcast_in_dim3A_3, %scan3A_1402 = %broadcast_in_dim3A_5) -> (vector<16xf32>, vector<16xi32>, vector<16xf32>, vector<16xi32>)  : i32 {
      %mul3A_1403 = arith.constant 8 : i32
      %mul3A_1404 = arith.muli %mul3A_1403, %scan3A_1398 : i32
      %broadcast_in_dim3A_1405 = vector.broadcast %scan3A_1398 : i32 to vector<16xi32>
      %add3A_1406 = arith.constant 0 : i32
      %add3A_1407 = arith.addi %mul3A_1404, %add3A_1406 : i32
      %get3A = arith.index_cast %add3A_1407 : i32 to index
      %get3A_1408 = arith.constant 96 : index
      %get3A_1409 = tpu.vector_load %arg5[%get3A, %get3A_1408] {strides = array<i32>} : memref<360x128xf32, #tpu.memory_space<vmem>>, vector<16xf32>,
      %add3A_1410 = arith.constant 1 : i32
      %add3A_1411 = arith.addi %mul3A_1404, %add3A_1410 : i32
      %get3A_1412 = arith.index_cast %add3A_1411 : i32 to index
      %get3A_1413 = arith.constant 96 : index
      %get3A_1414 = tpu.vector_load %arg5[%get3A_1412, %get3A_1413] {strides = array<i32>} : memref<360x128xf32, #tpu.memory_space<vmem>>, vector<16xf32>,
      %add3A_1415 = arith.constant 2 : i32
      %add3A_1416 = arith.addi %mul3A_1404, %add3A_1415 : i32
      %get3A_1417 = arith.index_cast %add3A_1416 : i32 to index
      %get3A_1418 = arith.constant 96 : index
      %get3A_1419 = tpu.vector_load %arg5[%get3A_1417, %get3A_1418] {strides = array<i32>} : memref<360x128xf32, #tpu.memory_space<vmem>>, vector<16xf32>,
      %add3A_1420 = arith.constant 3 : i32
      %add3A_1421 = arith.addi %mul3A_1404, %add3A_1420 : i32
      %get3A_1422 = arith.index_cast %add3A_1421 : i32 to index
      %get3A_1423 = arith.constant 96 : index
      %get3A_1424 = tpu.vector_load %arg5[%get3A_1422, %get3A_1423] {strides = array<i32>} : memref<360x128xf32, #tpu.memory_space<vmem>>, vector<16xf32>,
      %add3A_1425 = arith.constant 4 : i32
      %add3A_1426 = arith.addi %mul3A_1404, %add3A_1425 : i32
      %get3A_1427 = arith.index_cast %add3A_1426 : i32 to index
      %get3A_1428 = arith.constant 96 : index
      %get3A_1429 = tpu.vector_load %arg5[%get3A_1427, %get3A_1428] {strides = array<i32>} : memref<360x128xf32, #tpu.memory_space<vmem>>, vector<16xf32>,
      %add3A_1430 = arith.constant 5 : i32
      %add3A_1431 = arith.addi %mul3A_1404, %add3A_1430 : i32
      %get3A_1432 = arith.index_cast %add3A_1431 : i32 to index
      %get3A_1433 = arith.constant 96 : index
      %get3A_1434 = tpu.vector_load %arg5[%get3A_1432, %get3A_1433] {strides = array<i32>} : memref<360x128xf32, #tpu.memory_space<vmem>>, vector<16xf32>,
      %add3A_1435 = arith.constant 6 : i32
      %add3A_1436 = arith.addi %mul3A_1404, %add3A_1435 : i32
      %get3A_1437 = arith.index_cast %add3A_1436 : i32 to index
      %get3A_1438 = arith.constant 96 : index
      %get3A_1439 = tpu.vector_load %arg5[%get3A_1437, %get3A_1438] {strides = array<i32>} : memref<360x128xf32, #tpu.memory_space<vmem>>, vector<16xf32>,
      %add3A_1440 = arith.constant 7 : i32
      %add3A_1441 = arith.addi %mul3A_1404, %add3A_1440 : i32
      %get3A_1442 = arith.index_cast %add3A_1441 : i32 to index
      %get3A_1443 = arith.constant 96 : index
      %get3A_1444 = tpu.vector_load %arg5[%get3A_1442, %get3A_1443] {strides = array<i32>} : memref<360x128xf32, #tpu.memory_space<vmem>>, vector<16xf32>,
      %max3A = arith.maximumf %get3A_1409, %get3A_1414 : vector<16xf32>
      %max3A_1445 = arith.maximumf %get3A_1419, %get3A_1424 : vector<16xf32>
      %max3A_1446 = arith.maximumf %get3A_1429, %get3A_1434 : vector<16xf32>
      %max3A_1447 = arith.maximumf %get3A_1439, %get3A_1444 : vector<16xf32>
      %max3A_1448 = arith.maximumf %max3A, %max3A_1445 : vector<16xf32>
      %max3A_1449 = arith.maximumf %max3A_1446, %max3A_1447 : vector<16xf32>
      %max3A_1450 = arith.maximumf %max3A_1448, %max3A_1449 : vector<16xf32>
      %add3A_1451 = arith.constant 0 : i32
      %add3A_1452 = arith.addi %mul3A_1404, %add3A_1451 : i32
      %get3A_1453 = arith.index_cast %add3A_1452 : i32 to index
      %get3A_1454 = arith.constant 112 : index
      %get3A_1455 = tpu.vector_load %arg5[%get3A_1453, %get3A_1454] {strides = array<i32>} : memref<360x128xf32, #tpu.memory_space<vmem>>, vector<16xf32>,
      %add3A_1456 = arith.constant 1 : i32
      %add3A_1457 = arith.addi %mul3A_1404, %add3A_1456 : i32
      %get3A_1458 = arith.index_cast %add3A_1457 : i32 to index
      %get3A_1459 = arith.constant 112 : index
      %get3A_1460 = tpu.vector_load %arg5[%get3A_1458, %get3A_1459] {strides = array<i32>} : memref<360x128xf32, #tpu.memory_space<vmem>>, vector<16xf32>,
      %add3A_1461 = arith.constant 2 : i32
      %add3A_1462 = arith.addi %mul3A_1404, %add3A_1461 : i32
      %get3A_1463 = arith.index_cast %add3A_1462 : i32 to index
      %get3A_1464 = arith.constant 112 : index
      %get3A_1465 = tpu.vector_load %arg5[%get3A_1463, %get3A_1464] {strides = array<i32>} : memref<360x128xf32, #tpu.memory_space<vmem>>, vector<16xf32>,
      %add3A_1466 = arith.constant 3 : i32
      %add3A_1467 = arith.addi %mul3A_1404, %add3A_1466 : i32
      %get3A_1468 = arith.index_cast %add3A_1467 : i32 to index
      %get3A_1469 = arith.constant 112 : index
      %get3A_1470 = tpu.vector_load %arg5[%get3A_1468, %get3A_1469] {strides = array<i32>} : memref<360x128xf32, #tpu.memory_space<vmem>>, vector<16xf32>,
      %add3A_1471 = arith.constant 4 : i32
      %add3A_1472 = arith.addi %mul3A_1404, %add3A_1471 : i32
      %get3A_1473 = arith.index_cast %add3A_1472 : i32 to index
      %get3A_1474 = arith.constant 112 : index
      %get3A_1475 = tpu.vector_load %arg5[%get3A_1473, %get3A_1474] {strides = array<i32>} : memref<360x128xf32, #tpu.memory_space<vmem>>, vector<16xf32>,
      %add3A_1476 = arith.constant 5 : i32
      %add3A_1477 = arith.addi %mul3A_1404, %add3A_1476 : i32
      %get3A_1478 = arith.index_cast %add3A_1477 : i32 to index
      %get3A_1479 = arith.constant 112 : index
      %get3A_1480 = tpu.vector_load %arg5[%get3A_1478, %get3A_1479] {strides = array<i32>} : memref<360x128xf32, #tpu.memory_space<vmem>>, vector<16xf32>,
      %add3A_1481 = arith.constant 6 : i32
      %add3A_1482 = arith.addi %mul3A_1404, %add3A_1481 : i32
      %get3A_1483 = arith.index_cast %add3A_1482 : i32 to index
      %get3A_1484 = arith.constant 112 : index
      %get3A_1485 = tpu.vector_load %arg5[%get3A_1483, %get3A_1484] {strides = array<i32>} : memref<360x128xf32, #tpu.memory_space<vmem>>, vector<16xf32>,
      %add3A_1486 = arith.constant 7 : i32
      %add3A_1487 = arith.addi %mul3A_1404, %add3A_1486 : i32
      %get3A_1488 = arith.index_cast %add3A_1487 : i32 to index
      %get3A_1489 = arith.constant 112 : index
      %get3A_1490 = tpu.vector_load %arg5[%get3A_1488, %get3A_1489] {strides = array<i32>} : memref<360x128xf32, #tpu.memory_space<vmem>>, vector<16xf32>,
      %max3A_1491 = arith.maximumf %get3A_1455, %get3A_1460 : vector<16xf32>
      %max3A_1492 = arith.maximumf %get3A_1465, %get3A_1470 : vector<16xf32>
      %max3A_1493 = arith.maximumf %get3A_1475, %get3A_1480 : vector<16xf32>
      %max3A_1494 = arith.maximumf %get3A_1485, %get3A_1490 : vector<16xf32>
      %max3A_1495 = arith.maximumf %max3A_1491, %max3A_1492 : vector<16xf32>
      %max3A_1496 = arith.maximumf %max3A_1493, %max3A_1494 : vector<16xf32>
      %max3A_1497 = arith.maximumf %max3A_1495, %max3A_1496 : vector<16xf32>
      %gt3A = arith.cmpf ogt, %max3A_1450, %scan3A_1399 : vector<16xf32>
      %gt3A_1498 = arith.cmpf ogt, %max3A_1497, %scan3A_1401 : vector<16xf32>
      %max3A_1499 = arith.maximumf %max3A_1450, %scan3A_1399 : vector<16xf32>
      %max3A_1500 = arith.maximumf %max3A_1497, %scan3A_1401 : vector<16xf32>
      %select_n3A_1501 = arith.select %gt3A, %broadcast_in_dim3A_1405, %scan3A_1400 : vector<16xi1>, vector<16xi32>
      %select_n3A_1502 = arith.select %gt3A_1498, %broadcast_in_dim3A_1405, %scan3A_1402 : vector<16xi1>, vector<16xi32>
      scf.yield %max3A_1499, %select_n3A_1501, %max3A_1500, %select_n3A_1502 : vector<16xf32>, vector<16xi32>, vector<16xf32>, vector<16xi32>
    }
    %scan3A_287 = arith.constant 45 : i32
    %mul3A_288 = arith.constant 8 : i32
    %mul3A_289 = vector.broadcast %mul3A_288 : i32 to vector<16xi32>
    %mul3A_290 = arith.muli %scan3A_286#1, %mul3A_289 : vector<16xi32>
    %add3A_291 = arith.constant 96 : i32
    %add3A_292 = vector.broadcast %add3A_291 : i32 to vector<16xi32>
    %add3A_293 = arith.addi %add3A_292, %iota3A : vector<16xi32>
    %add3A_294 = arith.addi %mul3A_290, %broadcast_in_dim3A_7 : vector<16xi32>
    %gather3A_295 = tpu.vector_load_idx %arg5[%add3A_294, %add3A_293] : memref<360x128xf32, #tpu.memory_space<vmem>>[vector<16xi32>, vector<16xi32>], vector<16xf32>,
    %add3A_296 = arith.addi %mul3A_290, %broadcast_in_dim3A_9 : vector<16xi32>
    %gather3A_297 = tpu.vector_load_idx %arg5[%add3A_296, %add3A_293] : memref<360x128xf32, #tpu.memory_space<vmem>>[vector<16xi32>, vector<16xi32>], vector<16xf32>,
    %add3A_298 = arith.addi %mul3A_290, %broadcast_in_dim3A_11 : vector<16xi32>
    %gather3A_299 = tpu.vector_load_idx %arg5[%add3A_298, %add3A_293] : memref<360x128xf32, #tpu.memory_space<vmem>>[vector<16xi32>, vector<16xi32>], vector<16xf32>,
    %add3A_300 = arith.addi %mul3A_290, %broadcast_in_dim3A_13 : vector<16xi32>
    %gather3A_301 = tpu.vector_load_idx %arg5[%add3A_300, %add3A_293] : memref<360x128xf32, #tpu.memory_space<vmem>>[vector<16xi32>, vector<16xi32>], vector<16xf32>,
    %add3A_302 = arith.addi %mul3A_290, %broadcast_in_dim3A_15 : vector<16xi32>
    %gather3A_303 = tpu.vector_load_idx %arg5[%add3A_302, %add3A_293] : memref<360x128xf32, #tpu.memory_space<vmem>>[vector<16xi32>, vector<16xi32>], vector<16xf32>,
    %add3A_304 = arith.addi %mul3A_290, %broadcast_in_dim3A_17 : vector<16xi32>
    %gather3A_305 = tpu.vector_load_idx %arg5[%add3A_304, %add3A_293] : memref<360x128xf32, #tpu.memory_space<vmem>>[vector<16xi32>, vector<16xi32>], vector<16xf32>,
    %add3A_306 = arith.addi %mul3A_290, %broadcast_in_dim3A_19 : vector<16xi32>
    %gather3A_307 = tpu.vector_load_idx %arg5[%add3A_306, %add3A_293] : memref<360x128xf32, #tpu.memory_space<vmem>>[vector<16xi32>, vector<16xi32>], vector<16xf32>,
    %eq3A_308 = arith.cmpf oeq, %gather3A_307, %scan3A_286#0 : vector<16xf32>
    %select_n3A_309 = arith.select %eq3A_308, %broadcast_in_dim3A_19, %broadcast_in_dim3A_21 : vector<16xi1>, vector<16xi32>
    %eq3A_310 = arith.cmpf oeq, %gather3A_305, %scan3A_286#0 : vector<16xf32>
    %select_n3A_311 = arith.select %eq3A_310, %broadcast_in_dim3A_17, %select_n3A_309 : vector<16xi1>, vector<16xi32>
    %eq3A_312 = arith.cmpf oeq, %gather3A_303, %scan3A_286#0 : vector<16xf32>
    %select_n3A_313 = arith.select %eq3A_312, %broadcast_in_dim3A_15, %select_n3A_311 : vector<16xi1>, vector<16xi32>
    %eq3A_314 = arith.cmpf oeq, %gather3A_301, %scan3A_286#0 : vector<16xf32>
    %select_n3A_315 = arith.select %eq3A_314, %broadcast_in_dim3A_13, %select_n3A_313 : vector<16xi1>, vector<16xi32>
    %eq3A_316 = arith.cmpf oeq, %gather3A_299, %scan3A_286#0 : vector<16xf32>
    %select_n3A_317 = arith.select %eq3A_316, %broadcast_in_dim3A_11, %select_n3A_315 : vector<16xi1>, vector<16xi32>
    %eq3A_318 = arith.cmpf oeq, %gather3A_297, %scan3A_286#0 : vector<16xf32>
    %select_n3A_319 = arith.select %eq3A_318, %broadcast_in_dim3A_9, %select_n3A_317 : vector<16xi1>, vector<16xi32>
    %eq3A_320 = arith.cmpf oeq, %gather3A_295, %scan3A_286#0 : vector<16xf32>
    %select_n3A_321 = arith.select %eq3A_320, %broadcast_in_dim3A_7, %select_n3A_319 : vector<16xi1>, vector<16xi32>
    %add3A_322 = arith.addi %mul3A_290, %select_n3A_321 : vector<16xi32>
    %gather3A_323 = tpu.vector_load_idx %arg7[%add3A_322] : memref<360xi32, #tpu.memory_space<vmem>>[vector<16xi32>], vector<16xi32>,
    %convert_element_type3A_324 = arith.sitofp %gather3A_323 : vector<16xi32> to vector<16xf32>
    %swap3A_325 = arith.constant 96 : index
    %swap3A_326 = tpu.vector_load %arg8[%swap3A_325] {strides = array<i32>} : memref<512xf32, #tpu.memory_space<vmem>>, vector<16xf32>,
    tpu.vector_store %arg8[%swap3A_325], %convert_element_type3A_324 {strides = array<i32>} : memref<512xf32, #tpu.memory_space<vmem>>, vector<16xf32>,
    %mul3A_327 = arith.constant 8 : i32
    %mul3A_328 = vector.broadcast %mul3A_327 : i32 to vector<16xi32>
    %mul3A_329 = arith.muli %scan3A_286#3, %mul3A_328 : vector<16xi32>
    %add3A_330 = arith.constant 112 : i32
    %add3A_331 = vector.broadcast %add3A_330 : i32 to vector<16xi32>
    %add3A_332 = arith.addi %add3A_331, %iota3A : vector<16xi32>
    %add3A_333 = arith.addi %mul3A_329, %broadcast_in_dim3A_7 : vector<16xi32>
    %gather3A_334 = tpu.vector_load_idx %arg5[%add3A_333, %add3A_332] : memref<360x128xf32, #tpu.memory_space<vmem>>[vector<16xi32>, vector<16xi32>], vector<16xf32>,
    %add3A_335 = arith.addi %mul3A_329, %broadcast_in_dim3A_9 : vector<16xi32>
    %gather3A_336 = tpu.vector_load_idx %arg5[%add3A_335, %add3A_332] : memref<360x128xf32, #tpu.memory_space<vmem>>[vector<16xi32>, vector<16xi32>], vector<16xf32>,
    %add3A_337 = arith.addi %mul3A_329, %broadcast_in_dim3A_11 : vector<16xi32>
    %gather3A_338 = tpu.vector_load_idx %arg5[%add3A_337, %add3A_332] : memref<360x128xf32, #tpu.memory_space<vmem>>[vector<16xi32>, vector<16xi32>], vector<16xf32>,
    %add3A_339 = arith.addi %mul3A_329, %broadcast_in_dim3A_13 : vector<16xi32>
    %gather3A_340 = tpu.vector_load_idx %arg5[%add3A_339, %add3A_332] : memref<360x128xf32, #tpu.memory_space<vmem>>[vector<16xi32>, vector<16xi32>], vector<16xf32>,
    %add3A_341 = arith.addi %mul3A_329, %broadcast_in_dim3A_15 : vector<16xi32>
    %gather3A_342 = tpu.vector_load_idx %arg5[%add3A_341, %add3A_332] : memref<360x128xf32, #tpu.memory_space<vmem>>[vector<16xi32>, vector<16xi32>], vector<16xf32>,
    %add3A_343 = arith.addi %mul3A_329, %broadcast_in_dim3A_17 : vector<16xi32>
    %gather3A_344 = tpu.vector_load_idx %arg5[%add3A_343, %add3A_332] : memref<360x128xf32, #tpu.memory_space<vmem>>[vector<16xi32>, vector<16xi32>], vector<16xf32>,
    %add3A_345 = arith.addi %mul3A_329, %broadcast_in_dim3A_19 : vector<16xi32>
    %gather3A_346 = tpu.vector_load_idx %arg5[%add3A_345, %add3A_332] : memref<360x128xf32, #tpu.memory_space<vmem>>[vector<16xi32>, vector<16xi32>], vector<16xf32>,
    %eq3A_347 = arith.cmpf oeq, %gather3A_346, %scan3A_286#2 : vector<16xf32>
    %select_n3A_348 = arith.select %eq3A_347, %broadcast_in_dim3A_19, %broadcast_in_dim3A_21 : vector<16xi1>, vector<16xi32>
    %eq3A_349 = arith.cmpf oeq, %gather3A_344, %scan3A_286#2 : vector<16xf32>
    %select_n3A_350 = arith.select %eq3A_349, %broadcast_in_dim3A_17, %select_n3A_348 : vector<16xi1>, vector<16xi32>
    %eq3A_351 = arith.cmpf oeq, %gather3A_342, %scan3A_286#2 : vector<16xf32>
    %select_n3A_352 = arith.select %eq3A_351, %broadcast_in_dim3A_15, %select_n3A_350 : vector<16xi1>, vector<16xi32>
    %eq3A_353 = arith.cmpf oeq, %gather3A_340, %scan3A_286#2 : vector<16xf32>
    %select_n3A_354 = arith.select %eq3A_353, %broadcast_in_dim3A_13, %select_n3A_352 : vector<16xi1>, vector<16xi32>
    %eq3A_355 = arith.cmpf oeq, %gather3A_338, %scan3A_286#2 : vector<16xf32>
    %select_n3A_356 = arith.select %eq3A_355, %broadcast_in_dim3A_11, %select_n3A_354 : vector<16xi1>, vector<16xi32>
    %eq3A_357 = arith.cmpf oeq, %gather3A_336, %scan3A_286#2 : vector<16xf32>
    %select_n3A_358 = arith.select %eq3A_357, %broadcast_in_dim3A_9, %select_n3A_356 : vector<16xi1>, vector<16xi32>
    %eq3A_359 = arith.cmpf oeq, %gather3A_334, %scan3A_286#2 : vector<16xf32>
    %select_n3A_360 = arith.select %eq3A_359, %broadcast_in_dim3A_7, %select_n3A_358 : vector<16xi1>, vector<16xi32>
    %add3A_361 = arith.addi %mul3A_329, %select_n3A_360 : vector<16xi32>
    %gather3A_362 = tpu.vector_load_idx %arg7[%add3A_361] : memref<360xi32, #tpu.memory_space<vmem>>[vector<16xi32>], vector<16xi32>,
    %convert_element_type3A_363 = arith.sitofp %gather3A_362 : vector<16xi32> to vector<16xf32>
    %swap3A_364 = arith.constant 112 : index
    %swap3A_365 = tpu.vector_load %arg8[%swap3A_364] {strides = array<i32>} : memref<512xf32, #tpu.memory_space<vmem>>, vector<16xf32>,
    tpu.vector_store %arg8[%swap3A_364], %convert_element_type3A_363 {strides = array<i32>} : memref<512xf32, #tpu.memory_space<vmem>>, vector<16xf32>,
    %add3A_366 = arith.constant 256 : i32
    %add3A_367 = arith.addi %mul3A_2, %add3A_366 : i32
    %dma_start3A_368 = arith.constant 0 : i32
    %dma_start3A_369 = tpu.memref_slice %arg2[%dma_start3A_368, %add3A_367] : memref<360x16384xf32, #tpu.memory_space<hbm>> -> memref<360x128xf32, #tpu.memory_space<hbm>>
    %dma_start3A_370 = arith.constant 0 : i32
    %dma_start3A_371 = tpu.memref_slice %arg2[%dma_start3A_370, %add3A_367] : memref<360x16384xf32, #tpu.memory_space<hbm>> -> memref<360x128xf32, #tpu.memory_space<hbm>>
    tpu.enqueue_dma source(%dma_start3A_371 : memref<360x128xf32, #tpu.memory_space<hbm>>) target(%arg5 : memref<360x128xf32, #tpu.memory_space<vmem>>) target_semaphore(%arg9 : memref<!tpu.dma_semaphore, #tpu.memory_space<semaphore_mem>>)
    %dma_wait3A_372 = arith.constant 0 : i32
    %dma_wait3A_373 = tpu.memref_slice %arg2[%dma_wait3A_372, %add3A_28] : memref<360x16384xf32, #tpu.memory_space<hbm>> -> memref<360x128xf32, #tpu.memory_space<hbm>>
    %dma_wait3A_374 = arith.constant 0 : i32
    %dma_wait3A_375 = tpu.memref_slice %arg2[%dma_wait3A_374, %add3A_28] : memref<360x16384xf32, #tpu.memory_space<hbm>> -> memref<360x128xf32, #tpu.memory_space<hbm>>
    tpu.wait_dma2 semaphore(%arg10 : memref<!tpu.dma_semaphore, #tpu.memory_space<semaphore_mem>>) src(%dma_wait3A_375 : memref<360x128xf32, #tpu.memory_space<hbm>>) dst(%arg6 : memref<360x128xf32, #tpu.memory_space<vmem>>)
    %scan3A_376 = arith.constant 0 : i32
    %scan3A_377 = arith.constant 45 : i32
    %scan3A_378 = arith.addi %scan3A_376, %scan3A_377 : i32
    %scan3A_379 = arith.constant 1 : i32
    %scan3A_380:4 = scf.for %scan3A_1398 = %scan3A_376 to %scan3A_378 step %scan3A_379 iter_args(%scan3A_1399 = %broadcast_in_dim3A_3, %scan3A_1400 = %broadcast_in_dim3A_5, %scan3A_1401 = %broadcast_in_dim3A_3, %scan3A_1402 = %broadcast_in_dim3A_5) -> (vector<16xf32>, vector<16xi32>, vector<16xf32>, vector<16xi32>)  : i32 {
      %mul3A_1403 = arith.constant 8 : i32
      %mul3A_1404 = arith.muli %mul3A_1403, %scan3A_1398 : i32
      %broadcast_in_dim3A_1405 = vector.broadcast %scan3A_1398 : i32 to vector<16xi32>
      %add3A_1406 = arith.constant 0 : i32
      %add3A_1407 = arith.addi %mul3A_1404, %add3A_1406 : i32
      %get3A = arith.index_cast %add3A_1407 : i32 to index
      %get3A_1408 = arith.constant 0 : index
      %get3A_1409 = tpu.vector_load %arg6[%get3A, %get3A_1408] {strides = array<i32>} : memref<360x128xf32, #tpu.memory_space<vmem>>, vector<16xf32>,
      %add3A_1410 = arith.constant 1 : i32
      %add3A_1411 = arith.addi %mul3A_1404, %add3A_1410 : i32
      %get3A_1412 = arith.index_cast %add3A_1411 : i32 to index
      %get3A_1413 = arith.constant 0 : index
      %get3A_1414 = tpu.vector_load %arg6[%get3A_1412, %get3A_1413] {strides = array<i32>} : memref<360x128xf32, #tpu.memory_space<vmem>>, vector<16xf32>,
      %add3A_1415 = arith.constant 2 : i32
      %add3A_1416 = arith.addi %mul3A_1404, %add3A_1415 : i32
      %get3A_1417 = arith.index_cast %add3A_1416 : i32 to index
      %get3A_1418 = arith.constant 0 : index
      %get3A_1419 = tpu.vector_load %arg6[%get3A_1417, %get3A_1418] {strides = array<i32>} : memref<360x128xf32, #tpu.memory_space<vmem>>, vector<16xf32>,
      %add3A_1420 = arith.constant 3 : i32
      %add3A_1421 = arith.addi %mul3A_1404, %add3A_1420 : i32
      %get3A_1422 = arith.index_cast %add3A_1421 : i32 to index
      %get3A_1423 = arith.constant 0 : index
      %get3A_1424 = tpu.vector_load %arg6[%get3A_1422, %get3A_1423] {strides = array<i32>} : memref<360x128xf32, #tpu.memory_space<vmem>>, vector<16xf32>,
      %add3A_1425 = arith.constant 4 : i32
      %add3A_1426 = arith.addi %mul3A_1404, %add3A_1425 : i32
      %get3A_1427 = arith.index_cast %add3A_1426 : i32 to index
      %get3A_1428 = arith.constant 0 : index
      %get3A_1429 = tpu.vector_load %arg6[%get3A_1427, %get3A_1428] {strides = array<i32>} : memref<360x128xf32, #tpu.memory_space<vmem>>, vector<16xf32>,
      %add3A_1430 = arith.constant 5 : i32
      %add3A_1431 = arith.addi %mul3A_1404, %add3A_1430 : i32
      %get3A_1432 = arith.index_cast %add3A_1431 : i32 to index
      %get3A_1433 = arith.constant 0 : index
      %get3A_1434 = tpu.vector_load %arg6[%get3A_1432, %get3A_1433] {strides = array<i32>} : memref<360x128xf32, #tpu.memory_space<vmem>>, vector<16xf32>,
      %add3A_1435 = arith.constant 6 : i32
      %add3A_1436 = arith.addi %mul3A_1404, %add3A_1435 : i32
      %get3A_1437 = arith.index_cast %add3A_1436 : i32 to index
      %get3A_1438 = arith.constant 0 : index
      %get3A_1439 = tpu.vector_load %arg6[%get3A_1437, %get3A_1438] {strides = array<i32>} : memref<360x128xf32, #tpu.memory_space<vmem>>, vector<16xf32>,
      %add3A_1440 = arith.constant 7 : i32
      %add3A_1441 = arith.addi %mul3A_1404, %add3A_1440 : i32
      %get3A_1442 = arith.index_cast %add3A_1441 : i32 to index
      %get3A_1443 = arith.constant 0 : index
      %get3A_1444 = tpu.vector_load %arg6[%get3A_1442, %get3A_1443] {strides = array<i32>} : memref<360x128xf32, #tpu.memory_space<vmem>>, vector<16xf32>,
      %max3A = arith.maximumf %get3A_1409, %get3A_1414 : vector<16xf32>
      %max3A_1445 = arith.maximumf %get3A_1419, %get3A_1424 : vector<16xf32>
      %max3A_1446 = arith.maximumf %get3A_1429, %get3A_1434 : vector<16xf32>
      %max3A_1447 = arith.maximumf %get3A_1439, %get3A_1444 : vector<16xf32>
      %max3A_1448 = arith.maximumf %max3A, %max3A_1445 : vector<16xf32>
      %max3A_1449 = arith.maximumf %max3A_1446, %max3A_1447 : vector<16xf32>
      %max3A_1450 = arith.maximumf %max3A_1448, %max3A_1449 : vector<16xf32>
      %add3A_1451 = arith.constant 0 : i32
      %add3A_1452 = arith.addi %mul3A_1404, %add3A_1451 : i32
      %get3A_1453 = arith.index_cast %add3A_1452 : i32 to index
      %get3A_1454 = arith.constant 16 : index
      %get3A_1455 = tpu.vector_load %arg6[%get3A_1453, %get3A_1454] {strides = array<i32>} : memref<360x128xf32, #tpu.memory_space<vmem>>, vector<16xf32>,
      %add3A_1456 = arith.constant 1 : i32
      %add3A_1457 = arith.addi %mul3A_1404, %add3A_1456 : i32
      %get3A_1458 = arith.index_cast %add3A_1457 : i32 to index
      %get3A_1459 = arith.constant 16 : index
      %get3A_1460 = tpu.vector_load %arg6[%get3A_1458, %get3A_1459] {strides = array<i32>} : memref<360x128xf32, #tpu.memory_space<vmem>>, vector<16xf32>,
      %add3A_1461 = arith.constant 2 : i32
      %add3A_1462 = arith.addi %mul3A_1404, %add3A_1461 : i32
      %get3A_1463 = arith.index_cast %add3A_1462 : i32 to index
      %get3A_1464 = arith.constant 16 : index
      %get3A_1465 = tpu.vector_load %arg6[%get3A_1463, %get3A_1464] {strides = array<i32>} : memref<360x128xf32, #tpu.memory_space<vmem>>, vector<16xf32>,
      %add3A_1466 = arith.constant 3 : i32
      %add3A_1467 = arith.addi %mul3A_1404, %add3A_1466 : i32
      %get3A_1468 = arith.index_cast %add3A_1467 : i32 to index
      %get3A_1469 = arith.constant 16 : index
      %get3A_1470 = tpu.vector_load %arg6[%get3A_1468, %get3A_1469] {strides = array<i32>} : memref<360x128xf32, #tpu.memory_space<vmem>>, vector<16xf32>,
      %add3A_1471 = arith.constant 4 : i32
      %add3A_1472 = arith.addi %mul3A_1404, %add3A_1471 : i32
      %get3A_1473 = arith.index_cast %add3A_1472 : i32 to index
      %get3A_1474 = arith.constant 16 : index
      %get3A_1475 = tpu.vector_load %arg6[%get3A_1473, %get3A_1474] {strides = array<i32>} : memref<360x128xf32, #tpu.memory_space<vmem>>, vector<16xf32>,
      %add3A_1476 = arith.constant 5 : i32
      %add3A_1477 = arith.addi %mul3A_1404, %add3A_1476 : i32
      %get3A_1478 = arith.index_cast %add3A_1477 : i32 to index
      %get3A_1479 = arith.constant 16 : index
      %get3A_1480 = tpu.vector_load %arg6[%get3A_1478, %get3A_1479] {strides = array<i32>} : memref<360x128xf32, #tpu.memory_space<vmem>>, vector<16xf32>,
      %add3A_1481 = arith.constant 6 : i32
      %add3A_1482 = arith.addi %mul3A_1404, %add3A_1481 : i32
      %get3A_1483 = arith.index_cast %add3A_1482 : i32 to index
      %get3A_1484 = arith.constant 16 : index
      %get3A_1485 = tpu.vector_load %arg6[%get3A_1483, %get3A_1484] {strides = array<i32>} : memref<360x128xf32, #tpu.memory_space<vmem>>, vector<16xf32>,
      %add3A_1486 = arith.constant 7 : i32
      %add3A_1487 = arith.addi %mul3A_1404, %add3A_1486 : i32
      %get3A_1488 = arith.index_cast %add3A_1487 : i32 to index
      %get3A_1489 = arith.constant 16 : index
      %get3A_1490 = tpu.vector_load %arg6[%get3A_1488, %get3A_1489] {strides = array<i32>} : memref<360x128xf32, #tpu.memory_space<vmem>>, vector<16xf32>,
      %max3A_1491 = arith.maximumf %get3A_1455, %get3A_1460 : vector<16xf32>
      %max3A_1492 = arith.maximumf %get3A_1465, %get3A_1470 : vector<16xf32>
      %max3A_1493 = arith.maximumf %get3A_1475, %get3A_1480 : vector<16xf32>
      %max3A_1494 = arith.maximumf %get3A_1485, %get3A_1490 : vector<16xf32>
      %max3A_1495 = arith.maximumf %max3A_1491, %max3A_1492 : vector<16xf32>
      %max3A_1496 = arith.maximumf %max3A_1493, %max3A_1494 : vector<16xf32>
      %max3A_1497 = arith.maximumf %max3A_1495, %max3A_1496 : vector<16xf32>
      %gt3A = arith.cmpf ogt, %max3A_1450, %scan3A_1399 : vector<16xf32>
      %gt3A_1498 = arith.cmpf ogt, %max3A_1497, %scan3A_1401 : vector<16xf32>
      %max3A_1499 = arith.maximumf %max3A_1450, %scan3A_1399 : vector<16xf32>
      %max3A_1500 = arith.maximumf %max3A_1497, %scan3A_1401 : vector<16xf32>
      %select_n3A_1501 = arith.select %gt3A, %broadcast_in_dim3A_1405, %scan3A_1400 : vector<16xi1>, vector<16xi32>
      %select_n3A_1502 = arith.select %gt3A_1498, %broadcast_in_dim3A_1405, %scan3A_1402 : vector<16xi1>, vector<16xi32>
      scf.yield %max3A_1499, %select_n3A_1501, %max3A_1500, %select_n3A_1502 : vector<16xf32>, vector<16xi32>, vector<16xf32>, vector<16xi32>
    }
    %scan3A_381 = arith.constant 45 : i32
    %mul3A_382 = arith.constant 8 : i32
    %mul3A_383 = vector.broadcast %mul3A_382 : i32 to vector<16xi32>
    %mul3A_384 = arith.muli %scan3A_380#1, %mul3A_383 : vector<16xi32>
    %add3A_385 = arith.constant 0 : i32
    %add3A_386 = vector.broadcast %add3A_385 : i32 to vector<16xi32>
    %add3A_387 = arith.addi %add3A_386, %iota3A : vector<16xi32>
    %add3A_388 = arith.addi %mul3A_384, %broadcast_in_dim3A_7 : vector<16xi32>
    %gather3A_389 = tpu.vector_load_idx %arg6[%add3A_388, %add3A_387] : memref<360x128xf32, #tpu.memory_space<vmem>>[vector<16xi32>, vector<16xi32>], vector<16xf32>,
    %add3A_390 = arith.addi %mul3A_384, %broadcast_in_dim3A_9 : vector<16xi32>
    %gather3A_391 = tpu.vector_load_idx %arg6[%add3A_390, %add3A_387] : memref<360x128xf32, #tpu.memory_space<vmem>>[vector<16xi32>, vector<16xi32>], vector<16xf32>,
    %add3A_392 = arith.addi %mul3A_384, %broadcast_in_dim3A_11 : vector<16xi32>
    %gather3A_393 = tpu.vector_load_idx %arg6[%add3A_392, %add3A_387] : memref<360x128xf32, #tpu.memory_space<vmem>>[vector<16xi32>, vector<16xi32>], vector<16xf32>,
    %add3A_394 = arith.addi %mul3A_384, %broadcast_in_dim3A_13 : vector<16xi32>
    %gather3A_395 = tpu.vector_load_idx %arg6[%add3A_394, %add3A_387] : memref<360x128xf32, #tpu.memory_space<vmem>>[vector<16xi32>, vector<16xi32>], vector<16xf32>,
    %add3A_396 = arith.addi %mul3A_384, %broadcast_in_dim3A_15 : vector<16xi32>
    %gather3A_397 = tpu.vector_load_idx %arg6[%add3A_396, %add3A_387] : memref<360x128xf32, #tpu.memory_space<vmem>>[vector<16xi32>, vector<16xi32>], vector<16xf32>,
    %add3A_398 = arith.addi %mul3A_384, %broadcast_in_dim3A_17 : vector<16xi32>
    %gather3A_399 = tpu.vector_load_idx %arg6[%add3A_398, %add3A_387] : memref<360x128xf32, #tpu.memory_space<vmem>>[vector<16xi32>, vector<16xi32>], vector<16xf32>,
    %add3A_400 = arith.addi %mul3A_384, %broadcast_in_dim3A_19 : vector<16xi32>
    %gather3A_401 = tpu.vector_load_idx %arg6[%add3A_400, %add3A_387] : memref<360x128xf32, #tpu.memory_space<vmem>>[vector<16xi32>, vector<16xi32>], vector<16xf32>,
    %eq3A_402 = arith.cmpf oeq, %gather3A_401, %scan3A_380#0 : vector<16xf32>
    %select_n3A_403 = arith.select %eq3A_402, %broadcast_in_dim3A_19, %broadcast_in_dim3A_21 : vector<16xi1>, vector<16xi32>
    %eq3A_404 = arith.cmpf oeq, %gather3A_399, %scan3A_380#0 : vector<16xf32>
    %select_n3A_405 = arith.select %eq3A_404, %broadcast_in_dim3A_17, %select_n3A_403 : vector<16xi1>, vector<16xi32>
    %eq3A_406 = arith.cmpf oeq, %gather3A_397, %scan3A_380#0 : vector<16xf32>
    %select_n3A_407 = arith.select %eq3A_406, %broadcast_in_dim3A_15, %select_n3A_405 : vector<16xi1>, vector<16xi32>
    %eq3A_408 = arith.cmpf oeq, %gather3A_395, %scan3A_380#0 : vector<16xf32>
    %select_n3A_409 = arith.select %eq3A_408, %broadcast_in_dim3A_13, %select_n3A_407 : vector<16xi1>, vector<16xi32>
    %eq3A_410 = arith.cmpf oeq, %gather3A_393, %scan3A_380#0 : vector<16xf32>
    %select_n3A_411 = arith.select %eq3A_410, %broadcast_in_dim3A_11, %select_n3A_409 : vector<16xi1>, vector<16xi32>
    %eq3A_412 = arith.cmpf oeq, %gather3A_391, %scan3A_380#0 : vector<16xf32>
    %select_n3A_413 = arith.select %eq3A_412, %broadcast_in_dim3A_9, %select_n3A_411 : vector<16xi1>, vector<16xi32>
    %eq3A_414 = arith.cmpf oeq, %gather3A_389, %scan3A_380#0 : vector<16xf32>
    %select_n3A_415 = arith.select %eq3A_414, %broadcast_in_dim3A_7, %select_n3A_413 : vector<16xi1>, vector<16xi32>
    %add3A_416 = arith.addi %mul3A_384, %select_n3A_415 : vector<16xi32>
    %gather3A_417 = tpu.vector_load_idx %arg7[%add3A_416] : memref<360xi32, #tpu.memory_space<vmem>>[vector<16xi32>], vector<16xi32>,
    %convert_element_type3A_418 = arith.sitofp %gather3A_417 : vector<16xi32> to vector<16xf32>
    %swap3A_419 = arith.constant 128 : index
    %swap3A_420 = tpu.vector_load %arg8[%swap3A_419] {strides = array<i32>} : memref<512xf32, #tpu.memory_space<vmem>>, vector<16xf32>,
    tpu.vector_store %arg8[%swap3A_419], %convert_element_type3A_418 {strides = array<i32>} : memref<512xf32, #tpu.memory_space<vmem>>, vector<16xf32>,
    %mul3A_421 = arith.constant 8 : i32
    %mul3A_422 = vector.broadcast %mul3A_421 : i32 to vector<16xi32>
    %mul3A_423 = arith.muli %scan3A_380#3, %mul3A_422 : vector<16xi32>
    %add3A_424 = arith.constant 16 : i32
    %add3A_425 = vector.broadcast %add3A_424 : i32 to vector<16xi32>
    %add3A_426 = arith.addi %add3A_425, %iota3A : vector<16xi32>
    %add3A_427 = arith.addi %mul3A_423, %broadcast_in_dim3A_7 : vector<16xi32>
    %gather3A_428 = tpu.vector_load_idx %arg6[%add3A_427, %add3A_426] : memref<360x128xf32, #tpu.memory_space<vmem>>[vector<16xi32>, vector<16xi32>], vector<16xf32>,
    %add3A_429 = arith.addi %mul3A_423, %broadcast_in_dim3A_9 : vector<16xi32>
    %gather3A_430 = tpu.vector_load_idx %arg6[%add3A_429, %add3A_426] : memref<360x128xf32, #tpu.memory_space<vmem>>[vector<16xi32>, vector<16xi32>], vector<16xf32>,
    %add3A_431 = arith.addi %mul3A_423, %broadcast_in_dim3A_11 : vector<16xi32>
    %gather3A_432 = tpu.vector_load_idx %arg6[%add3A_431, %add3A_426] : memref<360x128xf32, #tpu.memory_space<vmem>>[vector<16xi32>, vector<16xi32>], vector<16xf32>,
    %add3A_433 = arith.addi %mul3A_423, %broadcast_in_dim3A_13 : vector<16xi32>
    %gather3A_434 = tpu.vector_load_idx %arg6[%add3A_433, %add3A_426] : memref<360x128xf32, #tpu.memory_space<vmem>>[vector<16xi32>, vector<16xi32>], vector<16xf32>,
    %add3A_435 = arith.addi %mul3A_423, %broadcast_in_dim3A_15 : vector<16xi32>
    %gather3A_436 = tpu.vector_load_idx %arg6[%add3A_435, %add3A_426] : memref<360x128xf32, #tpu.memory_space<vmem>>[vector<16xi32>, vector<16xi32>], vector<16xf32>,
    %add3A_437 = arith.addi %mul3A_423, %broadcast_in_dim3A_17 : vector<16xi32>
    %gather3A_438 = tpu.vector_load_idx %arg6[%add3A_437, %add3A_426] : memref<360x128xf32, #tpu.memory_space<vmem>>[vector<16xi32>, vector<16xi32>], vector<16xf32>,
    %add3A_439 = arith.addi %mul3A_423, %broadcast_in_dim3A_19 : vector<16xi32>
    %gather3A_440 = tpu.vector_load_idx %arg6[%add3A_439, %add3A_426] : memref<360x128xf32, #tpu.memory_space<vmem>>[vector<16xi32>, vector<16xi32>], vector<16xf32>,
    %eq3A_441 = arith.cmpf oeq, %gather3A_440, %scan3A_380#2 : vector<16xf32>
    %select_n3A_442 = arith.select %eq3A_441, %broadcast_in_dim3A_19, %broadcast_in_dim3A_21 : vector<16xi1>, vector<16xi32>
    %eq3A_443 = arith.cmpf oeq, %gather3A_438, %scan3A_380#2 : vector<16xf32>
    %select_n3A_444 = arith.select %eq3A_443, %broadcast_in_dim3A_17, %select_n3A_442 : vector<16xi1>, vector<16xi32>
    %eq3A_445 = arith.cmpf oeq, %gather3A_436, %scan3A_380#2 : vector<16xf32>
    %select_n3A_446 = arith.select %eq3A_445, %broadcast_in_dim3A_15, %select_n3A_444 : vector<16xi1>, vector<16xi32>
    %eq3A_447 = arith.cmpf oeq, %gather3A_434, %scan3A_380#2 : vector<16xf32>
    %select_n3A_448 = arith.select %eq3A_447, %broadcast_in_dim3A_13, %select_n3A_446 : vector<16xi1>, vector<16xi32>
    %eq3A_449 = arith.cmpf oeq, %gather3A_432, %scan3A_380#2 : vector<16xf32>
    %select_n3A_450 = arith.select %eq3A_449, %broadcast_in_dim3A_11, %select_n3A_448 : vector<16xi1>, vector<16xi32>
    %eq3A_451 = arith.cmpf oeq, %gather3A_430, %scan3A_380#2 : vector<16xf32>
    %select_n3A_452 = arith.select %eq3A_451, %broadcast_in_dim3A_9, %select_n3A_450 : vector<16xi1>, vector<16xi32>
    %eq3A_453 = arith.cmpf oeq, %gather3A_428, %scan3A_380#2 : vector<16xf32>
    %select_n3A_454 = arith.select %eq3A_453, %broadcast_in_dim3A_7, %select_n3A_452 : vector<16xi1>, vector<16xi32>
    %add3A_455 = arith.addi %mul3A_423, %select_n3A_454 : vector<16xi32>
    %gather3A_456 = tpu.vector_load_idx %arg7[%add3A_455] : memref<360xi32, #tpu.memory_space<vmem>>[vector<16xi32>], vector<16xi32>,
    %convert_element_type3A_457 = arith.sitofp %gather3A_456 : vector<16xi32> to vector<16xf32>
    %swap3A_458 = arith.constant 144 : index
    %swap3A_459 = tpu.vector_load %arg8[%swap3A_458] {strides = array<i32>} : memref<512xf32, #tpu.memory_space<vmem>>, vector<16xf32>,
    tpu.vector_store %arg8[%swap3A_458], %convert_element_type3A_457 {strides = array<i32>} : memref<512xf32, #tpu.memory_space<vmem>>, vector<16xf32>,
    %scan3A_460 = arith.constant 0 : i32
    %scan3A_461 = arith.constant 45 : i32
    %scan3A_462 = arith.addi %scan3A_460, %scan3A_461 : i32
    %scan3A_463 = arith.constant 1 : i32
    %scan3A_464:4 = scf.for %scan3A_1398 = %scan3A_460 to %scan3A_462 step %scan3A_463 iter_args(%scan3A_1399 = %broadcast_in_dim3A_3, %scan3A_1400 = %broadcast_in_dim3A_5, %scan3A_1401 = %broadcast_in_dim3A_3, %scan3A_1402 = %broadcast_in_dim3A_5) -> (vector<16xf32>, vector<16xi32>, vector<16xf32>, vector<16xi32>)  : i32 {
      %mul3A_1403 = arith.constant 8 : i32
      %mul3A_1404 = arith.muli %mul3A_1403, %scan3A_1398 : i32
      %broadcast_in_dim3A_1405 = vector.broadcast %scan3A_1398 : i32 to vector<16xi32>
      %add3A_1406 = arith.constant 0 : i32
      %add3A_1407 = arith.addi %mul3A_1404, %add3A_1406 : i32
      %get3A = arith.index_cast %add3A_1407 : i32 to index
      %get3A_1408 = arith.constant 32 : index
      %get3A_1409 = tpu.vector_load %arg6[%get3A, %get3A_1408] {strides = array<i32>} : memref<360x128xf32, #tpu.memory_space<vmem>>, vector<16xf32>,
      %add3A_1410 = arith.constant 1 : i32
      %add3A_1411 = arith.addi %mul3A_1404, %add3A_1410 : i32
      %get3A_1412 = arith.index_cast %add3A_1411 : i32 to index
      %get3A_1413 = arith.constant 32 : index
      %get3A_1414 = tpu.vector_load %arg6[%get3A_1412, %get3A_1413] {strides = array<i32>} : memref<360x128xf32, #tpu.memory_space<vmem>>, vector<16xf32>,
      %add3A_1415 = arith.constant 2 : i32
      %add3A_1416 = arith.addi %mul3A_1404, %add3A_1415 : i32
      %get3A_1417 = arith.index_cast %add3A_1416 : i32 to index
      %get3A_1418 = arith.constant 32 : index
      %get3A_1419 = tpu.vector_load %arg6[%get3A_1417, %get3A_1418] {strides = array<i32>} : memref<360x128xf32, #tpu.memory_space<vmem>>, vector<16xf32>,
      %add3A_1420 = arith.constant 3 : i32
      %add3A_1421 = arith.addi %mul3A_1404, %add3A_1420 : i32
      %get3A_1422 = arith.index_cast %add3A_1421 : i32 to index
      %get3A_1423 = arith.constant 32 : index
      %get3A_1424 = tpu.vector_load %arg6[%get3A_1422, %get3A_1423] {strides = array<i32>} : memref<360x128xf32, #tpu.memory_space<vmem>>, vector<16xf32>,
      %add3A_1425 = arith.constant 4 : i32
      %add3A_1426 = arith.addi %mul3A_1404, %add3A_1425 : i32
      %get3A_1427 = arith.index_cast %add3A_1426 : i32 to index
      %get3A_1428 = arith.constant 32 : index
      %get3A_1429 = tpu.vector_load %arg6[%get3A_1427, %get3A_1428] {strides = array<i32>} : memref<360x128xf32, #tpu.memory_space<vmem>>, vector<16xf32>,
      %add3A_1430 = arith.constant 5 : i32
      %add3A_1431 = arith.addi %mul3A_1404, %add3A_1430 : i32
      %get3A_1432 = arith.index_cast %add3A_1431 : i32 to index
      %get3A_1433 = arith.constant 32 : index
      %get3A_1434 = tpu.vector_load %arg6[%get3A_1432, %get3A_1433] {strides = array<i32>} : memref<360x128xf32, #tpu.memory_space<vmem>>, vector<16xf32>,
      %add3A_1435 = arith.constant 6 : i32
      %add3A_1436 = arith.addi %mul3A_1404, %add3A_1435 : i32
      %get3A_1437 = arith.index_cast %add3A_1436 : i32 to index
      %get3A_1438 = arith.constant 32 : index
      %get3A_1439 = tpu.vector_load %arg6[%get3A_1437, %get3A_1438] {strides = array<i32>} : memref<360x128xf32, #tpu.memory_space<vmem>>, vector<16xf32>,
      %add3A_1440 = arith.constant 7 : i32
      %add3A_1441 = arith.addi %mul3A_1404, %add3A_1440 : i32
      %get3A_1442 = arith.index_cast %add3A_1441 : i32 to index
      %get3A_1443 = arith.constant 32 : index
      %get3A_1444 = tpu.vector_load %arg6[%get3A_1442, %get3A_1443] {strides = array<i32>} : memref<360x128xf32, #tpu.memory_space<vmem>>, vector<16xf32>,
      %max3A = arith.maximumf %get3A_1409, %get3A_1414 : vector<16xf32>
      %max3A_1445 = arith.maximumf %get3A_1419, %get3A_1424 : vector<16xf32>
      %max3A_1446 = arith.maximumf %get3A_1429, %get3A_1434 : vector<16xf32>
      %max3A_1447 = arith.maximumf %get3A_1439, %get3A_1444 : vector<16xf32>
      %max3A_1448 = arith.maximumf %max3A, %max3A_1445 : vector<16xf32>
      %max3A_1449 = arith.maximumf %max3A_1446, %max3A_1447 : vector<16xf32>
      %max3A_1450 = arith.maximumf %max3A_1448, %max3A_1449 : vector<16xf32>
      %add3A_1451 = arith.constant 0 : i32
      %add3A_1452 = arith.addi %mul3A_1404, %add3A_1451 : i32
      %get3A_1453 = arith.index_cast %add3A_1452 : i32 to index
      %get3A_1454 = arith.constant 48 : index
      %get3A_1455 = tpu.vector_load %arg6[%get3A_1453, %get3A_1454] {strides = array<i32>} : memref<360x128xf32, #tpu.memory_space<vmem>>, vector<16xf32>,
      %add3A_1456 = arith.constant 1 : i32
      %add3A_1457 = arith.addi %mul3A_1404, %add3A_1456 : i32
      %get3A_1458 = arith.index_cast %add3A_1457 : i32 to index
      %get3A_1459 = arith.constant 48 : index
      %get3A_1460 = tpu.vector_load %arg6[%get3A_1458, %get3A_1459] {strides = array<i32>} : memref<360x128xf32, #tpu.memory_space<vmem>>, vector<16xf32>,
      %add3A_1461 = arith.constant 2 : i32
      %add3A_1462 = arith.addi %mul3A_1404, %add3A_1461 : i32
      %get3A_1463 = arith.index_cast %add3A_1462 : i32 to index
      %get3A_1464 = arith.constant 48 : index
      %get3A_1465 = tpu.vector_load %arg6[%get3A_1463, %get3A_1464] {strides = array<i32>} : memref<360x128xf32, #tpu.memory_space<vmem>>, vector<16xf32>,
      %add3A_1466 = arith.constant 3 : i32
      %add3A_1467 = arith.addi %mul3A_1404, %add3A_1466 : i32
      %get3A_1468 = arith.index_cast %add3A_1467 : i32 to index
      %get3A_1469 = arith.constant 48 : index
      %get3A_1470 = tpu.vector_load %arg6[%get3A_1468, %get3A_1469] {strides = array<i32>} : memref<360x128xf32, #tpu.memory_space<vmem>>, vector<16xf32>,
      %add3A_1471 = arith.constant 4 : i32
      %add3A_1472 = arith.addi %mul3A_1404, %add3A_1471 : i32
      %get3A_1473 = arith.index_cast %add3A_1472 : i32 to index
      %get3A_1474 = arith.constant 48 : index
      %get3A_1475 = tpu.vector_load %arg6[%get3A_1473, %get3A_1474] {strides = array<i32>} : memref<360x128xf32, #tpu.memory_space<vmem>>, vector<16xf32>,
      %add3A_1476 = arith.constant 5 : i32
      %add3A_1477 = arith.addi %mul3A_1404, %add3A_1476 : i32
      %get3A_1478 = arith.index_cast %add3A_1477 : i32 to index
      %get3A_1479 = arith.constant 48 : index
      %get3A_1480 = tpu.vector_load %arg6[%get3A_1478, %get3A_1479] {strides = array<i32>} : memref<360x128xf32, #tpu.memory_space<vmem>>, vector<16xf32>,
      %add3A_1481 = arith.constant 6 : i32
      %add3A_1482 = arith.addi %mul3A_1404, %add3A_1481 : i32
      %get3A_1483 = arith.index_cast %add3A_1482 : i32 to index
      %get3A_1484 = arith.constant 48 : index
      %get3A_1485 = tpu.vector_load %arg6[%get3A_1483, %get3A_1484] {strides = array<i32>} : memref<360x128xf32, #tpu.memory_space<vmem>>, vector<16xf32>,
      %add3A_1486 = arith.constant 7 : i32
      %add3A_1487 = arith.addi %mul3A_1404, %add3A_1486 : i32
      %get3A_1488 = arith.index_cast %add3A_1487 : i32 to index
      %get3A_1489 = arith.constant 48 : index
      %get3A_1490 = tpu.vector_load %arg6[%get3A_1488, %get3A_1489] {strides = array<i32>} : memref<360x128xf32, #tpu.memory_space<vmem>>, vector<16xf32>,
      %max3A_1491 = arith.maximumf %get3A_1455, %get3A_1460 : vector<16xf32>
      %max3A_1492 = arith.maximumf %get3A_1465, %get3A_1470 : vector<16xf32>
      %max3A_1493 = arith.maximumf %get3A_1475, %get3A_1480 : vector<16xf32>
      %max3A_1494 = arith.maximumf %get3A_1485, %get3A_1490 : vector<16xf32>
      %max3A_1495 = arith.maximumf %max3A_1491, %max3A_1492 : vector<16xf32>
      %max3A_1496 = arith.maximumf %max3A_1493, %max3A_1494 : vector<16xf32>
      %max3A_1497 = arith.maximumf %max3A_1495, %max3A_1496 : vector<16xf32>
      %gt3A = arith.cmpf ogt, %max3A_1450, %scan3A_1399 : vector<16xf32>
      %gt3A_1498 = arith.cmpf ogt, %max3A_1497, %scan3A_1401 : vector<16xf32>
      %max3A_1499 = arith.maximumf %max3A_1450, %scan3A_1399 : vector<16xf32>
      %max3A_1500 = arith.maximumf %max3A_1497, %scan3A_1401 : vector<16xf32>
      %select_n3A_1501 = arith.select %gt3A, %broadcast_in_dim3A_1405, %scan3A_1400 : vector<16xi1>, vector<16xi32>
      %select_n3A_1502 = arith.select %gt3A_1498, %broadcast_in_dim3A_1405, %scan3A_1402 : vector<16xi1>, vector<16xi32>
      scf.yield %max3A_1499, %select_n3A_1501, %max3A_1500, %select_n3A_1502 : vector<16xf32>, vector<16xi32>, vector<16xf32>, vector<16xi32>
    }
    %scan3A_465 = arith.constant 45 : i32
    %mul3A_466 = arith.constant 8 : i32
    %mul3A_467 = vector.broadcast %mul3A_466 : i32 to vector<16xi32>
    %mul3A_468 = arith.muli %scan3A_464#1, %mul3A_467 : vector<16xi32>
    %add3A_469 = arith.constant 32 : i32
    %add3A_470 = vector.broadcast %add3A_469 : i32 to vector<16xi32>
    %add3A_471 = arith.addi %add3A_470, %iota3A : vector<16xi32>
    %add3A_472 = arith.addi %mul3A_468, %broadcast_in_dim3A_7 : vector<16xi32>
    %gather3A_473 = tpu.vector_load_idx %arg6[%add3A_472, %add3A_471] : memref<360x128xf32, #tpu.memory_space<vmem>>[vector<16xi32>, vector<16xi32>], vector<16xf32>,
    %add3A_474 = arith.addi %mul3A_468, %broadcast_in_dim3A_9 : vector<16xi32>
    %gather3A_475 = tpu.vector_load_idx %arg6[%add3A_474, %add3A_471] : memref<360x128xf32, #tpu.memory_space<vmem>>[vector<16xi32>, vector<16xi32>], vector<16xf32>,
    %add3A_476 = arith.addi %mul3A_468, %broadcast_in_dim3A_11 : vector<16xi32>
    %gather3A_477 = tpu.vector_load_idx %arg6[%add3A_476, %add3A_471] : memref<360x128xf32, #tpu.memory_space<vmem>>[vector<16xi32>, vector<16xi32>], vector<16xf32>,
    %add3A_478 = arith.addi %mul3A_468, %broadcast_in_dim3A_13 : vector<16xi32>
    %gather3A_479 = tpu.vector_load_idx %arg6[%add3A_478, %add3A_471] : memref<360x128xf32, #tpu.memory_space<vmem>>[vector<16xi32>, vector<16xi32>], vector<16xf32>,
    %add3A_480 = arith.addi %mul3A_468, %broadcast_in_dim3A_15 : vector<16xi32>
    %gather3A_481 = tpu.vector_load_idx %arg6[%add3A_480, %add3A_471] : memref<360x128xf32, #tpu.memory_space<vmem>>[vector<16xi32>, vector<16xi32>], vector<16xf32>,
    %add3A_482 = arith.addi %mul3A_468, %broadcast_in_dim3A_17 : vector<16xi32>
    %gather3A_483 = tpu.vector_load_idx %arg6[%add3A_482, %add3A_471] : memref<360x128xf32, #tpu.memory_space<vmem>>[vector<16xi32>, vector<16xi32>], vector<16xf32>,
    %add3A_484 = arith.addi %mul3A_468, %broadcast_in_dim3A_19 : vector<16xi32>
    %gather3A_485 = tpu.vector_load_idx %arg6[%add3A_484, %add3A_471] : memref<360x128xf32, #tpu.memory_space<vmem>>[vector<16xi32>, vector<16xi32>], vector<16xf32>,
    %eq3A_486 = arith.cmpf oeq, %gather3A_485, %scan3A_464#0 : vector<16xf32>
    %select_n3A_487 = arith.select %eq3A_486, %broadcast_in_dim3A_19, %broadcast_in_dim3A_21 : vector<16xi1>, vector<16xi32>
    %eq3A_488 = arith.cmpf oeq, %gather3A_483, %scan3A_464#0 : vector<16xf32>
    %select_n3A_489 = arith.select %eq3A_488, %broadcast_in_dim3A_17, %select_n3A_487 : vector<16xi1>, vector<16xi32>
    %eq3A_490 = arith.cmpf oeq, %gather3A_481, %scan3A_464#0 : vector<16xf32>
    %select_n3A_491 = arith.select %eq3A_490, %broadcast_in_dim3A_15, %select_n3A_489 : vector<16xi1>, vector<16xi32>
    %eq3A_492 = arith.cmpf oeq, %gather3A_479, %scan3A_464#0 : vector<16xf32>
    %select_n3A_493 = arith.select %eq3A_492, %broadcast_in_dim3A_13, %select_n3A_491 : vector<16xi1>, vector<16xi32>
    %eq3A_494 = arith.cmpf oeq, %gather3A_477, %scan3A_464#0 : vector<16xf32>
    %select_n3A_495 = arith.select %eq3A_494, %broadcast_in_dim3A_11, %select_n3A_493 : vector<16xi1>, vector<16xi32>
    %eq3A_496 = arith.cmpf oeq, %gather3A_475, %scan3A_464#0 : vector<16xf32>
    %select_n3A_497 = arith.select %eq3A_496, %broadcast_in_dim3A_9, %select_n3A_495 : vector<16xi1>, vector<16xi32>
    %eq3A_498 = arith.cmpf oeq, %gather3A_473, %scan3A_464#0 : vector<16xf32>
    %select_n3A_499 = arith.select %eq3A_498, %broadcast_in_dim3A_7, %select_n3A_497 : vector<16xi1>, vector<16xi32>
    %add3A_500 = arith.addi %mul3A_468, %select_n3A_499 : vector<16xi32>
    %gather3A_501 = tpu.vector_load_idx %arg7[%add3A_500] : memref<360xi32, #tpu.memory_space<vmem>>[vector<16xi32>], vector<16xi32>,
    %convert_element_type3A_502 = arith.sitofp %gather3A_501 : vector<16xi32> to vector<16xf32>
    %swap3A_503 = arith.constant 160 : index
    %swap3A_504 = tpu.vector_load %arg8[%swap3A_503] {strides = array<i32>} : memref<512xf32, #tpu.memory_space<vmem>>, vector<16xf32>,
    tpu.vector_store %arg8[%swap3A_503], %convert_element_type3A_502 {strides = array<i32>} : memref<512xf32, #tpu.memory_space<vmem>>, vector<16xf32>,
    %mul3A_505 = arith.constant 8 : i32
    %mul3A_506 = vector.broadcast %mul3A_505 : i32 to vector<16xi32>
    %mul3A_507 = arith.muli %scan3A_464#3, %mul3A_506 : vector<16xi32>
    %add3A_508 = arith.constant 48 : i32
    %add3A_509 = vector.broadcast %add3A_508 : i32 to vector<16xi32>
    %add3A_510 = arith.addi %add3A_509, %iota3A : vector<16xi32>
    %add3A_511 = arith.addi %mul3A_507, %broadcast_in_dim3A_7 : vector<16xi32>
    %gather3A_512 = tpu.vector_load_idx %arg6[%add3A_511, %add3A_510] : memref<360x128xf32, #tpu.memory_space<vmem>>[vector<16xi32>, vector<16xi32>], vector<16xf32>,
    %add3A_513 = arith.addi %mul3A_507, %broadcast_in_dim3A_9 : vector<16xi32>
    %gather3A_514 = tpu.vector_load_idx %arg6[%add3A_513, %add3A_510] : memref<360x128xf32, #tpu.memory_space<vmem>>[vector<16xi32>, vector<16xi32>], vector<16xf32>,
    %add3A_515 = arith.addi %mul3A_507, %broadcast_in_dim3A_11 : vector<16xi32>
    %gather3A_516 = tpu.vector_load_idx %arg6[%add3A_515, %add3A_510] : memref<360x128xf32, #tpu.memory_space<vmem>>[vector<16xi32>, vector<16xi32>], vector<16xf32>,
    %add3A_517 = arith.addi %mul3A_507, %broadcast_in_dim3A_13 : vector<16xi32>
    %gather3A_518 = tpu.vector_load_idx %arg6[%add3A_517, %add3A_510] : memref<360x128xf32, #tpu.memory_space<vmem>>[vector<16xi32>, vector<16xi32>], vector<16xf32>,
    %add3A_519 = arith.addi %mul3A_507, %broadcast_in_dim3A_15 : vector<16xi32>
    %gather3A_520 = tpu.vector_load_idx %arg6[%add3A_519, %add3A_510] : memref<360x128xf32, #tpu.memory_space<vmem>>[vector<16xi32>, vector<16xi32>], vector<16xf32>,
    %add3A_521 = arith.addi %mul3A_507, %broadcast_in_dim3A_17 : vector<16xi32>
    %gather3A_522 = tpu.vector_load_idx %arg6[%add3A_521, %add3A_510] : memref<360x128xf32, #tpu.memory_space<vmem>>[vector<16xi32>, vector<16xi32>], vector<16xf32>,
    %add3A_523 = arith.addi %mul3A_507, %broadcast_in_dim3A_19 : vector<16xi32>
    %gather3A_524 = tpu.vector_load_idx %arg6[%add3A_523, %add3A_510] : memref<360x128xf32, #tpu.memory_space<vmem>>[vector<16xi32>, vector<16xi32>], vector<16xf32>,
    %eq3A_525 = arith.cmpf oeq, %gather3A_524, %scan3A_464#2 : vector<16xf32>
    %select_n3A_526 = arith.select %eq3A_525, %broadcast_in_dim3A_19, %broadcast_in_dim3A_21 : vector<16xi1>, vector<16xi32>
    %eq3A_527 = arith.cmpf oeq, %gather3A_522, %scan3A_464#2 : vector<16xf32>
    %select_n3A_528 = arith.select %eq3A_527, %broadcast_in_dim3A_17, %select_n3A_526 : vector<16xi1>, vector<16xi32>
    %eq3A_529 = arith.cmpf oeq, %gather3A_520, %scan3A_464#2 : vector<16xf32>
    %select_n3A_530 = arith.select %eq3A_529, %broadcast_in_dim3A_15, %select_n3A_528 : vector<16xi1>, vector<16xi32>
    %eq3A_531 = arith.cmpf oeq, %gather3A_518, %scan3A_464#2 : vector<16xf32>
    %select_n3A_532 = arith.select %eq3A_531, %broadcast_in_dim3A_13, %select_n3A_530 : vector<16xi1>, vector<16xi32>
    %eq3A_533 = arith.cmpf oeq, %gather3A_516, %scan3A_464#2 : vector<16xf32>
    %select_n3A_534 = arith.select %eq3A_533, %broadcast_in_dim3A_11, %select_n3A_532 : vector<16xi1>, vector<16xi32>
    %eq3A_535 = arith.cmpf oeq, %gather3A_514, %scan3A_464#2 : vector<16xf32>
    %select_n3A_536 = arith.select %eq3A_535, %broadcast_in_dim3A_9, %select_n3A_534 : vector<16xi1>, vector<16xi32>
    %eq3A_537 = arith.cmpf oeq, %gather3A_512, %scan3A_464#2 : vector<16xf32>
    %select_n3A_538 = arith.select %eq3A_537, %broadcast_in_dim3A_7, %select_n3A_536 : vector<16xi1>, vector<16xi32>
    %add3A_539 = arith.addi %mul3A_507, %select_n3A_538 : vector<16xi32>
    %gather3A_540 = tpu.vector_load_idx %arg7[%add3A_539] : memref<360xi32, #tpu.memory_space<vmem>>[vector<16xi32>], vector<16xi32>,
    %convert_element_type3A_541 = arith.sitofp %gather3A_540 : vector<16xi32> to vector<16xf32>
    %swap3A_542 = arith.constant 176 : index
    %swap3A_543 = tpu.vector_load %arg8[%swap3A_542] {strides = array<i32>} : memref<512xf32, #tpu.memory_space<vmem>>, vector<16xf32>,
    tpu.vector_store %arg8[%swap3A_542], %convert_element_type3A_541 {strides = array<i32>} : memref<512xf32, #tpu.memory_space<vmem>>, vector<16xf32>,
    %scan3A_544 = arith.constant 0 : i32
    %scan3A_545 = arith.constant 45 : i32
    %scan3A_546 = arith.addi %scan3A_544, %scan3A_545 : i32
    %scan3A_547 = arith.constant 1 : i32
    %scan3A_548:4 = scf.for %scan3A_1398 = %scan3A_544 to %scan3A_546 step %scan3A_547 iter_args(%scan3A_1399 = %broadcast_in_dim3A_3, %scan3A_1400 = %broadcast_in_dim3A_5, %scan3A_1401 = %broadcast_in_dim3A_3, %scan3A_1402 = %broadcast_in_dim3A_5) -> (vector<16xf32>, vector<16xi32>, vector<16xf32>, vector<16xi32>)  : i32 {
      %mul3A_1403 = arith.constant 8 : i32
      %mul3A_1404 = arith.muli %mul3A_1403, %scan3A_1398 : i32
      %broadcast_in_dim3A_1405 = vector.broadcast %scan3A_1398 : i32 to vector<16xi32>
      %add3A_1406 = arith.constant 0 : i32
      %add3A_1407 = arith.addi %mul3A_1404, %add3A_1406 : i32
      %get3A = arith.index_cast %add3A_1407 : i32 to index
      %get3A_1408 = arith.constant 64 : index
      %get3A_1409 = tpu.vector_load %arg6[%get3A, %get3A_1408] {strides = array<i32>} : memref<360x128xf32, #tpu.memory_space<vmem>>, vector<16xf32>,
      %add3A_1410 = arith.constant 1 : i32
      %add3A_1411 = arith.addi %mul3A_1404, %add3A_1410 : i32
      %get3A_1412 = arith.index_cast %add3A_1411 : i32 to index
      %get3A_1413 = arith.constant 64 : index
      %get3A_1414 = tpu.vector_load %arg6[%get3A_1412, %get3A_1413] {strides = array<i32>} : memref<360x128xf32, #tpu.memory_space<vmem>>, vector<16xf32>,
      %add3A_1415 = arith.constant 2 : i32
      %add3A_1416 = arith.addi %mul3A_1404, %add3A_1415 : i32
      %get3A_1417 = arith.index_cast %add3A_1416 : i32 to index
      %get3A_1418 = arith.constant 64 : index
      %get3A_1419 = tpu.vector_load %arg6[%get3A_1417, %get3A_1418] {strides = array<i32>} : memref<360x128xf32, #tpu.memory_space<vmem>>, vector<16xf32>,
      %add3A_1420 = arith.constant 3 : i32
      %add3A_1421 = arith.addi %mul3A_1404, %add3A_1420 : i32
      %get3A_1422 = arith.index_cast %add3A_1421 : i32 to index
      %get3A_1423 = arith.constant 64 : index
      %get3A_1424 = tpu.vector_load %arg6[%get3A_1422, %get3A_1423] {strides = array<i32>} : memref<360x128xf32, #tpu.memory_space<vmem>>, vector<16xf32>,
      %add3A_1425 = arith.constant 4 : i32
      %add3A_1426 = arith.addi %mul3A_1404, %add3A_1425 : i32
      %get3A_1427 = arith.index_cast %add3A_1426 : i32 to index
      %get3A_1428 = arith.constant 64 : index
      %get3A_1429 = tpu.vector_load %arg6[%get3A_1427, %get3A_1428] {strides = array<i32>} : memref<360x128xf32, #tpu.memory_space<vmem>>, vector<16xf32>,
      %add3A_1430 = arith.constant 5 : i32
      %add3A_1431 = arith.addi %mul3A_1404, %add3A_1430 : i32
      %get3A_1432 = arith.index_cast %add3A_1431 : i32 to index
      %get3A_1433 = arith.constant 64 : index
      %get3A_1434 = tpu.vector_load %arg6[%get3A_1432, %get3A_1433] {strides = array<i32>} : memref<360x128xf32, #tpu.memory_space<vmem>>, vector<16xf32>,
      %add3A_1435 = arith.constant 6 : i32
      %add3A_1436 = arith.addi %mul3A_1404, %add3A_1435 : i32
      %get3A_1437 = arith.index_cast %add3A_1436 : i32 to index
      %get3A_1438 = arith.constant 64 : index
      %get3A_1439 = tpu.vector_load %arg6[%get3A_1437, %get3A_1438] {strides = array<i32>} : memref<360x128xf32, #tpu.memory_space<vmem>>, vector<16xf32>,
      %add3A_1440 = arith.constant 7 : i32
      %add3A_1441 = arith.addi %mul3A_1404, %add3A_1440 : i32
      %get3A_1442 = arith.index_cast %add3A_1441 : i32 to index
      %get3A_1443 = arith.constant 64 : index
      %get3A_1444 = tpu.vector_load %arg6[%get3A_1442, %get3A_1443] {strides = array<i32>} : memref<360x128xf32, #tpu.memory_space<vmem>>, vector<16xf32>,
      %max3A = arith.maximumf %get3A_1409, %get3A_1414 : vector<16xf32>
      %max3A_1445 = arith.maximumf %get3A_1419, %get3A_1424 : vector<16xf32>
      %max3A_1446 = arith.maximumf %get3A_1429, %get3A_1434 : vector<16xf32>
      %max3A_1447 = arith.maximumf %get3A_1439, %get3A_1444 : vector<16xf32>
      %max3A_1448 = arith.maximumf %max3A, %max3A_1445 : vector<16xf32>
      %max3A_1449 = arith.maximumf %max3A_1446, %max3A_1447 : vector<16xf32>
      %max3A_1450 = arith.maximumf %max3A_1448, %max3A_1449 : vector<16xf32>
      %add3A_1451 = arith.constant 0 : i32
      %add3A_1452 = arith.addi %mul3A_1404, %add3A_1451 : i32
      %get3A_1453 = arith.index_cast %add3A_1452 : i32 to index
      %get3A_1454 = arith.constant 80 : index
      %get3A_1455 = tpu.vector_load %arg6[%get3A_1453, %get3A_1454] {strides = array<i32>} : memref<360x128xf32, #tpu.memory_space<vmem>>, vector<16xf32>,
      %add3A_1456 = arith.constant 1 : i32
      %add3A_1457 = arith.addi %mul3A_1404, %add3A_1456 : i32
      %get3A_1458 = arith.index_cast %add3A_1457 : i32 to index
      %get3A_1459 = arith.constant 80 : index
      %get3A_1460 = tpu.vector_load %arg6[%get3A_1458, %get3A_1459] {strides = array<i32>} : memref<360x128xf32, #tpu.memory_space<vmem>>, vector<16xf32>,
      %add3A_1461 = arith.constant 2 : i32
      %add3A_1462 = arith.addi %mul3A_1404, %add3A_1461 : i32
      %get3A_1463 = arith.index_cast %add3A_1462 : i32 to index
      %get3A_1464 = arith.constant 80 : index
      %get3A_1465 = tpu.vector_load %arg6[%get3A_1463, %get3A_1464] {strides = array<i32>} : memref<360x128xf32, #tpu.memory_space<vmem>>, vector<16xf32>,
      %add3A_1466 = arith.constant 3 : i32
      %add3A_1467 = arith.addi %mul3A_1404, %add3A_1466 : i32
      %get3A_1468 = arith.index_cast %add3A_1467 : i32 to index
      %get3A_1469 = arith.constant 80 : index
      %get3A_1470 = tpu.vector_load %arg6[%get3A_1468, %get3A_1469] {strides = array<i32>} : memref<360x128xf32, #tpu.memory_space<vmem>>, vector<16xf32>,
      %add3A_1471 = arith.constant 4 : i32
      %add3A_1472 = arith.addi %mul3A_1404, %add3A_1471 : i32
      %get3A_1473 = arith.index_cast %add3A_1472 : i32 to index
      %get3A_1474 = arith.constant 80 : index
      %get3A_1475 = tpu.vector_load %arg6[%get3A_1473, %get3A_1474] {strides = array<i32>} : memref<360x128xf32, #tpu.memory_space<vmem>>, vector<16xf32>,
      %add3A_1476 = arith.constant 5 : i32
      %add3A_1477 = arith.addi %mul3A_1404, %add3A_1476 : i32
      %get3A_1478 = arith.index_cast %add3A_1477 : i32 to index
      %get3A_1479 = arith.constant 80 : index
      %get3A_1480 = tpu.vector_load %arg6[%get3A_1478, %get3A_1479] {strides = array<i32>} : memref<360x128xf32, #tpu.memory_space<vmem>>, vector<16xf32>,
      %add3A_1481 = arith.constant 6 : i32
      %add3A_1482 = arith.addi %mul3A_1404, %add3A_1481 : i32
      %get3A_1483 = arith.index_cast %add3A_1482 : i32 to index
      %get3A_1484 = arith.constant 80 : index
      %get3A_1485 = tpu.vector_load %arg6[%get3A_1483, %get3A_1484] {strides = array<i32>} : memref<360x128xf32, #tpu.memory_space<vmem>>, vector<16xf32>,
      %add3A_1486 = arith.constant 7 : i32
      %add3A_1487 = arith.addi %mul3A_1404, %add3A_1486 : i32
      %get3A_1488 = arith.index_cast %add3A_1487 : i32 to index
      %get3A_1489 = arith.constant 80 : index
      %get3A_1490 = tpu.vector_load %arg6[%get3A_1488, %get3A_1489] {strides = array<i32>} : memref<360x128xf32, #tpu.memory_space<vmem>>, vector<16xf32>,
      %max3A_1491 = arith.maximumf %get3A_1455, %get3A_1460 : vector<16xf32>
      %max3A_1492 = arith.maximumf %get3A_1465, %get3A_1470 : vector<16xf32>
      %max3A_1493 = arith.maximumf %get3A_1475, %get3A_1480 : vector<16xf32>
      %max3A_1494 = arith.maximumf %get3A_1485, %get3A_1490 : vector<16xf32>
      %max3A_1495 = arith.maximumf %max3A_1491, %max3A_1492 : vector<16xf32>
      %max3A_1496 = arith.maximumf %max3A_1493, %max3A_1494 : vector<16xf32>
      %max3A_1497 = arith.maximumf %max3A_1495, %max3A_1496 : vector<16xf32>
      %gt3A = arith.cmpf ogt, %max3A_1450, %scan3A_1399 : vector<16xf32>
      %gt3A_1498 = arith.cmpf ogt, %max3A_1497, %scan3A_1401 : vector<16xf32>
      %max3A_1499 = arith.maximumf %max3A_1450, %scan3A_1399 : vector<16xf32>
      %max3A_1500 = arith.maximumf %max3A_1497, %scan3A_1401 : vector<16xf32>
      %select_n3A_1501 = arith.select %gt3A, %broadcast_in_dim3A_1405, %scan3A_1400 : vector<16xi1>, vector<16xi32>
      %select_n3A_1502 = arith.select %gt3A_1498, %broadcast_in_dim3A_1405, %scan3A_1402 : vector<16xi1>, vector<16xi32>
      scf.yield %max3A_1499, %select_n3A_1501, %max3A_1500, %select_n3A_1502 : vector<16xf32>, vector<16xi32>, vector<16xf32>, vector<16xi32>
    }
    %scan3A_549 = arith.constant 45 : i32
    %mul3A_550 = arith.constant 8 : i32
    %mul3A_551 = vector.broadcast %mul3A_550 : i32 to vector<16xi32>
    %mul3A_552 = arith.muli %scan3A_548#1, %mul3A_551 : vector<16xi32>
    %add3A_553 = arith.constant 64 : i32
    %add3A_554 = vector.broadcast %add3A_553 : i32 to vector<16xi32>
    %add3A_555 = arith.addi %add3A_554, %iota3A : vector<16xi32>
    %add3A_556 = arith.addi %mul3A_552, %broadcast_in_dim3A_7 : vector<16xi32>
    %gather3A_557 = tpu.vector_load_idx %arg6[%add3A_556, %add3A_555] : memref<360x128xf32, #tpu.memory_space<vmem>>[vector<16xi32>, vector<16xi32>], vector<16xf32>,
    %add3A_558 = arith.addi %mul3A_552, %broadcast_in_dim3A_9 : vector<16xi32>
    %gather3A_559 = tpu.vector_load_idx %arg6[%add3A_558, %add3A_555] : memref<360x128xf32, #tpu.memory_space<vmem>>[vector<16xi32>, vector<16xi32>], vector<16xf32>,
    %add3A_560 = arith.addi %mul3A_552, %broadcast_in_dim3A_11 : vector<16xi32>
    %gather3A_561 = tpu.vector_load_idx %arg6[%add3A_560, %add3A_555] : memref<360x128xf32, #tpu.memory_space<vmem>>[vector<16xi32>, vector<16xi32>], vector<16xf32>,
    %add3A_562 = arith.addi %mul3A_552, %broadcast_in_dim3A_13 : vector<16xi32>
    %gather3A_563 = tpu.vector_load_idx %arg6[%add3A_562, %add3A_555] : memref<360x128xf32, #tpu.memory_space<vmem>>[vector<16xi32>, vector<16xi32>], vector<16xf32>,
    %add3A_564 = arith.addi %mul3A_552, %broadcast_in_dim3A_15 : vector<16xi32>
    %gather3A_565 = tpu.vector_load_idx %arg6[%add3A_564, %add3A_555] : memref<360x128xf32, #tpu.memory_space<vmem>>[vector<16xi32>, vector<16xi32>], vector<16xf32>,
    %add3A_566 = arith.addi %mul3A_552, %broadcast_in_dim3A_17 : vector<16xi32>
    %gather3A_567 = tpu.vector_load_idx %arg6[%add3A_566, %add3A_555] : memref<360x128xf32, #tpu.memory_space<vmem>>[vector<16xi32>, vector<16xi32>], vector<16xf32>,
    %add3A_568 = arith.addi %mul3A_552, %broadcast_in_dim3A_19 : vector<16xi32>
    %gather3A_569 = tpu.vector_load_idx %arg6[%add3A_568, %add3A_555] : memref<360x128xf32, #tpu.memory_space<vmem>>[vector<16xi32>, vector<16xi32>], vector<16xf32>,
    %eq3A_570 = arith.cmpf oeq, %gather3A_569, %scan3A_548#0 : vector<16xf32>
    %select_n3A_571 = arith.select %eq3A_570, %broadcast_in_dim3A_19, %broadcast_in_dim3A_21 : vector<16xi1>, vector<16xi32>
    %eq3A_572 = arith.cmpf oeq, %gather3A_567, %scan3A_548#0 : vector<16xf32>
    %select_n3A_573 = arith.select %eq3A_572, %broadcast_in_dim3A_17, %select_n3A_571 : vector<16xi1>, vector<16xi32>
    %eq3A_574 = arith.cmpf oeq, %gather3A_565, %scan3A_548#0 : vector<16xf32>
    %select_n3A_575 = arith.select %eq3A_574, %broadcast_in_dim3A_15, %select_n3A_573 : vector<16xi1>, vector<16xi32>
    %eq3A_576 = arith.cmpf oeq, %gather3A_563, %scan3A_548#0 : vector<16xf32>
    %select_n3A_577 = arith.select %eq3A_576, %broadcast_in_dim3A_13, %select_n3A_575 : vector<16xi1>, vector<16xi32>
    %eq3A_578 = arith.cmpf oeq, %gather3A_561, %scan3A_548#0 : vector<16xf32>
    %select_n3A_579 = arith.select %eq3A_578, %broadcast_in_dim3A_11, %select_n3A_577 : vector<16xi1>, vector<16xi32>
    %eq3A_580 = arith.cmpf oeq, %gather3A_559, %scan3A_548#0 : vector<16xf32>
    %select_n3A_581 = arith.select %eq3A_580, %broadcast_in_dim3A_9, %select_n3A_579 : vector<16xi1>, vector<16xi32>
    %eq3A_582 = arith.cmpf oeq, %gather3A_557, %scan3A_548#0 : vector<16xf32>
    %select_n3A_583 = arith.select %eq3A_582, %broadcast_in_dim3A_7, %select_n3A_581 : vector<16xi1>, vector<16xi32>
    %add3A_584 = arith.addi %mul3A_552, %select_n3A_583 : vector<16xi32>
    %gather3A_585 = tpu.vector_load_idx %arg7[%add3A_584] : memref<360xi32, #tpu.memory_space<vmem>>[vector<16xi32>], vector<16xi32>,
    %convert_element_type3A_586 = arith.sitofp %gather3A_585 : vector<16xi32> to vector<16xf32>
    %swap3A_587 = arith.constant 192 : index
    %swap3A_588 = tpu.vector_load %arg8[%swap3A_587] {strides = array<i32>} : memref<512xf32, #tpu.memory_space<vmem>>, vector<16xf32>,
    tpu.vector_store %arg8[%swap3A_587], %convert_element_type3A_586 {strides = array<i32>} : memref<512xf32, #tpu.memory_space<vmem>>, vector<16xf32>,
    %mul3A_589 = arith.constant 8 : i32
    %mul3A_590 = vector.broadcast %mul3A_589 : i32 to vector<16xi32>
    %mul3A_591 = arith.muli %scan3A_548#3, %mul3A_590 : vector<16xi32>
    %add3A_592 = arith.constant 80 : i32
    %add3A_593 = vector.broadcast %add3A_592 : i32 to vector<16xi32>
    %add3A_594 = arith.addi %add3A_593, %iota3A : vector<16xi32>
    %add3A_595 = arith.addi %mul3A_591, %broadcast_in_dim3A_7 : vector<16xi32>
    %gather3A_596 = tpu.vector_load_idx %arg6[%add3A_595, %add3A_594] : memref<360x128xf32, #tpu.memory_space<vmem>>[vector<16xi32>, vector<16xi32>], vector<16xf32>,
    %add3A_597 = arith.addi %mul3A_591, %broadcast_in_dim3A_9 : vector<16xi32>
    %gather3A_598 = tpu.vector_load_idx %arg6[%add3A_597, %add3A_594] : memref<360x128xf32, #tpu.memory_space<vmem>>[vector<16xi32>, vector<16xi32>], vector<16xf32>,
    %add3A_599 = arith.addi %mul3A_591, %broadcast_in_dim3A_11 : vector<16xi32>
    %gather3A_600 = tpu.vector_load_idx %arg6[%add3A_599, %add3A_594] : memref<360x128xf32, #tpu.memory_space<vmem>>[vector<16xi32>, vector<16xi32>], vector<16xf32>,
    %add3A_601 = arith.addi %mul3A_591, %broadcast_in_dim3A_13 : vector<16xi32>
    %gather3A_602 = tpu.vector_load_idx %arg6[%add3A_601, %add3A_594] : memref<360x128xf32, #tpu.memory_space<vmem>>[vector<16xi32>, vector<16xi32>], vector<16xf32>,
    %add3A_603 = arith.addi %mul3A_591, %broadcast_in_dim3A_15 : vector<16xi32>
    %gather3A_604 = tpu.vector_load_idx %arg6[%add3A_603, %add3A_594] : memref<360x128xf32, #tpu.memory_space<vmem>>[vector<16xi32>, vector<16xi32>], vector<16xf32>,
    %add3A_605 = arith.addi %mul3A_591, %broadcast_in_dim3A_17 : vector<16xi32>
    %gather3A_606 = tpu.vector_load_idx %arg6[%add3A_605, %add3A_594] : memref<360x128xf32, #tpu.memory_space<vmem>>[vector<16xi32>, vector<16xi32>], vector<16xf32>,
    %add3A_607 = arith.addi %mul3A_591, %broadcast_in_dim3A_19 : vector<16xi32>
    %gather3A_608 = tpu.vector_load_idx %arg6[%add3A_607, %add3A_594] : memref<360x128xf32, #tpu.memory_space<vmem>>[vector<16xi32>, vector<16xi32>], vector<16xf32>,
    %eq3A_609 = arith.cmpf oeq, %gather3A_608, %scan3A_548#2 : vector<16xf32>
    %select_n3A_610 = arith.select %eq3A_609, %broadcast_in_dim3A_19, %broadcast_in_dim3A_21 : vector<16xi1>, vector<16xi32>
    %eq3A_611 = arith.cmpf oeq, %gather3A_606, %scan3A_548#2 : vector<16xf32>
    %select_n3A_612 = arith.select %eq3A_611, %broadcast_in_dim3A_17, %select_n3A_610 : vector<16xi1>, vector<16xi32>
    %eq3A_613 = arith.cmpf oeq, %gather3A_604, %scan3A_548#2 : vector<16xf32>
    %select_n3A_614 = arith.select %eq3A_613, %broadcast_in_dim3A_15, %select_n3A_612 : vector<16xi1>, vector<16xi32>
    %eq3A_615 = arith.cmpf oeq, %gather3A_602, %scan3A_548#2 : vector<16xf32>
    %select_n3A_616 = arith.select %eq3A_615, %broadcast_in_dim3A_13, %select_n3A_614 : vector<16xi1>, vector<16xi32>
    %eq3A_617 = arith.cmpf oeq, %gather3A_600, %scan3A_548#2 : vector<16xf32>
    %select_n3A_618 = arith.select %eq3A_617, %broadcast_in_dim3A_11, %select_n3A_616 : vector<16xi1>, vector<16xi32>
    %eq3A_619 = arith.cmpf oeq, %gather3A_598, %scan3A_548#2 : vector<16xf32>
    %select_n3A_620 = arith.select %eq3A_619, %broadcast_in_dim3A_9, %select_n3A_618 : vector<16xi1>, vector<16xi32>
    %eq3A_621 = arith.cmpf oeq, %gather3A_596, %scan3A_548#2 : vector<16xf32>
    %select_n3A_622 = arith.select %eq3A_621, %broadcast_in_dim3A_7, %select_n3A_620 : vector<16xi1>, vector<16xi32>
    %add3A_623 = arith.addi %mul3A_591, %select_n3A_622 : vector<16xi32>
    %gather3A_624 = tpu.vector_load_idx %arg7[%add3A_623] : memref<360xi32, #tpu.memory_space<vmem>>[vector<16xi32>], vector<16xi32>,
    %convert_element_type3A_625 = arith.sitofp %gather3A_624 : vector<16xi32> to vector<16xf32>
    %swap3A_626 = arith.constant 208 : index
    %swap3A_627 = tpu.vector_load %arg8[%swap3A_626] {strides = array<i32>} : memref<512xf32, #tpu.memory_space<vmem>>, vector<16xf32>,
    tpu.vector_store %arg8[%swap3A_626], %convert_element_type3A_625 {strides = array<i32>} : memref<512xf32, #tpu.memory_space<vmem>>, vector<16xf32>,
    %scan3A_628 = arith.constant 0 : i32
    %scan3A_629 = arith.constant 45 : i32
    %scan3A_630 = arith.addi %scan3A_628, %scan3A_629 : i32
    %scan3A_631 = arith.constant 1 : i32
    %scan3A_632:4 = scf.for %scan3A_1398 = %scan3A_628 to %scan3A_630 step %scan3A_631 iter_args(%scan3A_1399 = %broadcast_in_dim3A_3, %scan3A_1400 = %broadcast_in_dim3A_5, %scan3A_1401 = %broadcast_in_dim3A_3, %scan3A_1402 = %broadcast_in_dim3A_5) -> (vector<16xf32>, vector<16xi32>, vector<16xf32>, vector<16xi32>)  : i32 {
      %mul3A_1403 = arith.constant 8 : i32
      %mul3A_1404 = arith.muli %mul3A_1403, %scan3A_1398 : i32
      %broadcast_in_dim3A_1405 = vector.broadcast %scan3A_1398 : i32 to vector<16xi32>
      %add3A_1406 = arith.constant 0 : i32
      %add3A_1407 = arith.addi %mul3A_1404, %add3A_1406 : i32
      %get3A = arith.index_cast %add3A_1407 : i32 to index
      %get3A_1408 = arith.constant 96 : index
      %get3A_1409 = tpu.vector_load %arg6[%get3A, %get3A_1408] {strides = array<i32>} : memref<360x128xf32, #tpu.memory_space<vmem>>, vector<16xf32>,
      %add3A_1410 = arith.constant 1 : i32
      %add3A_1411 = arith.addi %mul3A_1404, %add3A_1410 : i32
      %get3A_1412 = arith.index_cast %add3A_1411 : i32 to index
      %get3A_1413 = arith.constant 96 : index
      %get3A_1414 = tpu.vector_load %arg6[%get3A_1412, %get3A_1413] {strides = array<i32>} : memref<360x128xf32, #tpu.memory_space<vmem>>, vector<16xf32>,
      %add3A_1415 = arith.constant 2 : i32
      %add3A_1416 = arith.addi %mul3A_1404, %add3A_1415 : i32
      %get3A_1417 = arith.index_cast %add3A_1416 : i32 to index
      %get3A_1418 = arith.constant 96 : index
      %get3A_1419 = tpu.vector_load %arg6[%get3A_1417, %get3A_1418] {strides = array<i32>} : memref<360x128xf32, #tpu.memory_space<vmem>>, vector<16xf32>,
      %add3A_1420 = arith.constant 3 : i32
      %add3A_1421 = arith.addi %mul3A_1404, %add3A_1420 : i32
      %get3A_1422 = arith.index_cast %add3A_1421 : i32 to index
      %get3A_1423 = arith.constant 96 : index
      %get3A_1424 = tpu.vector_load %arg6[%get3A_1422, %get3A_1423] {strides = array<i32>} : memref<360x128xf32, #tpu.memory_space<vmem>>, vector<16xf32>,
      %add3A_1425 = arith.constant 4 : i32
      %add3A_1426 = arith.addi %mul3A_1404, %add3A_1425 : i32
      %get3A_1427 = arith.index_cast %add3A_1426 : i32 to index
      %get3A_1428 = arith.constant 96 : index
      %get3A_1429 = tpu.vector_load %arg6[%get3A_1427, %get3A_1428] {strides = array<i32>} : memref<360x128xf32, #tpu.memory_space<vmem>>, vector<16xf32>,
      %add3A_1430 = arith.constant 5 : i32
      %add3A_1431 = arith.addi %mul3A_1404, %add3A_1430 : i32
      %get3A_1432 = arith.index_cast %add3A_1431 : i32 to index
      %get3A_1433 = arith.constant 96 : index
      %get3A_1434 = tpu.vector_load %arg6[%get3A_1432, %get3A_1433] {strides = array<i32>} : memref<360x128xf32, #tpu.memory_space<vmem>>, vector<16xf32>,
      %add3A_1435 = arith.constant 6 : i32
      %add3A_1436 = arith.addi %mul3A_1404, %add3A_1435 : i32
      %get3A_1437 = arith.index_cast %add3A_1436 : i32 to index
      %get3A_1438 = arith.constant 96 : index
      %get3A_1439 = tpu.vector_load %arg6[%get3A_1437, %get3A_1438] {strides = array<i32>} : memref<360x128xf32, #tpu.memory_space<vmem>>, vector<16xf32>,
      %add3A_1440 = arith.constant 7 : i32
      %add3A_1441 = arith.addi %mul3A_1404, %add3A_1440 : i32
      %get3A_1442 = arith.index_cast %add3A_1441 : i32 to index
      %get3A_1443 = arith.constant 96 : index
      %get3A_1444 = tpu.vector_load %arg6[%get3A_1442, %get3A_1443] {strides = array<i32>} : memref<360x128xf32, #tpu.memory_space<vmem>>, vector<16xf32>,
      %max3A = arith.maximumf %get3A_1409, %get3A_1414 : vector<16xf32>
      %max3A_1445 = arith.maximumf %get3A_1419, %get3A_1424 : vector<16xf32>
      %max3A_1446 = arith.maximumf %get3A_1429, %get3A_1434 : vector<16xf32>
      %max3A_1447 = arith.maximumf %get3A_1439, %get3A_1444 : vector<16xf32>
      %max3A_1448 = arith.maximumf %max3A, %max3A_1445 : vector<16xf32>
      %max3A_1449 = arith.maximumf %max3A_1446, %max3A_1447 : vector<16xf32>
      %max3A_1450 = arith.maximumf %max3A_1448, %max3A_1449 : vector<16xf32>
      %add3A_1451 = arith.constant 0 : i32
      %add3A_1452 = arith.addi %mul3A_1404, %add3A_1451 : i32
      %get3A_1453 = arith.index_cast %add3A_1452 : i32 to index
      %get3A_1454 = arith.constant 112 : index
      %get3A_1455 = tpu.vector_load %arg6[%get3A_1453, %get3A_1454] {strides = array<i32>} : memref<360x128xf32, #tpu.memory_space<vmem>>, vector<16xf32>,
      %add3A_1456 = arith.constant 1 : i32
      %add3A_1457 = arith.addi %mul3A_1404, %add3A_1456 : i32
      %get3A_1458 = arith.index_cast %add3A_1457 : i32 to index
      %get3A_1459 = arith.constant 112 : index
      %get3A_1460 = tpu.vector_load %arg6[%get3A_1458, %get3A_1459] {strides = array<i32>} : memref<360x128xf32, #tpu.memory_space<vmem>>, vector<16xf32>,
      %add3A_1461 = arith.constant 2 : i32
      %add3A_1462 = arith.addi %mul3A_1404, %add3A_1461 : i32
      %get3A_1463 = arith.index_cast %add3A_1462 : i32 to index
      %get3A_1464 = arith.constant 112 : index
      %get3A_1465 = tpu.vector_load %arg6[%get3A_1463, %get3A_1464] {strides = array<i32>} : memref<360x128xf32, #tpu.memory_space<vmem>>, vector<16xf32>,
      %add3A_1466 = arith.constant 3 : i32
      %add3A_1467 = arith.addi %mul3A_1404, %add3A_1466 : i32
      %get3A_1468 = arith.index_cast %add3A_1467 : i32 to index
      %get3A_1469 = arith.constant 112 : index
      %get3A_1470 = tpu.vector_load %arg6[%get3A_1468, %get3A_1469] {strides = array<i32>} : memref<360x128xf32, #tpu.memory_space<vmem>>, vector<16xf32>,
      %add3A_1471 = arith.constant 4 : i32
      %add3A_1472 = arith.addi %mul3A_1404, %add3A_1471 : i32
      %get3A_1473 = arith.index_cast %add3A_1472 : i32 to index
      %get3A_1474 = arith.constant 112 : index
      %get3A_1475 = tpu.vector_load %arg6[%get3A_1473, %get3A_1474] {strides = array<i32>} : memref<360x128xf32, #tpu.memory_space<vmem>>, vector<16xf32>,
      %add3A_1476 = arith.constant 5 : i32
      %add3A_1477 = arith.addi %mul3A_1404, %add3A_1476 : i32
      %get3A_1478 = arith.index_cast %add3A_1477 : i32 to index
      %get3A_1479 = arith.constant 112 : index
      %get3A_1480 = tpu.vector_load %arg6[%get3A_1478, %get3A_1479] {strides = array<i32>} : memref<360x128xf32, #tpu.memory_space<vmem>>, vector<16xf32>,
      %add3A_1481 = arith.constant 6 : i32
      %add3A_1482 = arith.addi %mul3A_1404, %add3A_1481 : i32
      %get3A_1483 = arith.index_cast %add3A_1482 : i32 to index
      %get3A_1484 = arith.constant 112 : index
      %get3A_1485 = tpu.vector_load %arg6[%get3A_1483, %get3A_1484] {strides = array<i32>} : memref<360x128xf32, #tpu.memory_space<vmem>>, vector<16xf32>,
      %add3A_1486 = arith.constant 7 : i32
      %add3A_1487 = arith.addi %mul3A_1404, %add3A_1486 : i32
      %get3A_1488 = arith.index_cast %add3A_1487 : i32 to index
      %get3A_1489 = arith.constant 112 : index
      %get3A_1490 = tpu.vector_load %arg6[%get3A_1488, %get3A_1489] {strides = array<i32>} : memref<360x128xf32, #tpu.memory_space<vmem>>, vector<16xf32>,
      %max3A_1491 = arith.maximumf %get3A_1455, %get3A_1460 : vector<16xf32>
      %max3A_1492 = arith.maximumf %get3A_1465, %get3A_1470 : vector<16xf32>
      %max3A_1493 = arith.maximumf %get3A_1475, %get3A_1480 : vector<16xf32>
      %max3A_1494 = arith.maximumf %get3A_1485, %get3A_1490 : vector<16xf32>
      %max3A_1495 = arith.maximumf %max3A_1491, %max3A_1492 : vector<16xf32>
      %max3A_1496 = arith.maximumf %max3A_1493, %max3A_1494 : vector<16xf32>
      %max3A_1497 = arith.maximumf %max3A_1495, %max3A_1496 : vector<16xf32>
      %gt3A = arith.cmpf ogt, %max3A_1450, %scan3A_1399 : vector<16xf32>
      %gt3A_1498 = arith.cmpf ogt, %max3A_1497, %scan3A_1401 : vector<16xf32>
      %max3A_1499 = arith.maximumf %max3A_1450, %scan3A_1399 : vector<16xf32>
      %max3A_1500 = arith.maximumf %max3A_1497, %scan3A_1401 : vector<16xf32>
      %select_n3A_1501 = arith.select %gt3A, %broadcast_in_dim3A_1405, %scan3A_1400 : vector<16xi1>, vector<16xi32>
      %select_n3A_1502 = arith.select %gt3A_1498, %broadcast_in_dim3A_1405, %scan3A_1402 : vector<16xi1>, vector<16xi32>
      scf.yield %max3A_1499, %select_n3A_1501, %max3A_1500, %select_n3A_1502 : vector<16xf32>, vector<16xi32>, vector<16xf32>, vector<16xi32>
    }
    %scan3A_633 = arith.constant 45 : i32
    %mul3A_634 = arith.constant 8 : i32
    %mul3A_635 = vector.broadcast %mul3A_634 : i32 to vector<16xi32>
    %mul3A_636 = arith.muli %scan3A_632#1, %mul3A_635 : vector<16xi32>
    %add3A_637 = arith.constant 96 : i32
    %add3A_638 = vector.broadcast %add3A_637 : i32 to vector<16xi32>
    %add3A_639 = arith.addi %add3A_638, %iota3A : vector<16xi32>
    %add3A_640 = arith.addi %mul3A_636, %broadcast_in_dim3A_7 : vector<16xi32>
    %gather3A_641 = tpu.vector_load_idx %arg6[%add3A_640, %add3A_639] : memref<360x128xf32, #tpu.memory_space<vmem>>[vector<16xi32>, vector<16xi32>], vector<16xf32>,
    %add3A_642 = arith.addi %mul3A_636, %broadcast_in_dim3A_9 : vector<16xi32>
    %gather3A_643 = tpu.vector_load_idx %arg6[%add3A_642, %add3A_639] : memref<360x128xf32, #tpu.memory_space<vmem>>[vector<16xi32>, vector<16xi32>], vector<16xf32>,
    %add3A_644 = arith.addi %mul3A_636, %broadcast_in_dim3A_11 : vector<16xi32>
    %gather3A_645 = tpu.vector_load_idx %arg6[%add3A_644, %add3A_639] : memref<360x128xf32, #tpu.memory_space<vmem>>[vector<16xi32>, vector<16xi32>], vector<16xf32>,
    %add3A_646 = arith.addi %mul3A_636, %broadcast_in_dim3A_13 : vector<16xi32>
    %gather3A_647 = tpu.vector_load_idx %arg6[%add3A_646, %add3A_639] : memref<360x128xf32, #tpu.memory_space<vmem>>[vector<16xi32>, vector<16xi32>], vector<16xf32>,
    %add3A_648 = arith.addi %mul3A_636, %broadcast_in_dim3A_15 : vector<16xi32>
    %gather3A_649 = tpu.vector_load_idx %arg6[%add3A_648, %add3A_639] : memref<360x128xf32, #tpu.memory_space<vmem>>[vector<16xi32>, vector<16xi32>], vector<16xf32>,
    %add3A_650 = arith.addi %mul3A_636, %broadcast_in_dim3A_17 : vector<16xi32>
    %gather3A_651 = tpu.vector_load_idx %arg6[%add3A_650, %add3A_639] : memref<360x128xf32, #tpu.memory_space<vmem>>[vector<16xi32>, vector<16xi32>], vector<16xf32>,
    %add3A_652 = arith.addi %mul3A_636, %broadcast_in_dim3A_19 : vector<16xi32>
    %gather3A_653 = tpu.vector_load_idx %arg6[%add3A_652, %add3A_639] : memref<360x128xf32, #tpu.memory_space<vmem>>[vector<16xi32>, vector<16xi32>], vector<16xf32>,
    %eq3A_654 = arith.cmpf oeq, %gather3A_653, %scan3A_632#0 : vector<16xf32>
    %select_n3A_655 = arith.select %eq3A_654, %broadcast_in_dim3A_19, %broadcast_in_dim3A_21 : vector<16xi1>, vector<16xi32>
    %eq3A_656 = arith.cmpf oeq, %gather3A_651, %scan3A_632#0 : vector<16xf32>
    %select_n3A_657 = arith.select %eq3A_656, %broadcast_in_dim3A_17, %select_n3A_655 : vector<16xi1>, vector<16xi32>
    %eq3A_658 = arith.cmpf oeq, %gather3A_649, %scan3A_632#0 : vector<16xf32>
    %select_n3A_659 = arith.select %eq3A_658, %broadcast_in_dim3A_15, %select_n3A_657 : vector<16xi1>, vector<16xi32>
    %eq3A_660 = arith.cmpf oeq, %gather3A_647, %scan3A_632#0 : vector<16xf32>
    %select_n3A_661 = arith.select %eq3A_660, %broadcast_in_dim3A_13, %select_n3A_659 : vector<16xi1>, vector<16xi32>
    %eq3A_662 = arith.cmpf oeq, %gather3A_645, %scan3A_632#0 : vector<16xf32>
    %select_n3A_663 = arith.select %eq3A_662, %broadcast_in_dim3A_11, %select_n3A_661 : vector<16xi1>, vector<16xi32>
    %eq3A_664 = arith.cmpf oeq, %gather3A_643, %scan3A_632#0 : vector<16xf32>
    %select_n3A_665 = arith.select %eq3A_664, %broadcast_in_dim3A_9, %select_n3A_663 : vector<16xi1>, vector<16xi32>
    %eq3A_666 = arith.cmpf oeq, %gather3A_641, %scan3A_632#0 : vector<16xf32>
    %select_n3A_667 = arith.select %eq3A_666, %broadcast_in_dim3A_7, %select_n3A_665 : vector<16xi1>, vector<16xi32>
    %add3A_668 = arith.addi %mul3A_636, %select_n3A_667 : vector<16xi32>
    %gather3A_669 = tpu.vector_load_idx %arg7[%add3A_668] : memref<360xi32, #tpu.memory_space<vmem>>[vector<16xi32>], vector<16xi32>,
    %convert_element_type3A_670 = arith.sitofp %gather3A_669 : vector<16xi32> to vector<16xf32>
    %swap3A_671 = arith.constant 224 : index
    %swap3A_672 = tpu.vector_load %arg8[%swap3A_671] {strides = array<i32>} : memref<512xf32, #tpu.memory_space<vmem>>, vector<16xf32>,
    tpu.vector_store %arg8[%swap3A_671], %convert_element_type3A_670 {strides = array<i32>} : memref<512xf32, #tpu.memory_space<vmem>>, vector<16xf32>,
    %mul3A_673 = arith.constant 8 : i32
    %mul3A_674 = vector.broadcast %mul3A_673 : i32 to vector<16xi32>
    %mul3A_675 = arith.muli %scan3A_632#3, %mul3A_674 : vector<16xi32>
    %add3A_676 = arith.constant 112 : i32
    %add3A_677 = vector.broadcast %add3A_676 : i32 to vector<16xi32>
    %add3A_678 = arith.addi %add3A_677, %iota3A : vector<16xi32>
    %add3A_679 = arith.addi %mul3A_675, %broadcast_in_dim3A_7 : vector<16xi32>
    %gather3A_680 = tpu.vector_load_idx %arg6[%add3A_679, %add3A_678] : memref<360x128xf32, #tpu.memory_space<vmem>>[vector<16xi32>, vector<16xi32>], vector<16xf32>,
    %add3A_681 = arith.addi %mul3A_675, %broadcast_in_dim3A_9 : vector<16xi32>
    %gather3A_682 = tpu.vector_load_idx %arg6[%add3A_681, %add3A_678] : memref<360x128xf32, #tpu.memory_space<vmem>>[vector<16xi32>, vector<16xi32>], vector<16xf32>,
    %add3A_683 = arith.addi %mul3A_675, %broadcast_in_dim3A_11 : vector<16xi32>
    %gather3A_684 = tpu.vector_load_idx %arg6[%add3A_683, %add3A_678] : memref<360x128xf32, #tpu.memory_space<vmem>>[vector<16xi32>, vector<16xi32>], vector<16xf32>,
    %add3A_685 = arith.addi %mul3A_675, %broadcast_in_dim3A_13 : vector<16xi32>
    %gather3A_686 = tpu.vector_load_idx %arg6[%add3A_685, %add3A_678] : memref<360x128xf32, #tpu.memory_space<vmem>>[vector<16xi32>, vector<16xi32>], vector<16xf32>,
    %add3A_687 = arith.addi %mul3A_675, %broadcast_in_dim3A_15 : vector<16xi32>
    %gather3A_688 = tpu.vector_load_idx %arg6[%add3A_687, %add3A_678] : memref<360x128xf32, #tpu.memory_space<vmem>>[vector<16xi32>, vector<16xi32>], vector<16xf32>,
    %add3A_689 = arith.addi %mul3A_675, %broadcast_in_dim3A_17 : vector<16xi32>
    %gather3A_690 = tpu.vector_load_idx %arg6[%add3A_689, %add3A_678] : memref<360x128xf32, #tpu.memory_space<vmem>>[vector<16xi32>, vector<16xi32>], vector<16xf32>,
    %add3A_691 = arith.addi %mul3A_675, %broadcast_in_dim3A_19 : vector<16xi32>
    %gather3A_692 = tpu.vector_load_idx %arg6[%add3A_691, %add3A_678] : memref<360x128xf32, #tpu.memory_space<vmem>>[vector<16xi32>, vector<16xi32>], vector<16xf32>,
    %eq3A_693 = arith.cmpf oeq, %gather3A_692, %scan3A_632#2 : vector<16xf32>
    %select_n3A_694 = arith.select %eq3A_693, %broadcast_in_dim3A_19, %broadcast_in_dim3A_21 : vector<16xi1>, vector<16xi32>
    %eq3A_695 = arith.cmpf oeq, %gather3A_690, %scan3A_632#2 : vector<16xf32>
    %select_n3A_696 = arith.select %eq3A_695, %broadcast_in_dim3A_17, %select_n3A_694 : vector<16xi1>, vector<16xi32>
    %eq3A_697 = arith.cmpf oeq, %gather3A_688, %scan3A_632#2 : vector<16xf32>
    %select_n3A_698 = arith.select %eq3A_697, %broadcast_in_dim3A_15, %select_n3A_696 : vector<16xi1>, vector<16xi32>
    %eq3A_699 = arith.cmpf oeq, %gather3A_686, %scan3A_632#2 : vector<16xf32>
    %select_n3A_700 = arith.select %eq3A_699, %broadcast_in_dim3A_13, %select_n3A_698 : vector<16xi1>, vector<16xi32>
    %eq3A_701 = arith.cmpf oeq, %gather3A_684, %scan3A_632#2 : vector<16xf32>
    %select_n3A_702 = arith.select %eq3A_701, %broadcast_in_dim3A_11, %select_n3A_700 : vector<16xi1>, vector<16xi32>
    %eq3A_703 = arith.cmpf oeq, %gather3A_682, %scan3A_632#2 : vector<16xf32>
    %select_n3A_704 = arith.select %eq3A_703, %broadcast_in_dim3A_9, %select_n3A_702 : vector<16xi1>, vector<16xi32>
    %eq3A_705 = arith.cmpf oeq, %gather3A_680, %scan3A_632#2 : vector<16xf32>
    %select_n3A_706 = arith.select %eq3A_705, %broadcast_in_dim3A_7, %select_n3A_704 : vector<16xi1>, vector<16xi32>
    %add3A_707 = arith.addi %mul3A_675, %select_n3A_706 : vector<16xi32>
    %gather3A_708 = tpu.vector_load_idx %arg7[%add3A_707] : memref<360xi32, #tpu.memory_space<vmem>>[vector<16xi32>], vector<16xi32>,
    %convert_element_type3A_709 = arith.sitofp %gather3A_708 : vector<16xi32> to vector<16xf32>
    %swap3A_710 = arith.constant 240 : index
    %swap3A_711 = tpu.vector_load %arg8[%swap3A_710] {strides = array<i32>} : memref<512xf32, #tpu.memory_space<vmem>>, vector<16xf32>,
    tpu.vector_store %arg8[%swap3A_710], %convert_element_type3A_709 {strides = array<i32>} : memref<512xf32, #tpu.memory_space<vmem>>, vector<16xf32>,
    %add3A_712 = arith.constant 384 : i32
    %add3A_713 = arith.addi %mul3A_2, %add3A_712 : i32
    %dma_start3A_714 = arith.constant 0 : i32
    %dma_start3A_715 = tpu.memref_slice %arg2[%dma_start3A_714, %add3A_713] : memref<360x16384xf32, #tpu.memory_space<hbm>> -> memref<360x128xf32, #tpu.memory_space<hbm>>
    %dma_start3A_716 = arith.constant 0 : i32
    %dma_start3A_717 = tpu.memref_slice %arg2[%dma_start3A_716, %add3A_713] : memref<360x16384xf32, #tpu.memory_space<hbm>> -> memref<360x128xf32, #tpu.memory_space<hbm>>
    tpu.enqueue_dma source(%dma_start3A_717 : memref<360x128xf32, #tpu.memory_space<hbm>>) target(%arg6 : memref<360x128xf32, #tpu.memory_space<vmem>>) target_semaphore(%arg10 : memref<!tpu.dma_semaphore, #tpu.memory_space<semaphore_mem>>)
    %dma_wait3A_718 = arith.constant 0 : i32
    %dma_wait3A_719 = tpu.memref_slice %arg2[%dma_wait3A_718, %add3A_367] : memref<360x16384xf32, #tpu.memory_space<hbm>> -> memref<360x128xf32, #tpu.memory_space<hbm>>
    %dma_wait3A_720 = arith.constant 0 : i32
    %dma_wait3A_721 = tpu.memref_slice %arg2[%dma_wait3A_720, %add3A_367] : memref<360x16384xf32, #tpu.memory_space<hbm>> -> memref<360x128xf32, #tpu.memory_space<hbm>>
    tpu.wait_dma2 semaphore(%arg9 : memref<!tpu.dma_semaphore, #tpu.memory_space<semaphore_mem>>) src(%dma_wait3A_721 : memref<360x128xf32, #tpu.memory_space<hbm>>) dst(%arg5 : memref<360x128xf32, #tpu.memory_space<vmem>>)
    %scan3A_722 = arith.constant 0 : i32
    %scan3A_723 = arith.constant 45 : i32
    %scan3A_724 = arith.addi %scan3A_722, %scan3A_723 : i32
    %scan3A_725 = arith.constant 1 : i32
    %scan3A_726:4 = scf.for %scan3A_1398 = %scan3A_722 to %scan3A_724 step %scan3A_725 iter_args(%scan3A_1399 = %broadcast_in_dim3A_3, %scan3A_1400 = %broadcast_in_dim3A_5, %scan3A_1401 = %broadcast_in_dim3A_3, %scan3A_1402 = %broadcast_in_dim3A_5) -> (vector<16xf32>, vector<16xi32>, vector<16xf32>, vector<16xi32>)  : i32 {
      %mul3A_1403 = arith.constant 8 : i32
      %mul3A_1404 = arith.muli %mul3A_1403, %scan3A_1398 : i32
      %broadcast_in_dim3A_1405 = vector.broadcast %scan3A_1398 : i32 to vector<16xi32>
      %add3A_1406 = arith.constant 0 : i32
      %add3A_1407 = arith.addi %mul3A_1404, %add3A_1406 : i32
      %get3A = arith.index_cast %add3A_1407 : i32 to index
      %get3A_1408 = arith.constant 0 : index
      %get3A_1409 = tpu.vector_load %arg5[%get3A, %get3A_1408] {strides = array<i32>} : memref<360x128xf32, #tpu.memory_space<vmem>>, vector<16xf32>,
      %add3A_1410 = arith.constant 1 : i32
      %add3A_1411 = arith.addi %mul3A_1404, %add3A_1410 : i32
      %get3A_1412 = arith.index_cast %add3A_1411 : i32 to index
      %get3A_1413 = arith.constant 0 : index
      %get3A_1414 = tpu.vector_load %arg5[%get3A_1412, %get3A_1413] {strides = array<i32>} : memref<360x128xf32, #tpu.memory_space<vmem>>, vector<16xf32>,
      %add3A_1415 = arith.constant 2 : i32
      %add3A_1416 = arith.addi %mul3A_1404, %add3A_1415 : i32
      %get3A_1417 = arith.index_cast %add3A_1416 : i32 to index
      %get3A_1418 = arith.constant 0 : index
      %get3A_1419 = tpu.vector_load %arg5[%get3A_1417, %get3A_1418] {strides = array<i32>} : memref<360x128xf32, #tpu.memory_space<vmem>>, vector<16xf32>,
      %add3A_1420 = arith.constant 3 : i32
      %add3A_1421 = arith.addi %mul3A_1404, %add3A_1420 : i32
      %get3A_1422 = arith.index_cast %add3A_1421 : i32 to index
      %get3A_1423 = arith.constant 0 : index
      %get3A_1424 = tpu.vector_load %arg5[%get3A_1422, %get3A_1423] {strides = array<i32>} : memref<360x128xf32, #tpu.memory_space<vmem>>, vector<16xf32>,
      %add3A_1425 = arith.constant 4 : i32
      %add3A_1426 = arith.addi %mul3A_1404, %add3A_1425 : i32
      %get3A_1427 = arith.index_cast %add3A_1426 : i32 to index
      %get3A_1428 = arith.constant 0 : index
      %get3A_1429 = tpu.vector_load %arg5[%get3A_1427, %get3A_1428] {strides = array<i32>} : memref<360x128xf32, #tpu.memory_space<vmem>>, vector<16xf32>,
      %add3A_1430 = arith.constant 5 : i32
      %add3A_1431 = arith.addi %mul3A_1404, %add3A_1430 : i32
      %get3A_1432 = arith.index_cast %add3A_1431 : i32 to index
      %get3A_1433 = arith.constant 0 : index
      %get3A_1434 = tpu.vector_load %arg5[%get3A_1432, %get3A_1433] {strides = array<i32>} : memref<360x128xf32, #tpu.memory_space<vmem>>, vector<16xf32>,
      %add3A_1435 = arith.constant 6 : i32
      %add3A_1436 = arith.addi %mul3A_1404, %add3A_1435 : i32
      %get3A_1437 = arith.index_cast %add3A_1436 : i32 to index
      %get3A_1438 = arith.constant 0 : index
      %get3A_1439 = tpu.vector_load %arg5[%get3A_1437, %get3A_1438] {strides = array<i32>} : memref<360x128xf32, #tpu.memory_space<vmem>>, vector<16xf32>,
      %add3A_1440 = arith.constant 7 : i32
      %add3A_1441 = arith.addi %mul3A_1404, %add3A_1440 : i32
      %get3A_1442 = arith.index_cast %add3A_1441 : i32 to index
      %get3A_1443 = arith.constant 0 : index
      %get3A_1444 = tpu.vector_load %arg5[%get3A_1442, %get3A_1443] {strides = array<i32>} : memref<360x128xf32, #tpu.memory_space<vmem>>, vector<16xf32>,
      %max3A = arith.maximumf %get3A_1409, %get3A_1414 : vector<16xf32>
      %max3A_1445 = arith.maximumf %get3A_1419, %get3A_1424 : vector<16xf32>
      %max3A_1446 = arith.maximumf %get3A_1429, %get3A_1434 : vector<16xf32>
      %max3A_1447 = arith.maximumf %get3A_1439, %get3A_1444 : vector<16xf32>
      %max3A_1448 = arith.maximumf %max3A, %max3A_1445 : vector<16xf32>
      %max3A_1449 = arith.maximumf %max3A_1446, %max3A_1447 : vector<16xf32>
      %max3A_1450 = arith.maximumf %max3A_1448, %max3A_1449 : vector<16xf32>
      %add3A_1451 = arith.constant 0 : i32
      %add3A_1452 = arith.addi %mul3A_1404, %add3A_1451 : i32
      %get3A_1453 = arith.index_cast %add3A_1452 : i32 to index
      %get3A_1454 = arith.constant 16 : index
      %get3A_1455 = tpu.vector_load %arg5[%get3A_1453, %get3A_1454] {strides = array<i32>} : memref<360x128xf32, #tpu.memory_space<vmem>>, vector<16xf32>,
      %add3A_1456 = arith.constant 1 : i32
      %add3A_1457 = arith.addi %mul3A_1404, %add3A_1456 : i32
      %get3A_1458 = arith.index_cast %add3A_1457 : i32 to index
      %get3A_1459 = arith.constant 16 : index
      %get3A_1460 = tpu.vector_load %arg5[%get3A_1458, %get3A_1459] {strides = array<i32>} : memref<360x128xf32, #tpu.memory_space<vmem>>, vector<16xf32>,
      %add3A_1461 = arith.constant 2 : i32
      %add3A_1462 = arith.addi %mul3A_1404, %add3A_1461 : i32
      %get3A_1463 = arith.index_cast %add3A_1462 : i32 to index
      %get3A_1464 = arith.constant 16 : index
      %get3A_1465 = tpu.vector_load %arg5[%get3A_1463, %get3A_1464] {strides = array<i32>} : memref<360x128xf32, #tpu.memory_space<vmem>>, vector<16xf32>,
      %add3A_1466 = arith.constant 3 : i32
      %add3A_1467 = arith.addi %mul3A_1404, %add3A_1466 : i32
      %get3A_1468 = arith.index_cast %add3A_1467 : i32 to index
      %get3A_1469 = arith.constant 16 : index
      %get3A_1470 = tpu.vector_load %arg5[%get3A_1468, %get3A_1469] {strides = array<i32>} : memref<360x128xf32, #tpu.memory_space<vmem>>, vector<16xf32>,
      %add3A_1471 = arith.constant 4 : i32
      %add3A_1472 = arith.addi %mul3A_1404, %add3A_1471 : i32
      %get3A_1473 = arith.index_cast %add3A_1472 : i32 to index
      %get3A_1474 = arith.constant 16 : index
      %get3A_1475 = tpu.vector_load %arg5[%get3A_1473, %get3A_1474] {strides = array<i32>} : memref<360x128xf32, #tpu.memory_space<vmem>>, vector<16xf32>,
      %add3A_1476 = arith.constant 5 : i32
      %add3A_1477 = arith.addi %mul3A_1404, %add3A_1476 : i32
      %get3A_1478 = arith.index_cast %add3A_1477 : i32 to index
      %get3A_1479 = arith.constant 16 : index
      %get3A_1480 = tpu.vector_load %arg5[%get3A_1478, %get3A_1479] {strides = array<i32>} : memref<360x128xf32, #tpu.memory_space<vmem>>, vector<16xf32>,
      %add3A_1481 = arith.constant 6 : i32
      %add3A_1482 = arith.addi %mul3A_1404, %add3A_1481 : i32
      %get3A_1483 = arith.index_cast %add3A_1482 : i32 to index
      %get3A_1484 = arith.constant 16 : index
      %get3A_1485 = tpu.vector_load %arg5[%get3A_1483, %get3A_1484] {strides = array<i32>} : memref<360x128xf32, #tpu.memory_space<vmem>>, vector<16xf32>,
      %add3A_1486 = arith.constant 7 : i32
      %add3A_1487 = arith.addi %mul3A_1404, %add3A_1486 : i32
      %get3A_1488 = arith.index_cast %add3A_1487 : i32 to index
      %get3A_1489 = arith.constant 16 : index
      %get3A_1490 = tpu.vector_load %arg5[%get3A_1488, %get3A_1489] {strides = array<i32>} : memref<360x128xf32, #tpu.memory_space<vmem>>, vector<16xf32>,
      %max3A_1491 = arith.maximumf %get3A_1455, %get3A_1460 : vector<16xf32>
      %max3A_1492 = arith.maximumf %get3A_1465, %get3A_1470 : vector<16xf32>
      %max3A_1493 = arith.maximumf %get3A_1475, %get3A_1480 : vector<16xf32>
      %max3A_1494 = arith.maximumf %get3A_1485, %get3A_1490 : vector<16xf32>
      %max3A_1495 = arith.maximumf %max3A_1491, %max3A_1492 : vector<16xf32>
      %max3A_1496 = arith.maximumf %max3A_1493, %max3A_1494 : vector<16xf32>
      %max3A_1497 = arith.maximumf %max3A_1495, %max3A_1496 : vector<16xf32>
      %gt3A = arith.cmpf ogt, %max3A_1450, %scan3A_1399 : vector<16xf32>
      %gt3A_1498 = arith.cmpf ogt, %max3A_1497, %scan3A_1401 : vector<16xf32>
      %max3A_1499 = arith.maximumf %max3A_1450, %scan3A_1399 : vector<16xf32>
      %max3A_1500 = arith.maximumf %max3A_1497, %scan3A_1401 : vector<16xf32>
      %select_n3A_1501 = arith.select %gt3A, %broadcast_in_dim3A_1405, %scan3A_1400 : vector<16xi1>, vector<16xi32>
      %select_n3A_1502 = arith.select %gt3A_1498, %broadcast_in_dim3A_1405, %scan3A_1402 : vector<16xi1>, vector<16xi32>
      scf.yield %max3A_1499, %select_n3A_1501, %max3A_1500, %select_n3A_1502 : vector<16xf32>, vector<16xi32>, vector<16xf32>, vector<16xi32>
    }
    %scan3A_727 = arith.constant 45 : i32
    %mul3A_728 = arith.constant 8 : i32
    %mul3A_729 = vector.broadcast %mul3A_728 : i32 to vector<16xi32>
    %mul3A_730 = arith.muli %scan3A_726#1, %mul3A_729 : vector<16xi32>
    %add3A_731 = arith.constant 0 : i32
    %add3A_732 = vector.broadcast %add3A_731 : i32 to vector<16xi32>
    %add3A_733 = arith.addi %add3A_732, %iota3A : vector<16xi32>
    %add3A_734 = arith.addi %mul3A_730, %broadcast_in_dim3A_7 : vector<16xi32>
    %gather3A_735 = tpu.vector_load_idx %arg5[%add3A_734, %add3A_733] : memref<360x128xf32, #tpu.memory_space<vmem>>[vector<16xi32>, vector<16xi32>], vector<16xf32>,
    %add3A_736 = arith.addi %mul3A_730, %broadcast_in_dim3A_9 : vector<16xi32>
    %gather3A_737 = tpu.vector_load_idx %arg5[%add3A_736, %add3A_733] : memref<360x128xf32, #tpu.memory_space<vmem>>[vector<16xi32>, vector<16xi32>], vector<16xf32>,
    %add3A_738 = arith.addi %mul3A_730, %broadcast_in_dim3A_11 : vector<16xi32>
    %gather3A_739 = tpu.vector_load_idx %arg5[%add3A_738, %add3A_733] : memref<360x128xf32, #tpu.memory_space<vmem>>[vector<16xi32>, vector<16xi32>], vector<16xf32>,
    %add3A_740 = arith.addi %mul3A_730, %broadcast_in_dim3A_13 : vector<16xi32>
    %gather3A_741 = tpu.vector_load_idx %arg5[%add3A_740, %add3A_733] : memref<360x128xf32, #tpu.memory_space<vmem>>[vector<16xi32>, vector<16xi32>], vector<16xf32>,
    %add3A_742 = arith.addi %mul3A_730, %broadcast_in_dim3A_15 : vector<16xi32>
    %gather3A_743 = tpu.vector_load_idx %arg5[%add3A_742, %add3A_733] : memref<360x128xf32, #tpu.memory_space<vmem>>[vector<16xi32>, vector<16xi32>], vector<16xf32>,
    %add3A_744 = arith.addi %mul3A_730, %broadcast_in_dim3A_17 : vector<16xi32>
    %gather3A_745 = tpu.vector_load_idx %arg5[%add3A_744, %add3A_733] : memref<360x128xf32, #tpu.memory_space<vmem>>[vector<16xi32>, vector<16xi32>], vector<16xf32>,
    %add3A_746 = arith.addi %mul3A_730, %broadcast_in_dim3A_19 : vector<16xi32>
    %gather3A_747 = tpu.vector_load_idx %arg5[%add3A_746, %add3A_733] : memref<360x128xf32, #tpu.memory_space<vmem>>[vector<16xi32>, vector<16xi32>], vector<16xf32>,
    %eq3A_748 = arith.cmpf oeq, %gather3A_747, %scan3A_726#0 : vector<16xf32>
    %select_n3A_749 = arith.select %eq3A_748, %broadcast_in_dim3A_19, %broadcast_in_dim3A_21 : vector<16xi1>, vector<16xi32>
    %eq3A_750 = arith.cmpf oeq, %gather3A_745, %scan3A_726#0 : vector<16xf32>
    %select_n3A_751 = arith.select %eq3A_750, %broadcast_in_dim3A_17, %select_n3A_749 : vector<16xi1>, vector<16xi32>
    %eq3A_752 = arith.cmpf oeq, %gather3A_743, %scan3A_726#0 : vector<16xf32>
    %select_n3A_753 = arith.select %eq3A_752, %broadcast_in_dim3A_15, %select_n3A_751 : vector<16xi1>, vector<16xi32>
    %eq3A_754 = arith.cmpf oeq, %gather3A_741, %scan3A_726#0 : vector<16xf32>
    %select_n3A_755 = arith.select %eq3A_754, %broadcast_in_dim3A_13, %select_n3A_753 : vector<16xi1>, vector<16xi32>
    %eq3A_756 = arith.cmpf oeq, %gather3A_739, %scan3A_726#0 : vector<16xf32>
    %select_n3A_757 = arith.select %eq3A_756, %broadcast_in_dim3A_11, %select_n3A_755 : vector<16xi1>, vector<16xi32>
    %eq3A_758 = arith.cmpf oeq, %gather3A_737, %scan3A_726#0 : vector<16xf32>
    %select_n3A_759 = arith.select %eq3A_758, %broadcast_in_dim3A_9, %select_n3A_757 : vector<16xi1>, vector<16xi32>
    %eq3A_760 = arith.cmpf oeq, %gather3A_735, %scan3A_726#0 : vector<16xf32>
    %select_n3A_761 = arith.select %eq3A_760, %broadcast_in_dim3A_7, %select_n3A_759 : vector<16xi1>, vector<16xi32>
    %add3A_762 = arith.addi %mul3A_730, %select_n3A_761 : vector<16xi32>
    %gather3A_763 = tpu.vector_load_idx %arg7[%add3A_762] : memref<360xi32, #tpu.memory_space<vmem>>[vector<16xi32>], vector<16xi32>,
    %convert_element_type3A_764 = arith.sitofp %gather3A_763 : vector<16xi32> to vector<16xf32>
    %swap3A_765 = arith.constant 256 : index
    %swap3A_766 = tpu.vector_load %arg8[%swap3A_765] {strides = array<i32>} : memref<512xf32, #tpu.memory_space<vmem>>, vector<16xf32>,
    tpu.vector_store %arg8[%swap3A_765], %convert_element_type3A_764 {strides = array<i32>} : memref<512xf32, #tpu.memory_space<vmem>>, vector<16xf32>,
    %mul3A_767 = arith.constant 8 : i32
    %mul3A_768 = vector.broadcast %mul3A_767 : i32 to vector<16xi32>
    %mul3A_769 = arith.muli %scan3A_726#3, %mul3A_768 : vector<16xi32>
    %add3A_770 = arith.constant 16 : i32
    %add3A_771 = vector.broadcast %add3A_770 : i32 to vector<16xi32>
    %add3A_772 = arith.addi %add3A_771, %iota3A : vector<16xi32>
    %add3A_773 = arith.addi %mul3A_769, %broadcast_in_dim3A_7 : vector<16xi32>
    %gather3A_774 = tpu.vector_load_idx %arg5[%add3A_773, %add3A_772] : memref<360x128xf32, #tpu.memory_space<vmem>>[vector<16xi32>, vector<16xi32>], vector<16xf32>,
    %add3A_775 = arith.addi %mul3A_769, %broadcast_in_dim3A_9 : vector<16xi32>
    %gather3A_776 = tpu.vector_load_idx %arg5[%add3A_775, %add3A_772] : memref<360x128xf32, #tpu.memory_space<vmem>>[vector<16xi32>, vector<16xi32>], vector<16xf32>,
    %add3A_777 = arith.addi %mul3A_769, %broadcast_in_dim3A_11 : vector<16xi32>
    %gather3A_778 = tpu.vector_load_idx %arg5[%add3A_777, %add3A_772] : memref<360x128xf32, #tpu.memory_space<vmem>>[vector<16xi32>, vector<16xi32>], vector<16xf32>,
    %add3A_779 = arith.addi %mul3A_769, %broadcast_in_dim3A_13 : vector<16xi32>
    %gather3A_780 = tpu.vector_load_idx %arg5[%add3A_779, %add3A_772] : memref<360x128xf32, #tpu.memory_space<vmem>>[vector<16xi32>, vector<16xi32>], vector<16xf32>,
    %add3A_781 = arith.addi %mul3A_769, %broadcast_in_dim3A_15 : vector<16xi32>
    %gather3A_782 = tpu.vector_load_idx %arg5[%add3A_781, %add3A_772] : memref<360x128xf32, #tpu.memory_space<vmem>>[vector<16xi32>, vector<16xi32>], vector<16xf32>,
    %add3A_783 = arith.addi %mul3A_769, %broadcast_in_dim3A_17 : vector<16xi32>
    %gather3A_784 = tpu.vector_load_idx %arg5[%add3A_783, %add3A_772] : memref<360x128xf32, #tpu.memory_space<vmem>>[vector<16xi32>, vector<16xi32>], vector<16xf32>,
    %add3A_785 = arith.addi %mul3A_769, %broadcast_in_dim3A_19 : vector<16xi32>
    %gather3A_786 = tpu.vector_load_idx %arg5[%add3A_785, %add3A_772] : memref<360x128xf32, #tpu.memory_space<vmem>>[vector<16xi32>, vector<16xi32>], vector<16xf32>,
    %eq3A_787 = arith.cmpf oeq, %gather3A_786, %scan3A_726#2 : vector<16xf32>
    %select_n3A_788 = arith.select %eq3A_787, %broadcast_in_dim3A_19, %broadcast_in_dim3A_21 : vector<16xi1>, vector<16xi32>
    %eq3A_789 = arith.cmpf oeq, %gather3A_784, %scan3A_726#2 : vector<16xf32>
    %select_n3A_790 = arith.select %eq3A_789, %broadcast_in_dim3A_17, %select_n3A_788 : vector<16xi1>, vector<16xi32>
    %eq3A_791 = arith.cmpf oeq, %gather3A_782, %scan3A_726#2 : vector<16xf32>
    %select_n3A_792 = arith.select %eq3A_791, %broadcast_in_dim3A_15, %select_n3A_790 : vector<16xi1>, vector<16xi32>
    %eq3A_793 = arith.cmpf oeq, %gather3A_780, %scan3A_726#2 : vector<16xf32>
    %select_n3A_794 = arith.select %eq3A_793, %broadcast_in_dim3A_13, %select_n3A_792 : vector<16xi1>, vector<16xi32>
    %eq3A_795 = arith.cmpf oeq, %gather3A_778, %scan3A_726#2 : vector<16xf32>
    %select_n3A_796 = arith.select %eq3A_795, %broadcast_in_dim3A_11, %select_n3A_794 : vector<16xi1>, vector<16xi32>
    %eq3A_797 = arith.cmpf oeq, %gather3A_776, %scan3A_726#2 : vector<16xf32>
    %select_n3A_798 = arith.select %eq3A_797, %broadcast_in_dim3A_9, %select_n3A_796 : vector<16xi1>, vector<16xi32>
    %eq3A_799 = arith.cmpf oeq, %gather3A_774, %scan3A_726#2 : vector<16xf32>
    %select_n3A_800 = arith.select %eq3A_799, %broadcast_in_dim3A_7, %select_n3A_798 : vector<16xi1>, vector<16xi32>
    %add3A_801 = arith.addi %mul3A_769, %select_n3A_800 : vector<16xi32>
    %gather3A_802 = tpu.vector_load_idx %arg7[%add3A_801] : memref<360xi32, #tpu.memory_space<vmem>>[vector<16xi32>], vector<16xi32>,
    %convert_element_type3A_803 = arith.sitofp %gather3A_802 : vector<16xi32> to vector<16xf32>
    %swap3A_804 = arith.constant 272 : index
    %swap3A_805 = tpu.vector_load %arg8[%swap3A_804] {strides = array<i32>} : memref<512xf32, #tpu.memory_space<vmem>>, vector<16xf32>,
    tpu.vector_store %arg8[%swap3A_804], %convert_element_type3A_803 {strides = array<i32>} : memref<512xf32, #tpu.memory_space<vmem>>, vector<16xf32>,
    %scan3A_806 = arith.constant 0 : i32
    %scan3A_807 = arith.constant 45 : i32
    %scan3A_808 = arith.addi %scan3A_806, %scan3A_807 : i32
    %scan3A_809 = arith.constant 1 : i32
    %scan3A_810:4 = scf.for %scan3A_1398 = %scan3A_806 to %scan3A_808 step %scan3A_809 iter_args(%scan3A_1399 = %broadcast_in_dim3A_3, %scan3A_1400 = %broadcast_in_dim3A_5, %scan3A_1401 = %broadcast_in_dim3A_3, %scan3A_1402 = %broadcast_in_dim3A_5) -> (vector<16xf32>, vector<16xi32>, vector<16xf32>, vector<16xi32>)  : i32 {
      %mul3A_1403 = arith.constant 8 : i32
      %mul3A_1404 = arith.muli %mul3A_1403, %scan3A_1398 : i32
      %broadcast_in_dim3A_1405 = vector.broadcast %scan3A_1398 : i32 to vector<16xi32>
      %add3A_1406 = arith.constant 0 : i32
      %add3A_1407 = arith.addi %mul3A_1404, %add3A_1406 : i32
      %get3A = arith.index_cast %add3A_1407 : i32 to index
      %get3A_1408 = arith.constant 32 : index
      %get3A_1409 = tpu.vector_load %arg5[%get3A, %get3A_1408] {strides = array<i32>} : memref<360x128xf32, #tpu.memory_space<vmem>>, vector<16xf32>,
      %add3A_1410 = arith.constant 1 : i32
      %add3A_1411 = arith.addi %mul3A_1404, %add3A_1410 : i32
      %get3A_1412 = arith.index_cast %add3A_1411 : i32 to index
      %get3A_1413 = arith.constant 32 : index
      %get3A_1414 = tpu.vector_load %arg5[%get3A_1412, %get3A_1413] {strides = array<i32>} : memref<360x128xf32, #tpu.memory_space<vmem>>, vector<16xf32>,
      %add3A_1415 = arith.constant 2 : i32
      %add3A_1416 = arith.addi %mul3A_1404, %add3A_1415 : i32
      %get3A_1417 = arith.index_cast %add3A_1416 : i32 to index
      %get3A_1418 = arith.constant 32 : index
      %get3A_1419 = tpu.vector_load %arg5[%get3A_1417, %get3A_1418] {strides = array<i32>} : memref<360x128xf32, #tpu.memory_space<vmem>>, vector<16xf32>,
      %add3A_1420 = arith.constant 3 : i32
      %add3A_1421 = arith.addi %mul3A_1404, %add3A_1420 : i32
      %get3A_1422 = arith.index_cast %add3A_1421 : i32 to index
      %get3A_1423 = arith.constant 32 : index
      %get3A_1424 = tpu.vector_load %arg5[%get3A_1422, %get3A_1423] {strides = array<i32>} : memref<360x128xf32, #tpu.memory_space<vmem>>, vector<16xf32>,
      %add3A_1425 = arith.constant 4 : i32
      %add3A_1426 = arith.addi %mul3A_1404, %add3A_1425 : i32
      %get3A_1427 = arith.index_cast %add3A_1426 : i32 to index
      %get3A_1428 = arith.constant 32 : index
      %get3A_1429 = tpu.vector_load %arg5[%get3A_1427, %get3A_1428] {strides = array<i32>} : memref<360x128xf32, #tpu.memory_space<vmem>>, vector<16xf32>,
      %add3A_1430 = arith.constant 5 : i32
      %add3A_1431 = arith.addi %mul3A_1404, %add3A_1430 : i32
      %get3A_1432 = arith.index_cast %add3A_1431 : i32 to index
      %get3A_1433 = arith.constant 32 : index
      %get3A_1434 = tpu.vector_load %arg5[%get3A_1432, %get3A_1433] {strides = array<i32>} : memref<360x128xf32, #tpu.memory_space<vmem>>, vector<16xf32>,
      %add3A_1435 = arith.constant 6 : i32
      %add3A_1436 = arith.addi %mul3A_1404, %add3A_1435 : i32
      %get3A_1437 = arith.index_cast %add3A_1436 : i32 to index
      %get3A_1438 = arith.constant 32 : index
      %get3A_1439 = tpu.vector_load %arg5[%get3A_1437, %get3A_1438] {strides = array<i32>} : memref<360x128xf32, #tpu.memory_space<vmem>>, vector<16xf32>,
      %add3A_1440 = arith.constant 7 : i32
      %add3A_1441 = arith.addi %mul3A_1404, %add3A_1440 : i32
      %get3A_1442 = arith.index_cast %add3A_1441 : i32 to index
      %get3A_1443 = arith.constant 32 : index
      %get3A_1444 = tpu.vector_load %arg5[%get3A_1442, %get3A_1443] {strides = array<i32>} : memref<360x128xf32, #tpu.memory_space<vmem>>, vector<16xf32>,
      %max3A = arith.maximumf %get3A_1409, %get3A_1414 : vector<16xf32>
      %max3A_1445 = arith.maximumf %get3A_1419, %get3A_1424 : vector<16xf32>
      %max3A_1446 = arith.maximumf %get3A_1429, %get3A_1434 : vector<16xf32>
      %max3A_1447 = arith.maximumf %get3A_1439, %get3A_1444 : vector<16xf32>
      %max3A_1448 = arith.maximumf %max3A, %max3A_1445 : vector<16xf32>
      %max3A_1449 = arith.maximumf %max3A_1446, %max3A_1447 : vector<16xf32>
      %max3A_1450 = arith.maximumf %max3A_1448, %max3A_1449 : vector<16xf32>
      %add3A_1451 = arith.constant 0 : i32
      %add3A_1452 = arith.addi %mul3A_1404, %add3A_1451 : i32
      %get3A_1453 = arith.index_cast %add3A_1452 : i32 to index
      %get3A_1454 = arith.constant 48 : index
      %get3A_1455 = tpu.vector_load %arg5[%get3A_1453, %get3A_1454] {strides = array<i32>} : memref<360x128xf32, #tpu.memory_space<vmem>>, vector<16xf32>,
      %add3A_1456 = arith.constant 1 : i32
      %add3A_1457 = arith.addi %mul3A_1404, %add3A_1456 : i32
      %get3A_1458 = arith.index_cast %add3A_1457 : i32 to index
      %get3A_1459 = arith.constant 48 : index
      %get3A_1460 = tpu.vector_load %arg5[%get3A_1458, %get3A_1459] {strides = array<i32>} : memref<360x128xf32, #tpu.memory_space<vmem>>, vector<16xf32>,
      %add3A_1461 = arith.constant 2 : i32
      %add3A_1462 = arith.addi %mul3A_1404, %add3A_1461 : i32
      %get3A_1463 = arith.index_cast %add3A_1462 : i32 to index
      %get3A_1464 = arith.constant 48 : index
      %get3A_1465 = tpu.vector_load %arg5[%get3A_1463, %get3A_1464] {strides = array<i32>} : memref<360x128xf32, #tpu.memory_space<vmem>>, vector<16xf32>,
      %add3A_1466 = arith.constant 3 : i32
      %add3A_1467 = arith.addi %mul3A_1404, %add3A_1466 : i32
      %get3A_1468 = arith.index_cast %add3A_1467 : i32 to index
      %get3A_1469 = arith.constant 48 : index
      %get3A_1470 = tpu.vector_load %arg5[%get3A_1468, %get3A_1469] {strides = array<i32>} : memref<360x128xf32, #tpu.memory_space<vmem>>, vector<16xf32>,
      %add3A_1471 = arith.constant 4 : i32
      %add3A_1472 = arith.addi %mul3A_1404, %add3A_1471 : i32
      %get3A_1473 = arith.index_cast %add3A_1472 : i32 to index
      %get3A_1474 = arith.constant 48 : index
      %get3A_1475 = tpu.vector_load %arg5[%get3A_1473, %get3A_1474] {strides = array<i32>} : memref<360x128xf32, #tpu.memory_space<vmem>>, vector<16xf32>,
      %add3A_1476 = arith.constant 5 : i32
      %add3A_1477 = arith.addi %mul3A_1404, %add3A_1476 : i32
      %get3A_1478 = arith.index_cast %add3A_1477 : i32 to index
      %get3A_1479 = arith.constant 48 : index
      %get3A_1480 = tpu.vector_load %arg5[%get3A_1478, %get3A_1479] {strides = array<i32>} : memref<360x128xf32, #tpu.memory_space<vmem>>, vector<16xf32>,
      %add3A_1481 = arith.constant 6 : i32
      %add3A_1482 = arith.addi %mul3A_1404, %add3A_1481 : i32
      %get3A_1483 = arith.index_cast %add3A_1482 : i32 to index
      %get3A_1484 = arith.constant 48 : index
      %get3A_1485 = tpu.vector_load %arg5[%get3A_1483, %get3A_1484] {strides = array<i32>} : memref<360x128xf32, #tpu.memory_space<vmem>>, vector<16xf32>,
      %add3A_1486 = arith.constant 7 : i32
      %add3A_1487 = arith.addi %mul3A_1404, %add3A_1486 : i32
      %get3A_1488 = arith.index_cast %add3A_1487 : i32 to index
      %get3A_1489 = arith.constant 48 : index
      %get3A_1490 = tpu.vector_load %arg5[%get3A_1488, %get3A_1489] {strides = array<i32>} : memref<360x128xf32, #tpu.memory_space<vmem>>, vector<16xf32>,
      %max3A_1491 = arith.maximumf %get3A_1455, %get3A_1460 : vector<16xf32>
      %max3A_1492 = arith.maximumf %get3A_1465, %get3A_1470 : vector<16xf32>
      %max3A_1493 = arith.maximumf %get3A_1475, %get3A_1480 : vector<16xf32>
      %max3A_1494 = arith.maximumf %get3A_1485, %get3A_1490 : vector<16xf32>
      %max3A_1495 = arith.maximumf %max3A_1491, %max3A_1492 : vector<16xf32>
      %max3A_1496 = arith.maximumf %max3A_1493, %max3A_1494 : vector<16xf32>
      %max3A_1497 = arith.maximumf %max3A_1495, %max3A_1496 : vector<16xf32>
      %gt3A = arith.cmpf ogt, %max3A_1450, %scan3A_1399 : vector<16xf32>
      %gt3A_1498 = arith.cmpf ogt, %max3A_1497, %scan3A_1401 : vector<16xf32>
      %max3A_1499 = arith.maximumf %max3A_1450, %scan3A_1399 : vector<16xf32>
      %max3A_1500 = arith.maximumf %max3A_1497, %scan3A_1401 : vector<16xf32>
      %select_n3A_1501 = arith.select %gt3A, %broadcast_in_dim3A_1405, %scan3A_1400 : vector<16xi1>, vector<16xi32>
      %select_n3A_1502 = arith.select %gt3A_1498, %broadcast_in_dim3A_1405, %scan3A_1402 : vector<16xi1>, vector<16xi32>
      scf.yield %max3A_1499, %select_n3A_1501, %max3A_1500, %select_n3A_1502 : vector<16xf32>, vector<16xi32>, vector<16xf32>, vector<16xi32>
    }
    %scan3A_811 = arith.constant 45 : i32
    %mul3A_812 = arith.constant 8 : i32
    %mul3A_813 = vector.broadcast %mul3A_812 : i32 to vector<16xi32>
    %mul3A_814 = arith.muli %scan3A_810#1, %mul3A_813 : vector<16xi32>
    %add3A_815 = arith.constant 32 : i32
    %add3A_816 = vector.broadcast %add3A_815 : i32 to vector<16xi32>
    %add3A_817 = arith.addi %add3A_816, %iota3A : vector<16xi32>
    %add3A_818 = arith.addi %mul3A_814, %broadcast_in_dim3A_7 : vector<16xi32>
    %gather3A_819 = tpu.vector_load_idx %arg5[%add3A_818, %add3A_817] : memref<360x128xf32, #tpu.memory_space<vmem>>[vector<16xi32>, vector<16xi32>], vector<16xf32>,
    %add3A_820 = arith.addi %mul3A_814, %broadcast_in_dim3A_9 : vector<16xi32>
    %gather3A_821 = tpu.vector_load_idx %arg5[%add3A_820, %add3A_817] : memref<360x128xf32, #tpu.memory_space<vmem>>[vector<16xi32>, vector<16xi32>], vector<16xf32>,
    %add3A_822 = arith.addi %mul3A_814, %broadcast_in_dim3A_11 : vector<16xi32>
    %gather3A_823 = tpu.vector_load_idx %arg5[%add3A_822, %add3A_817] : memref<360x128xf32, #tpu.memory_space<vmem>>[vector<16xi32>, vector<16xi32>], vector<16xf32>,
    %add3A_824 = arith.addi %mul3A_814, %broadcast_in_dim3A_13 : vector<16xi32>
    %gather3A_825 = tpu.vector_load_idx %arg5[%add3A_824, %add3A_817] : memref<360x128xf32, #tpu.memory_space<vmem>>[vector<16xi32>, vector<16xi32>], vector<16xf32>,
    %add3A_826 = arith.addi %mul3A_814, %broadcast_in_dim3A_15 : vector<16xi32>
    %gather3A_827 = tpu.vector_load_idx %arg5[%add3A_826, %add3A_817] : memref<360x128xf32, #tpu.memory_space<vmem>>[vector<16xi32>, vector<16xi32>], vector<16xf32>,
    %add3A_828 = arith.addi %mul3A_814, %broadcast_in_dim3A_17 : vector<16xi32>
    %gather3A_829 = tpu.vector_load_idx %arg5[%add3A_828, %add3A_817] : memref<360x128xf32, #tpu.memory_space<vmem>>[vector<16xi32>, vector<16xi32>], vector<16xf32>,
    %add3A_830 = arith.addi %mul3A_814, %broadcast_in_dim3A_19 : vector<16xi32>
    %gather3A_831 = tpu.vector_load_idx %arg5[%add3A_830, %add3A_817] : memref<360x128xf32, #tpu.memory_space<vmem>>[vector<16xi32>, vector<16xi32>], vector<16xf32>,
    %eq3A_832 = arith.cmpf oeq, %gather3A_831, %scan3A_810#0 : vector<16xf32>
    %select_n3A_833 = arith.select %eq3A_832, %broadcast_in_dim3A_19, %broadcast_in_dim3A_21 : vector<16xi1>, vector<16xi32>
    %eq3A_834 = arith.cmpf oeq, %gather3A_829, %scan3A_810#0 : vector<16xf32>
    %select_n3A_835 = arith.select %eq3A_834, %broadcast_in_dim3A_17, %select_n3A_833 : vector<16xi1>, vector<16xi32>
    %eq3A_836 = arith.cmpf oeq, %gather3A_827, %scan3A_810#0 : vector<16xf32>
    %select_n3A_837 = arith.select %eq3A_836, %broadcast_in_dim3A_15, %select_n3A_835 : vector<16xi1>, vector<16xi32>
    %eq3A_838 = arith.cmpf oeq, %gather3A_825, %scan3A_810#0 : vector<16xf32>
    %select_n3A_839 = arith.select %eq3A_838, %broadcast_in_dim3A_13, %select_n3A_837 : vector<16xi1>, vector<16xi32>
    %eq3A_840 = arith.cmpf oeq, %gather3A_823, %scan3A_810#0 : vector<16xf32>
    %select_n3A_841 = arith.select %eq3A_840, %broadcast_in_dim3A_11, %select_n3A_839 : vector<16xi1>, vector<16xi32>
    %eq3A_842 = arith.cmpf oeq, %gather3A_821, %scan3A_810#0 : vector<16xf32>
    %select_n3A_843 = arith.select %eq3A_842, %broadcast_in_dim3A_9, %select_n3A_841 : vector<16xi1>, vector<16xi32>
    %eq3A_844 = arith.cmpf oeq, %gather3A_819, %scan3A_810#0 : vector<16xf32>
    %select_n3A_845 = arith.select %eq3A_844, %broadcast_in_dim3A_7, %select_n3A_843 : vector<16xi1>, vector<16xi32>
    %add3A_846 = arith.addi %mul3A_814, %select_n3A_845 : vector<16xi32>
    %gather3A_847 = tpu.vector_load_idx %arg7[%add3A_846] : memref<360xi32, #tpu.memory_space<vmem>>[vector<16xi32>], vector<16xi32>,
    %convert_element_type3A_848 = arith.sitofp %gather3A_847 : vector<16xi32> to vector<16xf32>
    %swap3A_849 = arith.constant 288 : index
    %swap3A_850 = tpu.vector_load %arg8[%swap3A_849] {strides = array<i32>} : memref<512xf32, #tpu.memory_space<vmem>>, vector<16xf32>,
    tpu.vector_store %arg8[%swap3A_849], %convert_element_type3A_848 {strides = array<i32>} : memref<512xf32, #tpu.memory_space<vmem>>, vector<16xf32>,
    %mul3A_851 = arith.constant 8 : i32
    %mul3A_852 = vector.broadcast %mul3A_851 : i32 to vector<16xi32>
    %mul3A_853 = arith.muli %scan3A_810#3, %mul3A_852 : vector<16xi32>
    %add3A_854 = arith.constant 48 : i32
    %add3A_855 = vector.broadcast %add3A_854 : i32 to vector<16xi32>
    %add3A_856 = arith.addi %add3A_855, %iota3A : vector<16xi32>
    %add3A_857 = arith.addi %mul3A_853, %broadcast_in_dim3A_7 : vector<16xi32>
    %gather3A_858 = tpu.vector_load_idx %arg5[%add3A_857, %add3A_856] : memref<360x128xf32, #tpu.memory_space<vmem>>[vector<16xi32>, vector<16xi32>], vector<16xf32>,
    %add3A_859 = arith.addi %mul3A_853, %broadcast_in_dim3A_9 : vector<16xi32>
    %gather3A_860 = tpu.vector_load_idx %arg5[%add3A_859, %add3A_856] : memref<360x128xf32, #tpu.memory_space<vmem>>[vector<16xi32>, vector<16xi32>], vector<16xf32>,
    %add3A_861 = arith.addi %mul3A_853, %broadcast_in_dim3A_11 : vector<16xi32>
    %gather3A_862 = tpu.vector_load_idx %arg5[%add3A_861, %add3A_856] : memref<360x128xf32, #tpu.memory_space<vmem>>[vector<16xi32>, vector<16xi32>], vector<16xf32>,
    %add3A_863 = arith.addi %mul3A_853, %broadcast_in_dim3A_13 : vector<16xi32>
    %gather3A_864 = tpu.vector_load_idx %arg5[%add3A_863, %add3A_856] : memref<360x128xf32, #tpu.memory_space<vmem>>[vector<16xi32>, vector<16xi32>], vector<16xf32>,
    %add3A_865 = arith.addi %mul3A_853, %broadcast_in_dim3A_15 : vector<16xi32>
    %gather3A_866 = tpu.vector_load_idx %arg5[%add3A_865, %add3A_856] : memref<360x128xf32, #tpu.memory_space<vmem>>[vector<16xi32>, vector<16xi32>], vector<16xf32>,
    %add3A_867 = arith.addi %mul3A_853, %broadcast_in_dim3A_17 : vector<16xi32>
    %gather3A_868 = tpu.vector_load_idx %arg5[%add3A_867, %add3A_856] : memref<360x128xf32, #tpu.memory_space<vmem>>[vector<16xi32>, vector<16xi32>], vector<16xf32>,
    %add3A_869 = arith.addi %mul3A_853, %broadcast_in_dim3A_19 : vector<16xi32>
    %gather3A_870 = tpu.vector_load_idx %arg5[%add3A_869, %add3A_856] : memref<360x128xf32, #tpu.memory_space<vmem>>[vector<16xi32>, vector<16xi32>], vector<16xf32>,
    %eq3A_871 = arith.cmpf oeq, %gather3A_870, %scan3A_810#2 : vector<16xf32>
    %select_n3A_872 = arith.select %eq3A_871, %broadcast_in_dim3A_19, %broadcast_in_dim3A_21 : vector<16xi1>, vector<16xi32>
    %eq3A_873 = arith.cmpf oeq, %gather3A_868, %scan3A_810#2 : vector<16xf32>
    %select_n3A_874 = arith.select %eq3A_873, %broadcast_in_dim3A_17, %select_n3A_872 : vector<16xi1>, vector<16xi32>
    %eq3A_875 = arith.cmpf oeq, %gather3A_866, %scan3A_810#2 : vector<16xf32>
    %select_n3A_876 = arith.select %eq3A_875, %broadcast_in_dim3A_15, %select_n3A_874 : vector<16xi1>, vector<16xi32>
    %eq3A_877 = arith.cmpf oeq, %gather3A_864, %scan3A_810#2 : vector<16xf32>
    %select_n3A_878 = arith.select %eq3A_877, %broadcast_in_dim3A_13, %select_n3A_876 : vector<16xi1>, vector<16xi32>
    %eq3A_879 = arith.cmpf oeq, %gather3A_862, %scan3A_810#2 : vector<16xf32>
    %select_n3A_880 = arith.select %eq3A_879, %broadcast_in_dim3A_11, %select_n3A_878 : vector<16xi1>, vector<16xi32>
    %eq3A_881 = arith.cmpf oeq, %gather3A_860, %scan3A_810#2 : vector<16xf32>
    %select_n3A_882 = arith.select %eq3A_881, %broadcast_in_dim3A_9, %select_n3A_880 : vector<16xi1>, vector<16xi32>
    %eq3A_883 = arith.cmpf oeq, %gather3A_858, %scan3A_810#2 : vector<16xf32>
    %select_n3A_884 = arith.select %eq3A_883, %broadcast_in_dim3A_7, %select_n3A_882 : vector<16xi1>, vector<16xi32>
    %add3A_885 = arith.addi %mul3A_853, %select_n3A_884 : vector<16xi32>
    %gather3A_886 = tpu.vector_load_idx %arg7[%add3A_885] : memref<360xi32, #tpu.memory_space<vmem>>[vector<16xi32>], vector<16xi32>,
    %convert_element_type3A_887 = arith.sitofp %gather3A_886 : vector<16xi32> to vector<16xf32>
    %swap3A_888 = arith.constant 304 : index
    %swap3A_889 = tpu.vector_load %arg8[%swap3A_888] {strides = array<i32>} : memref<512xf32, #tpu.memory_space<vmem>>, vector<16xf32>,
    tpu.vector_store %arg8[%swap3A_888], %convert_element_type3A_887 {strides = array<i32>} : memref<512xf32, #tpu.memory_space<vmem>>, vector<16xf32>,
    %scan3A_890 = arith.constant 0 : i32
    %scan3A_891 = arith.constant 45 : i32
    %scan3A_892 = arith.addi %scan3A_890, %scan3A_891 : i32
    %scan3A_893 = arith.constant 1 : i32
    %scan3A_894:4 = scf.for %scan3A_1398 = %scan3A_890 to %scan3A_892 step %scan3A_893 iter_args(%scan3A_1399 = %broadcast_in_dim3A_3, %scan3A_1400 = %broadcast_in_dim3A_5, %scan3A_1401 = %broadcast_in_dim3A_3, %scan3A_1402 = %broadcast_in_dim3A_5) -> (vector<16xf32>, vector<16xi32>, vector<16xf32>, vector<16xi32>)  : i32 {
      %mul3A_1403 = arith.constant 8 : i32
      %mul3A_1404 = arith.muli %mul3A_1403, %scan3A_1398 : i32
      %broadcast_in_dim3A_1405 = vector.broadcast %scan3A_1398 : i32 to vector<16xi32>
      %add3A_1406 = arith.constant 0 : i32
      %add3A_1407 = arith.addi %mul3A_1404, %add3A_1406 : i32
      %get3A = arith.index_cast %add3A_1407 : i32 to index
      %get3A_1408 = arith.constant 64 : index
      %get3A_1409 = tpu.vector_load %arg5[%get3A, %get3A_1408] {strides = array<i32>} : memref<360x128xf32, #tpu.memory_space<vmem>>, vector<16xf32>,
      %add3A_1410 = arith.constant 1 : i32
      %add3A_1411 = arith.addi %mul3A_1404, %add3A_1410 : i32
      %get3A_1412 = arith.index_cast %add3A_1411 : i32 to index
      %get3A_1413 = arith.constant 64 : index
      %get3A_1414 = tpu.vector_load %arg5[%get3A_1412, %get3A_1413] {strides = array<i32>} : memref<360x128xf32, #tpu.memory_space<vmem>>, vector<16xf32>,
      %add3A_1415 = arith.constant 2 : i32
      %add3A_1416 = arith.addi %mul3A_1404, %add3A_1415 : i32
      %get3A_1417 = arith.index_cast %add3A_1416 : i32 to index
      %get3A_1418 = arith.constant 64 : index
      %get3A_1419 = tpu.vector_load %arg5[%get3A_1417, %get3A_1418] {strides = array<i32>} : memref<360x128xf32, #tpu.memory_space<vmem>>, vector<16xf32>,
      %add3A_1420 = arith.constant 3 : i32
      %add3A_1421 = arith.addi %mul3A_1404, %add3A_1420 : i32
      %get3A_1422 = arith.index_cast %add3A_1421 : i32 to index
      %get3A_1423 = arith.constant 64 : index
      %get3A_1424 = tpu.vector_load %arg5[%get3A_1422, %get3A_1423] {strides = array<i32>} : memref<360x128xf32, #tpu.memory_space<vmem>>, vector<16xf32>,
      %add3A_1425 = arith.constant 4 : i32
      %add3A_1426 = arith.addi %mul3A_1404, %add3A_1425 : i32
      %get3A_1427 = arith.index_cast %add3A_1426 : i32 to index
      %get3A_1428 = arith.constant 64 : index
      %get3A_1429 = tpu.vector_load %arg5[%get3A_1427, %get3A_1428] {strides = array<i32>} : memref<360x128xf32, #tpu.memory_space<vmem>>, vector<16xf32>,
      %add3A_1430 = arith.constant 5 : i32
      %add3A_1431 = arith.addi %mul3A_1404, %add3A_1430 : i32
      %get3A_1432 = arith.index_cast %add3A_1431 : i32 to index
      %get3A_1433 = arith.constant 64 : index
      %get3A_1434 = tpu.vector_load %arg5[%get3A_1432, %get3A_1433] {strides = array<i32>} : memref<360x128xf32, #tpu.memory_space<vmem>>, vector<16xf32>,
      %add3A_1435 = arith.constant 6 : i32
      %add3A_1436 = arith.addi %mul3A_1404, %add3A_1435 : i32
      %get3A_1437 = arith.index_cast %add3A_1436 : i32 to index
      %get3A_1438 = arith.constant 64 : index
      %get3A_1439 = tpu.vector_load %arg5[%get3A_1437, %get3A_1438] {strides = array<i32>} : memref<360x128xf32, #tpu.memory_space<vmem>>, vector<16xf32>,
      %add3A_1440 = arith.constant 7 : i32
      %add3A_1441 = arith.addi %mul3A_1404, %add3A_1440 : i32
      %get3A_1442 = arith.index_cast %add3A_1441 : i32 to index
      %get3A_1443 = arith.constant 64 : index
      %get3A_1444 = tpu.vector_load %arg5[%get3A_1442, %get3A_1443] {strides = array<i32>} : memref<360x128xf32, #tpu.memory_space<vmem>>, vector<16xf32>,
      %max3A = arith.maximumf %get3A_1409, %get3A_1414 : vector<16xf32>
      %max3A_1445 = arith.maximumf %get3A_1419, %get3A_1424 : vector<16xf32>
      %max3A_1446 = arith.maximumf %get3A_1429, %get3A_1434 : vector<16xf32>
      %max3A_1447 = arith.maximumf %get3A_1439, %get3A_1444 : vector<16xf32>
      %max3A_1448 = arith.maximumf %max3A, %max3A_1445 : vector<16xf32>
      %max3A_1449 = arith.maximumf %max3A_1446, %max3A_1447 : vector<16xf32>
      %max3A_1450 = arith.maximumf %max3A_1448, %max3A_1449 : vector<16xf32>
      %add3A_1451 = arith.constant 0 : i32
      %add3A_1452 = arith.addi %mul3A_1404, %add3A_1451 : i32
      %get3A_1453 = arith.index_cast %add3A_1452 : i32 to index
      %get3A_1454 = arith.constant 80 : index
      %get3A_1455 = tpu.vector_load %arg5[%get3A_1453, %get3A_1454] {strides = array<i32>} : memref<360x128xf32, #tpu.memory_space<vmem>>, vector<16xf32>,
      %add3A_1456 = arith.constant 1 : i32
      %add3A_1457 = arith.addi %mul3A_1404, %add3A_1456 : i32
      %get3A_1458 = arith.index_cast %add3A_1457 : i32 to index
      %get3A_1459 = arith.constant 80 : index
      %get3A_1460 = tpu.vector_load %arg5[%get3A_1458, %get3A_1459] {strides = array<i32>} : memref<360x128xf32, #tpu.memory_space<vmem>>, vector<16xf32>,
      %add3A_1461 = arith.constant 2 : i32
      %add3A_1462 = arith.addi %mul3A_1404, %add3A_1461 : i32
      %get3A_1463 = arith.index_cast %add3A_1462 : i32 to index
      %get3A_1464 = arith.constant 80 : index
      %get3A_1465 = tpu.vector_load %arg5[%get3A_1463, %get3A_1464] {strides = array<i32>} : memref<360x128xf32, #tpu.memory_space<vmem>>, vector<16xf32>,
      %add3A_1466 = arith.constant 3 : i32
      %add3A_1467 = arith.addi %mul3A_1404, %add3A_1466 : i32
      %get3A_1468 = arith.index_cast %add3A_1467 : i32 to index
      %get3A_1469 = arith.constant 80 : index
      %get3A_1470 = tpu.vector_load %arg5[%get3A_1468, %get3A_1469] {strides = array<i32>} : memref<360x128xf32, #tpu.memory_space<vmem>>, vector<16xf32>,
      %add3A_1471 = arith.constant 4 : i32
      %add3A_1472 = arith.addi %mul3A_1404, %add3A_1471 : i32
      %get3A_1473 = arith.index_cast %add3A_1472 : i32 to index
      %get3A_1474 = arith.constant 80 : index
      %get3A_1475 = tpu.vector_load %arg5[%get3A_1473, %get3A_1474] {strides = array<i32>} : memref<360x128xf32, #tpu.memory_space<vmem>>, vector<16xf32>,
      %add3A_1476 = arith.constant 5 : i32
      %add3A_1477 = arith.addi %mul3A_1404, %add3A_1476 : i32
      %get3A_1478 = arith.index_cast %add3A_1477 : i32 to index
      %get3A_1479 = arith.constant 80 : index
      %get3A_1480 = tpu.vector_load %arg5[%get3A_1478, %get3A_1479] {strides = array<i32>} : memref<360x128xf32, #tpu.memory_space<vmem>>, vector<16xf32>,
      %add3A_1481 = arith.constant 6 : i32
      %add3A_1482 = arith.addi %mul3A_1404, %add3A_1481 : i32
      %get3A_1483 = arith.index_cast %add3A_1482 : i32 to index
      %get3A_1484 = arith.constant 80 : index
      %get3A_1485 = tpu.vector_load %arg5[%get3A_1483, %get3A_1484] {strides = array<i32>} : memref<360x128xf32, #tpu.memory_space<vmem>>, vector<16xf32>,
      %add3A_1486 = arith.constant 7 : i32
      %add3A_1487 = arith.addi %mul3A_1404, %add3A_1486 : i32
      %get3A_1488 = arith.index_cast %add3A_1487 : i32 to index
      %get3A_1489 = arith.constant 80 : index
      %get3A_1490 = tpu.vector_load %arg5[%get3A_1488, %get3A_1489] {strides = array<i32>} : memref<360x128xf32, #tpu.memory_space<vmem>>, vector<16xf32>,
      %max3A_1491 = arith.maximumf %get3A_1455, %get3A_1460 : vector<16xf32>
      %max3A_1492 = arith.maximumf %get3A_1465, %get3A_1470 : vector<16xf32>
      %max3A_1493 = arith.maximumf %get3A_1475, %get3A_1480 : vector<16xf32>
      %max3A_1494 = arith.maximumf %get3A_1485, %get3A_1490 : vector<16xf32>
      %max3A_1495 = arith.maximumf %max3A_1491, %max3A_1492 : vector<16xf32>
      %max3A_1496 = arith.maximumf %max3A_1493, %max3A_1494 : vector<16xf32>
      %max3A_1497 = arith.maximumf %max3A_1495, %max3A_1496 : vector<16xf32>
      %gt3A = arith.cmpf ogt, %max3A_1450, %scan3A_1399 : vector<16xf32>
      %gt3A_1498 = arith.cmpf ogt, %max3A_1497, %scan3A_1401 : vector<16xf32>
      %max3A_1499 = arith.maximumf %max3A_1450, %scan3A_1399 : vector<16xf32>
      %max3A_1500 = arith.maximumf %max3A_1497, %scan3A_1401 : vector<16xf32>
      %select_n3A_1501 = arith.select %gt3A, %broadcast_in_dim3A_1405, %scan3A_1400 : vector<16xi1>, vector<16xi32>
      %select_n3A_1502 = arith.select %gt3A_1498, %broadcast_in_dim3A_1405, %scan3A_1402 : vector<16xi1>, vector<16xi32>
      scf.yield %max3A_1499, %select_n3A_1501, %max3A_1500, %select_n3A_1502 : vector<16xf32>, vector<16xi32>, vector<16xf32>, vector<16xi32>
    }
    %scan3A_895 = arith.constant 45 : i32
    %mul3A_896 = arith.constant 8 : i32
    %mul3A_897 = vector.broadcast %mul3A_896 : i32 to vector<16xi32>
    %mul3A_898 = arith.muli %scan3A_894#1, %mul3A_897 : vector<16xi32>
    %add3A_899 = arith.constant 64 : i32
    %add3A_900 = vector.broadcast %add3A_899 : i32 to vector<16xi32>
    %add3A_901 = arith.addi %add3A_900, %iota3A : vector<16xi32>
    %add3A_902 = arith.addi %mul3A_898, %broadcast_in_dim3A_7 : vector<16xi32>
    %gather3A_903 = tpu.vector_load_idx %arg5[%add3A_902, %add3A_901] : memref<360x128xf32, #tpu.memory_space<vmem>>[vector<16xi32>, vector<16xi32>], vector<16xf32>,
    %add3A_904 = arith.addi %mul3A_898, %broadcast_in_dim3A_9 : vector<16xi32>
    %gather3A_905 = tpu.vector_load_idx %arg5[%add3A_904, %add3A_901] : memref<360x128xf32, #tpu.memory_space<vmem>>[vector<16xi32>, vector<16xi32>], vector<16xf32>,
    %add3A_906 = arith.addi %mul3A_898, %broadcast_in_dim3A_11 : vector<16xi32>
    %gather3A_907 = tpu.vector_load_idx %arg5[%add3A_906, %add3A_901] : memref<360x128xf32, #tpu.memory_space<vmem>>[vector<16xi32>, vector<16xi32>], vector<16xf32>,
    %add3A_908 = arith.addi %mul3A_898, %broadcast_in_dim3A_13 : vector<16xi32>
    %gather3A_909 = tpu.vector_load_idx %arg5[%add3A_908, %add3A_901] : memref<360x128xf32, #tpu.memory_space<vmem>>[vector<16xi32>, vector<16xi32>], vector<16xf32>,
    %add3A_910 = arith.addi %mul3A_898, %broadcast_in_dim3A_15 : vector<16xi32>
    %gather3A_911 = tpu.vector_load_idx %arg5[%add3A_910, %add3A_901] : memref<360x128xf32, #tpu.memory_space<vmem>>[vector<16xi32>, vector<16xi32>], vector<16xf32>,
    %add3A_912 = arith.addi %mul3A_898, %broadcast_in_dim3A_17 : vector<16xi32>
    %gather3A_913 = tpu.vector_load_idx %arg5[%add3A_912, %add3A_901] : memref<360x128xf32, #tpu.memory_space<vmem>>[vector<16xi32>, vector<16xi32>], vector<16xf32>,
    %add3A_914 = arith.addi %mul3A_898, %broadcast_in_dim3A_19 : vector<16xi32>
    %gather3A_915 = tpu.vector_load_idx %arg5[%add3A_914, %add3A_901] : memref<360x128xf32, #tpu.memory_space<vmem>>[vector<16xi32>, vector<16xi32>], vector<16xf32>,
    %eq3A_916 = arith.cmpf oeq, %gather3A_915, %scan3A_894#0 : vector<16xf32>
    %select_n3A_917 = arith.select %eq3A_916, %broadcast_in_dim3A_19, %broadcast_in_dim3A_21 : vector<16xi1>, vector<16xi32>
    %eq3A_918 = arith.cmpf oeq, %gather3A_913, %scan3A_894#0 : vector<16xf32>
    %select_n3A_919 = arith.select %eq3A_918, %broadcast_in_dim3A_17, %select_n3A_917 : vector<16xi1>, vector<16xi32>
    %eq3A_920 = arith.cmpf oeq, %gather3A_911, %scan3A_894#0 : vector<16xf32>
    %select_n3A_921 = arith.select %eq3A_920, %broadcast_in_dim3A_15, %select_n3A_919 : vector<16xi1>, vector<16xi32>
    %eq3A_922 = arith.cmpf oeq, %gather3A_909, %scan3A_894#0 : vector<16xf32>
    %select_n3A_923 = arith.select %eq3A_922, %broadcast_in_dim3A_13, %select_n3A_921 : vector<16xi1>, vector<16xi32>
    %eq3A_924 = arith.cmpf oeq, %gather3A_907, %scan3A_894#0 : vector<16xf32>
    %select_n3A_925 = arith.select %eq3A_924, %broadcast_in_dim3A_11, %select_n3A_923 : vector<16xi1>, vector<16xi32>
    %eq3A_926 = arith.cmpf oeq, %gather3A_905, %scan3A_894#0 : vector<16xf32>
    %select_n3A_927 = arith.select %eq3A_926, %broadcast_in_dim3A_9, %select_n3A_925 : vector<16xi1>, vector<16xi32>
    %eq3A_928 = arith.cmpf oeq, %gather3A_903, %scan3A_894#0 : vector<16xf32>
    %select_n3A_929 = arith.select %eq3A_928, %broadcast_in_dim3A_7, %select_n3A_927 : vector<16xi1>, vector<16xi32>
    %add3A_930 = arith.addi %mul3A_898, %select_n3A_929 : vector<16xi32>
    %gather3A_931 = tpu.vector_load_idx %arg7[%add3A_930] : memref<360xi32, #tpu.memory_space<vmem>>[vector<16xi32>], vector<16xi32>,
    %convert_element_type3A_932 = arith.sitofp %gather3A_931 : vector<16xi32> to vector<16xf32>
    %swap3A_933 = arith.constant 320 : index
    %swap3A_934 = tpu.vector_load %arg8[%swap3A_933] {strides = array<i32>} : memref<512xf32, #tpu.memory_space<vmem>>, vector<16xf32>,
    tpu.vector_store %arg8[%swap3A_933], %convert_element_type3A_932 {strides = array<i32>} : memref<512xf32, #tpu.memory_space<vmem>>, vector<16xf32>,
    %mul3A_935 = arith.constant 8 : i32
    %mul3A_936 = vector.broadcast %mul3A_935 : i32 to vector<16xi32>
    %mul3A_937 = arith.muli %scan3A_894#3, %mul3A_936 : vector<16xi32>
    %add3A_938 = arith.constant 80 : i32
    %add3A_939 = vector.broadcast %add3A_938 : i32 to vector<16xi32>
    %add3A_940 = arith.addi %add3A_939, %iota3A : vector<16xi32>
    %add3A_941 = arith.addi %mul3A_937, %broadcast_in_dim3A_7 : vector<16xi32>
    %gather3A_942 = tpu.vector_load_idx %arg5[%add3A_941, %add3A_940] : memref<360x128xf32, #tpu.memory_space<vmem>>[vector<16xi32>, vector<16xi32>], vector<16xf32>,
    %add3A_943 = arith.addi %mul3A_937, %broadcast_in_dim3A_9 : vector<16xi32>
    %gather3A_944 = tpu.vector_load_idx %arg5[%add3A_943, %add3A_940] : memref<360x128xf32, #tpu.memory_space<vmem>>[vector<16xi32>, vector<16xi32>], vector<16xf32>,
    %add3A_945 = arith.addi %mul3A_937, %broadcast_in_dim3A_11 : vector<16xi32>
    %gather3A_946 = tpu.vector_load_idx %arg5[%add3A_945, %add3A_940] : memref<360x128xf32, #tpu.memory_space<vmem>>[vector<16xi32>, vector<16xi32>], vector<16xf32>,
    %add3A_947 = arith.addi %mul3A_937, %broadcast_in_dim3A_13 : vector<16xi32>
    %gather3A_948 = tpu.vector_load_idx %arg5[%add3A_947, %add3A_940] : memref<360x128xf32, #tpu.memory_space<vmem>>[vector<16xi32>, vector<16xi32>], vector<16xf32>,
    %add3A_949 = arith.addi %mul3A_937, %broadcast_in_dim3A_15 : vector<16xi32>
    %gather3A_950 = tpu.vector_load_idx %arg5[%add3A_949, %add3A_940] : memref<360x128xf32, #tpu.memory_space<vmem>>[vector<16xi32>, vector<16xi32>], vector<16xf32>,
    %add3A_951 = arith.addi %mul3A_937, %broadcast_in_dim3A_17 : vector<16xi32>
    %gather3A_952 = tpu.vector_load_idx %arg5[%add3A_951, %add3A_940] : memref<360x128xf32, #tpu.memory_space<vmem>>[vector<16xi32>, vector<16xi32>], vector<16xf32>,
    %add3A_953 = arith.addi %mul3A_937, %broadcast_in_dim3A_19 : vector<16xi32>
    %gather3A_954 = tpu.vector_load_idx %arg5[%add3A_953, %add3A_940] : memref<360x128xf32, #tpu.memory_space<vmem>>[vector<16xi32>, vector<16xi32>], vector<16xf32>,
    %eq3A_955 = arith.cmpf oeq, %gather3A_954, %scan3A_894#2 : vector<16xf32>
    %select_n3A_956 = arith.select %eq3A_955, %broadcast_in_dim3A_19, %broadcast_in_dim3A_21 : vector<16xi1>, vector<16xi32>
    %eq3A_957 = arith.cmpf oeq, %gather3A_952, %scan3A_894#2 : vector<16xf32>
    %select_n3A_958 = arith.select %eq3A_957, %broadcast_in_dim3A_17, %select_n3A_956 : vector<16xi1>, vector<16xi32>
    %eq3A_959 = arith.cmpf oeq, %gather3A_950, %scan3A_894#2 : vector<16xf32>
    %select_n3A_960 = arith.select %eq3A_959, %broadcast_in_dim3A_15, %select_n3A_958 : vector<16xi1>, vector<16xi32>
    %eq3A_961 = arith.cmpf oeq, %gather3A_948, %scan3A_894#2 : vector<16xf32>
    %select_n3A_962 = arith.select %eq3A_961, %broadcast_in_dim3A_13, %select_n3A_960 : vector<16xi1>, vector<16xi32>
    %eq3A_963 = arith.cmpf oeq, %gather3A_946, %scan3A_894#2 : vector<16xf32>
    %select_n3A_964 = arith.select %eq3A_963, %broadcast_in_dim3A_11, %select_n3A_962 : vector<16xi1>, vector<16xi32>
    %eq3A_965 = arith.cmpf oeq, %gather3A_944, %scan3A_894#2 : vector<16xf32>
    %select_n3A_966 = arith.select %eq3A_965, %broadcast_in_dim3A_9, %select_n3A_964 : vector<16xi1>, vector<16xi32>
    %eq3A_967 = arith.cmpf oeq, %gather3A_942, %scan3A_894#2 : vector<16xf32>
    %select_n3A_968 = arith.select %eq3A_967, %broadcast_in_dim3A_7, %select_n3A_966 : vector<16xi1>, vector<16xi32>
    %add3A_969 = arith.addi %mul3A_937, %select_n3A_968 : vector<16xi32>
    %gather3A_970 = tpu.vector_load_idx %arg7[%add3A_969] : memref<360xi32, #tpu.memory_space<vmem>>[vector<16xi32>], vector<16xi32>,
    %convert_element_type3A_971 = arith.sitofp %gather3A_970 : vector<16xi32> to vector<16xf32>
    %swap3A_972 = arith.constant 336 : index
    %swap3A_973 = tpu.vector_load %arg8[%swap3A_972] {strides = array<i32>} : memref<512xf32, #tpu.memory_space<vmem>>, vector<16xf32>,
    tpu.vector_store %arg8[%swap3A_972], %convert_element_type3A_971 {strides = array<i32>} : memref<512xf32, #tpu.memory_space<vmem>>, vector<16xf32>,
    %scan3A_974 = arith.constant 0 : i32
    %scan3A_975 = arith.constant 45 : i32
    %scan3A_976 = arith.addi %scan3A_974, %scan3A_975 : i32
    %scan3A_977 = arith.constant 1 : i32
    %scan3A_978:4 = scf.for %scan3A_1398 = %scan3A_974 to %scan3A_976 step %scan3A_977 iter_args(%scan3A_1399 = %broadcast_in_dim3A_3, %scan3A_1400 = %broadcast_in_dim3A_5, %scan3A_1401 = %broadcast_in_dim3A_3, %scan3A_1402 = %broadcast_in_dim3A_5) -> (vector<16xf32>, vector<16xi32>, vector<16xf32>, vector<16xi32>)  : i32 {
      %mul3A_1403 = arith.constant 8 : i32
      %mul3A_1404 = arith.muli %mul3A_1403, %scan3A_1398 : i32
      %broadcast_in_dim3A_1405 = vector.broadcast %scan3A_1398 : i32 to vector<16xi32>
      %add3A_1406 = arith.constant 0 : i32
      %add3A_1407 = arith.addi %mul3A_1404, %add3A_1406 : i32
      %get3A = arith.index_cast %add3A_1407 : i32 to index
      %get3A_1408 = arith.constant 96 : index
      %get3A_1409 = tpu.vector_load %arg5[%get3A, %get3A_1408] {strides = array<i32>} : memref<360x128xf32, #tpu.memory_space<vmem>>, vector<16xf32>,
      %add3A_1410 = arith.constant 1 : i32
      %add3A_1411 = arith.addi %mul3A_1404, %add3A_1410 : i32
      %get3A_1412 = arith.index_cast %add3A_1411 : i32 to index
      %get3A_1413 = arith.constant 96 : index
      %get3A_1414 = tpu.vector_load %arg5[%get3A_1412, %get3A_1413] {strides = array<i32>} : memref<360x128xf32, #tpu.memory_space<vmem>>, vector<16xf32>,
      %add3A_1415 = arith.constant 2 : i32
      %add3A_1416 = arith.addi %mul3A_1404, %add3A_1415 : i32
      %get3A_1417 = arith.index_cast %add3A_1416 : i32 to index
      %get3A_1418 = arith.constant 96 : index
      %get3A_1419 = tpu.vector_load %arg5[%get3A_1417, %get3A_1418] {strides = array<i32>} : memref<360x128xf32, #tpu.memory_space<vmem>>, vector<16xf32>,
      %add3A_1420 = arith.constant 3 : i32
      %add3A_1421 = arith.addi %mul3A_1404, %add3A_1420 : i32
      %get3A_1422 = arith.index_cast %add3A_1421 : i32 to index
      %get3A_1423 = arith.constant 96 : index
      %get3A_1424 = tpu.vector_load %arg5[%get3A_1422, %get3A_1423] {strides = array<i32>} : memref<360x128xf32, #tpu.memory_space<vmem>>, vector<16xf32>,
      %add3A_1425 = arith.constant 4 : i32
      %add3A_1426 = arith.addi %mul3A_1404, %add3A_1425 : i32
      %get3A_1427 = arith.index_cast %add3A_1426 : i32 to index
      %get3A_1428 = arith.constant 96 : index
      %get3A_1429 = tpu.vector_load %arg5[%get3A_1427, %get3A_1428] {strides = array<i32>} : memref<360x128xf32, #tpu.memory_space<vmem>>, vector<16xf32>,
      %add3A_1430 = arith.constant 5 : i32
      %add3A_1431 = arith.addi %mul3A_1404, %add3A_1430 : i32
      %get3A_1432 = arith.index_cast %add3A_1431 : i32 to index
      %get3A_1433 = arith.constant 96 : index
      %get3A_1434 = tpu.vector_load %arg5[%get3A_1432, %get3A_1433] {strides = array<i32>} : memref<360x128xf32, #tpu.memory_space<vmem>>, vector<16xf32>,
      %add3A_1435 = arith.constant 6 : i32
      %add3A_1436 = arith.addi %mul3A_1404, %add3A_1435 : i32
      %get3A_1437 = arith.index_cast %add3A_1436 : i32 to index
      %get3A_1438 = arith.constant 96 : index
      %get3A_1439 = tpu.vector_load %arg5[%get3A_1437, %get3A_1438] {strides = array<i32>} : memref<360x128xf32, #tpu.memory_space<vmem>>, vector<16xf32>,
      %add3A_1440 = arith.constant 7 : i32
      %add3A_1441 = arith.addi %mul3A_1404, %add3A_1440 : i32
      %get3A_1442 = arith.index_cast %add3A_1441 : i32 to index
      %get3A_1443 = arith.constant 96 : index
      %get3A_1444 = tpu.vector_load %arg5[%get3A_1442, %get3A_1443] {strides = array<i32>} : memref<360x128xf32, #tpu.memory_space<vmem>>, vector<16xf32>,
      %max3A = arith.maximumf %get3A_1409, %get3A_1414 : vector<16xf32>
      %max3A_1445 = arith.maximumf %get3A_1419, %get3A_1424 : vector<16xf32>
      %max3A_1446 = arith.maximumf %get3A_1429, %get3A_1434 : vector<16xf32>
      %max3A_1447 = arith.maximumf %get3A_1439, %get3A_1444 : vector<16xf32>
      %max3A_1448 = arith.maximumf %max3A, %max3A_1445 : vector<16xf32>
      %max3A_1449 = arith.maximumf %max3A_1446, %max3A_1447 : vector<16xf32>
      %max3A_1450 = arith.maximumf %max3A_1448, %max3A_1449 : vector<16xf32>
      %add3A_1451 = arith.constant 0 : i32
      %add3A_1452 = arith.addi %mul3A_1404, %add3A_1451 : i32
      %get3A_1453 = arith.index_cast %add3A_1452 : i32 to index
      %get3A_1454 = arith.constant 112 : index
      %get3A_1455 = tpu.vector_load %arg5[%get3A_1453, %get3A_1454] {strides = array<i32>} : memref<360x128xf32, #tpu.memory_space<vmem>>, vector<16xf32>,
      %add3A_1456 = arith.constant 1 : i32
      %add3A_1457 = arith.addi %mul3A_1404, %add3A_1456 : i32
      %get3A_1458 = arith.index_cast %add3A_1457 : i32 to index
      %get3A_1459 = arith.constant 112 : index
      %get3A_1460 = tpu.vector_load %arg5[%get3A_1458, %get3A_1459] {strides = array<i32>} : memref<360x128xf32, #tpu.memory_space<vmem>>, vector<16xf32>,
      %add3A_1461 = arith.constant 2 : i32
      %add3A_1462 = arith.addi %mul3A_1404, %add3A_1461 : i32
      %get3A_1463 = arith.index_cast %add3A_1462 : i32 to index
      %get3A_1464 = arith.constant 112 : index
      %get3A_1465 = tpu.vector_load %arg5[%get3A_1463, %get3A_1464] {strides = array<i32>} : memref<360x128xf32, #tpu.memory_space<vmem>>, vector<16xf32>,
      %add3A_1466 = arith.constant 3 : i32
      %add3A_1467 = arith.addi %mul3A_1404, %add3A_1466 : i32
      %get3A_1468 = arith.index_cast %add3A_1467 : i32 to index
      %get3A_1469 = arith.constant 112 : index
      %get3A_1470 = tpu.vector_load %arg5[%get3A_1468, %get3A_1469] {strides = array<i32>} : memref<360x128xf32, #tpu.memory_space<vmem>>, vector<16xf32>,
      %add3A_1471 = arith.constant 4 : i32
      %add3A_1472 = arith.addi %mul3A_1404, %add3A_1471 : i32
      %get3A_1473 = arith.index_cast %add3A_1472 : i32 to index
      %get3A_1474 = arith.constant 112 : index
      %get3A_1475 = tpu.vector_load %arg5[%get3A_1473, %get3A_1474] {strides = array<i32>} : memref<360x128xf32, #tpu.memory_space<vmem>>, vector<16xf32>,
      %add3A_1476 = arith.constant 5 : i32
      %add3A_1477 = arith.addi %mul3A_1404, %add3A_1476 : i32
      %get3A_1478 = arith.index_cast %add3A_1477 : i32 to index
      %get3A_1479 = arith.constant 112 : index
      %get3A_1480 = tpu.vector_load %arg5[%get3A_1478, %get3A_1479] {strides = array<i32>} : memref<360x128xf32, #tpu.memory_space<vmem>>, vector<16xf32>,
      %add3A_1481 = arith.constant 6 : i32
      %add3A_1482 = arith.addi %mul3A_1404, %add3A_1481 : i32
      %get3A_1483 = arith.index_cast %add3A_1482 : i32 to index
      %get3A_1484 = arith.constant 112 : index
      %get3A_1485 = tpu.vector_load %arg5[%get3A_1483, %get3A_1484] {strides = array<i32>} : memref<360x128xf32, #tpu.memory_space<vmem>>, vector<16xf32>,
      %add3A_1486 = arith.constant 7 : i32
      %add3A_1487 = arith.addi %mul3A_1404, %add3A_1486 : i32
      %get3A_1488 = arith.index_cast %add3A_1487 : i32 to index
      %get3A_1489 = arith.constant 112 : index
      %get3A_1490 = tpu.vector_load %arg5[%get3A_1488, %get3A_1489] {strides = array<i32>} : memref<360x128xf32, #tpu.memory_space<vmem>>, vector<16xf32>,
      %max3A_1491 = arith.maximumf %get3A_1455, %get3A_1460 : vector<16xf32>
      %max3A_1492 = arith.maximumf %get3A_1465, %get3A_1470 : vector<16xf32>
      %max3A_1493 = arith.maximumf %get3A_1475, %get3A_1480 : vector<16xf32>
      %max3A_1494 = arith.maximumf %get3A_1485, %get3A_1490 : vector<16xf32>
      %max3A_1495 = arith.maximumf %max3A_1491, %max3A_1492 : vector<16xf32>
      %max3A_1496 = arith.maximumf %max3A_1493, %max3A_1494 : vector<16xf32>
      %max3A_1497 = arith.maximumf %max3A_1495, %max3A_1496 : vector<16xf32>
      %gt3A = arith.cmpf ogt, %max3A_1450, %scan3A_1399 : vector<16xf32>
      %gt3A_1498 = arith.cmpf ogt, %max3A_1497, %scan3A_1401 : vector<16xf32>
      %max3A_1499 = arith.maximumf %max3A_1450, %scan3A_1399 : vector<16xf32>
      %max3A_1500 = arith.maximumf %max3A_1497, %scan3A_1401 : vector<16xf32>
      %select_n3A_1501 = arith.select %gt3A, %broadcast_in_dim3A_1405, %scan3A_1400 : vector<16xi1>, vector<16xi32>
      %select_n3A_1502 = arith.select %gt3A_1498, %broadcast_in_dim3A_1405, %scan3A_1402 : vector<16xi1>, vector<16xi32>
      scf.yield %max3A_1499, %select_n3A_1501, %max3A_1500, %select_n3A_1502 : vector<16xf32>, vector<16xi32>, vector<16xf32>, vector<16xi32>
    }
    %scan3A_979 = arith.constant 45 : i32
    %mul3A_980 = arith.constant 8 : i32
    %mul3A_981 = vector.broadcast %mul3A_980 : i32 to vector<16xi32>
    %mul3A_982 = arith.muli %scan3A_978#1, %mul3A_981 : vector<16xi32>
    %add3A_983 = arith.constant 96 : i32
    %add3A_984 = vector.broadcast %add3A_983 : i32 to vector<16xi32>
    %add3A_985 = arith.addi %add3A_984, %iota3A : vector<16xi32>
    %add3A_986 = arith.addi %mul3A_982, %broadcast_in_dim3A_7 : vector<16xi32>
    %gather3A_987 = tpu.vector_load_idx %arg5[%add3A_986, %add3A_985] : memref<360x128xf32, #tpu.memory_space<vmem>>[vector<16xi32>, vector<16xi32>], vector<16xf32>,
    %add3A_988 = arith.addi %mul3A_982, %broadcast_in_dim3A_9 : vector<16xi32>
    %gather3A_989 = tpu.vector_load_idx %arg5[%add3A_988, %add3A_985] : memref<360x128xf32, #tpu.memory_space<vmem>>[vector<16xi32>, vector<16xi32>], vector<16xf32>,
    %add3A_990 = arith.addi %mul3A_982, %broadcast_in_dim3A_11 : vector<16xi32>
    %gather3A_991 = tpu.vector_load_idx %arg5[%add3A_990, %add3A_985] : memref<360x128xf32, #tpu.memory_space<vmem>>[vector<16xi32>, vector<16xi32>], vector<16xf32>,
    %add3A_992 = arith.addi %mul3A_982, %broadcast_in_dim3A_13 : vector<16xi32>
    %gather3A_993 = tpu.vector_load_idx %arg5[%add3A_992, %add3A_985] : memref<360x128xf32, #tpu.memory_space<vmem>>[vector<16xi32>, vector<16xi32>], vector<16xf32>,
    %add3A_994 = arith.addi %mul3A_982, %broadcast_in_dim3A_15 : vector<16xi32>
    %gather3A_995 = tpu.vector_load_idx %arg5[%add3A_994, %add3A_985] : memref<360x128xf32, #tpu.memory_space<vmem>>[vector<16xi32>, vector<16xi32>], vector<16xf32>,
    %add3A_996 = arith.addi %mul3A_982, %broadcast_in_dim3A_17 : vector<16xi32>
    %gather3A_997 = tpu.vector_load_idx %arg5[%add3A_996, %add3A_985] : memref<360x128xf32, #tpu.memory_space<vmem>>[vector<16xi32>, vector<16xi32>], vector<16xf32>,
    %add3A_998 = arith.addi %mul3A_982, %broadcast_in_dim3A_19 : vector<16xi32>
    %gather3A_999 = tpu.vector_load_idx %arg5[%add3A_998, %add3A_985] : memref<360x128xf32, #tpu.memory_space<vmem>>[vector<16xi32>, vector<16xi32>], vector<16xf32>,
    %eq3A_1000 = arith.cmpf oeq, %gather3A_999, %scan3A_978#0 : vector<16xf32>
    %select_n3A_1001 = arith.select %eq3A_1000, %broadcast_in_dim3A_19, %broadcast_in_dim3A_21 : vector<16xi1>, vector<16xi32>
    %eq3A_1002 = arith.cmpf oeq, %gather3A_997, %scan3A_978#0 : vector<16xf32>
    %select_n3A_1003 = arith.select %eq3A_1002, %broadcast_in_dim3A_17, %select_n3A_1001 : vector<16xi1>, vector<16xi32>
    %eq3A_1004 = arith.cmpf oeq, %gather3A_995, %scan3A_978#0 : vector<16xf32>
    %select_n3A_1005 = arith.select %eq3A_1004, %broadcast_in_dim3A_15, %select_n3A_1003 : vector<16xi1>, vector<16xi32>
    %eq3A_1006 = arith.cmpf oeq, %gather3A_993, %scan3A_978#0 : vector<16xf32>
    %select_n3A_1007 = arith.select %eq3A_1006, %broadcast_in_dim3A_13, %select_n3A_1005 : vector<16xi1>, vector<16xi32>
    %eq3A_1008 = arith.cmpf oeq, %gather3A_991, %scan3A_978#0 : vector<16xf32>
    %select_n3A_1009 = arith.select %eq3A_1008, %broadcast_in_dim3A_11, %select_n3A_1007 : vector<16xi1>, vector<16xi32>
    %eq3A_1010 = arith.cmpf oeq, %gather3A_989, %scan3A_978#0 : vector<16xf32>
    %select_n3A_1011 = arith.select %eq3A_1010, %broadcast_in_dim3A_9, %select_n3A_1009 : vector<16xi1>, vector<16xi32>
    %eq3A_1012 = arith.cmpf oeq, %gather3A_987, %scan3A_978#0 : vector<16xf32>
    %select_n3A_1013 = arith.select %eq3A_1012, %broadcast_in_dim3A_7, %select_n3A_1011 : vector<16xi1>, vector<16xi32>
    %add3A_1014 = arith.addi %mul3A_982, %select_n3A_1013 : vector<16xi32>
    %gather3A_1015 = tpu.vector_load_idx %arg7[%add3A_1014] : memref<360xi32, #tpu.memory_space<vmem>>[vector<16xi32>], vector<16xi32>,
    %convert_element_type3A_1016 = arith.sitofp %gather3A_1015 : vector<16xi32> to vector<16xf32>
    %swap3A_1017 = arith.constant 352 : index
    %swap3A_1018 = tpu.vector_load %arg8[%swap3A_1017] {strides = array<i32>} : memref<512xf32, #tpu.memory_space<vmem>>, vector<16xf32>,
    tpu.vector_store %arg8[%swap3A_1017], %convert_element_type3A_1016 {strides = array<i32>} : memref<512xf32, #tpu.memory_space<vmem>>, vector<16xf32>,
    %mul3A_1019 = arith.constant 8 : i32
    %mul3A_1020 = vector.broadcast %mul3A_1019 : i32 to vector<16xi32>
    %mul3A_1021 = arith.muli %scan3A_978#3, %mul3A_1020 : vector<16xi32>
    %add3A_1022 = arith.constant 112 : i32
    %add3A_1023 = vector.broadcast %add3A_1022 : i32 to vector<16xi32>
    %add3A_1024 = arith.addi %add3A_1023, %iota3A : vector<16xi32>
    %add3A_1025 = arith.addi %mul3A_1021, %broadcast_in_dim3A_7 : vector<16xi32>
    %gather3A_1026 = tpu.vector_load_idx %arg5[%add3A_1025, %add3A_1024] : memref<360x128xf32, #tpu.memory_space<vmem>>[vector<16xi32>, vector<16xi32>], vector<16xf32>,
    %add3A_1027 = arith.addi %mul3A_1021, %broadcast_in_dim3A_9 : vector<16xi32>
    %gather3A_1028 = tpu.vector_load_idx %arg5[%add3A_1027, %add3A_1024] : memref<360x128xf32, #tpu.memory_space<vmem>>[vector<16xi32>, vector<16xi32>], vector<16xf32>,
    %add3A_1029 = arith.addi %mul3A_1021, %broadcast_in_dim3A_11 : vector<16xi32>
    %gather3A_1030 = tpu.vector_load_idx %arg5[%add3A_1029, %add3A_1024] : memref<360x128xf32, #tpu.memory_space<vmem>>[vector<16xi32>, vector<16xi32>], vector<16xf32>,
    %add3A_1031 = arith.addi %mul3A_1021, %broadcast_in_dim3A_13 : vector<16xi32>
    %gather3A_1032 = tpu.vector_load_idx %arg5[%add3A_1031, %add3A_1024] : memref<360x128xf32, #tpu.memory_space<vmem>>[vector<16xi32>, vector<16xi32>], vector<16xf32>,
    %add3A_1033 = arith.addi %mul3A_1021, %broadcast_in_dim3A_15 : vector<16xi32>
    %gather3A_1034 = tpu.vector_load_idx %arg5[%add3A_1033, %add3A_1024] : memref<360x128xf32, #tpu.memory_space<vmem>>[vector<16xi32>, vector<16xi32>], vector<16xf32>,
    %add3A_1035 = arith.addi %mul3A_1021, %broadcast_in_dim3A_17 : vector<16xi32>
    %gather3A_1036 = tpu.vector_load_idx %arg5[%add3A_1035, %add3A_1024] : memref<360x128xf32, #tpu.memory_space<vmem>>[vector<16xi32>, vector<16xi32>], vector<16xf32>,
    %add3A_1037 = arith.addi %mul3A_1021, %broadcast_in_dim3A_19 : vector<16xi32>
    %gather3A_1038 = tpu.vector_load_idx %arg5[%add3A_1037, %add3A_1024] : memref<360x128xf32, #tpu.memory_space<vmem>>[vector<16xi32>, vector<16xi32>], vector<16xf32>,
    %eq3A_1039 = arith.cmpf oeq, %gather3A_1038, %scan3A_978#2 : vector<16xf32>
    %select_n3A_1040 = arith.select %eq3A_1039, %broadcast_in_dim3A_19, %broadcast_in_dim3A_21 : vector<16xi1>, vector<16xi32>
    %eq3A_1041 = arith.cmpf oeq, %gather3A_1036, %scan3A_978#2 : vector<16xf32>
    %select_n3A_1042 = arith.select %eq3A_1041, %broadcast_in_dim3A_17, %select_n3A_1040 : vector<16xi1>, vector<16xi32>
    %eq3A_1043 = arith.cmpf oeq, %gather3A_1034, %scan3A_978#2 : vector<16xf32>
    %select_n3A_1044 = arith.select %eq3A_1043, %broadcast_in_dim3A_15, %select_n3A_1042 : vector<16xi1>, vector<16xi32>
    %eq3A_1045 = arith.cmpf oeq, %gather3A_1032, %scan3A_978#2 : vector<16xf32>
    %select_n3A_1046 = arith.select %eq3A_1045, %broadcast_in_dim3A_13, %select_n3A_1044 : vector<16xi1>, vector<16xi32>
    %eq3A_1047 = arith.cmpf oeq, %gather3A_1030, %scan3A_978#2 : vector<16xf32>
    %select_n3A_1048 = arith.select %eq3A_1047, %broadcast_in_dim3A_11, %select_n3A_1046 : vector<16xi1>, vector<16xi32>
    %eq3A_1049 = arith.cmpf oeq, %gather3A_1028, %scan3A_978#2 : vector<16xf32>
    %select_n3A_1050 = arith.select %eq3A_1049, %broadcast_in_dim3A_9, %select_n3A_1048 : vector<16xi1>, vector<16xi32>
    %eq3A_1051 = arith.cmpf oeq, %gather3A_1026, %scan3A_978#2 : vector<16xf32>
    %select_n3A_1052 = arith.select %eq3A_1051, %broadcast_in_dim3A_7, %select_n3A_1050 : vector<16xi1>, vector<16xi32>
    %add3A_1053 = arith.addi %mul3A_1021, %select_n3A_1052 : vector<16xi32>
    %gather3A_1054 = tpu.vector_load_idx %arg7[%add3A_1053] : memref<360xi32, #tpu.memory_space<vmem>>[vector<16xi32>], vector<16xi32>,
    %convert_element_type3A_1055 = arith.sitofp %gather3A_1054 : vector<16xi32> to vector<16xf32>
    %swap3A_1056 = arith.constant 368 : index
    %swap3A_1057 = tpu.vector_load %arg8[%swap3A_1056] {strides = array<i32>} : memref<512xf32, #tpu.memory_space<vmem>>, vector<16xf32>,
    tpu.vector_store %arg8[%swap3A_1056], %convert_element_type3A_1055 {strides = array<i32>} : memref<512xf32, #tpu.memory_space<vmem>>, vector<16xf32>,
    %dma_wait3A_1058 = arith.constant 0 : i32
    %dma_wait3A_1059 = tpu.memref_slice %arg2[%dma_wait3A_1058, %add3A_713] : memref<360x16384xf32, #tpu.memory_space<hbm>> -> memref<360x128xf32, #tpu.memory_space<hbm>>
    %dma_wait3A_1060 = arith.constant 0 : i32
    %dma_wait3A_1061 = tpu.memref_slice %arg2[%dma_wait3A_1060, %add3A_713] : memref<360x16384xf32, #tpu.memory_space<hbm>> -> memref<360x128xf32, #tpu.memory_space<hbm>>
    tpu.wait_dma2 semaphore(%arg10 : memref<!tpu.dma_semaphore, #tpu.memory_space<semaphore_mem>>) src(%dma_wait3A_1061 : memref<360x128xf32, #tpu.memory_space<hbm>>) dst(%arg6 : memref<360x128xf32, #tpu.memory_space<vmem>>)
    %scan3A_1062 = arith.constant 0 : i32
    %scan3A_1063 = arith.constant 45 : i32
    %scan3A_1064 = arith.addi %scan3A_1062, %scan3A_1063 : i32
    %scan3A_1065 = arith.constant 1 : i32
    %scan3A_1066:4 = scf.for %scan3A_1398 = %scan3A_1062 to %scan3A_1064 step %scan3A_1065 iter_args(%scan3A_1399 = %broadcast_in_dim3A_3, %scan3A_1400 = %broadcast_in_dim3A_5, %scan3A_1401 = %broadcast_in_dim3A_3, %scan3A_1402 = %broadcast_in_dim3A_5) -> (vector<16xf32>, vector<16xi32>, vector<16xf32>, vector<16xi32>)  : i32 {
      %mul3A_1403 = arith.constant 8 : i32
      %mul3A_1404 = arith.muli %mul3A_1403, %scan3A_1398 : i32
      %broadcast_in_dim3A_1405 = vector.broadcast %scan3A_1398 : i32 to vector<16xi32>
      %add3A_1406 = arith.constant 0 : i32
      %add3A_1407 = arith.addi %mul3A_1404, %add3A_1406 : i32
      %get3A = arith.index_cast %add3A_1407 : i32 to index
      %get3A_1408 = arith.constant 0 : index
      %get3A_1409 = tpu.vector_load %arg6[%get3A, %get3A_1408] {strides = array<i32>} : memref<360x128xf32, #tpu.memory_space<vmem>>, vector<16xf32>,
      %add3A_1410 = arith.constant 1 : i32
      %add3A_1411 = arith.addi %mul3A_1404, %add3A_1410 : i32
      %get3A_1412 = arith.index_cast %add3A_1411 : i32 to index
      %get3A_1413 = arith.constant 0 : index
      %get3A_1414 = tpu.vector_load %arg6[%get3A_1412, %get3A_1413] {strides = array<i32>} : memref<360x128xf32, #tpu.memory_space<vmem>>, vector<16xf32>,
      %add3A_1415 = arith.constant 2 : i32
      %add3A_1416 = arith.addi %mul3A_1404, %add3A_1415 : i32
      %get3A_1417 = arith.index_cast %add3A_1416 : i32 to index
      %get3A_1418 = arith.constant 0 : index
      %get3A_1419 = tpu.vector_load %arg6[%get3A_1417, %get3A_1418] {strides = array<i32>} : memref<360x128xf32, #tpu.memory_space<vmem>>, vector<16xf32>,
      %add3A_1420 = arith.constant 3 : i32
      %add3A_1421 = arith.addi %mul3A_1404, %add3A_1420 : i32
      %get3A_1422 = arith.index_cast %add3A_1421 : i32 to index
      %get3A_1423 = arith.constant 0 : index
      %get3A_1424 = tpu.vector_load %arg6[%get3A_1422, %get3A_1423] {strides = array<i32>} : memref<360x128xf32, #tpu.memory_space<vmem>>, vector<16xf32>,
      %add3A_1425 = arith.constant 4 : i32
      %add3A_1426 = arith.addi %mul3A_1404, %add3A_1425 : i32
      %get3A_1427 = arith.index_cast %add3A_1426 : i32 to index
      %get3A_1428 = arith.constant 0 : index
      %get3A_1429 = tpu.vector_load %arg6[%get3A_1427, %get3A_1428] {strides = array<i32>} : memref<360x128xf32, #tpu.memory_space<vmem>>, vector<16xf32>,
      %add3A_1430 = arith.constant 5 : i32
      %add3A_1431 = arith.addi %mul3A_1404, %add3A_1430 : i32
      %get3A_1432 = arith.index_cast %add3A_1431 : i32 to index
      %get3A_1433 = arith.constant 0 : index
      %get3A_1434 = tpu.vector_load %arg6[%get3A_1432, %get3A_1433] {strides = array<i32>} : memref<360x128xf32, #tpu.memory_space<vmem>>, vector<16xf32>,
      %add3A_1435 = arith.constant 6 : i32
      %add3A_1436 = arith.addi %mul3A_1404, %add3A_1435 : i32
      %get3A_1437 = arith.index_cast %add3A_1436 : i32 to index
      %get3A_1438 = arith.constant 0 : index
      %get3A_1439 = tpu.vector_load %arg6[%get3A_1437, %get3A_1438] {strides = array<i32>} : memref<360x128xf32, #tpu.memory_space<vmem>>, vector<16xf32>,
      %add3A_1440 = arith.constant 7 : i32
      %add3A_1441 = arith.addi %mul3A_1404, %add3A_1440 : i32
      %get3A_1442 = arith.index_cast %add3A_1441 : i32 to index
      %get3A_1443 = arith.constant 0 : index
      %get3A_1444 = tpu.vector_load %arg6[%get3A_1442, %get3A_1443] {strides = array<i32>} : memref<360x128xf32, #tpu.memory_space<vmem>>, vector<16xf32>,
      %max3A = arith.maximumf %get3A_1409, %get3A_1414 : vector<16xf32>
      %max3A_1445 = arith.maximumf %get3A_1419, %get3A_1424 : vector<16xf32>
      %max3A_1446 = arith.maximumf %get3A_1429, %get3A_1434 : vector<16xf32>
      %max3A_1447 = arith.maximumf %get3A_1439, %get3A_1444 : vector<16xf32>
      %max3A_1448 = arith.maximumf %max3A, %max3A_1445 : vector<16xf32>
      %max3A_1449 = arith.maximumf %max3A_1446, %max3A_1447 : vector<16xf32>
      %max3A_1450 = arith.maximumf %max3A_1448, %max3A_1449 : vector<16xf32>
      %add3A_1451 = arith.constant 0 : i32
      %add3A_1452 = arith.addi %mul3A_1404, %add3A_1451 : i32
      %get3A_1453 = arith.index_cast %add3A_1452 : i32 to index
      %get3A_1454 = arith.constant 16 : index
      %get3A_1455 = tpu.vector_load %arg6[%get3A_1453, %get3A_1454] {strides = array<i32>} : memref<360x128xf32, #tpu.memory_space<vmem>>, vector<16xf32>,
      %add3A_1456 = arith.constant 1 : i32
      %add3A_1457 = arith.addi %mul3A_1404, %add3A_1456 : i32
      %get3A_1458 = arith.index_cast %add3A_1457 : i32 to index
      %get3A_1459 = arith.constant 16 : index
      %get3A_1460 = tpu.vector_load %arg6[%get3A_1458, %get3A_1459] {strides = array<i32>} : memref<360x128xf32, #tpu.memory_space<vmem>>, vector<16xf32>,
      %add3A_1461 = arith.constant 2 : i32
      %add3A_1462 = arith.addi %mul3A_1404, %add3A_1461 : i32
      %get3A_1463 = arith.index_cast %add3A_1462 : i32 to index
      %get3A_1464 = arith.constant 16 : index
      %get3A_1465 = tpu.vector_load %arg6[%get3A_1463, %get3A_1464] {strides = array<i32>} : memref<360x128xf32, #tpu.memory_space<vmem>>, vector<16xf32>,
      %add3A_1466 = arith.constant 3 : i32
      %add3A_1467 = arith.addi %mul3A_1404, %add3A_1466 : i32
      %get3A_1468 = arith.index_cast %add3A_1467 : i32 to index
      %get3A_1469 = arith.constant 16 : index
      %get3A_1470 = tpu.vector_load %arg6[%get3A_1468, %get3A_1469] {strides = array<i32>} : memref<360x128xf32, #tpu.memory_space<vmem>>, vector<16xf32>,
      %add3A_1471 = arith.constant 4 : i32
      %add3A_1472 = arith.addi %mul3A_1404, %add3A_1471 : i32
      %get3A_1473 = arith.index_cast %add3A_1472 : i32 to index
      %get3A_1474 = arith.constant 16 : index
      %get3A_1475 = tpu.vector_load %arg6[%get3A_1473, %get3A_1474] {strides = array<i32>} : memref<360x128xf32, #tpu.memory_space<vmem>>, vector<16xf32>,
      %add3A_1476 = arith.constant 5 : i32
      %add3A_1477 = arith.addi %mul3A_1404, %add3A_1476 : i32
      %get3A_1478 = arith.index_cast %add3A_1477 : i32 to index
      %get3A_1479 = arith.constant 16 : index
      %get3A_1480 = tpu.vector_load %arg6[%get3A_1478, %get3A_1479] {strides = array<i32>} : memref<360x128xf32, #tpu.memory_space<vmem>>, vector<16xf32>,
      %add3A_1481 = arith.constant 6 : i32
      %add3A_1482 = arith.addi %mul3A_1404, %add3A_1481 : i32
      %get3A_1483 = arith.index_cast %add3A_1482 : i32 to index
      %get3A_1484 = arith.constant 16 : index
      %get3A_1485 = tpu.vector_load %arg6[%get3A_1483, %get3A_1484] {strides = array<i32>} : memref<360x128xf32, #tpu.memory_space<vmem>>, vector<16xf32>,
      %add3A_1486 = arith.constant 7 : i32
      %add3A_1487 = arith.addi %mul3A_1404, %add3A_1486 : i32
      %get3A_1488 = arith.index_cast %add3A_1487 : i32 to index
      %get3A_1489 = arith.constant 16 : index
      %get3A_1490 = tpu.vector_load %arg6[%get3A_1488, %get3A_1489] {strides = array<i32>} : memref<360x128xf32, #tpu.memory_space<vmem>>, vector<16xf32>,
      %max3A_1491 = arith.maximumf %get3A_1455, %get3A_1460 : vector<16xf32>
      %max3A_1492 = arith.maximumf %get3A_1465, %get3A_1470 : vector<16xf32>
      %max3A_1493 = arith.maximumf %get3A_1475, %get3A_1480 : vector<16xf32>
      %max3A_1494 = arith.maximumf %get3A_1485, %get3A_1490 : vector<16xf32>
      %max3A_1495 = arith.maximumf %max3A_1491, %max3A_1492 : vector<16xf32>
      %max3A_1496 = arith.maximumf %max3A_1493, %max3A_1494 : vector<16xf32>
      %max3A_1497 = arith.maximumf %max3A_1495, %max3A_1496 : vector<16xf32>
      %gt3A = arith.cmpf ogt, %max3A_1450, %scan3A_1399 : vector<16xf32>
      %gt3A_1498 = arith.cmpf ogt, %max3A_1497, %scan3A_1401 : vector<16xf32>
      %max3A_1499 = arith.maximumf %max3A_1450, %scan3A_1399 : vector<16xf32>
      %max3A_1500 = arith.maximumf %max3A_1497, %scan3A_1401 : vector<16xf32>
      %select_n3A_1501 = arith.select %gt3A, %broadcast_in_dim3A_1405, %scan3A_1400 : vector<16xi1>, vector<16xi32>
      %select_n3A_1502 = arith.select %gt3A_1498, %broadcast_in_dim3A_1405, %scan3A_1402 : vector<16xi1>, vector<16xi32>
      scf.yield %max3A_1499, %select_n3A_1501, %max3A_1500, %select_n3A_1502 : vector<16xf32>, vector<16xi32>, vector<16xf32>, vector<16xi32>
    }
    %scan3A_1067 = arith.constant 45 : i32
    %mul3A_1068 = arith.constant 8 : i32
    %mul3A_1069 = vector.broadcast %mul3A_1068 : i32 to vector<16xi32>
    %mul3A_1070 = arith.muli %scan3A_1066#1, %mul3A_1069 : vector<16xi32>
    %add3A_1071 = arith.constant 0 : i32
    %add3A_1072 = vector.broadcast %add3A_1071 : i32 to vector<16xi32>
    %add3A_1073 = arith.addi %add3A_1072, %iota3A : vector<16xi32>
    %add3A_1074 = arith.addi %mul3A_1070, %broadcast_in_dim3A_7 : vector<16xi32>
    %gather3A_1075 = tpu.vector_load_idx %arg6[%add3A_1074, %add3A_1073] : memref<360x128xf32, #tpu.memory_space<vmem>>[vector<16xi32>, vector<16xi32>], vector<16xf32>,
    %add3A_1076 = arith.addi %mul3A_1070, %broadcast_in_dim3A_9 : vector<16xi32>
    %gather3A_1077 = tpu.vector_load_idx %arg6[%add3A_1076, %add3A_1073] : memref<360x128xf32, #tpu.memory_space<vmem>>[vector<16xi32>, vector<16xi32>], vector<16xf32>,
    %add3A_1078 = arith.addi %mul3A_1070, %broadcast_in_dim3A_11 : vector<16xi32>
    %gather3A_1079 = tpu.vector_load_idx %arg6[%add3A_1078, %add3A_1073] : memref<360x128xf32, #tpu.memory_space<vmem>>[vector<16xi32>, vector<16xi32>], vector<16xf32>,
    %add3A_1080 = arith.addi %mul3A_1070, %broadcast_in_dim3A_13 : vector<16xi32>
    %gather3A_1081 = tpu.vector_load_idx %arg6[%add3A_1080, %add3A_1073] : memref<360x128xf32, #tpu.memory_space<vmem>>[vector<16xi32>, vector<16xi32>], vector<16xf32>,
    %add3A_1082 = arith.addi %mul3A_1070, %broadcast_in_dim3A_15 : vector<16xi32>
    %gather3A_1083 = tpu.vector_load_idx %arg6[%add3A_1082, %add3A_1073] : memref<360x128xf32, #tpu.memory_space<vmem>>[vector<16xi32>, vector<16xi32>], vector<16xf32>,
    %add3A_1084 = arith.addi %mul3A_1070, %broadcast_in_dim3A_17 : vector<16xi32>
    %gather3A_1085 = tpu.vector_load_idx %arg6[%add3A_1084, %add3A_1073] : memref<360x128xf32, #tpu.memory_space<vmem>>[vector<16xi32>, vector<16xi32>], vector<16xf32>,
    %add3A_1086 = arith.addi %mul3A_1070, %broadcast_in_dim3A_19 : vector<16xi32>
    %gather3A_1087 = tpu.vector_load_idx %arg6[%add3A_1086, %add3A_1073] : memref<360x128xf32, #tpu.memory_space<vmem>>[vector<16xi32>, vector<16xi32>], vector<16xf32>,
    %eq3A_1088 = arith.cmpf oeq, %gather3A_1087, %scan3A_1066#0 : vector<16xf32>
    %select_n3A_1089 = arith.select %eq3A_1088, %broadcast_in_dim3A_19, %broadcast_in_dim3A_21 : vector<16xi1>, vector<16xi32>
    %eq3A_1090 = arith.cmpf oeq, %gather3A_1085, %scan3A_1066#0 : vector<16xf32>
    %select_n3A_1091 = arith.select %eq3A_1090, %broadcast_in_dim3A_17, %select_n3A_1089 : vector<16xi1>, vector<16xi32>
    %eq3A_1092 = arith.cmpf oeq, %gather3A_1083, %scan3A_1066#0 : vector<16xf32>
    %select_n3A_1093 = arith.select %eq3A_1092, %broadcast_in_dim3A_15, %select_n3A_1091 : vector<16xi1>, vector<16xi32>
    %eq3A_1094 = arith.cmpf oeq, %gather3A_1081, %scan3A_1066#0 : vector<16xf32>
    %select_n3A_1095 = arith.select %eq3A_1094, %broadcast_in_dim3A_13, %select_n3A_1093 : vector<16xi1>, vector<16xi32>
    %eq3A_1096 = arith.cmpf oeq, %gather3A_1079, %scan3A_1066#0 : vector<16xf32>
    %select_n3A_1097 = arith.select %eq3A_1096, %broadcast_in_dim3A_11, %select_n3A_1095 : vector<16xi1>, vector<16xi32>
    %eq3A_1098 = arith.cmpf oeq, %gather3A_1077, %scan3A_1066#0 : vector<16xf32>
    %select_n3A_1099 = arith.select %eq3A_1098, %broadcast_in_dim3A_9, %select_n3A_1097 : vector<16xi1>, vector<16xi32>
    %eq3A_1100 = arith.cmpf oeq, %gather3A_1075, %scan3A_1066#0 : vector<16xf32>
    %select_n3A_1101 = arith.select %eq3A_1100, %broadcast_in_dim3A_7, %select_n3A_1099 : vector<16xi1>, vector<16xi32>
    %add3A_1102 = arith.addi %mul3A_1070, %select_n3A_1101 : vector<16xi32>
    %gather3A_1103 = tpu.vector_load_idx %arg7[%add3A_1102] : memref<360xi32, #tpu.memory_space<vmem>>[vector<16xi32>], vector<16xi32>,
    %convert_element_type3A_1104 = arith.sitofp %gather3A_1103 : vector<16xi32> to vector<16xf32>
    %swap3A_1105 = arith.constant 384 : index
    %swap3A_1106 = tpu.vector_load %arg8[%swap3A_1105] {strides = array<i32>} : memref<512xf32, #tpu.memory_space<vmem>>, vector<16xf32>,
    tpu.vector_store %arg8[%swap3A_1105], %convert_element_type3A_1104 {strides = array<i32>} : memref<512xf32, #tpu.memory_space<vmem>>, vector<16xf32>,
    %mul3A_1107 = arith.constant 8 : i32
    %mul3A_1108 = vector.broadcast %mul3A_1107 : i32 to vector<16xi32>
    %mul3A_1109 = arith.muli %scan3A_1066#3, %mul3A_1108 : vector<16xi32>
    %add3A_1110 = arith.constant 16 : i32
    %add3A_1111 = vector.broadcast %add3A_1110 : i32 to vector<16xi32>
    %add3A_1112 = arith.addi %add3A_1111, %iota3A : vector<16xi32>
    %add3A_1113 = arith.addi %mul3A_1109, %broadcast_in_dim3A_7 : vector<16xi32>
    %gather3A_1114 = tpu.vector_load_idx %arg6[%add3A_1113, %add3A_1112] : memref<360x128xf32, #tpu.memory_space<vmem>>[vector<16xi32>, vector<16xi32>], vector<16xf32>,
    %add3A_1115 = arith.addi %mul3A_1109, %broadcast_in_dim3A_9 : vector<16xi32>
    %gather3A_1116 = tpu.vector_load_idx %arg6[%add3A_1115, %add3A_1112] : memref<360x128xf32, #tpu.memory_space<vmem>>[vector<16xi32>, vector<16xi32>], vector<16xf32>,
    %add3A_1117 = arith.addi %mul3A_1109, %broadcast_in_dim3A_11 : vector<16xi32>
    %gather3A_1118 = tpu.vector_load_idx %arg6[%add3A_1117, %add3A_1112] : memref<360x128xf32, #tpu.memory_space<vmem>>[vector<16xi32>, vector<16xi32>], vector<16xf32>,
    %add3A_1119 = arith.addi %mul3A_1109, %broadcast_in_dim3A_13 : vector<16xi32>
    %gather3A_1120 = tpu.vector_load_idx %arg6[%add3A_1119, %add3A_1112] : memref<360x128xf32, #tpu.memory_space<vmem>>[vector<16xi32>, vector<16xi32>], vector<16xf32>,
    %add3A_1121 = arith.addi %mul3A_1109, %broadcast_in_dim3A_15 : vector<16xi32>
    %gather3A_1122 = tpu.vector_load_idx %arg6[%add3A_1121, %add3A_1112] : memref<360x128xf32, #tpu.memory_space<vmem>>[vector<16xi32>, vector<16xi32>], vector<16xf32>,
    %add3A_1123 = arith.addi %mul3A_1109, %broadcast_in_dim3A_17 : vector<16xi32>
    %gather3A_1124 = tpu.vector_load_idx %arg6[%add3A_1123, %add3A_1112] : memref<360x128xf32, #tpu.memory_space<vmem>>[vector<16xi32>, vector<16xi32>], vector<16xf32>,
    %add3A_1125 = arith.addi %mul3A_1109, %broadcast_in_dim3A_19 : vector<16xi32>
    %gather3A_1126 = tpu.vector_load_idx %arg6[%add3A_1125, %add3A_1112] : memref<360x128xf32, #tpu.memory_space<vmem>>[vector<16xi32>, vector<16xi32>], vector<16xf32>,
    %eq3A_1127 = arith.cmpf oeq, %gather3A_1126, %scan3A_1066#2 : vector<16xf32>
    %select_n3A_1128 = arith.select %eq3A_1127, %broadcast_in_dim3A_19, %broadcast_in_dim3A_21 : vector<16xi1>, vector<16xi32>
    %eq3A_1129 = arith.cmpf oeq, %gather3A_1124, %scan3A_1066#2 : vector<16xf32>
    %select_n3A_1130 = arith.select %eq3A_1129, %broadcast_in_dim3A_17, %select_n3A_1128 : vector<16xi1>, vector<16xi32>
    %eq3A_1131 = arith.cmpf oeq, %gather3A_1122, %scan3A_1066#2 : vector<16xf32>
    %select_n3A_1132 = arith.select %eq3A_1131, %broadcast_in_dim3A_15, %select_n3A_1130 : vector<16xi1>, vector<16xi32>
    %eq3A_1133 = arith.cmpf oeq, %gather3A_1120, %scan3A_1066#2 : vector<16xf32>
    %select_n3A_1134 = arith.select %eq3A_1133, %broadcast_in_dim3A_13, %select_n3A_1132 : vector<16xi1>, vector<16xi32>
    %eq3A_1135 = arith.cmpf oeq, %gather3A_1118, %scan3A_1066#2 : vector<16xf32>
    %select_n3A_1136 = arith.select %eq3A_1135, %broadcast_in_dim3A_11, %select_n3A_1134 : vector<16xi1>, vector<16xi32>
    %eq3A_1137 = arith.cmpf oeq, %gather3A_1116, %scan3A_1066#2 : vector<16xf32>
    %select_n3A_1138 = arith.select %eq3A_1137, %broadcast_in_dim3A_9, %select_n3A_1136 : vector<16xi1>, vector<16xi32>
    %eq3A_1139 = arith.cmpf oeq, %gather3A_1114, %scan3A_1066#2 : vector<16xf32>
    %select_n3A_1140 = arith.select %eq3A_1139, %broadcast_in_dim3A_7, %select_n3A_1138 : vector<16xi1>, vector<16xi32>
    %add3A_1141 = arith.addi %mul3A_1109, %select_n3A_1140 : vector<16xi32>
    %gather3A_1142 = tpu.vector_load_idx %arg7[%add3A_1141] : memref<360xi32, #tpu.memory_space<vmem>>[vector<16xi32>], vector<16xi32>,
    %convert_element_type3A_1143 = arith.sitofp %gather3A_1142 : vector<16xi32> to vector<16xf32>
    %swap3A_1144 = arith.constant 400 : index
    %swap3A_1145 = tpu.vector_load %arg8[%swap3A_1144] {strides = array<i32>} : memref<512xf32, #tpu.memory_space<vmem>>, vector<16xf32>,
    tpu.vector_store %arg8[%swap3A_1144], %convert_element_type3A_1143 {strides = array<i32>} : memref<512xf32, #tpu.memory_space<vmem>>, vector<16xf32>,
    %scan3A_1146 = arith.constant 0 : i32
    %scan3A_1147 = arith.constant 45 : i32
    %scan3A_1148 = arith.addi %scan3A_1146, %scan3A_1147 : i32
    %scan3A_1149 = arith.constant 1 : i32
    %scan3A_1150:4 = scf.for %scan3A_1398 = %scan3A_1146 to %scan3A_1148 step %scan3A_1149 iter_args(%scan3A_1399 = %broadcast_in_dim3A_3, %scan3A_1400 = %broadcast_in_dim3A_5, %scan3A_1401 = %broadcast_in_dim3A_3, %scan3A_1402 = %broadcast_in_dim3A_5) -> (vector<16xf32>, vector<16xi32>, vector<16xf32>, vector<16xi32>)  : i32 {
      %mul3A_1403 = arith.constant 8 : i32
      %mul3A_1404 = arith.muli %mul3A_1403, %scan3A_1398 : i32
      %broadcast_in_dim3A_1405 = vector.broadcast %scan3A_1398 : i32 to vector<16xi32>
      %add3A_1406 = arith.constant 0 : i32
      %add3A_1407 = arith.addi %mul3A_1404, %add3A_1406 : i32
      %get3A = arith.index_cast %add3A_1407 : i32 to index
      %get3A_1408 = arith.constant 32 : index
      %get3A_1409 = tpu.vector_load %arg6[%get3A, %get3A_1408] {strides = array<i32>} : memref<360x128xf32, #tpu.memory_space<vmem>>, vector<16xf32>,
      %add3A_1410 = arith.constant 1 : i32
      %add3A_1411 = arith.addi %mul3A_1404, %add3A_1410 : i32
      %get3A_1412 = arith.index_cast %add3A_1411 : i32 to index
      %get3A_1413 = arith.constant 32 : index
      %get3A_1414 = tpu.vector_load %arg6[%get3A_1412, %get3A_1413] {strides = array<i32>} : memref<360x128xf32, #tpu.memory_space<vmem>>, vector<16xf32>,
      %add3A_1415 = arith.constant 2 : i32
      %add3A_1416 = arith.addi %mul3A_1404, %add3A_1415 : i32
      %get3A_1417 = arith.index_cast %add3A_1416 : i32 to index
      %get3A_1418 = arith.constant 32 : index
      %get3A_1419 = tpu.vector_load %arg6[%get3A_1417, %get3A_1418] {strides = array<i32>} : memref<360x128xf32, #tpu.memory_space<vmem>>, vector<16xf32>,
      %add3A_1420 = arith.constant 3 : i32
      %add3A_1421 = arith.addi %mul3A_1404, %add3A_1420 : i32
      %get3A_1422 = arith.index_cast %add3A_1421 : i32 to index
      %get3A_1423 = arith.constant 32 : index
      %get3A_1424 = tpu.vector_load %arg6[%get3A_1422, %get3A_1423] {strides = array<i32>} : memref<360x128xf32, #tpu.memory_space<vmem>>, vector<16xf32>,
      %add3A_1425 = arith.constant 4 : i32
      %add3A_1426 = arith.addi %mul3A_1404, %add3A_1425 : i32
      %get3A_1427 = arith.index_cast %add3A_1426 : i32 to index
      %get3A_1428 = arith.constant 32 : index
      %get3A_1429 = tpu.vector_load %arg6[%get3A_1427, %get3A_1428] {strides = array<i32>} : memref<360x128xf32, #tpu.memory_space<vmem>>, vector<16xf32>,
      %add3A_1430 = arith.constant 5 : i32
      %add3A_1431 = arith.addi %mul3A_1404, %add3A_1430 : i32
      %get3A_1432 = arith.index_cast %add3A_1431 : i32 to index
      %get3A_1433 = arith.constant 32 : index
      %get3A_1434 = tpu.vector_load %arg6[%get3A_1432, %get3A_1433] {strides = array<i32>} : memref<360x128xf32, #tpu.memory_space<vmem>>, vector<16xf32>,
      %add3A_1435 = arith.constant 6 : i32
      %add3A_1436 = arith.addi %mul3A_1404, %add3A_1435 : i32
      %get3A_1437 = arith.index_cast %add3A_1436 : i32 to index
      %get3A_1438 = arith.constant 32 : index
      %get3A_1439 = tpu.vector_load %arg6[%get3A_1437, %get3A_1438] {strides = array<i32>} : memref<360x128xf32, #tpu.memory_space<vmem>>, vector<16xf32>,
      %add3A_1440 = arith.constant 7 : i32
      %add3A_1441 = arith.addi %mul3A_1404, %add3A_1440 : i32
      %get3A_1442 = arith.index_cast %add3A_1441 : i32 to index
      %get3A_1443 = arith.constant 32 : index
      %get3A_1444 = tpu.vector_load %arg6[%get3A_1442, %get3A_1443] {strides = array<i32>} : memref<360x128xf32, #tpu.memory_space<vmem>>, vector<16xf32>,
      %max3A = arith.maximumf %get3A_1409, %get3A_1414 : vector<16xf32>
      %max3A_1445 = arith.maximumf %get3A_1419, %get3A_1424 : vector<16xf32>
      %max3A_1446 = arith.maximumf %get3A_1429, %get3A_1434 : vector<16xf32>
      %max3A_1447 = arith.maximumf %get3A_1439, %get3A_1444 : vector<16xf32>
      %max3A_1448 = arith.maximumf %max3A, %max3A_1445 : vector<16xf32>
      %max3A_1449 = arith.maximumf %max3A_1446, %max3A_1447 : vector<16xf32>
      %max3A_1450 = arith.maximumf %max3A_1448, %max3A_1449 : vector<16xf32>
      %add3A_1451 = arith.constant 0 : i32
      %add3A_1452 = arith.addi %mul3A_1404, %add3A_1451 : i32
      %get3A_1453 = arith.index_cast %add3A_1452 : i32 to index
      %get3A_1454 = arith.constant 48 : index
      %get3A_1455 = tpu.vector_load %arg6[%get3A_1453, %get3A_1454] {strides = array<i32>} : memref<360x128xf32, #tpu.memory_space<vmem>>, vector<16xf32>,
      %add3A_1456 = arith.constant 1 : i32
      %add3A_1457 = arith.addi %mul3A_1404, %add3A_1456 : i32
      %get3A_1458 = arith.index_cast %add3A_1457 : i32 to index
      %get3A_1459 = arith.constant 48 : index
      %get3A_1460 = tpu.vector_load %arg6[%get3A_1458, %get3A_1459] {strides = array<i32>} : memref<360x128xf32, #tpu.memory_space<vmem>>, vector<16xf32>,
      %add3A_1461 = arith.constant 2 : i32
      %add3A_1462 = arith.addi %mul3A_1404, %add3A_1461 : i32
      %get3A_1463 = arith.index_cast %add3A_1462 : i32 to index
      %get3A_1464 = arith.constant 48 : index
      %get3A_1465 = tpu.vector_load %arg6[%get3A_1463, %get3A_1464] {strides = array<i32>} : memref<360x128xf32, #tpu.memory_space<vmem>>, vector<16xf32>,
      %add3A_1466 = arith.constant 3 : i32
      %add3A_1467 = arith.addi %mul3A_1404, %add3A_1466 : i32
      %get3A_1468 = arith.index_cast %add3A_1467 : i32 to index
      %get3A_1469 = arith.constant 48 : index
      %get3A_1470 = tpu.vector_load %arg6[%get3A_1468, %get3A_1469] {strides = array<i32>} : memref<360x128xf32, #tpu.memory_space<vmem>>, vector<16xf32>,
      %add3A_1471 = arith.constant 4 : i32
      %add3A_1472 = arith.addi %mul3A_1404, %add3A_1471 : i32
      %get3A_1473 = arith.index_cast %add3A_1472 : i32 to index
      %get3A_1474 = arith.constant 48 : index
      %get3A_1475 = tpu.vector_load %arg6[%get3A_1473, %get3A_1474] {strides = array<i32>} : memref<360x128xf32, #tpu.memory_space<vmem>>, vector<16xf32>,
      %add3A_1476 = arith.constant 5 : i32
      %add3A_1477 = arith.addi %mul3A_1404, %add3A_1476 : i32
      %get3A_1478 = arith.index_cast %add3A_1477 : i32 to index
      %get3A_1479 = arith.constant 48 : index
      %get3A_1480 = tpu.vector_load %arg6[%get3A_1478, %get3A_1479] {strides = array<i32>} : memref<360x128xf32, #tpu.memory_space<vmem>>, vector<16xf32>,
      %add3A_1481 = arith.constant 6 : i32
      %add3A_1482 = arith.addi %mul3A_1404, %add3A_1481 : i32
      %get3A_1483 = arith.index_cast %add3A_1482 : i32 to index
      %get3A_1484 = arith.constant 48 : index
      %get3A_1485 = tpu.vector_load %arg6[%get3A_1483, %get3A_1484] {strides = array<i32>} : memref<360x128xf32, #tpu.memory_space<vmem>>, vector<16xf32>,
      %add3A_1486 = arith.constant 7 : i32
      %add3A_1487 = arith.addi %mul3A_1404, %add3A_1486 : i32
      %get3A_1488 = arith.index_cast %add3A_1487 : i32 to index
      %get3A_1489 = arith.constant 48 : index
      %get3A_1490 = tpu.vector_load %arg6[%get3A_1488, %get3A_1489] {strides = array<i32>} : memref<360x128xf32, #tpu.memory_space<vmem>>, vector<16xf32>,
      %max3A_1491 = arith.maximumf %get3A_1455, %get3A_1460 : vector<16xf32>
      %max3A_1492 = arith.maximumf %get3A_1465, %get3A_1470 : vector<16xf32>
      %max3A_1493 = arith.maximumf %get3A_1475, %get3A_1480 : vector<16xf32>
      %max3A_1494 = arith.maximumf %get3A_1485, %get3A_1490 : vector<16xf32>
      %max3A_1495 = arith.maximumf %max3A_1491, %max3A_1492 : vector<16xf32>
      %max3A_1496 = arith.maximumf %max3A_1493, %max3A_1494 : vector<16xf32>
      %max3A_1497 = arith.maximumf %max3A_1495, %max3A_1496 : vector<16xf32>
      %gt3A = arith.cmpf ogt, %max3A_1450, %scan3A_1399 : vector<16xf32>
      %gt3A_1498 = arith.cmpf ogt, %max3A_1497, %scan3A_1401 : vector<16xf32>
      %max3A_1499 = arith.maximumf %max3A_1450, %scan3A_1399 : vector<16xf32>
      %max3A_1500 = arith.maximumf %max3A_1497, %scan3A_1401 : vector<16xf32>
      %select_n3A_1501 = arith.select %gt3A, %broadcast_in_dim3A_1405, %scan3A_1400 : vector<16xi1>, vector<16xi32>
      %select_n3A_1502 = arith.select %gt3A_1498, %broadcast_in_dim3A_1405, %scan3A_1402 : vector<16xi1>, vector<16xi32>
      scf.yield %max3A_1499, %select_n3A_1501, %max3A_1500, %select_n3A_1502 : vector<16xf32>, vector<16xi32>, vector<16xf32>, vector<16xi32>
    }
    %scan3A_1151 = arith.constant 45 : i32
    %mul3A_1152 = arith.constant 8 : i32
    %mul3A_1153 = vector.broadcast %mul3A_1152 : i32 to vector<16xi32>
    %mul3A_1154 = arith.muli %scan3A_1150#1, %mul3A_1153 : vector<16xi32>
    %add3A_1155 = arith.constant 32 : i32
    %add3A_1156 = vector.broadcast %add3A_1155 : i32 to vector<16xi32>
    %add3A_1157 = arith.addi %add3A_1156, %iota3A : vector<16xi32>
    %add3A_1158 = arith.addi %mul3A_1154, %broadcast_in_dim3A_7 : vector<16xi32>
    %gather3A_1159 = tpu.vector_load_idx %arg6[%add3A_1158, %add3A_1157] : memref<360x128xf32, #tpu.memory_space<vmem>>[vector<16xi32>, vector<16xi32>], vector<16xf32>,
    %add3A_1160 = arith.addi %mul3A_1154, %broadcast_in_dim3A_9 : vector<16xi32>
    %gather3A_1161 = tpu.vector_load_idx %arg6[%add3A_1160, %add3A_1157] : memref<360x128xf32, #tpu.memory_space<vmem>>[vector<16xi32>, vector<16xi32>], vector<16xf32>,
    %add3A_1162 = arith.addi %mul3A_1154, %broadcast_in_dim3A_11 : vector<16xi32>
    %gather3A_1163 = tpu.vector_load_idx %arg6[%add3A_1162, %add3A_1157] : memref<360x128xf32, #tpu.memory_space<vmem>>[vector<16xi32>, vector<16xi32>], vector<16xf32>,
    %add3A_1164 = arith.addi %mul3A_1154, %broadcast_in_dim3A_13 : vector<16xi32>
    %gather3A_1165 = tpu.vector_load_idx %arg6[%add3A_1164, %add3A_1157] : memref<360x128xf32, #tpu.memory_space<vmem>>[vector<16xi32>, vector<16xi32>], vector<16xf32>,
    %add3A_1166 = arith.addi %mul3A_1154, %broadcast_in_dim3A_15 : vector<16xi32>
    %gather3A_1167 = tpu.vector_load_idx %arg6[%add3A_1166, %add3A_1157] : memref<360x128xf32, #tpu.memory_space<vmem>>[vector<16xi32>, vector<16xi32>], vector<16xf32>,
    %add3A_1168 = arith.addi %mul3A_1154, %broadcast_in_dim3A_17 : vector<16xi32>
    %gather3A_1169 = tpu.vector_load_idx %arg6[%add3A_1168, %add3A_1157] : memref<360x128xf32, #tpu.memory_space<vmem>>[vector<16xi32>, vector<16xi32>], vector<16xf32>,
    %add3A_1170 = arith.addi %mul3A_1154, %broadcast_in_dim3A_19 : vector<16xi32>
    %gather3A_1171 = tpu.vector_load_idx %arg6[%add3A_1170, %add3A_1157] : memref<360x128xf32, #tpu.memory_space<vmem>>[vector<16xi32>, vector<16xi32>], vector<16xf32>,
    %eq3A_1172 = arith.cmpf oeq, %gather3A_1171, %scan3A_1150#0 : vector<16xf32>
    %select_n3A_1173 = arith.select %eq3A_1172, %broadcast_in_dim3A_19, %broadcast_in_dim3A_21 : vector<16xi1>, vector<16xi32>
    %eq3A_1174 = arith.cmpf oeq, %gather3A_1169, %scan3A_1150#0 : vector<16xf32>
    %select_n3A_1175 = arith.select %eq3A_1174, %broadcast_in_dim3A_17, %select_n3A_1173 : vector<16xi1>, vector<16xi32>
    %eq3A_1176 = arith.cmpf oeq, %gather3A_1167, %scan3A_1150#0 : vector<16xf32>
    %select_n3A_1177 = arith.select %eq3A_1176, %broadcast_in_dim3A_15, %select_n3A_1175 : vector<16xi1>, vector<16xi32>
    %eq3A_1178 = arith.cmpf oeq, %gather3A_1165, %scan3A_1150#0 : vector<16xf32>
    %select_n3A_1179 = arith.select %eq3A_1178, %broadcast_in_dim3A_13, %select_n3A_1177 : vector<16xi1>, vector<16xi32>
    %eq3A_1180 = arith.cmpf oeq, %gather3A_1163, %scan3A_1150#0 : vector<16xf32>
    %select_n3A_1181 = arith.select %eq3A_1180, %broadcast_in_dim3A_11, %select_n3A_1179 : vector<16xi1>, vector<16xi32>
    %eq3A_1182 = arith.cmpf oeq, %gather3A_1161, %scan3A_1150#0 : vector<16xf32>
    %select_n3A_1183 = arith.select %eq3A_1182, %broadcast_in_dim3A_9, %select_n3A_1181 : vector<16xi1>, vector<16xi32>
    %eq3A_1184 = arith.cmpf oeq, %gather3A_1159, %scan3A_1150#0 : vector<16xf32>
    %select_n3A_1185 = arith.select %eq3A_1184, %broadcast_in_dim3A_7, %select_n3A_1183 : vector<16xi1>, vector<16xi32>
    %add3A_1186 = arith.addi %mul3A_1154, %select_n3A_1185 : vector<16xi32>
    %gather3A_1187 = tpu.vector_load_idx %arg7[%add3A_1186] : memref<360xi32, #tpu.memory_space<vmem>>[vector<16xi32>], vector<16xi32>,
    %convert_element_type3A_1188 = arith.sitofp %gather3A_1187 : vector<16xi32> to vector<16xf32>
    %swap3A_1189 = arith.constant 416 : index
    %swap3A_1190 = tpu.vector_load %arg8[%swap3A_1189] {strides = array<i32>} : memref<512xf32, #tpu.memory_space<vmem>>, vector<16xf32>,
    tpu.vector_store %arg8[%swap3A_1189], %convert_element_type3A_1188 {strides = array<i32>} : memref<512xf32, #tpu.memory_space<vmem>>, vector<16xf32>,
    %mul3A_1191 = arith.constant 8 : i32
    %mul3A_1192 = vector.broadcast %mul3A_1191 : i32 to vector<16xi32>
    %mul3A_1193 = arith.muli %scan3A_1150#3, %mul3A_1192 : vector<16xi32>
    %add3A_1194 = arith.constant 48 : i32
    %add3A_1195 = vector.broadcast %add3A_1194 : i32 to vector<16xi32>
    %add3A_1196 = arith.addi %add3A_1195, %iota3A : vector<16xi32>
    %add3A_1197 = arith.addi %mul3A_1193, %broadcast_in_dim3A_7 : vector<16xi32>
    %gather3A_1198 = tpu.vector_load_idx %arg6[%add3A_1197, %add3A_1196] : memref<360x128xf32, #tpu.memory_space<vmem>>[vector<16xi32>, vector<16xi32>], vector<16xf32>,
    %add3A_1199 = arith.addi %mul3A_1193, %broadcast_in_dim3A_9 : vector<16xi32>
    %gather3A_1200 = tpu.vector_load_idx %arg6[%add3A_1199, %add3A_1196] : memref<360x128xf32, #tpu.memory_space<vmem>>[vector<16xi32>, vector<16xi32>], vector<16xf32>,
    %add3A_1201 = arith.addi %mul3A_1193, %broadcast_in_dim3A_11 : vector<16xi32>
    %gather3A_1202 = tpu.vector_load_idx %arg6[%add3A_1201, %add3A_1196] : memref<360x128xf32, #tpu.memory_space<vmem>>[vector<16xi32>, vector<16xi32>], vector<16xf32>,
    %add3A_1203 = arith.addi %mul3A_1193, %broadcast_in_dim3A_13 : vector<16xi32>
    %gather3A_1204 = tpu.vector_load_idx %arg6[%add3A_1203, %add3A_1196] : memref<360x128xf32, #tpu.memory_space<vmem>>[vector<16xi32>, vector<16xi32>], vector<16xf32>,
    %add3A_1205 = arith.addi %mul3A_1193, %broadcast_in_dim3A_15 : vector<16xi32>
    %gather3A_1206 = tpu.vector_load_idx %arg6[%add3A_1205, %add3A_1196] : memref<360x128xf32, #tpu.memory_space<vmem>>[vector<16xi32>, vector<16xi32>], vector<16xf32>,
    %add3A_1207 = arith.addi %mul3A_1193, %broadcast_in_dim3A_17 : vector<16xi32>
    %gather3A_1208 = tpu.vector_load_idx %arg6[%add3A_1207, %add3A_1196] : memref<360x128xf32, #tpu.memory_space<vmem>>[vector<16xi32>, vector<16xi32>], vector<16xf32>,
    %add3A_1209 = arith.addi %mul3A_1193, %broadcast_in_dim3A_19 : vector<16xi32>
    %gather3A_1210 = tpu.vector_load_idx %arg6[%add3A_1209, %add3A_1196] : memref<360x128xf32, #tpu.memory_space<vmem>>[vector<16xi32>, vector<16xi32>], vector<16xf32>,
    %eq3A_1211 = arith.cmpf oeq, %gather3A_1210, %scan3A_1150#2 : vector<16xf32>
    %select_n3A_1212 = arith.select %eq3A_1211, %broadcast_in_dim3A_19, %broadcast_in_dim3A_21 : vector<16xi1>, vector<16xi32>
    %eq3A_1213 = arith.cmpf oeq, %gather3A_1208, %scan3A_1150#2 : vector<16xf32>
    %select_n3A_1214 = arith.select %eq3A_1213, %broadcast_in_dim3A_17, %select_n3A_1212 : vector<16xi1>, vector<16xi32>
    %eq3A_1215 = arith.cmpf oeq, %gather3A_1206, %scan3A_1150#2 : vector<16xf32>
    %select_n3A_1216 = arith.select %eq3A_1215, %broadcast_in_dim3A_15, %select_n3A_1214 : vector<16xi1>, vector<16xi32>
    %eq3A_1217 = arith.cmpf oeq, %gather3A_1204, %scan3A_1150#2 : vector<16xf32>
    %select_n3A_1218 = arith.select %eq3A_1217, %broadcast_in_dim3A_13, %select_n3A_1216 : vector<16xi1>, vector<16xi32>
    %eq3A_1219 = arith.cmpf oeq, %gather3A_1202, %scan3A_1150#2 : vector<16xf32>
    %select_n3A_1220 = arith.select %eq3A_1219, %broadcast_in_dim3A_11, %select_n3A_1218 : vector<16xi1>, vector<16xi32>
    %eq3A_1221 = arith.cmpf oeq, %gather3A_1200, %scan3A_1150#2 : vector<16xf32>
    %select_n3A_1222 = arith.select %eq3A_1221, %broadcast_in_dim3A_9, %select_n3A_1220 : vector<16xi1>, vector<16xi32>
    %eq3A_1223 = arith.cmpf oeq, %gather3A_1198, %scan3A_1150#2 : vector<16xf32>
    %select_n3A_1224 = arith.select %eq3A_1223, %broadcast_in_dim3A_7, %select_n3A_1222 : vector<16xi1>, vector<16xi32>
    %add3A_1225 = arith.addi %mul3A_1193, %select_n3A_1224 : vector<16xi32>
    %gather3A_1226 = tpu.vector_load_idx %arg7[%add3A_1225] : memref<360xi32, #tpu.memory_space<vmem>>[vector<16xi32>], vector<16xi32>,
    %convert_element_type3A_1227 = arith.sitofp %gather3A_1226 : vector<16xi32> to vector<16xf32>
    %swap3A_1228 = arith.constant 432 : index
    %swap3A_1229 = tpu.vector_load %arg8[%swap3A_1228] {strides = array<i32>} : memref<512xf32, #tpu.memory_space<vmem>>, vector<16xf32>,
    tpu.vector_store %arg8[%swap3A_1228], %convert_element_type3A_1227 {strides = array<i32>} : memref<512xf32, #tpu.memory_space<vmem>>, vector<16xf32>,
    %scan3A_1230 = arith.constant 0 : i32
    %scan3A_1231 = arith.constant 45 : i32
    %scan3A_1232 = arith.addi %scan3A_1230, %scan3A_1231 : i32
    %scan3A_1233 = arith.constant 1 : i32
    %scan3A_1234:4 = scf.for %scan3A_1398 = %scan3A_1230 to %scan3A_1232 step %scan3A_1233 iter_args(%scan3A_1399 = %broadcast_in_dim3A_3, %scan3A_1400 = %broadcast_in_dim3A_5, %scan3A_1401 = %broadcast_in_dim3A_3, %scan3A_1402 = %broadcast_in_dim3A_5) -> (vector<16xf32>, vector<16xi32>, vector<16xf32>, vector<16xi32>)  : i32 {
      %mul3A_1403 = arith.constant 8 : i32
      %mul3A_1404 = arith.muli %mul3A_1403, %scan3A_1398 : i32
      %broadcast_in_dim3A_1405 = vector.broadcast %scan3A_1398 : i32 to vector<16xi32>
      %add3A_1406 = arith.constant 0 : i32
      %add3A_1407 = arith.addi %mul3A_1404, %add3A_1406 : i32
      %get3A = arith.index_cast %add3A_1407 : i32 to index
      %get3A_1408 = arith.constant 64 : index
      %get3A_1409 = tpu.vector_load %arg6[%get3A, %get3A_1408] {strides = array<i32>} : memref<360x128xf32, #tpu.memory_space<vmem>>, vector<16xf32>,
      %add3A_1410 = arith.constant 1 : i32
      %add3A_1411 = arith.addi %mul3A_1404, %add3A_1410 : i32
      %get3A_1412 = arith.index_cast %add3A_1411 : i32 to index
      %get3A_1413 = arith.constant 64 : index
      %get3A_1414 = tpu.vector_load %arg6[%get3A_1412, %get3A_1413] {strides = array<i32>} : memref<360x128xf32, #tpu.memory_space<vmem>>, vector<16xf32>,
      %add3A_1415 = arith.constant 2 : i32
      %add3A_1416 = arith.addi %mul3A_1404, %add3A_1415 : i32
      %get3A_1417 = arith.index_cast %add3A_1416 : i32 to index
      %get3A_1418 = arith.constant 64 : index
      %get3A_1419 = tpu.vector_load %arg6[%get3A_1417, %get3A_1418] {strides = array<i32>} : memref<360x128xf32, #tpu.memory_space<vmem>>, vector<16xf32>,
      %add3A_1420 = arith.constant 3 : i32
      %add3A_1421 = arith.addi %mul3A_1404, %add3A_1420 : i32
      %get3A_1422 = arith.index_cast %add3A_1421 : i32 to index
      %get3A_1423 = arith.constant 64 : index
      %get3A_1424 = tpu.vector_load %arg6[%get3A_1422, %get3A_1423] {strides = array<i32>} : memref<360x128xf32, #tpu.memory_space<vmem>>, vector<16xf32>,
      %add3A_1425 = arith.constant 4 : i32
      %add3A_1426 = arith.addi %mul3A_1404, %add3A_1425 : i32
      %get3A_1427 = arith.index_cast %add3A_1426 : i32 to index
      %get3A_1428 = arith.constant 64 : index
      %get3A_1429 = tpu.vector_load %arg6[%get3A_1427, %get3A_1428] {strides = array<i32>} : memref<360x128xf32, #tpu.memory_space<vmem>>, vector<16xf32>,
      %add3A_1430 = arith.constant 5 : i32
      %add3A_1431 = arith.addi %mul3A_1404, %add3A_1430 : i32
      %get3A_1432 = arith.index_cast %add3A_1431 : i32 to index
      %get3A_1433 = arith.constant 64 : index
      %get3A_1434 = tpu.vector_load %arg6[%get3A_1432, %get3A_1433] {strides = array<i32>} : memref<360x128xf32, #tpu.memory_space<vmem>>, vector<16xf32>,
      %add3A_1435 = arith.constant 6 : i32
      %add3A_1436 = arith.addi %mul3A_1404, %add3A_1435 : i32
      %get3A_1437 = arith.index_cast %add3A_1436 : i32 to index
      %get3A_1438 = arith.constant 64 : index
      %get3A_1439 = tpu.vector_load %arg6[%get3A_1437, %get3A_1438] {strides = array<i32>} : memref<360x128xf32, #tpu.memory_space<vmem>>, vector<16xf32>,
      %add3A_1440 = arith.constant 7 : i32
      %add3A_1441 = arith.addi %mul3A_1404, %add3A_1440 : i32
      %get3A_1442 = arith.index_cast %add3A_1441 : i32 to index
      %get3A_1443 = arith.constant 64 : index
      %get3A_1444 = tpu.vector_load %arg6[%get3A_1442, %get3A_1443] {strides = array<i32>} : memref<360x128xf32, #tpu.memory_space<vmem>>, vector<16xf32>,
      %max3A = arith.maximumf %get3A_1409, %get3A_1414 : vector<16xf32>
      %max3A_1445 = arith.maximumf %get3A_1419, %get3A_1424 : vector<16xf32>
      %max3A_1446 = arith.maximumf %get3A_1429, %get3A_1434 : vector<16xf32>
      %max3A_1447 = arith.maximumf %get3A_1439, %get3A_1444 : vector<16xf32>
      %max3A_1448 = arith.maximumf %max3A, %max3A_1445 : vector<16xf32>
      %max3A_1449 = arith.maximumf %max3A_1446, %max3A_1447 : vector<16xf32>
      %max3A_1450 = arith.maximumf %max3A_1448, %max3A_1449 : vector<16xf32>
      %add3A_1451 = arith.constant 0 : i32
      %add3A_1452 = arith.addi %mul3A_1404, %add3A_1451 : i32
      %get3A_1453 = arith.index_cast %add3A_1452 : i32 to index
      %get3A_1454 = arith.constant 80 : index
      %get3A_1455 = tpu.vector_load %arg6[%get3A_1453, %get3A_1454] {strides = array<i32>} : memref<360x128xf32, #tpu.memory_space<vmem>>, vector<16xf32>,
      %add3A_1456 = arith.constant 1 : i32
      %add3A_1457 = arith.addi %mul3A_1404, %add3A_1456 : i32
      %get3A_1458 = arith.index_cast %add3A_1457 : i32 to index
      %get3A_1459 = arith.constant 80 : index
      %get3A_1460 = tpu.vector_load %arg6[%get3A_1458, %get3A_1459] {strides = array<i32>} : memref<360x128xf32, #tpu.memory_space<vmem>>, vector<16xf32>,
      %add3A_1461 = arith.constant 2 : i32
      %add3A_1462 = arith.addi %mul3A_1404, %add3A_1461 : i32
      %get3A_1463 = arith.index_cast %add3A_1462 : i32 to index
      %get3A_1464 = arith.constant 80 : index
      %get3A_1465 = tpu.vector_load %arg6[%get3A_1463, %get3A_1464] {strides = array<i32>} : memref<360x128xf32, #tpu.memory_space<vmem>>, vector<16xf32>,
      %add3A_1466 = arith.constant 3 : i32
      %add3A_1467 = arith.addi %mul3A_1404, %add3A_1466 : i32
      %get3A_1468 = arith.index_cast %add3A_1467 : i32 to index
      %get3A_1469 = arith.constant 80 : index
      %get3A_1470 = tpu.vector_load %arg6[%get3A_1468, %get3A_1469] {strides = array<i32>} : memref<360x128xf32, #tpu.memory_space<vmem>>, vector<16xf32>,
      %add3A_1471 = arith.constant 4 : i32
      %add3A_1472 = arith.addi %mul3A_1404, %add3A_1471 : i32
      %get3A_1473 = arith.index_cast %add3A_1472 : i32 to index
      %get3A_1474 = arith.constant 80 : index
      %get3A_1475 = tpu.vector_load %arg6[%get3A_1473, %get3A_1474] {strides = array<i32>} : memref<360x128xf32, #tpu.memory_space<vmem>>, vector<16xf32>,
      %add3A_1476 = arith.constant 5 : i32
      %add3A_1477 = arith.addi %mul3A_1404, %add3A_1476 : i32
      %get3A_1478 = arith.index_cast %add3A_1477 : i32 to index
      %get3A_1479 = arith.constant 80 : index
      %get3A_1480 = tpu.vector_load %arg6[%get3A_1478, %get3A_1479] {strides = array<i32>} : memref<360x128xf32, #tpu.memory_space<vmem>>, vector<16xf32>,
      %add3A_1481 = arith.constant 6 : i32
      %add3A_1482 = arith.addi %mul3A_1404, %add3A_1481 : i32
      %get3A_1483 = arith.index_cast %add3A_1482 : i32 to index
      %get3A_1484 = arith.constant 80 : index
      %get3A_1485 = tpu.vector_load %arg6[%get3A_1483, %get3A_1484] {strides = array<i32>} : memref<360x128xf32, #tpu.memory_space<vmem>>, vector<16xf32>,
      %add3A_1486 = arith.constant 7 : i32
      %add3A_1487 = arith.addi %mul3A_1404, %add3A_1486 : i32
      %get3A_1488 = arith.index_cast %add3A_1487 : i32 to index
      %get3A_1489 = arith.constant 80 : index
      %get3A_1490 = tpu.vector_load %arg6[%get3A_1488, %get3A_1489] {strides = array<i32>} : memref<360x128xf32, #tpu.memory_space<vmem>>, vector<16xf32>,
      %max3A_1491 = arith.maximumf %get3A_1455, %get3A_1460 : vector<16xf32>
      %max3A_1492 = arith.maximumf %get3A_1465, %get3A_1470 : vector<16xf32>
      %max3A_1493 = arith.maximumf %get3A_1475, %get3A_1480 : vector<16xf32>
      %max3A_1494 = arith.maximumf %get3A_1485, %get3A_1490 : vector<16xf32>
      %max3A_1495 = arith.maximumf %max3A_1491, %max3A_1492 : vector<16xf32>
      %max3A_1496 = arith.maximumf %max3A_1493, %max3A_1494 : vector<16xf32>
      %max3A_1497 = arith.maximumf %max3A_1495, %max3A_1496 : vector<16xf32>
      %gt3A = arith.cmpf ogt, %max3A_1450, %scan3A_1399 : vector<16xf32>
      %gt3A_1498 = arith.cmpf ogt, %max3A_1497, %scan3A_1401 : vector<16xf32>
      %max3A_1499 = arith.maximumf %max3A_1450, %scan3A_1399 : vector<16xf32>
      %max3A_1500 = arith.maximumf %max3A_1497, %scan3A_1401 : vector<16xf32>
      %select_n3A_1501 = arith.select %gt3A, %broadcast_in_dim3A_1405, %scan3A_1400 : vector<16xi1>, vector<16xi32>
      %select_n3A_1502 = arith.select %gt3A_1498, %broadcast_in_dim3A_1405, %scan3A_1402 : vector<16xi1>, vector<16xi32>
      scf.yield %max3A_1499, %select_n3A_1501, %max3A_1500, %select_n3A_1502 : vector<16xf32>, vector<16xi32>, vector<16xf32>, vector<16xi32>
    }
    %scan3A_1235 = arith.constant 45 : i32
    %mul3A_1236 = arith.constant 8 : i32
    %mul3A_1237 = vector.broadcast %mul3A_1236 : i32 to vector<16xi32>
    %mul3A_1238 = arith.muli %scan3A_1234#1, %mul3A_1237 : vector<16xi32>
    %add3A_1239 = arith.constant 64 : i32
    %add3A_1240 = vector.broadcast %add3A_1239 : i32 to vector<16xi32>
    %add3A_1241 = arith.addi %add3A_1240, %iota3A : vector<16xi32>
    %add3A_1242 = arith.addi %mul3A_1238, %broadcast_in_dim3A_7 : vector<16xi32>
    %gather3A_1243 = tpu.vector_load_idx %arg6[%add3A_1242, %add3A_1241] : memref<360x128xf32, #tpu.memory_space<vmem>>[vector<16xi32>, vector<16xi32>], vector<16xf32>,
    %add3A_1244 = arith.addi %mul3A_1238, %broadcast_in_dim3A_9 : vector<16xi32>
    %gather3A_1245 = tpu.vector_load_idx %arg6[%add3A_1244, %add3A_1241] : memref<360x128xf32, #tpu.memory_space<vmem>>[vector<16xi32>, vector<16xi32>], vector<16xf32>,
    %add3A_1246 = arith.addi %mul3A_1238, %broadcast_in_dim3A_11 : vector<16xi32>
    %gather3A_1247 = tpu.vector_load_idx %arg6[%add3A_1246, %add3A_1241] : memref<360x128xf32, #tpu.memory_space<vmem>>[vector<16xi32>, vector<16xi32>], vector<16xf32>,
    %add3A_1248 = arith.addi %mul3A_1238, %broadcast_in_dim3A_13 : vector<16xi32>
    %gather3A_1249 = tpu.vector_load_idx %arg6[%add3A_1248, %add3A_1241] : memref<360x128xf32, #tpu.memory_space<vmem>>[vector<16xi32>, vector<16xi32>], vector<16xf32>,
    %add3A_1250 = arith.addi %mul3A_1238, %broadcast_in_dim3A_15 : vector<16xi32>
    %gather3A_1251 = tpu.vector_load_idx %arg6[%add3A_1250, %add3A_1241] : memref<360x128xf32, #tpu.memory_space<vmem>>[vector<16xi32>, vector<16xi32>], vector<16xf32>,
    %add3A_1252 = arith.addi %mul3A_1238, %broadcast_in_dim3A_17 : vector<16xi32>
    %gather3A_1253 = tpu.vector_load_idx %arg6[%add3A_1252, %add3A_1241] : memref<360x128xf32, #tpu.memory_space<vmem>>[vector<16xi32>, vector<16xi32>], vector<16xf32>,
    %add3A_1254 = arith.addi %mul3A_1238, %broadcast_in_dim3A_19 : vector<16xi32>
    %gather3A_1255 = tpu.vector_load_idx %arg6[%add3A_1254, %add3A_1241] : memref<360x128xf32, #tpu.memory_space<vmem>>[vector<16xi32>, vector<16xi32>], vector<16xf32>,
    %eq3A_1256 = arith.cmpf oeq, %gather3A_1255, %scan3A_1234#0 : vector<16xf32>
    %select_n3A_1257 = arith.select %eq3A_1256, %broadcast_in_dim3A_19, %broadcast_in_dim3A_21 : vector<16xi1>, vector<16xi32>
    %eq3A_1258 = arith.cmpf oeq, %gather3A_1253, %scan3A_1234#0 : vector<16xf32>
    %select_n3A_1259 = arith.select %eq3A_1258, %broadcast_in_dim3A_17, %select_n3A_1257 : vector<16xi1>, vector<16xi32>
    %eq3A_1260 = arith.cmpf oeq, %gather3A_1251, %scan3A_1234#0 : vector<16xf32>
    %select_n3A_1261 = arith.select %eq3A_1260, %broadcast_in_dim3A_15, %select_n3A_1259 : vector<16xi1>, vector<16xi32>
    %eq3A_1262 = arith.cmpf oeq, %gather3A_1249, %scan3A_1234#0 : vector<16xf32>
    %select_n3A_1263 = arith.select %eq3A_1262, %broadcast_in_dim3A_13, %select_n3A_1261 : vector<16xi1>, vector<16xi32>
    %eq3A_1264 = arith.cmpf oeq, %gather3A_1247, %scan3A_1234#0 : vector<16xf32>
    %select_n3A_1265 = arith.select %eq3A_1264, %broadcast_in_dim3A_11, %select_n3A_1263 : vector<16xi1>, vector<16xi32>
    %eq3A_1266 = arith.cmpf oeq, %gather3A_1245, %scan3A_1234#0 : vector<16xf32>
    %select_n3A_1267 = arith.select %eq3A_1266, %broadcast_in_dim3A_9, %select_n3A_1265 : vector<16xi1>, vector<16xi32>
    %eq3A_1268 = arith.cmpf oeq, %gather3A_1243, %scan3A_1234#0 : vector<16xf32>
    %select_n3A_1269 = arith.select %eq3A_1268, %broadcast_in_dim3A_7, %select_n3A_1267 : vector<16xi1>, vector<16xi32>
    %add3A_1270 = arith.addi %mul3A_1238, %select_n3A_1269 : vector<16xi32>
    %gather3A_1271 = tpu.vector_load_idx %arg7[%add3A_1270] : memref<360xi32, #tpu.memory_space<vmem>>[vector<16xi32>], vector<16xi32>,
    %convert_element_type3A_1272 = arith.sitofp %gather3A_1271 : vector<16xi32> to vector<16xf32>
    %swap3A_1273 = arith.constant 448 : index
    %swap3A_1274 = tpu.vector_load %arg8[%swap3A_1273] {strides = array<i32>} : memref<512xf32, #tpu.memory_space<vmem>>, vector<16xf32>,
    tpu.vector_store %arg8[%swap3A_1273], %convert_element_type3A_1272 {strides = array<i32>} : memref<512xf32, #tpu.memory_space<vmem>>, vector<16xf32>,
    %mul3A_1275 = arith.constant 8 : i32
    %mul3A_1276 = vector.broadcast %mul3A_1275 : i32 to vector<16xi32>
    %mul3A_1277 = arith.muli %scan3A_1234#3, %mul3A_1276 : vector<16xi32>
    %add3A_1278 = arith.constant 80 : i32
    %add3A_1279 = vector.broadcast %add3A_1278 : i32 to vector<16xi32>
    %add3A_1280 = arith.addi %add3A_1279, %iota3A : vector<16xi32>
    %add3A_1281 = arith.addi %mul3A_1277, %broadcast_in_dim3A_7 : vector<16xi32>
    %gather3A_1282 = tpu.vector_load_idx %arg6[%add3A_1281, %add3A_1280] : memref<360x128xf32, #tpu.memory_space<vmem>>[vector<16xi32>, vector<16xi32>], vector<16xf32>,
    %add3A_1283 = arith.addi %mul3A_1277, %broadcast_in_dim3A_9 : vector<16xi32>
    %gather3A_1284 = tpu.vector_load_idx %arg6[%add3A_1283, %add3A_1280] : memref<360x128xf32, #tpu.memory_space<vmem>>[vector<16xi32>, vector<16xi32>], vector<16xf32>,
    %add3A_1285 = arith.addi %mul3A_1277, %broadcast_in_dim3A_11 : vector<16xi32>
    %gather3A_1286 = tpu.vector_load_idx %arg6[%add3A_1285, %add3A_1280] : memref<360x128xf32, #tpu.memory_space<vmem>>[vector<16xi32>, vector<16xi32>], vector<16xf32>,
    %add3A_1287 = arith.addi %mul3A_1277, %broadcast_in_dim3A_13 : vector<16xi32>
    %gather3A_1288 = tpu.vector_load_idx %arg6[%add3A_1287, %add3A_1280] : memref<360x128xf32, #tpu.memory_space<vmem>>[vector<16xi32>, vector<16xi32>], vector<16xf32>,
    %add3A_1289 = arith.addi %mul3A_1277, %broadcast_in_dim3A_15 : vector<16xi32>
    %gather3A_1290 = tpu.vector_load_idx %arg6[%add3A_1289, %add3A_1280] : memref<360x128xf32, #tpu.memory_space<vmem>>[vector<16xi32>, vector<16xi32>], vector<16xf32>,
    %add3A_1291 = arith.addi %mul3A_1277, %broadcast_in_dim3A_17 : vector<16xi32>
    %gather3A_1292 = tpu.vector_load_idx %arg6[%add3A_1291, %add3A_1280] : memref<360x128xf32, #tpu.memory_space<vmem>>[vector<16xi32>, vector<16xi32>], vector<16xf32>,
    %add3A_1293 = arith.addi %mul3A_1277, %broadcast_in_dim3A_19 : vector<16xi32>
    %gather3A_1294 = tpu.vector_load_idx %arg6[%add3A_1293, %add3A_1280] : memref<360x128xf32, #tpu.memory_space<vmem>>[vector<16xi32>, vector<16xi32>], vector<16xf32>,
    %eq3A_1295 = arith.cmpf oeq, %gather3A_1294, %scan3A_1234#2 : vector<16xf32>
    %select_n3A_1296 = arith.select %eq3A_1295, %broadcast_in_dim3A_19, %broadcast_in_dim3A_21 : vector<16xi1>, vector<16xi32>
    %eq3A_1297 = arith.cmpf oeq, %gather3A_1292, %scan3A_1234#2 : vector<16xf32>
    %select_n3A_1298 = arith.select %eq3A_1297, %broadcast_in_dim3A_17, %select_n3A_1296 : vector<16xi1>, vector<16xi32>
    %eq3A_1299 = arith.cmpf oeq, %gather3A_1290, %scan3A_1234#2 : vector<16xf32>
    %select_n3A_1300 = arith.select %eq3A_1299, %broadcast_in_dim3A_15, %select_n3A_1298 : vector<16xi1>, vector<16xi32>
    %eq3A_1301 = arith.cmpf oeq, %gather3A_1288, %scan3A_1234#2 : vector<16xf32>
    %select_n3A_1302 = arith.select %eq3A_1301, %broadcast_in_dim3A_13, %select_n3A_1300 : vector<16xi1>, vector<16xi32>
    %eq3A_1303 = arith.cmpf oeq, %gather3A_1286, %scan3A_1234#2 : vector<16xf32>
    %select_n3A_1304 = arith.select %eq3A_1303, %broadcast_in_dim3A_11, %select_n3A_1302 : vector<16xi1>, vector<16xi32>
    %eq3A_1305 = arith.cmpf oeq, %gather3A_1284, %scan3A_1234#2 : vector<16xf32>
    %select_n3A_1306 = arith.select %eq3A_1305, %broadcast_in_dim3A_9, %select_n3A_1304 : vector<16xi1>, vector<16xi32>
    %eq3A_1307 = arith.cmpf oeq, %gather3A_1282, %scan3A_1234#2 : vector<16xf32>
    %select_n3A_1308 = arith.select %eq3A_1307, %broadcast_in_dim3A_7, %select_n3A_1306 : vector<16xi1>, vector<16xi32>
    %add3A_1309 = arith.addi %mul3A_1277, %select_n3A_1308 : vector<16xi32>
    %gather3A_1310 = tpu.vector_load_idx %arg7[%add3A_1309] : memref<360xi32, #tpu.memory_space<vmem>>[vector<16xi32>], vector<16xi32>,
    %convert_element_type3A_1311 = arith.sitofp %gather3A_1310 : vector<16xi32> to vector<16xf32>
    %swap3A_1312 = arith.constant 464 : index
    %swap3A_1313 = tpu.vector_load %arg8[%swap3A_1312] {strides = array<i32>} : memref<512xf32, #tpu.memory_space<vmem>>, vector<16xf32>,
    tpu.vector_store %arg8[%swap3A_1312], %convert_element_type3A_1311 {strides = array<i32>} : memref<512xf32, #tpu.memory_space<vmem>>, vector<16xf32>,
    %scan3A_1314 = arith.constant 0 : i32
    %scan3A_1315 = arith.constant 45 : i32
    %scan3A_1316 = arith.addi %scan3A_1314, %scan3A_1315 : i32
    %scan3A_1317 = arith.constant 1 : i32
    %scan3A_1318:4 = scf.for %scan3A_1398 = %scan3A_1314 to %scan3A_1316 step %scan3A_1317 iter_args(%scan3A_1399 = %broadcast_in_dim3A_3, %scan3A_1400 = %broadcast_in_dim3A_5, %scan3A_1401 = %broadcast_in_dim3A_3, %scan3A_1402 = %broadcast_in_dim3A_5) -> (vector<16xf32>, vector<16xi32>, vector<16xf32>, vector<16xi32>)  : i32 {
      %mul3A_1403 = arith.constant 8 : i32
      %mul3A_1404 = arith.muli %mul3A_1403, %scan3A_1398 : i32
      %broadcast_in_dim3A_1405 = vector.broadcast %scan3A_1398 : i32 to vector<16xi32>
      %add3A_1406 = arith.constant 0 : i32
      %add3A_1407 = arith.addi %mul3A_1404, %add3A_1406 : i32
      %get3A = arith.index_cast %add3A_1407 : i32 to index
      %get3A_1408 = arith.constant 96 : index
      %get3A_1409 = tpu.vector_load %arg6[%get3A, %get3A_1408] {strides = array<i32>} : memref<360x128xf32, #tpu.memory_space<vmem>>, vector<16xf32>,
      %add3A_1410 = arith.constant 1 : i32
      %add3A_1411 = arith.addi %mul3A_1404, %add3A_1410 : i32
      %get3A_1412 = arith.index_cast %add3A_1411 : i32 to index
      %get3A_1413 = arith.constant 96 : index
      %get3A_1414 = tpu.vector_load %arg6[%get3A_1412, %get3A_1413] {strides = array<i32>} : memref<360x128xf32, #tpu.memory_space<vmem>>, vector<16xf32>,
      %add3A_1415 = arith.constant 2 : i32
      %add3A_1416 = arith.addi %mul3A_1404, %add3A_1415 : i32
      %get3A_1417 = arith.index_cast %add3A_1416 : i32 to index
      %get3A_1418 = arith.constant 96 : index
      %get3A_1419 = tpu.vector_load %arg6[%get3A_1417, %get3A_1418] {strides = array<i32>} : memref<360x128xf32, #tpu.memory_space<vmem>>, vector<16xf32>,
      %add3A_1420 = arith.constant 3 : i32
      %add3A_1421 = arith.addi %mul3A_1404, %add3A_1420 : i32
      %get3A_1422 = arith.index_cast %add3A_1421 : i32 to index
      %get3A_1423 = arith.constant 96 : index
      %get3A_1424 = tpu.vector_load %arg6[%get3A_1422, %get3A_1423] {strides = array<i32>} : memref<360x128xf32, #tpu.memory_space<vmem>>, vector<16xf32>,
      %add3A_1425 = arith.constant 4 : i32
      %add3A_1426 = arith.addi %mul3A_1404, %add3A_1425 : i32
      %get3A_1427 = arith.index_cast %add3A_1426 : i32 to index
      %get3A_1428 = arith.constant 96 : index
      %get3A_1429 = tpu.vector_load %arg6[%get3A_1427, %get3A_1428] {strides = array<i32>} : memref<360x128xf32, #tpu.memory_space<vmem>>, vector<16xf32>,
      %add3A_1430 = arith.constant 5 : i32
      %add3A_1431 = arith.addi %mul3A_1404, %add3A_1430 : i32
      %get3A_1432 = arith.index_cast %add3A_1431 : i32 to index
      %get3A_1433 = arith.constant 96 : index
      %get3A_1434 = tpu.vector_load %arg6[%get3A_1432, %get3A_1433] {strides = array<i32>} : memref<360x128xf32, #tpu.memory_space<vmem>>, vector<16xf32>,
      %add3A_1435 = arith.constant 6 : i32
      %add3A_1436 = arith.addi %mul3A_1404, %add3A_1435 : i32
      %get3A_1437 = arith.index_cast %add3A_1436 : i32 to index
      %get3A_1438 = arith.constant 96 : index
      %get3A_1439 = tpu.vector_load %arg6[%get3A_1437, %get3A_1438] {strides = array<i32>} : memref<360x128xf32, #tpu.memory_space<vmem>>, vector<16xf32>,
      %add3A_1440 = arith.constant 7 : i32
      %add3A_1441 = arith.addi %mul3A_1404, %add3A_1440 : i32
      %get3A_1442 = arith.index_cast %add3A_1441 : i32 to index
      %get3A_1443 = arith.constant 96 : index
      %get3A_1444 = tpu.vector_load %arg6[%get3A_1442, %get3A_1443] {strides = array<i32>} : memref<360x128xf32, #tpu.memory_space<vmem>>, vector<16xf32>,
      %max3A = arith.maximumf %get3A_1409, %get3A_1414 : vector<16xf32>
      %max3A_1445 = arith.maximumf %get3A_1419, %get3A_1424 : vector<16xf32>
      %max3A_1446 = arith.maximumf %get3A_1429, %get3A_1434 : vector<16xf32>
      %max3A_1447 = arith.maximumf %get3A_1439, %get3A_1444 : vector<16xf32>
      %max3A_1448 = arith.maximumf %max3A, %max3A_1445 : vector<16xf32>
      %max3A_1449 = arith.maximumf %max3A_1446, %max3A_1447 : vector<16xf32>
      %max3A_1450 = arith.maximumf %max3A_1448, %max3A_1449 : vector<16xf32>
      %add3A_1451 = arith.constant 0 : i32
      %add3A_1452 = arith.addi %mul3A_1404, %add3A_1451 : i32
      %get3A_1453 = arith.index_cast %add3A_1452 : i32 to index
      %get3A_1454 = arith.constant 112 : index
      %get3A_1455 = tpu.vector_load %arg6[%get3A_1453, %get3A_1454] {strides = array<i32>} : memref<360x128xf32, #tpu.memory_space<vmem>>, vector<16xf32>,
      %add3A_1456 = arith.constant 1 : i32
      %add3A_1457 = arith.addi %mul3A_1404, %add3A_1456 : i32
      %get3A_1458 = arith.index_cast %add3A_1457 : i32 to index
      %get3A_1459 = arith.constant 112 : index
      %get3A_1460 = tpu.vector_load %arg6[%get3A_1458, %get3A_1459] {strides = array<i32>} : memref<360x128xf32, #tpu.memory_space<vmem>>, vector<16xf32>,
      %add3A_1461 = arith.constant 2 : i32
      %add3A_1462 = arith.addi %mul3A_1404, %add3A_1461 : i32
      %get3A_1463 = arith.index_cast %add3A_1462 : i32 to index
      %get3A_1464 = arith.constant 112 : index
      %get3A_1465 = tpu.vector_load %arg6[%get3A_1463, %get3A_1464] {strides = array<i32>} : memref<360x128xf32, #tpu.memory_space<vmem>>, vector<16xf32>,
      %add3A_1466 = arith.constant 3 : i32
      %add3A_1467 = arith.addi %mul3A_1404, %add3A_1466 : i32
      %get3A_1468 = arith.index_cast %add3A_1467 : i32 to index
      %get3A_1469 = arith.constant 112 : index
      %get3A_1470 = tpu.vector_load %arg6[%get3A_1468, %get3A_1469] {strides = array<i32>} : memref<360x128xf32, #tpu.memory_space<vmem>>, vector<16xf32>,
      %add3A_1471 = arith.constant 4 : i32
      %add3A_1472 = arith.addi %mul3A_1404, %add3A_1471 : i32
      %get3A_1473 = arith.index_cast %add3A_1472 : i32 to index
      %get3A_1474 = arith.constant 112 : index
      %get3A_1475 = tpu.vector_load %arg6[%get3A_1473, %get3A_1474] {strides = array<i32>} : memref<360x128xf32, #tpu.memory_space<vmem>>, vector<16xf32>,
      %add3A_1476 = arith.constant 5 : i32
      %add3A_1477 = arith.addi %mul3A_1404, %add3A_1476 : i32
      %get3A_1478 = arith.index_cast %add3A_1477 : i32 to index
      %get3A_1479 = arith.constant 112 : index
      %get3A_1480 = tpu.vector_load %arg6[%get3A_1478, %get3A_1479] {strides = array<i32>} : memref<360x128xf32, #tpu.memory_space<vmem>>, vector<16xf32>,
      %add3A_1481 = arith.constant 6 : i32
      %add3A_1482 = arith.addi %mul3A_1404, %add3A_1481 : i32
      %get3A_1483 = arith.index_cast %add3A_1482 : i32 to index
      %get3A_1484 = arith.constant 112 : index
      %get3A_1485 = tpu.vector_load %arg6[%get3A_1483, %get3A_1484] {strides = array<i32>} : memref<360x128xf32, #tpu.memory_space<vmem>>, vector<16xf32>,
      %add3A_1486 = arith.constant 7 : i32
      %add3A_1487 = arith.addi %mul3A_1404, %add3A_1486 : i32
      %get3A_1488 = arith.index_cast %add3A_1487 : i32 to index
      %get3A_1489 = arith.constant 112 : index
      %get3A_1490 = tpu.vector_load %arg6[%get3A_1488, %get3A_1489] {strides = array<i32>} : memref<360x128xf32, #tpu.memory_space<vmem>>, vector<16xf32>,
      %max3A_1491 = arith.maximumf %get3A_1455, %get3A_1460 : vector<16xf32>
      %max3A_1492 = arith.maximumf %get3A_1465, %get3A_1470 : vector<16xf32>
      %max3A_1493 = arith.maximumf %get3A_1475, %get3A_1480 : vector<16xf32>
      %max3A_1494 = arith.maximumf %get3A_1485, %get3A_1490 : vector<16xf32>
      %max3A_1495 = arith.maximumf %max3A_1491, %max3A_1492 : vector<16xf32>
      %max3A_1496 = arith.maximumf %max3A_1493, %max3A_1494 : vector<16xf32>
      %max3A_1497 = arith.maximumf %max3A_1495, %max3A_1496 : vector<16xf32>
      %gt3A = arith.cmpf ogt, %max3A_1450, %scan3A_1399 : vector<16xf32>
      %gt3A_1498 = arith.cmpf ogt, %max3A_1497, %scan3A_1401 : vector<16xf32>
      %max3A_1499 = arith.maximumf %max3A_1450, %scan3A_1399 : vector<16xf32>
      %max3A_1500 = arith.maximumf %max3A_1497, %scan3A_1401 : vector<16xf32>
      %select_n3A_1501 = arith.select %gt3A, %broadcast_in_dim3A_1405, %scan3A_1400 : vector<16xi1>, vector<16xi32>
      %select_n3A_1502 = arith.select %gt3A_1498, %broadcast_in_dim3A_1405, %scan3A_1402 : vector<16xi1>, vector<16xi32>
      scf.yield %max3A_1499, %select_n3A_1501, %max3A_1500, %select_n3A_1502 : vector<16xf32>, vector<16xi32>, vector<16xf32>, vector<16xi32>
    }
    %scan3A_1319 = arith.constant 45 : i32
    %mul3A_1320 = arith.constant 8 : i32
    %mul3A_1321 = vector.broadcast %mul3A_1320 : i32 to vector<16xi32>
    %mul3A_1322 = arith.muli %scan3A_1318#1, %mul3A_1321 : vector<16xi32>
    %add3A_1323 = arith.constant 96 : i32
    %add3A_1324 = vector.broadcast %add3A_1323 : i32 to vector<16xi32>
    %add3A_1325 = arith.addi %add3A_1324, %iota3A : vector<16xi32>
    %add3A_1326 = arith.addi %mul3A_1322, %broadcast_in_dim3A_7 : vector<16xi32>
    %gather3A_1327 = tpu.vector_load_idx %arg6[%add3A_1326, %add3A_1325] : memref<360x128xf32, #tpu.memory_space<vmem>>[vector<16xi32>, vector<16xi32>], vector<16xf32>,
    %add3A_1328 = arith.addi %mul3A_1322, %broadcast_in_dim3A_9 : vector<16xi32>
    %gather3A_1329 = tpu.vector_load_idx %arg6[%add3A_1328, %add3A_1325] : memref<360x128xf32, #tpu.memory_space<vmem>>[vector<16xi32>, vector<16xi32>], vector<16xf32>,
    %add3A_1330 = arith.addi %mul3A_1322, %broadcast_in_dim3A_11 : vector<16xi32>
    %gather3A_1331 = tpu.vector_load_idx %arg6[%add3A_1330, %add3A_1325] : memref<360x128xf32, #tpu.memory_space<vmem>>[vector<16xi32>, vector<16xi32>], vector<16xf32>,
    %add3A_1332 = arith.addi %mul3A_1322, %broadcast_in_dim3A_13 : vector<16xi32>
    %gather3A_1333 = tpu.vector_load_idx %arg6[%add3A_1332, %add3A_1325] : memref<360x128xf32, #tpu.memory_space<vmem>>[vector<16xi32>, vector<16xi32>], vector<16xf32>,
    %add3A_1334 = arith.addi %mul3A_1322, %broadcast_in_dim3A_15 : vector<16xi32>
    %gather3A_1335 = tpu.vector_load_idx %arg6[%add3A_1334, %add3A_1325] : memref<360x128xf32, #tpu.memory_space<vmem>>[vector<16xi32>, vector<16xi32>], vector<16xf32>,
    %add3A_1336 = arith.addi %mul3A_1322, %broadcast_in_dim3A_17 : vector<16xi32>
    %gather3A_1337 = tpu.vector_load_idx %arg6[%add3A_1336, %add3A_1325] : memref<360x128xf32, #tpu.memory_space<vmem>>[vector<16xi32>, vector<16xi32>], vector<16xf32>,
    %add3A_1338 = arith.addi %mul3A_1322, %broadcast_in_dim3A_19 : vector<16xi32>
    %gather3A_1339 = tpu.vector_load_idx %arg6[%add3A_1338, %add3A_1325] : memref<360x128xf32, #tpu.memory_space<vmem>>[vector<16xi32>, vector<16xi32>], vector<16xf32>,
    %eq3A_1340 = arith.cmpf oeq, %gather3A_1339, %scan3A_1318#0 : vector<16xf32>
    %select_n3A_1341 = arith.select %eq3A_1340, %broadcast_in_dim3A_19, %broadcast_in_dim3A_21 : vector<16xi1>, vector<16xi32>
    %eq3A_1342 = arith.cmpf oeq, %gather3A_1337, %scan3A_1318#0 : vector<16xf32>
    %select_n3A_1343 = arith.select %eq3A_1342, %broadcast_in_dim3A_17, %select_n3A_1341 : vector<16xi1>, vector<16xi32>
    %eq3A_1344 = arith.cmpf oeq, %gather3A_1335, %scan3A_1318#0 : vector<16xf32>
    %select_n3A_1345 = arith.select %eq3A_1344, %broadcast_in_dim3A_15, %select_n3A_1343 : vector<16xi1>, vector<16xi32>
    %eq3A_1346 = arith.cmpf oeq, %gather3A_1333, %scan3A_1318#0 : vector<16xf32>
    %select_n3A_1347 = arith.select %eq3A_1346, %broadcast_in_dim3A_13, %select_n3A_1345 : vector<16xi1>, vector<16xi32>
    %eq3A_1348 = arith.cmpf oeq, %gather3A_1331, %scan3A_1318#0 : vector<16xf32>
    %select_n3A_1349 = arith.select %eq3A_1348, %broadcast_in_dim3A_11, %select_n3A_1347 : vector<16xi1>, vector<16xi32>
    %eq3A_1350 = arith.cmpf oeq, %gather3A_1329, %scan3A_1318#0 : vector<16xf32>
    %select_n3A_1351 = arith.select %eq3A_1350, %broadcast_in_dim3A_9, %select_n3A_1349 : vector<16xi1>, vector<16xi32>
    %eq3A_1352 = arith.cmpf oeq, %gather3A_1327, %scan3A_1318#0 : vector<16xf32>
    %select_n3A_1353 = arith.select %eq3A_1352, %broadcast_in_dim3A_7, %select_n3A_1351 : vector<16xi1>, vector<16xi32>
    %add3A_1354 = arith.addi %mul3A_1322, %select_n3A_1353 : vector<16xi32>
    %gather3A_1355 = tpu.vector_load_idx %arg7[%add3A_1354] : memref<360xi32, #tpu.memory_space<vmem>>[vector<16xi32>], vector<16xi32>,
    %convert_element_type3A_1356 = arith.sitofp %gather3A_1355 : vector<16xi32> to vector<16xf32>
    %swap3A_1357 = arith.constant 480 : index
    %swap3A_1358 = tpu.vector_load %arg8[%swap3A_1357] {strides = array<i32>} : memref<512xf32, #tpu.memory_space<vmem>>, vector<16xf32>,
    tpu.vector_store %arg8[%swap3A_1357], %convert_element_type3A_1356 {strides = array<i32>} : memref<512xf32, #tpu.memory_space<vmem>>, vector<16xf32>,
    %mul3A_1359 = arith.constant 8 : i32
    %mul3A_1360 = vector.broadcast %mul3A_1359 : i32 to vector<16xi32>
    %mul3A_1361 = arith.muli %scan3A_1318#3, %mul3A_1360 : vector<16xi32>
    %add3A_1362 = arith.constant 112 : i32
    %add3A_1363 = vector.broadcast %add3A_1362 : i32 to vector<16xi32>
    %add3A_1364 = arith.addi %add3A_1363, %iota3A : vector<16xi32>
    %add3A_1365 = arith.addi %mul3A_1361, %broadcast_in_dim3A_7 : vector<16xi32>
    %gather3A_1366 = tpu.vector_load_idx %arg6[%add3A_1365, %add3A_1364] : memref<360x128xf32, #tpu.memory_space<vmem>>[vector<16xi32>, vector<16xi32>], vector<16xf32>,
    %add3A_1367 = arith.addi %mul3A_1361, %broadcast_in_dim3A_9 : vector<16xi32>
    %gather3A_1368 = tpu.vector_load_idx %arg6[%add3A_1367, %add3A_1364] : memref<360x128xf32, #tpu.memory_space<vmem>>[vector<16xi32>, vector<16xi32>], vector<16xf32>,
    %add3A_1369 = arith.addi %mul3A_1361, %broadcast_in_dim3A_11 : vector<16xi32>
    %gather3A_1370 = tpu.vector_load_idx %arg6[%add3A_1369, %add3A_1364] : memref<360x128xf32, #tpu.memory_space<vmem>>[vector<16xi32>, vector<16xi32>], vector<16xf32>,
    %add3A_1371 = arith.addi %mul3A_1361, %broadcast_in_dim3A_13 : vector<16xi32>
    %gather3A_1372 = tpu.vector_load_idx %arg6[%add3A_1371, %add3A_1364] : memref<360x128xf32, #tpu.memory_space<vmem>>[vector<16xi32>, vector<16xi32>], vector<16xf32>,
    %add3A_1373 = arith.addi %mul3A_1361, %broadcast_in_dim3A_15 : vector<16xi32>
    %gather3A_1374 = tpu.vector_load_idx %arg6[%add3A_1373, %add3A_1364] : memref<360x128xf32, #tpu.memory_space<vmem>>[vector<16xi32>, vector<16xi32>], vector<16xf32>,
    %add3A_1375 = arith.addi %mul3A_1361, %broadcast_in_dim3A_17 : vector<16xi32>
    %gather3A_1376 = tpu.vector_load_idx %arg6[%add3A_1375, %add3A_1364] : memref<360x128xf32, #tpu.memory_space<vmem>>[vector<16xi32>, vector<16xi32>], vector<16xf32>,
    %add3A_1377 = arith.addi %mul3A_1361, %broadcast_in_dim3A_19 : vector<16xi32>
    %gather3A_1378 = tpu.vector_load_idx %arg6[%add3A_1377, %add3A_1364] : memref<360x128xf32, #tpu.memory_space<vmem>>[vector<16xi32>, vector<16xi32>], vector<16xf32>,
    %eq3A_1379 = arith.cmpf oeq, %gather3A_1378, %scan3A_1318#2 : vector<16xf32>
    %select_n3A_1380 = arith.select %eq3A_1379, %broadcast_in_dim3A_19, %broadcast_in_dim3A_21 : vector<16xi1>, vector<16xi32>
    %eq3A_1381 = arith.cmpf oeq, %gather3A_1376, %scan3A_1318#2 : vector<16xf32>
    %select_n3A_1382 = arith.select %eq3A_1381, %broadcast_in_dim3A_17, %select_n3A_1380 : vector<16xi1>, vector<16xi32>
    %eq3A_1383 = arith.cmpf oeq, %gather3A_1374, %scan3A_1318#2 : vector<16xf32>
    %select_n3A_1384 = arith.select %eq3A_1383, %broadcast_in_dim3A_15, %select_n3A_1382 : vector<16xi1>, vector<16xi32>
    %eq3A_1385 = arith.cmpf oeq, %gather3A_1372, %scan3A_1318#2 : vector<16xf32>
    %select_n3A_1386 = arith.select %eq3A_1385, %broadcast_in_dim3A_13, %select_n3A_1384 : vector<16xi1>, vector<16xi32>
    %eq3A_1387 = arith.cmpf oeq, %gather3A_1370, %scan3A_1318#2 : vector<16xf32>
    %select_n3A_1388 = arith.select %eq3A_1387, %broadcast_in_dim3A_11, %select_n3A_1386 : vector<16xi1>, vector<16xi32>
    %eq3A_1389 = arith.cmpf oeq, %gather3A_1368, %scan3A_1318#2 : vector<16xf32>
    %select_n3A_1390 = arith.select %eq3A_1389, %broadcast_in_dim3A_9, %select_n3A_1388 : vector<16xi1>, vector<16xi32>
    %eq3A_1391 = arith.cmpf oeq, %gather3A_1366, %scan3A_1318#2 : vector<16xf32>
    %select_n3A_1392 = arith.select %eq3A_1391, %broadcast_in_dim3A_7, %select_n3A_1390 : vector<16xi1>, vector<16xi32>
    %add3A_1393 = arith.addi %mul3A_1361, %select_n3A_1392 : vector<16xi32>
    %gather3A_1394 = tpu.vector_load_idx %arg7[%add3A_1393] : memref<360xi32, #tpu.memory_space<vmem>>[vector<16xi32>], vector<16xi32>,
    %convert_element_type3A_1395 = arith.sitofp %gather3A_1394 : vector<16xi32> to vector<16xf32>
    %swap3A_1396 = arith.constant 496 : index
    %swap3A_1397 = tpu.vector_load %arg8[%swap3A_1396] {strides = array<i32>} : memref<512xf32, #tpu.memory_space<vmem>>, vector<16xf32>,
    tpu.vector_store %arg8[%swap3A_1396], %convert_element_type3A_1395 {strides = array<i32>} : memref<512xf32, #tpu.memory_space<vmem>>, vector<16xf32>,
    "tpu.region"() ({
      %run_scoped3A = tpu.sem_alloc : memref<!tpu.dma_semaphore, #tpu.memory_space<semaphore_mem>>
      %dma_start3A_1398 = tpu.memref_slice %arg4[%mul3A_2] : memref<16384xf32, #tpu.memory_space<hbm>> -> memref<512xf32, #tpu.memory_space<hbm>>
      %dma_start3A_1399 = tpu.memref_slice %arg4[%mul3A_2] : memref<16384xf32, #tpu.memory_space<hbm>> -> memref<512xf32, #tpu.memory_space<hbm>>
      tpu.enqueue_dma source(%arg8 : memref<512xf32, #tpu.memory_space<vmem>>) target(%dma_start3A_1399 : memref<512xf32, #tpu.memory_space<hbm>>) target_semaphore(%run_scoped3A : memref<!tpu.dma_semaphore, #tpu.memory_space<semaphore_mem>>)
      %dma_wait3A_1400 = tpu.memref_slice %arg4[%mul3A_2] : memref<16384xf32, #tpu.memory_space<hbm>> -> memref<512xf32, #tpu.memory_space<hbm>>
      %dma_wait3A_1401 = tpu.memref_slice %arg4[%mul3A_2] : memref<16384xf32, #tpu.memory_space<hbm>> -> memref<512xf32, #tpu.memory_space<hbm>>
      tpu.wait_dma2 semaphore(%run_scoped3A : memref<!tpu.dma_semaphore, #tpu.memory_space<semaphore_mem>>) src(%arg8 : memref<512xf32, #tpu.memory_space<vmem>>) dst(%dma_wait3A_1401 : memref<512xf32, #tpu.memory_space<hbm>>)
      tpu.yield
    }) : () -> ()
    return
  }
}

</mosaic_0001>

<sc_bundles>
// kernel: kernel.3.cloned.1.call-start
scs
__scs_entry_jumppad:
0x0: {  	(pc) =	sbr.rel $0x88, $3  }
0x1: {  	(tag) =	ssettag $0x0;
	lr =	simm.s32 $0x1  }
0x2: {  	[smem:$0x3F9F] =	sst lr;
	_ =	strace $0xD0000000  }
0x3: {  	_ = 	snop  }
0x4: {  	_ = 	snop  }
0x5: {  	_ = 	snop  }
0x6: {  	_ = 	snop  }
0x7: {  	_ = 	snop  }
__scs_overlays_trampoline_lowered:
0x8: {  	[smem:$0x3FAE] =	sst s0  }
0x9: {  	[smem:$0x3FAF] =	sst s1  }
0xa: {  	[smem:$0x3FB0] =	sst s2  }
0xb: {  	[smem:$0x3FB1] =	sst s3  }
0xc: {  	[smem:$0x3FB2] =	sst s4  }
0xd: {  	[smem:$0x3FB3] =	sst s5  }
0xe: {  	[smem:$0x3FB4] =	sst s6  }
0xf: {  	[smem:$0x3FB5] =	sst s7  }
0x10: {  	[smem:$0x3FB6] =	sst s8  }
0x11: {  	[smem:$0x3FB7] =	sst s9;
	s0 =	simm.s32 @!p0 $0x0  }
0x12: {  	s1 =	sld [smem:$0x3F9D];
	s0 =	simm.s32 @p0 $0x1  }
0x13: {  	[smem:$0x3FB8] =	sst s0;
	s0 =	simm.s32 @!p1 $0x0  }
0x14: {  	s2 =	sld [smem:$0x3F9C];
	s0 =	simm.s32 @p1 $0x1  }
0x15: {  	[smem:$0x3FB9] =	sst s0;
	s0 =	simm.s32 @!p2 $0x0  }
0x16: {  	s3 =	sld [smem:$0x3FDB];
	s0 =	simm.s32 @p2 $0x1  }
0x17: {  	s4 =	simm.s32 $0x1BF5;
	[smem:$0x3FBB] =	sst s0  }
0x18: {  	s0 =	sld [smem:$0x3F9E];
	_ =	swait.ge [sflag:s4], $0x0  }
0x19: {  	s7 =	sld [smem:$0x3F9F]  }
0x1a: {  	s8 =	sadd.s32 $0xFFFFE003, lr  }
0x1b: {  	s9 =	sadd.s32 $0xFFFFFEF7, lr;
	s5 =	simm.s32 $0xFFFFFFFF;
	p2 =	slt.u32 s8, $0xFFFFF086  }
0x1c: {  	p1 =	slt.u32 s9, $0xF7A;
	s5 =	simm.s32 @!p2 $0x0  }
0x1d: {  	s5 =	simm.s32 @p1 $0x1;
	p0 =	seq.s32 s7, s2  }
0x1e: {  	s7 =	smul.u32 @!p0 $0xF7A, s2;
	p2 =	seq.s32 @!p0 s5, $0x0  }
0x1f: {  	s9 =	smul.u32 $0xF7A, s1;
	s8 =	simm.s32 @!p0 $0x1BF5;
	p2 =	por !p2, p0  }
0x20: {  	[sflag:s8] =	ssyncset.s32 @!p0 $0xFFFFF086;
	s6 =	sadd.s32 @!p0 s3, s7;
	s7 =	simm.s32 @!p0 $0x108  }
0x21: {  	s3 =	sadd.s32 s3, s9;
	s6 =	sadd.s32 @!p0 $0x88, s6;
	s7 =	simm.s32 @p2 $0x1082  }
0x22: {  	[simem:s7], [sflag:s8] =	dma.local @!p0 [hbm:s6], $0xF7A  }
0x23: {  	s9 =	sor.u32 $0xD0000000, s2;
	s6 =	simm.s32 $0x108;
	_ =	swait.ge @!p0 [sflag:s8], $0x0  }
0x24: {  	s3 =	sadd.s32 $0x88, s3;
	s6 =	simm.s32 @!p1 $0x1082;
	[sflag:s4] =	ssyncset.s32 $0xFFFFF086  }
0x25: {  	[simem:s6], [sflag:s4] =	dma.local [hbm:s3], $0xF7A  }
0x26: {  	[smem:$0x3F9F] =	sst s1;
	(tag) =	ssettag s2;
	_ =	strace s9  }
0x27: {  	s1 =	sld [smem:$0x3FAF]  }
0x28: {  	s2 =	sld [smem:$0x3FB0]  }
0x29: {  	s4 =	sld [smem:$0x3FB2]  }
0x2a: {  	p0 =	seq.s32 s5, $0x0;
	s5 =	sld [smem:$0x3FB3]  }
0x2b: {  	s6 =	sld [smem:$0x3FB4]  }
0x2c: {  	s7 =	sld [smem:$0x3FB5]  }
0x2d: {  	s3 =	simm.s32 $0x108;
	s8 =	sld [smem:$0x3FB6]  }
0x2e: {  	s3 =	simm.s32 @!p0 $0x1082;
	s9 =	sld [smem:$0x3FB7]  }
0x2f: {  	lr =	sadd.s32 s0, s3;
	s0 =	sld [smem:$0x3FAE]  }
0x30: {  	s3 =	sld [smem:$0x3FB1]  }
0x31: {  	[smem:$0x3FBA] =	sst s10  }
0x32: {  	s10 =	sld [smem:$0x3FB8];
	_ =	sdelay $0x3  }
0x33: {  	p0 =	seq.s32 s10, $0x1;
	s10 =	sld [smem:$0x3FBA];
	_ =	sdelay $0x3  }
0x34: {  	[smem:$0x3FBA] =	sst s10  }
0x35: {  	s10 =	sld [smem:$0x3FB9];
	_ =	sdelay $0x3  }
0x36: {  	p1 =	seq.s32 s10, $0x1;
	s10 =	sld [smem:$0x3FBA];
	_ =	sdelay $0x3  }
0x37: {  	[smem:$0x3FBA] =	sst s10  }
0x38: {  	s10 =	sld [smem:$0x3FBB]  }
0x39: {  	_ = 	snop;
	(pc) =	sbr.ind lr, $3  }
0x3a: {  	_ = 	snop  }
0x3b: {  	_ = 	snop  }
0x3c: {  	p2 =	seq.s32 s10, $0x1;
	s10 =	sld [smem:$0x3FBA]  }
0x3d: {  	_ =	shalt  }
0x3e: {  	_ =	shalt  }
0x3f: {  	_ =	shalt  }
0x40: {  	_ =	shalt  }
0x41: {  	_ =	shalt  }
0x42: {  	_ =	shalt  }
0x43: {  	_ =	shalt  }
0x44: {  	_ =	shalt  }
0x45: {  	_ =	shalt  }
0x46: {  	_ =	shalt  }
0x47: {  	_ =	shalt  }
0x48: {  	_ =	shalt  }
0x49: {  	_ =	shalt  }
0x4a: {  	_ =	shalt  }
0x4b: {  	_ =	shalt  }
0x4c: {  	_ =	shalt  }
0x4d: {  	_ =	shalt  }
0x4e: {  	_ =	shalt  }
0x4f: {  	_ =	shalt  }
0x50: {  	_ =	shalt  }
0x51: {  	_ =	shalt  }
0x52: {  	_ =	shalt  }
0x53: {  	_ =	shalt  }
0x54: {  	_ =	shalt  }
0x55: {  	_ =	shalt  }
0x56: {  	_ =	shalt  }
0x57: {  	_ =	shalt  }
0x58: {  	_ =	shalt  }
0x59: {  	_ =	shalt  }
0x5a: {  	_ =	shalt  }
0x5b: {  	_ =	shalt  }
0x5c: {  	_ =	shalt  }
0x5d: {  	_ =	shalt  }
0x5e: {  	_ =	shalt  }
0x5f: {  	_ =	shalt  }
0x60: {  	_ =	shalt  }
0x61: {  	_ =	shalt  }
0x62: {  	_ =	shalt  }
0x63: {  	_ =	shalt  }
0x64: {  	_ =	shalt  }
0x65: {  	_ =	shalt  }
0x66: {  	_ =	shalt  }
0x67: {  	_ =	shalt  }
0x68: {  	_ =	shalt  }
0x69: {  	_ =	shalt  }
0x6a: {  	_ =	shalt  }
0x6b: {  	_ =	shalt  }
0x6c: {  	_ =	shalt  }
0x6d: {  	_ =	shalt  }
0x6e: {  	_ =	shalt  }
0x6f: {  	_ =	shalt  }
0x70: {  	_ =	shalt  }
0x71: {  	_ =	shalt  }
0x72: {  	_ =	shalt  }
0x73: {  	_ =	shalt  }
0x74: {  	_ =	shalt  }
0x75: {  	_ =	shalt  }
0x76: {  	_ =	shalt  }
0x77: {  	_ =	shalt  }
0x78: {  	_ =	shalt  }
0x79: {  	_ =	shalt  }
0x7a: {  	_ =	shalt  }
0x7b: {  	_ =	shalt  }
0x7c: {  	_ =	shalt  }
0x7d: {  	_ =	shalt  }
0x7e: {  	_ =	shalt  }
0x7f: {  	_ =	shalt  }
0x80: {  	_ =	shalt  }
0x81: {  	_ =	shalt  }
0x82: {  	_ =	shalt  }
0x83: {  	_ =	shalt  }
0x84: {  	_ =	shalt  }
0x85: {  	_ =	shalt  }
0x86: {  	_ =	shalt  }
0x87: {  	_ =	shalt  }
.Lfunc_end0:
.L_simem_size_0:
called_computation_lowered:
.L_overlay_start_0:
0x88: {  	s2 =	sld [smem:$0x3FD9]  }
0x89: {  	s3 =	sld [smem:$0x3FFE];
	_ =	sdelay $0x1  }
0x8a: {  	s1 =	srdreg.scid  }
0x8b: {  	s0 =	sand.u32 $0x1, s1  }
0x8c: {  	s18 =	sshll.u32 s0, $0xA;
	s2 =	sadd.s32 s3, s2  }
0x8d: {  	s2 =	sadd.s32 s2, s18  }
0x8e: {  	[smem:$0x3FC6] =	sst s2  }
0x8f: {  	_ = 	snop  }
0x90: {  	s2 =	sld [smem:$0x3FC9]  }
0x91: {  	s19 =	sld [smem:$0x3FC8]  }
0x92: {  	s4 =	sld [smem:$0x3FD0];
	(tm) =	ssettm $0x1  }
0x93: {  	s5 =	sld [smem:$0x3FFB];
	_ =	sdelay $0x3  }
0x94: {  	_ =	strace s5  }
0x95: {  	s5 =	sld [smem:$0x3FFC];
	_ =	sdelay $0x3  }
0x96: {  	_ =	strace s5  }
0x97: {  	s5 =	sld [smem:$0x3FFD];
	_ =	sdelay $0x3  }
0x98: {  	_ =	strace s5  }
0x99: {  	_ =	strace $0x8FFFFFFF  }
0x9a: {  	s20 =	sld [smem:$0x3FDB];
	_ =	sdelay $0x1  }
0x9b: {  	s6 =	simm.s32 $_scs_section_size  }
0x9c: {  	s7 =	simm.s32 $_size__tile_overlayer_lowered;
	s8 =	simm.s32 $_tile_overlayer_lowered  }
0x9d: {  	s23 =	simm.s32 $0x1BFF;
	s22 =	sshll.u32 s8, $0x1;
	s5 =	sadd.s32 s6, s20  }
0x9e: {  	s9 =	simm.s32 $0x0;
	s21 =	sshll.u32 s7, $0x1;
	s7 =	sadd.s32 s22, s5  }
0x9f: {  	[timem:s9], [sflag:s23] =	dma.local [hbm:s7], s21  }
0xa0: {  	_ =	swait.ge [sflag:s23], s21  }
0xa1: {  	s6 =	ssub.s32 $0x0, s21;
	[sflag:s23] =	ssyncset.done $0x0  }
0xa2: {  	[sflag:s23] =	ssyncadd.s32 s6;
	_ =	sdelay $0x1  }
0xa3: {  	s24 =	simm.s32 $0x1B8B  }
0xa4: {  	_ =	swait.ge [sflag:s24], $0x1  }
0xa5: {  	[sflag:s24] =	ssyncset.done $0x0  }
0xa6: {  	s25 =	simm.s32 $0x1B8E;
	[sflag:s24] =	ssyncadd.s32 $0xFFFFFFFF  }
0xa7: {  	s26 =	simm.s32 $execute0_lowered;
	[smem:$0x3FD2] =	sst s25  }
0xa8: {  	s6 =	sshll.u32 s26, $0x1;
	_ =	strace $0x80000046;
	[dreg:$0x1] =	wrdreg $0xFFFFFFFF  }
0xa9: {  	s28 =	simm.s32 $_size_execute0_lowered;
	s5 =	sadd.s32 s5, s6;
	[dreg:$0x0] =	wrdreg $0x0  }
0xaa: {  	s6 =	sshll.u32 s28, $0x1;
	[dreg:$0x2] =	wrdreg s5  }
0xab: {  	[dreg:$0x3] =	wrdreg s6  }
0xac: {  	[dreg:$0x4] =	wrdreg $0xC0  }
0xad: {  	_ =	task [dreg:s9], $0x5FFFF  }
0xae: {  	[dreg:$0x1] =	wrdreg $0xFFFFFFFF  }
0xaf: {  	[dreg:$0x0] =	wrdreg $0x60  }
0xb0: {  	[dreg:$0x2] =	wrdreg s2  }
0xb1: {  	[dreg:$0x3] =	wrdreg s19  }
0xb2: {  	[dreg:$0x4] =	wrdreg s4  }
0xb3: {  	[dreg:$0x5] =	wrdreg $0x9  }
0xb4: {  	_ =	task.clear_ibuf [dreg:s9], $0x6FFFF;
	_ =	strace $0x90000046  }
0xb5: {  	s29 =	simm.s32 $0x9;
	_ =	strace $0x80000048  }
0xb6: {  	_ =	swait.ge [sflag:s29], $0x1  }
0xb7: {  	[sflag:s29] =	ssyncadd.s32 $0xFFFFFFFF  }
0xb8: {  	_ =	strace $0x90000048  }
0xb9: {  	_ =	sfence  }
0xba: {  	s30 =	sld [smem:$0x0];
	_ =	sdelay $0x2  }
0xbb: {  	s31 =	sshll.u32 s1, $0xD;
	s1 =	sshrl.u32 s1, $0x2  }
0xbc: {  	s3 =	sand.u32 $0x4000, s31;
	s1 =	sadd.s32 s1, s30  }
0xbd: {  	s0 =	sor.u32 s3, s0;
	s1 =	sshll.u32 s1, $0x11  }
0xbe: {  	s0 =	sor.u32 s1, s0  }
0xbf: {  	s0 =	sadd.s32 $0x8F2B, s0  }
0xc0: {  	[sflag:s0] =	ssyncadd.remote.s32 $0x1  }
0xc1: {  	_ =	sfence.sel $0xFFFF  }
0xc2: {  	[dreg:$0x0] =	wrdreg $0xFFFFFFFF;
	(pc) =	sbr.abs _section_cstart, $3  }
0xc3: {  	[dreg:$0x1] =	wrdreg $0xFFFFFFFF  }
0xc4: {  	_ =	task.clear_ibuf [dreg:s9], $0x2FFFF;
	_ =	strace $0x9FFFFFFF  }
0xc5: {  	(tm) =	ssettm $0x7FFFFFFF  }
tec
execute0_lowered:
.L_overlay_start_1:
0x0: {  	(tag) =	ssettag $0x1  }
0x1: {  	v0 =	vlaneseq.u32  }
0x2: {  	v7 =	vimm.s32 $0x7;
	v1 =	vor.u32 $0x80, v0  }
0x3: {  	v14 =	vor.u32 $0x310, v0;
	v15 =	vor.u32 $0x20, v0;
	v16 =	vor.u32 $0xA0, v0  }
0x4: {  	v17 =	vor.u32 $0x120, v0;
	v18 =	vor.u32 $0x1A0, v0;
	v19 =	vor.u32 $0x220, v0  }
0x5: {  	v20 =	vor.u32 $0x2A0, v0;
	v21 =	vor.u32 $0x320, v0;
	v22 =	vor.u32 $0x30, v0  }
0x6: {  	v23 =	vor.u32 $0xB0, v0;
	v24 =	vor.u32 $0x130, v0;
	v25 =	vor.u32 $0x1B0, v0  }
0x7: {  	s4 =	rddreg [dreg:$0x0];
	v26 =	vor.u32 $0x230, v0;
	v27 =	vor.u32 $0x2B0, v0;
	[tilespmem:$0x1FF40] =	vst v1;
	v1 =	vor.u32 $0x100, v0  }
0x8: {  	s0 =	rddreg [dreg:$0x1];
	v28 =	vor.u32 $0x330, v0;
	v29 =	vor.u32 $0x40, v0;
	[tilespmem:$0x1FF50] =	vst v1;
	v1 =	vor.u32 $0x180, v0  }
0x9: {  	s8 =	rddreg [dreg:$0x2];
	v30 =	vor.u32 $0xC0, v0;
	v31 =	vor.u32 $0x140, v0;
	[tilespmem:$0x1FF60] =	vst v1;
	v1 =	vor.u32 $0x200, v0  }
0xa: {  	s1 =	rddreg [dreg:$0x3];
	s5 =	srdreg.scid;
	v32 =	vor.u32 $0x1C0, v0;
	v33 =	vor.u32 $0x240, v0;
	[tilespmem:$0x1FF70] =	vst v1;
	v1 =	vor.u32 $0x280, v0  }
0xb: {  	s3 =	simm.s32 $0x0;
	s2 =	stileid.u32;
	s12 =	simm.s32 $0x400;
	v34 =	vor.u32 $0x2C0, v0;
	v35 =	vor.u32 $0x340, v0;
	[tilespmem:$0x1FF80] =	vst v1;
	v1 =	vor.u32 $0x300, v0  }
0xc: {  	s11 =	simm.s32 $0x3;
	s13 =	simm.s32 $0x20000;
	s14 =	simm.s32 $0xB400;
	v36 =	vor.u32 $0x50, v0;
	v37 =	vor.u32 $0xD0, v0;
	[tilespmem:$0x1FF90] =	vst v1;
	v1 =	vor.u32 $0x10, v0  }
0xd: {  	s15 =	simm.s32 $0x1;
	s16 =	simm.s32 $0x2;
	s5 =	sand.u32 $0x1, s5;
	v38 =	vor.u32 $0x150, v0;
	v39 =	vor.u32 $0x1D0, v0;
	[tilespmem:$0x1FFA0] =	vst v1;
	v1 =	vor.u32 $0x90, v0  }
0xe: {  	s7 =	sshll.u32 s2, $0xA;
	v40 =	vor.u32 $0x250, v0;
	v41 =	vor.u32 $0x2D0, v0;
	s6 =	ssub.s32 $0x2, s5;
	s5 =	sshll.u32 s5, $0x9;
	[tilespmem:$0x1FFB0] =	vst v1;
	v1 =	vor.u32 $0x110, v0  }
0xf: {  	s17 =	simm.s32 $0x16980;
	s18 =	simm.s32 $0x0;
	v42 =	vor.u32 $0x350, v0;
	v43 =	vor.u32 $0x60, v0;
	s7 =	sor.u32 s5, s7;
	[tilespmem:$0x1FFC0] =	vst v1;
	v1 =	vor.u32 $0x190, v0  }
0x10: {  	[smem:$0x7FF] =	sst s3;
	v44 =	vor.u32 $0xE0, v0;
	v45 =	vor.u32 $0x160, v0;
	s9 =	sshrl.u32 s6, $0x1;
	s4 =	sadd.s32 s4, s7;
	[tilespmem:$0x1FFD0] =	vst v1;
	v1 =	vor.u32 $0x210, v0  }
0x11: {  	v46 =	vor.u32 $0x1E0, v0;
	v47 =	vor.u32 $0x260, v0;
	s9 =	ssub.s32 s6, s9;
	s10 =	sshrl.u32 s7, $0x3;
	s5 =	sadd.s32 $0x80, s4;
	[tilespmem:$0x1FFE0] =	vst v1;
	v1 =	vor.u32 $0x290, v0  }
0x12: {  	v48 =	vor.u32 $0x2E0, v0;
	v49 =	vor.u32 $0x360, v0;
	v50 =	vor.u32 $0x70, v0;
	s6 =	sadd.s32 $0x100, s4;
	s7 =	sadd.s32 $0x180, s4;
	s8 =	sadd.s32 s8, s10;
	[tilespmem:$0x1FFF0] =	vst v1  }
0x13: {  	v51 =	vor.u32 $0xF0, v0;
	v52 =	vor.u32 $0x170, v0;
	v53 =	vor.u32 $0x1F0, v0;
	s9 =	smax.u32 s9, $0x1;
	s10 =	simm.s32 $0x16800;
	_ =	strace $0x80000047  }
.LBB2_1:
0x14: {  	[tilespmem:s10], [sflag:$0x3] =	stream.linear.gather [hbm4b:s0+s3], $0x180, $0x38;
	[tilespmem:$0x16B80] =	vst v63  }
0x15: {  	_ =	swait.ge [sflag:s11], $0x180  }
0x16: {  	[sflag:s11] =	ssyncset.done $0x0  }
0x17: {  	[sflag:s11] =	ssyncadd.s32 $0xFFFFFE80  }
0x18: {  	[tilespmem:s3], [sflag:$0x1] =	stream.strided.gather [hbm4b:s4+s12], $0xB400, s13, s12, $0x38;
	[tilespmem:$0x16B80] =	vst v63  }
0x19: {  	_ = 	snop  }
0x1a: {  	[tilespmem:s14], [sflag:$0x2] =	stream.strided.gather [hbm4b:s5+s12], $0xB400, s13, s12, $0x38;
	[tilespmem:$0x16B80] =	vst v63  }
0x1b: {  	_ =	swait.ge [sflag:s15], $0xB400  }
0x1c: {  	[sflag:s15] =	ssyncset.done $0x0  }
0x1d: {  	s20 =	simm.s32 $0x200;
	[sflag:s15] =	ssyncadd.s32 $0xFFFF4C00  }
0x1e: {  	v55 =	vld [tilespmem:s20+$0xFFFFFE10]  }
0x1f: {  	v2 =	vld [tilespmem:s20+$0xFFFFFE00]  }
0x20: {  	v3 =	vld [tilespmem:s20+$0x190]  }
0x21: {  	v6 =	vld [tilespmem:s20+$0xFFFFFE80]  }
0x22: {  	v8 =	vld [tilespmem:s20+$0x0]  }
0x23: {  	v9 =	vld [tilespmem:s20+$0x110]  }
0x24: {  	v54 =	vld [tilespmem:s20+$0x80]  }
0x25: {  	v57 =	vld [tilespmem:s20+$0xFFFFFF90]  }
0x26: {  	v56 =	vld [tilespmem:s20+$0x100]  }
0x27: {  	v62 =	vld [tilespmem:s20+$0x180]  }
0x28: {  	v60 =	vld [tilespmem:s20+$0x90]  }
0x29: {  	v4 =	vld [tilespmem:s20+$0xFFFFFF80]  }
0x2a: {  	v5 =	vld [tilespmem:s20+$0xFFFFFF00]  }
0x2b: {  	v58 =	vimm.f32 $-Inf;
	v1 =	vimm.s32 $0x0;
	v61 =	vld [tilespmem:s20+$0x10];
	v59 =	vmax.f32 v9, v3  }
0x2c: {  	v3 =	vmax.f32 v8, v54;
	v6 =	vmax.f32 v2, v6;
	v8 =	vmax.f32 v56, v62;
	v2 =	vld [tilespmem:s20+$0xFFFFFF10]  }
0x2d: {  	s19 =	simm.s32 $0x1;
	s21 =	simm.s32 $0x600;
	v54 =	vimm.f32 $-Inf;
	v56 =	vimm.s32 $0x0;
	v8 =	vmax.f32 v3, v8;
	v3 =	vld [tilespmem:s20+$0xFFFFFE90];
	s20 =	simm.s32 $0x0  }
.LBB2_2:
0x2e: {  	v9 =	vld [tilespmem:s21+$0xFFFFFE10];
	p0 =	sne.s32 s19, $0x2C;
	s22 =	smov.u32 s19;
	s19 =	sadd.s32 $0x1, s19  }
0x2f: {  	v62 =	vld [tilespmem:s21+$0xFFFFFE00]  }
0x30: {  	v4 =	vmax.f32 v5, v4;
	v63 =	vld [tilespmem:s21+$0x190];
	v5 =	vmax.f32 v61, v60  }
0x31: {  	v4 =	vmax.f32 v6, v4;
	v61 =	vld [tilespmem:s21+$0xFFFFFE80];
	v2 =	vmax.f32 v2, v57  }
0x32: {  	v4 =	vmax.f32 v4, v8;
	v5 =	vmax.f32 v5, v59;
	v6 =	vld [tilespmem:s21+$0x0];
	v3 =	vmax.f32 v55, v3  }
0x33: {  	vm0 =	vgt.f32 v4, v58;
	v58 =	vmax.f32 v4, v58;
	v8 =	vld [tilespmem:s21+$0x110];
	v2 =	vmax.f32 v3, v2;
	v55 =	vmovc v9  }
0x34: {  	v1 =	vsel vm0, s20, v1;
	v3 =	vld [tilespmem:s21+$0x80];
	v2 =	vmax.f32 v2, v5  }
0x35: {  	v57 =	vld [tilespmem:s21+$0xFFFFFF90];
	vm0 =	vgt.f32 v2, v54;
	v54 =	vmax.f32 v2, v54  }
0x36: {  	v2 =	vld [tilespmem:s21+$0x100];
	v56 =	vsel vm0, s20, v56;
	s20 =	smov.u32 s22  }
0x37: {  	v9 =	vld [tilespmem:s21+$0x180]  }
0x38: {  	v60 =	vld [tilespmem:s21+$0x90];
	v59 =	vmax.f32 v8, v63  }
.Ltmp0:
0x39: {  	v4 =	vld [tilespmem:s21+$0xFFFFFF80];
	v3 =	vmax.f32 v6, v3;
	(pc) =	sbr.rel @p0 .LBB2_2-.Ltmp0, $4  }
0x3a: {  	v6 =	vmax.f32 v62, v61;
	v5 =	vld [tilespmem:s21+$0xFFFFFF00]  }
0x3b: {  	v61 =	vld [tilespmem:s21+$0x10]  }
0x3c: {  	v8 =	vmax.f32 v2, v9;
	v2 =	vld [tilespmem:s21+$0xFFFFFF10]  }
0x3d: {  	v8 =	vmax.f32 v3, v8;
	v3 =	vld [tilespmem:s21+$0xFFFFFE90];
	s21 =	sadd.s32 $0x400, s21  }
0x3e: {  	_ = 	snop  }
0x3f: {  	v4 =	vmax.f32 v5, v4  }
0x40: {  	v10 =	vld [tilespmem:$0x1FF60];
	v4 =	vmax.f32 v6, v4  }
0x41: {  	v4 =	vmax.f32 v4, v8  }
0x42: {  	vm0 =	vgt.f32 v4, v58  }
0x43: {  	v1 =	vsel vm0, s20, v1  }
0x44: {  	v6 =	vld [tilespmem:$0x1FF90];
	v5 =	vshll.u32 v1, $0xA  }
0x45: {  	v62 =	vor.u32 v10, v5;
	v10 =	vld [tilespmem:$0x1FF50]  }
0x46: {  	v8 =	vld [tilespmem:$0x1FF80]  }
0x47: {  	v9 =	vld [tilespmem:$0x1FF70];
	_ =	sdelay $0x2  }
0x48: {  	v6 =	vor.u32 v6, v5;
	v63 =	vor.u32 v10, v5;
	v10 =	vld [tilespmem:$0x1FF40]  }
0x49: {  	v8 =	vor.u32 v8, v5  }
0x4a: {  	v9 =	vor.u32 v9, v5;
	_ =	sdelay $0x1  }
0x4b: {  	s19 =	simm.s32 $0x0  }
0x4c: {  	v6 =	vld.idx.msk [tilespmem:v6+s19+$0x0], $0xffff;
	v10 =	vor.u32 v10, v5  }
0x4d: {  	v8 =	vld.idx.msk [tilespmem:v8+s19+$0x0], $0xffff;
	v5 =	vor.u32 v0, v5  }
0x4e: {  	v9 =	vld.idx.msk [tilespmem:v9+s19+$0x0], $0xffff  }
0x4f: {  	v62 =	vld.idx.msk [tilespmem:v62+s19+$0x0], $0xffff  }
0x50: {  	v4 =	vmax.f32 v4, v58;
	v63 =	vld.idx.msk [tilespmem:v63+s19+$0x0], $0xffff  }
0x51: {  	vm13 =	veq.f32 v6, v4;
	v10 =	vld.idx.msk [tilespmem:v10+s19+$0x0], $0xffff  }
0x52: {  	v6 =	vsel vm13, $0x6, v7;
	vm14 =	veq.f32 v8, v4;
	v5 =	vld.idx.msk [tilespmem:v5+s19+$0x0], $0xffff  }
0x53: {  	vm15 =	veq.f32 v9, v4;
	v6 =	vsel vm14, $0x5, v6  }
0x54: {  	vm4 =	veq.f32 v62, v4;
	v6 =	vsel vm15, $0x4, v6  }
0x55: {  	v6 =	vsel vm4, $0x3, v6;
	vm5 =	veq.f32 v63, v4  }
0x56: {  	v6 =	vsel vm5, $0x2, v6;
	vm6 =	veq.f32 v10, v4  }
0x57: {  	vm7 =	veq.f32 v5, v4;
	v6 =	vsel vm6, $0x1, v6  }
0x58: {  	v1 =	vshll.u32 v1, $0x3;
	v4 =	vsel vm7, $0x0, v6  }
0x59: {  	v1 =	vadd.s32 v1, v4;
	_ =	sdelay $0x4  }
0x5a: {  	v1 =	vld.idx.msk [tilespmem:v1+s10+$0x0], $0xffff;
	_ =	sdelay $0x1  }
0x5b: {  	v2 =	vmax.f32 v2, v57;
	v3 =	vmax.f32 v55, v3;
	v4 =	vmax.f32 v61, v60  }
0x5c: {  	v2 =	vmax.f32 v3, v2;
	v4 =	vmax.f32 v4, v59  }
0x5d: {  	v6 =	vld [tilespmem:$0x1FFF0];
	v2 =	vmax.f32 v2, v4  }
0x5e: {  	v8 =	vld [tilespmem:$0x1FFE0];
	vm8 =	vgt.f32 v2, v54;
	v1 =	vcvt.s32.f32 v1  }
0x5f: {  	v9 =	vld [tilespmem:$0x1FFD0];
	v3 =	vsel vm8, s20, v56  }
0x60: {  	v4 =	vshll.u32 v3, $0xA;
	[tilespmem:$0x16980] =	vst v1;
	v1 =	vld [tilespmem:$0x1FFC0]  }
0x61: {  	v10 =	vld [tilespmem:$0x1FFB0];
	v5 =	vor.u32 v14, v4  }
0x62: {  	v11 =	vld [tilespmem:$0x1FFA0];
	v6 =	vor.u32 v6, v4  }
0x63: {  	v8 =	vor.u32 v8, v4  }
0x64: {  	v9 =	vor.u32 v9, v4  }
0x65: {  	v1 =	vor.u32 v1, v4  }
0x66: {  	v10 =	vor.u32 v10, v4;
	v5 =	vld.idx.msk [tilespmem:v5+s19+$0x0], $0xffff  }
0x67: {  	v6 =	vld.idx.msk [tilespmem:v6+s19+$0x0], $0xffff;
	v4 =	vor.u32 v11, v4  }
0x68: {  	v8 =	vld.idx.msk [tilespmem:v8+s19+$0x0], $0xffff  }
0x69: {  	v9 =	vld.idx.msk [tilespmem:v9+s19+$0x0], $0xffff  }
0x6a: {  	v2 =	vmax.f32 v2, v54;
	v1 =	vld.idx.msk [tilespmem:v1+s19+$0x0], $0xffff  }
0x6b: {  	v10 =	vld.idx.msk [tilespmem:v10+s19+$0x0], $0xffff;
	vm9 =	veq.f32 v5, v2  }
0x6c: {  	vm10 =	veq.f32 v6, v2;
	v5 =	vsel vm9, $0x6, v7;
	v4 =	vld.idx.msk [tilespmem:v4+s19+$0x0], $0xffff  }
0x6d: {  	vm11 =	veq.f32 v8, v2;
	v5 =	vsel vm10, $0x5, v5  }
0x6e: {  	vm12 =	veq.f32 v9, v2;
	v5 =	vsel vm11, $0x4, v5  }
0x6f: {  	v5 =	vsel vm12, $0x3, v5;
	vm13 =	veq.f32 v1, v2  }
0x70: {  	vm14 =	veq.f32 v10, v2;
	v1 =	vsel vm13, $0x2, v5  }
0x71: {  	vm15 =	veq.f32 v4, v2;
	v1 =	vsel vm14, $0x1, v1  }
0x72: {  	v2 =	vshll.u32 v3, $0x3;
	v1 =	vsel vm15, $0x0, v1  }
0x73: {  	v1 =	vadd.s32 v2, v1;
	_ =	sdelay $0x4  }
0x74: {  	v1 =	vld.idx.msk [tilespmem:v1+s10+$0x0], $0xffff;
	_ =	sdelay $0x4  }
0x75: {  	v1 =	vcvt.s32.f32 v1;
	_ =	sdelay $0x1  }
0x76: {  	s21 =	simm.s32 $0x220;
	[tilespmem:$0x16990] =	vst v1  }
0x77: {  	v55 =	vld [tilespmem:s21+$0xFFFFFE10]  }
0x78: {  	v3 =	vld [tilespmem:s21+$0xFFFFFE00]  }
0x79: {  	v2 =	vld [tilespmem:s21+$0x190]  }
0x7a: {  	v6 =	vld [tilespmem:s21+$0xFFFFFE80]  }
0x7b: {  	v8 =	vld [tilespmem:s21+$0x0]  }
0x7c: {  	v9 =	vld [tilespmem:s21+$0x110]  }
0x7d: {  	v10 =	vld [tilespmem:s21+$0x80]  }
0x7e: {  	v57 =	vld [tilespmem:s21+$0xFFFFFF90]  }
0x7f: {  	v54 =	vld [tilespmem:s21+$0x100]  }
0x80: {  	v56 =	vld [tilespmem:s21+$0x180]  }
0x81: {  	v60 =	vld [tilespmem:s21+$0x90]  }
0x82: {  	v4 =	vld [tilespmem:s21+$0xFFFFFF80]  }
0x83: {  	v5 =	vld [tilespmem:s21+$0xFFFFFF00]  }
0x84: {  	v58 =	vimm.f32 $-Inf;
	v1 =	vimm.s32 $0x0;
	v59 =	vmax.f32 v9, v2;
	v2 =	vld [tilespmem:s21+$0x10]  }
0x85: {  	v8 =	vmax.f32 v8, v10;
	v6 =	vmax.f32 v3, v6;
	v9 =	vmax.f32 v54, v56;
	v3 =	vld [tilespmem:s21+$0xFFFFFF10]  }
0x86: {  	s20 =	simm.s32 $0x1;
	v61 =	vld [tilespmem:s21+$0xFFFFFE90];
	s21 =	simm.s32 $0x620;
	v54 =	vimm.f32 $-Inf;
	v56 =	vimm.s32 $0x0;
	v8 =	vmax.f32 v8, v9  }
.LBB2_4:
0x87: {  	v9 =	vld [tilespmem:s21+$0xFFFFFE10];
	p0 =	sne.s32 s20, $0x2C;
	s22 =	smov.u32 s20;
	s20 =	sadd.s32 $0x1, s20  }
0x88: {  	v10 =	vld [tilespmem:s21+$0xFFFFFE00]  }
0x89: {  	v4 =	vmax.f32 v5, v4;
	v62 =	vld [tilespmem:s21+$0x190];
	v2 =	vmax.f32 v2, v60  }
0x8a: {  	v4 =	vmax.f32 v6, v4;
	v63 =	vld [tilespmem:s21+$0xFFFFFE80];
	v3 =	vmax.f32 v3, v57  }
0x8b: {  	v4 =	vmax.f32 v4, v8;
	v2 =	vmax.f32 v2, v59;
	v5 =	vld [tilespmem:s21+$0x0];
	v6 =	vmax.f32 v55, v61  }
0x8c: {  	vm0 =	vgt.f32 v4, v58;
	v58 =	vmax.f32 v4, v58;
	v8 =	vld [tilespmem:s21+$0x110];
	v3 =	vmax.f32 v6, v3;
	v55 =	vmovc v9  }
0x8d: {  	v1 =	vsel vm0, s19, v1;
	v6 =	vld [tilespmem:s21+$0x80];
	v2 =	vmax.f32 v3, v2  }
0x8e: {  	v57 =	vld [tilespmem:s21+$0xFFFFFF90];
	vm0 =	vgt.f32 v2, v54;
	v54 =	vmax.f32 v2, v54  }
0x8f: {  	v3 =	vld [tilespmem:s21+$0x100];
	v56 =	vsel vm0, s19, v56;
	s19 =	smov.u32 s22  }
0x90: {  	v9 =	vld [tilespmem:s21+$0x180]  }
0x91: {  	v60 =	vld [tilespmem:s21+$0x90];
	v59 =	vmax.f32 v8, v62  }
.Ltmp1:
0x92: {  	v4 =	vld [tilespmem:s21+$0xFFFFFF80];
	v8 =	vmax.f32 v5, v6;
	(pc) =	sbr.rel @p0 .LBB2_4-.Ltmp1, $4  }
0x93: {  	v6 =	vmax.f32 v10, v63;
	v5 =	vld [tilespmem:s21+$0xFFFFFF00]  }
0x94: {  	v2 =	vld [tilespmem:s21+$0x10]  }
0x95: {  	v9 =	vmax.f32 v3, v9;
	v3 =	vld [tilespmem:s21+$0xFFFFFF10]  }
0x96: {  	v8 =	vmax.f32 v8, v9;
	v61 =	vld [tilespmem:s21+$0xFFFFFE90];
	s21 =	sadd.s32 $0x400, s21  }
0x97: {  	_ = 	snop  }
0x98: {  	v4 =	vmax.f32 v5, v4  }
0x99: {  	v4 =	vmax.f32 v6, v4  }
0x9a: {  	v4 =	vmax.f32 v4, v8  }
0x9b: {  	vm0 =	vgt.f32 v4, v58  }
0x9c: {  	v1 =	vsel vm0, s19, v1  }
0x9d: {  	v5 =	vshll.u32 v1, $0xA  }
0x9e: {  	v6 =	vor.u32 v21, v5  }
0x9f: {  	v8 =	vor.u32 v20, v5  }
0xa0: {  	v9 =	vor.u32 v19, v5  }
0xa1: {  	v10 =	vor.u32 v18, v5  }
0xa2: {  	s20 =	simm.s32 $0x0;
	v62 =	vor.u32 v17, v5  }
0xa3: {  	v63 =	vor.u32 v16, v5;
	v6 =	vld.idx.msk [tilespmem:v6+s20+$0x0], $0xffff  }
0xa4: {  	v5 =	vor.u32 v15, v5;
	v8 =	vld.idx.msk [tilespmem:v8+s20+$0x0], $0xffff  }
0xa5: {  	v9 =	vld.idx.msk [tilespmem:v9+s20+$0x0], $0xffff  }
0xa6: {  	v10 =	vld.idx.msk [tilespmem:v10+s20+$0x0], $0xffff  }
0xa7: {  	v4 =	vmax.f32 v4, v58;
	v58 =	vld.idx.msk [tilespmem:v62+s20+$0x0], $0xffff  }
0xa8: {  	v62 =	vld.idx.msk [tilespmem:v63+s20+$0x0], $0xffff;
	vm13 =	veq.f32 v6, v4  }
0xa9: {  	v5 =	vld.idx.msk [tilespmem:v5+s20+$0x0], $0xffff;
	vm14 =	veq.f32 v8, v4;
	v6 =	vsel vm13, $0x6, v7  }
0xaa: {  	vm15 =	veq.f32 v9, v4;
	v6 =	vsel vm14, $0x5, v6  }
0xab: {  	vm4 =	veq.f32 v10, v4;
	v6 =	vsel vm15, $0x4, v6  }
0xac: {  	vm5 =	veq.f32 v58, v4;
	v6 =	vsel vm4, $0x3, v6  }
0xad: {  	vm6 =	veq.f32 v62, v4;
	v6 =	vsel vm5, $0x2, v6  }
0xae: {  	vm7 =	veq.f32 v5, v4;
	v6 =	vsel vm6, $0x1, v6  }
0xaf: {  	v1 =	vshll.u32 v1, $0x3;
	v4 =	vsel vm7, $0x0, v6  }
0xb0: {  	v1 =	vadd.s32 v1, v4;
	_ =	sdelay $0x1  }
0xb1: {  	v2 =	vmax.f32 v2, v60;
	v3 =	vmax.f32 v3, v57;
	v4 =	vmax.f32 v55, v61  }
0xb2: {  	v2 =	vmax.f32 v2, v59;
	v3 =	vmax.f32 v4, v3  }
0xb3: {  	v2 =	vmax.f32 v3, v2  }
0xb4: {  	vm8 =	vgt.f32 v2, v54;
	v1 =	vld.idx.msk [tilespmem:v1+s10+$0x0], $0xffff  }
0xb5: {  	v3 =	vsel vm8, s19, v56  }
0xb6: {  	v4 =	vshll.u32 v3, $0xA  }
0xb7: {  	v5 =	vor.u32 v28, v4  }
0xb8: {  	v6 =	vor.u32 v27, v4  }
0xb9: {  	v8 =	vor.u32 v26, v4;
	v1 =	vcvt.s32.f32 v1  }
0xba: {  	v9 =	vor.u32 v25, v4  }
0xbb: {  	[tilespmem:$0x169A0] =	vst v1;
	v1 =	vor.u32 v24, v4  }
0xbc: {  	v10 =	vor.u32 v23, v4;
	v5 =	vld.idx.msk [tilespmem:v5+s20+$0x0], $0xffff  }
0xbd: {  	v4 =	vor.u32 v22, v4;
	v6 =	vld.idx.msk [tilespmem:v6+s20+$0x0], $0xffff  }
0xbe: {  	v8 =	vld.idx.msk [tilespmem:v8+s20+$0x0], $0xffff  }
0xbf: {  	v9 =	vld.idx.msk [tilespmem:v9+s20+$0x0], $0xffff  }
0xc0: {  	v2 =	vmax.f32 v2, v54;
	v1 =	vld.idx.msk [tilespmem:v1+s20+$0x0], $0xffff  }
0xc1: {  	v10 =	vld.idx.msk [tilespmem:v10+s20+$0x0], $0xffff;
	vm9 =	veq.f32 v5, v2  }
0xc2: {  	v4 =	vld.idx.msk [tilespmem:v4+s20+$0x0], $0xffff;
	vm10 =	veq.f32 v6, v2;
	v5 =	vsel vm9, $0x6, v7  }
0xc3: {  	vm11 =	veq.f32 v8, v2;
	v5 =	vsel vm10, $0x5, v5  }
0xc4: {  	vm12 =	veq.f32 v9, v2;
	v5 =	vsel vm11, $0x4, v5  }
0xc5: {  	v5 =	vsel vm12, $0x3, v5;
	vm13 =	veq.f32 v1, v2  }
0xc6: {  	vm14 =	veq.f32 v10, v2;
	v1 =	vsel vm13, $0x2, v5  }
0xc7: {  	vm15 =	veq.f32 v4, v2;
	v1 =	vsel vm14, $0x1, v1  }
0xc8: {  	v2 =	vshll.u32 v3, $0x3;
	v1 =	vsel vm15, $0x0, v1  }
0xc9: {  	v1 =	vadd.s32 v2, v1;
	_ =	sdelay $0x4  }
0xca: {  	v1 =	vld.idx.msk [tilespmem:v1+s10+$0x0], $0xffff;
	_ =	sdelay $0x4  }
0xcb: {  	v1 =	vcvt.s32.f32 v1;
	_ =	sdelay $0x1  }
0xcc: {  	s21 =	simm.s32 $0x240;
	[tilespmem:$0x169B0] =	vst v1  }
0xcd: {  	v55 =	vld [tilespmem:s21+$0xFFFFFE10]  }
0xce: {  	v3 =	vld [tilespmem:s21+$0xFFFFFE00]  }
0xcf: {  	v2 =	vld [tilespmem:s21+$0x190]  }
0xd0: {  	v6 =	vld [tilespmem:s21+$0xFFFFFE80]  }
0xd1: {  	v8 =	vld [tilespmem:s21+$0x0]  }
0xd2: {  	v9 =	vld [tilespmem:s21+$0x110]  }
0xd3: {  	v10 =	vld [tilespmem:s21+$0x80]  }
0xd4: {  	v57 =	vld [tilespmem:s21+$0xFFFFFF90]  }
0xd5: {  	v54 =	vld [tilespmem:s21+$0x100]  }
0xd6: {  	v56 =	vld [tilespmem:s21+$0x180]  }
0xd7: {  	v60 =	vld [tilespmem:s21+$0x90]  }
0xd8: {  	v4 =	vld [tilespmem:s21+$0xFFFFFF80]  }
0xd9: {  	v5 =	vld [tilespmem:s21+$0xFFFFFF00]  }
0xda: {  	v58 =	vimm.f32 $-Inf;
	v1 =	vimm.s32 $0x0;
	v59 =	vmax.f32 v9, v2;
	v2 =	vld [tilespmem:s21+$0x10]  }
0xdb: {  	v8 =	vmax.f32 v8, v10;
	v6 =	vmax.f32 v3, v6;
	v9 =	vmax.f32 v54, v56;
	v3 =	vld [tilespmem:s21+$0xFFFFFF10]  }
0xdc: {  	s19 =	simm.s32 $0x1;
	v61 =	vld [tilespmem:s21+$0xFFFFFE90];
	s21 =	simm.s32 $0x640;
	v54 =	vimm.f32 $-Inf;
	v56 =	vimm.s32 $0x0;
	v8 =	vmax.f32 v8, v9  }
.LBB2_6:
0xdd: {  	v9 =	vld [tilespmem:s21+$0xFFFFFE10];
	p0 =	sne.s32 s19, $0x2C;
	s22 =	smov.u32 s19;
	s19 =	sadd.s32 $0x1, s19  }
0xde: {  	v10 =	vld [tilespmem:s21+$0xFFFFFE00]  }
0xdf: {  	v4 =	vmax.f32 v5, v4;
	v62 =	vld [tilespmem:s21+$0x190];
	v2 =	vmax.f32 v2, v60  }
0xe0: {  	v4 =	vmax.f32 v6, v4;
	v63 =	vld [tilespmem:s21+$0xFFFFFE80];
	v3 =	vmax.f32 v3, v57  }
0xe1: {  	v4 =	vmax.f32 v4, v8;
	v2 =	vmax.f32 v2, v59;
	v5 =	vld [tilespmem:s21+$0x0];
	v6 =	vmax.f32 v55, v61  }
0xe2: {  	vm0 =	vgt.f32 v4, v58;
	v58 =	vmax.f32 v4, v58;
	v8 =	vld [tilespmem:s21+$0x110];
	v3 =	vmax.f32 v6, v3;
	v55 =	vmovc v9  }
0xe3: {  	v1 =	vsel vm0, s20, v1;
	v6 =	vld [tilespmem:s21+$0x80];
	v2 =	vmax.f32 v3, v2  }
0xe4: {  	v57 =	vld [tilespmem:s21+$0xFFFFFF90];
	vm0 =	vgt.f32 v2, v54;
	v54 =	vmax.f32 v2, v54  }
0xe5: {  	v3 =	vld [tilespmem:s21+$0x100];
	v56 =	vsel vm0, s20, v56;
	s20 =	smov.u32 s22  }
0xe6: {  	v9 =	vld [tilespmem:s21+$0x180]  }
0xe7: {  	v60 =	vld [tilespmem:s21+$0x90];
	v59 =	vmax.f32 v8, v62  }
.Ltmp2:
0xe8: {  	v4 =	vld [tilespmem:s21+$0xFFFFFF80];
	v8 =	vmax.f32 v5, v6;
	(pc) =	sbr.rel @p0 .LBB2_6-.Ltmp2, $4  }
0xe9: {  	v6 =	vmax.f32 v10, v63;
	v5 =	vld [tilespmem:s21+$0xFFFFFF00]  }
0xea: {  	v2 =	vld [tilespmem:s21+$0x10]  }
0xeb: {  	v9 =	vmax.f32 v3, v9;
	v3 =	vld [tilespmem:s21+$0xFFFFFF10]  }
0xec: {  	v8 =	vmax.f32 v8, v9;
	v61 =	vld [tilespmem:s21+$0xFFFFFE90];
	s21 =	sadd.s32 $0x400, s21  }
0xed: {  	_ = 	snop  }
0xee: {  	v4 =	vmax.f32 v5, v4  }
0xef: {  	v4 =	vmax.f32 v6, v4  }
0xf0: {  	v4 =	vmax.f32 v4, v8  }
0xf1: {  	vm0 =	vgt.f32 v4, v58  }
0xf2: {  	v1 =	vsel vm0, s20, v1  }
0xf3: {  	v5 =	vshll.u32 v1, $0xA  }
0xf4: {  	v6 =	vor.u32 v35, v5  }
0xf5: {  	v8 =	vor.u32 v34, v5  }
0xf6: {  	v9 =	vor.u32 v33, v5  }
0xf7: {  	v10 =	vor.u32 v32, v5  }
0xf8: {  	s21 =	simm.s32 $0x0;
	v62 =	vor.u32 v31, v5  }
0xf9: {  	v63 =	vor.u32 v30, v5;
	v6 =	vld.idx.msk [tilespmem:v6+s21+$0x0], $0xffff  }
0xfa: {  	v5 =	vor.u32 v29, v5;
	v8 =	vld.idx.msk [tilespmem:v8+s21+$0x0], $0xffff  }
0xfb: {  	v9 =	vld.idx.msk [tilespmem:v9+s21+$0x0], $0xffff  }
0xfc: {  	v10 =	vld.idx.msk [tilespmem:v10+s21+$0x0], $0xffff  }
0xfd: {  	v4 =	vmax.f32 v4, v58;
	v58 =	vld.idx.msk [tilespmem:v62+s21+$0x0], $0xffff  }
0xfe: {  	v62 =	vld.idx.msk [tilespmem:v63+s21+$0x0], $0xffff;
	vm13 =	veq.f32 v6, v4  }
0xff: {  	v5 =	vld.idx.msk [tilespmem:v5+s21+$0x0], $0xffff;
	vm14 =	veq.f32 v8, v4;
	v6 =	vsel vm13, $0x6, v7  }
0x100: {  	vm15 =	veq.f32 v9, v4;
	v6 =	vsel vm14, $0x5, v6  }
0x101: {  	vm4 =	veq.f32 v10, v4;
	v6 =	vsel vm15, $0x4, v6  }
0x102: {  	vm5 =	veq.f32 v58, v4;
	v6 =	vsel vm4, $0x3, v6  }
0x103: {  	vm6 =	veq.f32 v62, v4;
	v6 =	vsel vm5, $0x2, v6  }
0x104: {  	vm7 =	veq.f32 v5, v4;
	v6 =	vsel vm6, $0x1, v6  }
0x105: {  	v1 =	vshll.u32 v1, $0x3;
	v4 =	vsel vm7, $0x0, v6  }
0x106: {  	v1 =	vadd.s32 v1, v4;
	_ =	sdelay $0x1  }
0x107: {  	v2 =	vmax.f32 v2, v60;
	v3 =	vmax.f32 v3, v57;
	v4 =	vmax.f32 v55, v61  }
0x108: {  	v2 =	vmax.f32 v2, v59;
	v3 =	vmax.f32 v4, v3  }
0x109: {  	v2 =	vmax.f32 v3, v2  }
0x10a: {  	vm8 =	vgt.f32 v2, v54;
	v1 =	vld.idx.msk [tilespmem:v1+s10+$0x0], $0xffff  }
0x10b: {  	v3 =	vsel vm8, s20, v56  }
0x10c: {  	v4 =	vshll.u32 v3, $0xA  }
0x10d: {  	v5 =	vor.u32 v42, v4  }
0x10e: {  	v6 =	vor.u32 v41, v4  }
0x10f: {  	v8 =	vor.u32 v40, v4;
	v1 =	vcvt.s32.f32 v1  }
0x110: {  	v9 =	vor.u32 v39, v4  }
0x111: {  	[tilespmem:$0x169C0] =	vst v1;
	v1 =	vor.u32 v38, v4  }
0x112: {  	v10 =	vor.u32 v37, v4;
	v5 =	vld.idx.msk [tilespmem:v5+s21+$0x0], $0xffff  }
0x113: {  	v4 =	vor.u32 v36, v4;
	v6 =	vld.idx.msk [tilespmem:v6+s21+$0x0], $0xffff  }
0x114: {  	v8 =	vld.idx.msk [tilespmem:v8+s21+$0x0], $0xffff  }
0x115: {  	v9 =	vld.idx.msk [tilespmem:v9+s21+$0x0], $0xffff  }
0x116: {  	v2 =	vmax.f32 v2, v54;
	v1 =	vld.idx.msk [tilespmem:v1+s21+$0x0], $0xffff  }
0x117: {  	v10 =	vld.idx.msk [tilespmem:v10+s21+$0x0], $0xffff;
	vm9 =	veq.f32 v5, v2  }
0x118: {  	v4 =	vld.idx.msk [tilespmem:v4+s21+$0x0], $0xffff;
	vm10 =	veq.f32 v6, v2;
	v5 =	vsel vm9, $0x6, v7  }
0x119: {  	vm11 =	veq.f32 v8, v2;
	v5 =	vsel vm10, $0x5, v5  }
0x11a: {  	vm12 =	veq.f32 v9, v2;
	v5 =	vsel vm11, $0x4, v5  }
0x11b: {  	v5 =	vsel vm12, $0x3, v5;
	vm13 =	veq.f32 v1, v2  }
0x11c: {  	vm14 =	veq.f32 v10, v2;
	v1 =	vsel vm13, $0x2, v5  }
0x11d: {  	vm15 =	veq.f32 v4, v2;
	v1 =	vsel vm14, $0x1, v1  }
0x11e: {  	v2 =	vshll.u32 v3, $0x3;
	v1 =	vsel vm15, $0x0, v1  }
0x11f: {  	v1 =	vadd.s32 v2, v1;
	_ =	sdelay $0x4  }
0x120: {  	v1 =	vld.idx.msk [tilespmem:v1+s10+$0x0], $0xffff;
	_ =	sdelay $0x4  }
0x121: {  	v1 =	vcvt.s32.f32 v1;
	_ =	sdelay $0x1  }
0x122: {  	s31 =	simm.s32 $0x260;
	[tilespmem:$0x169D0] =	vst v1  }
0x123: {  	v54 =	vld [tilespmem:s31+$0xFFFFFE10]  }
0x124: {  	v3 =	vld [tilespmem:s31+$0xFFFFFE00]  }
0x125: {  	v2 =	vld [tilespmem:s31+$0x190]  }
0x126: {  	v6 =	vld [tilespmem:s31+$0xFFFFFE80]  }
0x127: {  	v8 =	vld [tilespmem:s31+$0x0]  }
0x128: {  	v9 =	vld [tilespmem:s31+$0x110]  }
0x129: {  	v10 =	vld [tilespmem:s31+$0x80]  }
0x12a: {  	v56 =	vld [tilespmem:s31+$0xFFFFFF90]  }
0x12b: {  	v55 =	vld [tilespmem:s31+$0x100]  }
0x12c: {  	v57 =	vld [tilespmem:s31+$0x180]  }
0x12d: {  	v60 =	vld [tilespmem:s31+$0x90]  }
0x12e: {  	v4 =	vld [tilespmem:s31+$0xFFFFFF80]  }
0x12f: {  	v5 =	vld [tilespmem:s31+$0xFFFFFF00]  }
0x130: {  	v58 =	vimm.f32 $-Inf;
	v1 =	vimm.s32 $0x0;
	v59 =	vmax.f32 v9, v2;
	v2 =	vld [tilespmem:s31+$0x10]  }
0x131: {  	v8 =	vmax.f32 v8, v10;
	v6 =	vmax.f32 v3, v6;
	v9 =	vmax.f32 v55, v57;
	v3 =	vld [tilespmem:s31+$0xFFFFFF10]  }
0x132: {  	s19 =	simm.s32 $0x1;
	s20 =	simm.s32 $0x660;
	v61 =	vld [tilespmem:s31+$0xFFFFFE90];
	v57 =	vimm.f32 $-Inf;
	v55 =	vimm.s32 $0x0;
	v8 =	vmax.f32 v8, v9  }
.LBB2_8:
0x133: {  	v9 =	vld [tilespmem:s20+$0xFFFFFE10];
	p0 =	sne.s32 s19, $0x2C;
	s22 =	smov.u32 s19;
	s19 =	sadd.s32 $0x1, s19  }
0x134: {  	v10 =	vld [tilespmem:s20+$0xFFFFFE00]  }
0x135: {  	v4 =	vmax.f32 v5, v4;
	v62 =	vld [tilespmem:s20+$0x190];
	v2 =	vmax.f32 v2, v60  }
0x136: {  	v4 =	vmax.f32 v6, v4;
	v63 =	vld [tilespmem:s20+$0xFFFFFE80];
	v3 =	vmax.f32 v3, v56  }
0x137: {  	v4 =	vmax.f32 v4, v8;
	v2 =	vmax.f32 v2, v59;
	v5 =	vld [tilespmem:s20+$0x0];
	v6 =	vmax.f32 v54, v61  }
0x138: {  	vm0 =	vgt.f32 v4, v58;
	v58 =	vmax.f32 v4, v58;
	v8 =	vld [tilespmem:s20+$0x110];
	v3 =	vmax.f32 v6, v3;
	v54 =	vmovc v9  }
0x139: {  	v1 =	vsel vm0, s21, v1;
	v6 =	vld [tilespmem:s20+$0x80];
	v2 =	vmax.f32 v3, v2  }
0x13a: {  	v56 =	vld [tilespmem:s20+$0xFFFFFF90];
	vm0 =	vgt.f32 v2, v57;
	v57 =	vmax.f32 v2, v57  }
0x13b: {  	v3 =	vld [tilespmem:s20+$0x100];
	v55 =	vsel vm0, s21, v55;
	s21 =	smov.u32 s22  }
0x13c: {  	v9 =	vld [tilespmem:s20+$0x180]  }
0x13d: {  	v60 =	vld [tilespmem:s20+$0x90];
	v59 =	vmax.f32 v8, v62  }
.Ltmp3:
0x13e: {  	v4 =	vld [tilespmem:s20+$0xFFFFFF80];
	v8 =	vmax.f32 v5, v6;
	(pc) =	sbr.rel @p0 .LBB2_8-.Ltmp3, $4  }
0x13f: {  	v6 =	vmax.f32 v10, v63;
	v5 =	vld [tilespmem:s20+$0xFFFFFF00]  }
0x140: {  	v2 =	vld [tilespmem:s20+$0x10]  }
0x141: {  	v9 =	vmax.f32 v3, v9;
	v3 =	vld [tilespmem:s20+$0xFFFFFF10]  }
0x142: {  	v8 =	vmax.f32 v8, v9;
	v61 =	vld [tilespmem:s20+$0xFFFFFE90];
	s20 =	sadd.s32 $0x400, s20  }
0x143: {  	_ = 	snop  }
0x144: {  	v4 =	vmax.f32 v5, v4  }
0x145: {  	v4 =	vmax.f32 v6, v4  }
0x146: {  	v4 =	vmax.f32 v4, v8  }
0x147: {  	vm0 =	vgt.f32 v4, v58  }
0x148: {  	v1 =	vsel vm0, s21, v1  }
0x149: {  	v5 =	vshll.u32 v1, $0xA  }
0x14a: {  	v6 =	vor.u32 v49, v5  }
0x14b: {  	v8 =	vor.u32 v48, v5  }
0x14c: {  	v9 =	vor.u32 v47, v5  }
0x14d: {  	v10 =	vor.u32 v46, v5  }
0x14e: {  	s19 =	simm.s32 $0x0;
	v62 =	vor.u32 v45, v5  }
0x14f: {  	v63 =	vor.u32 v44, v5;
	v6 =	vld.idx.msk [tilespmem:v6+s19+$0x0], $0xffff  }
0x150: {  	v5 =	vor.u32 v43, v5;
	v8 =	vld.idx.msk [tilespmem:v8+s19+$0x0], $0xffff  }
0x151: {  	v9 =	vld.idx.msk [tilespmem:v9+s19+$0x0], $0xffff  }
0x152: {  	v10 =	vld.idx.msk [tilespmem:v10+s19+$0x0], $0xffff  }
0x153: {  	v4 =	vmax.f32 v4, v58;
	v58 =	vld.idx.msk [tilespmem:v62+s19+$0x0], $0xffff  }
0x154: {  	v62 =	vld.idx.msk [tilespmem:v63+s19+$0x0], $0xffff;
	vm13 =	veq.f32 v6, v4  }
0x155: {  	v5 =	vld.idx.msk [tilespmem:v5+s19+$0x0], $0xffff;
	vm14 =	veq.f32 v8, v4;
	v6 =	vsel vm13, $0x6, v7  }
0x156: {  	vm15 =	veq.f32 v9, v4;
	v6 =	vsel vm14, $0x5, v6  }
0x157: {  	vm4 =	veq.f32 v10, v4;
	v6 =	vsel vm15, $0x4, v6  }
0x158: {  	vm5 =	veq.f32 v58, v4;
	v6 =	vsel vm4, $0x3, v6  }
0x159: {  	vm6 =	veq.f32 v62, v4;
	v6 =	vsel vm5, $0x2, v6  }
0x15a: {  	vm7 =	veq.f32 v5, v4;
	v6 =	vsel vm6, $0x1, v6  }
0x15b: {  	v1 =	vshll.u32 v1, $0x3;
	v4 =	vsel vm7, $0x0, v6  }
0x15c: {  	v1 =	vadd.s32 v1, v4;
	_ =	sdelay $0x1  }
0x15d: {  	v2 =	vmax.f32 v2, v60;
	v3 =	vmax.f32 v3, v56;
	v4 =	vmax.f32 v54, v61  }
0x15e: {  	v2 =	vmax.f32 v2, v59;
	v3 =	vmax.f32 v4, v3  }
0x15f: {  	v2 =	vmax.f32 v3, v2  }
0x160: {  	vm8 =	vgt.f32 v2, v57;
	v1 =	vld.idx.msk [tilespmem:v1+s10+$0x0], $0xffff  }
0x161: {  	v3 =	vsel vm8, s21, v55  }
0x162: {  	v56 =	vor.u32 $0x370, v0;
	v4 =	vshll.u32 v3, $0xA  }
0x163: {  	v55 =	vor.u32 $0x2F0, v0;
	v5 =	vor.u32 v56, v4  }
0x164: {  	v54 =	vor.u32 $0x270, v0;
	v6 =	vor.u32 v55, v4  }
0x165: {  	v8 =	vor.u32 v54, v4;
	v1 =	vcvt.s32.f32 v1  }
0x166: {  	v9 =	vor.u32 v53, v4  }
0x167: {  	[tilespmem:$0x169E0] =	vst v1;
	v1 =	vor.u32 v52, v4  }
0x168: {  	v10 =	vor.u32 v51, v4;
	v5 =	vld.idx.msk [tilespmem:v5+s19+$0x0], $0xffff  }
0x169: {  	v4 =	vor.u32 v50, v4;
	v6 =	vld.idx.msk [tilespmem:v6+s19+$0x0], $0xffff  }
0x16a: {  	v8 =	vld.idx.msk [tilespmem:v8+s19+$0x0], $0xffff  }
0x16b: {  	v9 =	vld.idx.msk [tilespmem:v9+s19+$0x0], $0xffff  }
0x16c: {  	v2 =	vmax.f32 v2, v57;
	v1 =	vld.idx.msk [tilespmem:v1+s19+$0x0], $0xffff  }
0x16d: {  	v10 =	vld.idx.msk [tilespmem:v10+s19+$0x0], $0xffff;
	vm9 =	veq.f32 v5, v2  }
0x16e: {  	v4 =	vld.idx.msk [tilespmem:v4+s19+$0x0], $0xffff;
	vm10 =	veq.f32 v6, v2;
	v5 =	vsel vm9, $0x6, v7  }
0x16f: {  	vm11 =	veq.f32 v8, v2;
	v5 =	vsel vm10, $0x5, v5  }
0x170: {  	vm12 =	veq.f32 v9, v2;
	v5 =	vsel vm11, $0x4, v5  }
0x171: {  	v5 =	vsel vm12, $0x3, v5;
	vm13 =	veq.f32 v1, v2  }
0x172: {  	vm14 =	veq.f32 v10, v2;
	v1 =	vsel vm13, $0x2, v5  }
0x173: {  	vm15 =	veq.f32 v4, v2;
	v1 =	vsel vm14, $0x1, v1  }
0x174: {  	v2 =	vshll.u32 v3, $0x3;
	v1 =	vsel vm15, $0x0, v1  }
0x175: {  	v1 =	vadd.s32 v2, v1;
	_ =	sdelay $0x4  }
0x176: {  	v1 =	vld.idx.msk [tilespmem:v1+s10+$0x0], $0xffff;
	_ =	sdelay $0x4  }
0x177: {  	v1 =	vcvt.s32.f32 v1;
	_ =	sdelay $0x1  }
0x178: {  	[tilespmem:$0x169F0] =	vst v1  }
0x179: {  	[tilespmem:s19], [sflag:$0x1] =	stream.strided.gather [hbm4b:s6+s12], $0xB400, s13, s12, $0x38;
	[tilespmem:$0x16B80] =	vst v63  }
0x17a: {  	_ =	swait.ge [sflag:s16], $0xB400  }
0x17b: {  	[sflag:s16] =	ssyncset.done $0x0  }
0x17c: {  	s31 =	simm.s32 $0xB600;
	[sflag:s16] =	ssyncadd.s32 $0xFFFF4C00  }
0x17d: {  	v58 =	vld [tilespmem:s31+$0xFFFFFE10]  }
0x17e: {  	v3 =	vld [tilespmem:s31+$0xFFFFFE00]  }
0x17f: {  	v2 =	vld [tilespmem:s31+$0x190]  }
0x180: {  	v4 =	vld [tilespmem:s31+$0xFFFFFE80]  }
0x181: {  	v8 =	vld [tilespmem:s31+$0x0]  }
0x182: {  	v9 =	vld [tilespmem:s31+$0x110]  }
0x183: {  	v10 =	vld [tilespmem:s31+$0x80]  }
0x184: {  	v60 =	vld [tilespmem:s31+$0xFFFFFF90]  }
0x185: {  	v57 =	vld [tilespmem:s31+$0x100]  }
0x186: {  	v59 =	vld [tilespmem:s31+$0x180]  }
0x187: {  	v63 =	vld [tilespmem:s31+$0x90]  }
0x188: {  	v5 =	vld [tilespmem:s31+$0xFFFFFF80]  }
0x189: {  	v6 =	vld [tilespmem:s31+$0xFFFFFF00]  }
0x18a: {  	v61 =	vimm.f32 $-Inf;
	v1 =	vimm.s32 $0x0;
	v62 =	vmax.f32 v9, v2;
	v2 =	vld [tilespmem:s31+$0x10]  }
0x18b: {  	v9 =	vmax.f32 v8, v10;
	v8 =	vmax.f32 v3, v4;
	v4 =	vmax.f32 v57, v59;
	v3 =	vld [tilespmem:s31+$0xFFFFFF10]  }
0x18c: {  	s20 =	simm.s32 $0x1;
	s21 =	simm.s32 $0xBA00;
	v57 =	vimm.f32 $-Inf;
	v59 =	vimm.s32 $0x0;
	v9 =	vmax.f32 v9, v4;
	v4 =	vld [tilespmem:s31+$0xFFFFFE90]  }
.LBB2_10:
0x18d: {  	v10 =	vld [tilespmem:s21+$0xFFFFFE10];
	p0 =	sne.s32 s20, $0x2C;
	s22 =	smov.u32 s20;
	s20 =	sadd.s32 $0x1, s20  }
0x18e: {  	v11 =	vld [tilespmem:s21+$0xFFFFFE00]  }
0x18f: {  	v5 =	vmax.f32 v6, v5;
	v12 =	vld [tilespmem:s21+$0x190];
	v2 =	vmax.f32 v2, v63  }
0x190: {  	v5 =	vmax.f32 v8, v5;
	v13 =	vld [tilespmem:s21+$0xFFFFFE80];
	v3 =	vmax.f32 v3, v60  }
0x191: {  	v5 =	vmax.f32 v5, v9;
	v2 =	vmax.f32 v2, v62;
	v6 =	vld [tilespmem:s21+$0x0];
	v4 =	vmax.f32 v58, v4  }
0x192: {  	vm0 =	vgt.f32 v5, v61;
	v61 =	vmax.f32 v5, v61;
	v8 =	vld [tilespmem:s21+$0x110];
	v3 =	vmax.f32 v4, v3;
	v58 =	vmovc v10  }
0x193: {  	v1 =	vsel vm0, s19, v1;
	v4 =	vld [tilespmem:s21+$0x80];
	v2 =	vmax.f32 v3, v2  }
0x194: {  	v60 =	vld [tilespmem:s21+$0xFFFFFF90];
	vm0 =	vgt.f32 v2, v57;
	v57 =	vmax.f32 v2, v57  }
0x195: {  	v3 =	vld [tilespmem:s21+$0x100];
	v59 =	vsel vm0, s19, v59;
	s19 =	smov.u32 s22  }
0x196: {  	v9 =	vld [tilespmem:s21+$0x180]  }
0x197: {  	v63 =	vld [tilespmem:s21+$0x90];
	v62 =	vmax.f32 v8, v12  }
.Ltmp4:
0x198: {  	v5 =	vld [tilespmem:s21+$0xFFFFFF80];
	v4 =	vmax.f32 v6, v4;
	(pc) =	sbr.rel @p0 .LBB2_10-.Ltmp4, $4  }
0x199: {  	v8 =	vmax.f32 v11, v13;
	v6 =	vld [tilespmem:s21+$0xFFFFFF00]  }
0x19a: {  	v2 =	vld [tilespmem:s21+$0x10]  }
0x19b: {  	v9 =	vmax.f32 v3, v9;
	v3 =	vld [tilespmem:s21+$0xFFFFFF10]  }
0x19c: {  	v9 =	vmax.f32 v4, v9;
	v4 =	vld [tilespmem:s21+$0xFFFFFE90];
	s21 =	sadd.s32 $0x400, s21  }
0x19d: {  	_ = 	snop  }
0x19e: {  	v5 =	vmax.f32 v6, v5  }
0x19f: {  	v5 =	vmax.f32 v8, v5;
	v8 =	vld [tilespmem:$0x1FF90]  }
0x1a0: {  	v5 =	vmax.f32 v5, v9;
	v9 =	vld [tilespmem:$0x1FF80]  }
0x1a1: {  	v10 =	vld [tilespmem:$0x1FF70];
	vm0 =	vgt.f32 v5, v61  }
0x1a2: {  	v11 =	vld [tilespmem:$0x1FF60];
	v1 =	vsel vm0, s19, v1  }
0x1a3: {  	v12 =	vld [tilespmem:$0x1FF50];
	v6 =	vshll.u32 v1, $0xA  }
0x1a4: {  	v13 =	vld [tilespmem:$0x1FF40];
	v8 =	vor.u32 v8, v6  }
0x1a5: {  	v9 =	vor.u32 v9, v6  }
0x1a6: {  	v10 =	vor.u32 v10, v6  }
0x1a7: {  	v11 =	vor.u32 v11, v6  }
0x1a8: {  	v12 =	vor.u32 v12, v6  }
0x1a9: {  	v13 =	vor.u32 v13, v6;
	v8 =	vld.idx.msk [tilespmem:v8+s14+$0x0], $0xffff  }
0x1aa: {  	v6 =	vor.u32 v0, v6;
	v9 =	vld.idx.msk [tilespmem:v9+s14+$0x0], $0xffff  }
0x1ab: {  	v10 =	vld.idx.msk [tilespmem:v10+s14+$0x0], $0xffff  }
0x1ac: {  	v11 =	vld.idx.msk [tilespmem:v11+s14+$0x0], $0xffff  }
0x1ad: {  	v5 =	vmax.f32 v5, v61;
	v12 =	vld.idx.msk [tilespmem:v12+s14+$0x0], $0xffff  }
0x1ae: {  	v13 =	vld.idx.msk [tilespmem:v13+s14+$0x0], $0xffff;
	vm13 =	veq.f32 v8, v5  }
0x1af: {  	v6 =	vld.idx.msk [tilespmem:v6+s14+$0x0], $0xffff;
	v8 =	vsel vm13, $0x6, v7;
	vm14 =	veq.f32 v9, v5  }
0x1b0: {  	vm15 =	veq.f32 v10, v5;
	v8 =	vsel vm14, $0x5, v8  }
0x1b1: {  	vm4 =	veq.f32 v11, v5;
	v8 =	vsel vm15, $0x4, v8  }
0x1b2: {  	vm5 =	veq.f32 v12, v5;
	v8 =	vsel vm4, $0x3, v8  }
0x1b3: {  	vm6 =	veq.f32 v13, v5;
	v8 =	vsel vm5, $0x2, v8  }
0x1b4: {  	vm7 =	veq.f32 v6, v5;
	v8 =	vsel vm6, $0x1, v8  }
0x1b5: {  	v1 =	vshll.u32 v1, $0x3;
	v5 =	vsel vm7, $0x0, v8  }
0x1b6: {  	v1 =	vadd.s32 v1, v5;
	_ =	sdelay $0x4  }
0x1b7: {  	v1 =	vld.idx.msk [tilespmem:v1+s10+$0x0], $0xffff;
	_ =	sdelay $0x1  }
0x1b8: {  	v2 =	vmax.f32 v2, v63;
	v3 =	vmax.f32 v3, v60;
	v4 =	vmax.f32 v58, v4  }
0x1b9: {  	v2 =	vmax.f32 v2, v62;
	v3 =	vmax.f32 v4, v3  }
0x1ba: {  	v2 =	vmax.f32 v3, v2;
	v6 =	vld [tilespmem:$0x1FFF0]  }
0x1bb: {  	vm8 =	vgt.f32 v2, v57;
	v8 =	vld [tilespmem:$0x1FFE0];
	v1 =	vcvt.s32.f32 v1  }
0x1bc: {  	v3 =	vsel vm8, s19, v59;
	v9 =	vld [tilespmem:$0x1FFD0]  }
0x1bd: {  	v4 =	vshll.u32 v3, $0xA;
	[tilespmem:$0x16A00] =	vst v1;
	v1 =	vld [tilespmem:$0x1FFC0]  }
0x1be: {  	v10 =	vld [tilespmem:$0x1FFB0];
	v5 =	vor.u32 v14, v4  }
0x1bf: {  	v11 =	vld [tilespmem:$0x1FFA0];
	v6 =	vor.u32 v6, v4  }
0x1c0: {  	v8 =	vor.u32 v8, v4  }
0x1c1: {  	v9 =	vor.u32 v9, v4  }
0x1c2: {  	v1 =	vor.u32 v1, v4  }
0x1c3: {  	v10 =	vor.u32 v10, v4;
	v5 =	vld.idx.msk [tilespmem:v5+s14+$0x0], $0xffff  }
0x1c4: {  	v6 =	vld.idx.msk [tilespmem:v6+s14+$0x0], $0xffff;
	v4 =	vor.u32 v11, v4  }
0x1c5: {  	v8 =	vld.idx.msk [tilespmem:v8+s14+$0x0], $0xffff  }
0x1c6: {  	v9 =	vld.idx.msk [tilespmem:v9+s14+$0x0], $0xffff  }
0x1c7: {  	v2 =	vmax.f32 v2, v57;
	v1 =	vld.idx.msk [tilespmem:v1+s14+$0x0], $0xffff  }
0x1c8: {  	v10 =	vld.idx.msk [tilespmem:v10+s14+$0x0], $0xffff;
	vm9 =	veq.f32 v5, v2  }
0x1c9: {  	vm10 =	veq.f32 v6, v2;
	v5 =	vsel vm9, $0x6, v7;
	v4 =	vld.idx.msk [tilespmem:v4+s14+$0x0], $0xffff  }
0x1ca: {  	vm11 =	veq.f32 v8, v2;
	v5 =	vsel vm10, $0x5, v5  }
0x1cb: {  	vm12 =	veq.f32 v9, v2;
	v5 =	vsel vm11, $0x4, v5  }
0x1cc: {  	v5 =	vsel vm12, $0x3, v5;
	vm13 =	veq.f32 v1, v2  }
0x1cd: {  	vm14 =	veq.f32 v10, v2;
	v1 =	vsel vm13, $0x2, v5  }
0x1ce: {  	vm15 =	veq.f32 v4, v2;
	v1 =	vsel vm14, $0x1, v1  }
0x1cf: {  	v2 =	vshll.u32 v3, $0x3;
	v1 =	vsel vm15, $0x0, v1  }
0x1d0: {  	v1 =	vadd.s32 v2, v1;
	_ =	sdelay $0x4  }
0x1d1: {  	v1 =	vld.idx.msk [tilespmem:v1+s10+$0x0], $0xffff;
	_ =	sdelay $0x4  }
0x1d2: {  	v1 =	vcvt.s32.f32 v1;
	_ =	sdelay $0x1  }
0x1d3: {  	s21 =	simm.s32 $0xB620;
	[tilespmem:$0x16A10] =	vst v1  }
0x1d4: {  	v58 =	vld [tilespmem:s21+$0xFFFFFE10]  }
0x1d5: {  	v3 =	vld [tilespmem:s21+$0xFFFFFE00]  }
0x1d6: {  	v2 =	vld [tilespmem:s21+$0x190]  }
0x1d7: {  	v4 =	vld [tilespmem:s21+$0xFFFFFE80]  }
0x1d8: {  	v8 =	vld [tilespmem:s21+$0x0]  }
0x1d9: {  	v9 =	vld [tilespmem:s21+$0x110]  }
0x1da: {  	v10 =	vld [tilespmem:s21+$0x80]  }
0x1db: {  	v60 =	vld [tilespmem:s21+$0xFFFFFF90]  }
0x1dc: {  	v11 =	vld [tilespmem:s21+$0x100]  }
0x1dd: {  	v12 =	vld [tilespmem:s21+$0x180]  }
0x1de: {  	v63 =	vld [tilespmem:s21+$0x90]  }
0x1df: {  	v5 =	vld [tilespmem:s21+$0xFFFFFF80]  }
0x1e0: {  	v6 =	vld [tilespmem:s21+$0xFFFFFF00]  }
0x1e1: {  	v61 =	vimm.f32 $-Inf;
	v57 =	vimm.f32 $-Inf;
	v62 =	vmax.f32 v9, v2;
	v2 =	vld [tilespmem:s21+$0x10]  }
0x1e2: {  	v9 =	vmax.f32 v8, v10;
	v8 =	vmax.f32 v3, v4;
	v4 =	vmax.f32 v11, v12;
	v3 =	vld [tilespmem:s21+$0xFFFFFF10]  }
0x1e3: {  	s20 =	simm.s32 $0x1;
	s19 =	simm.s32 $0x0;
	v59 =	vimm.s32 $0x0;
	v1 =	vimm.s32 $0x0;
	v9 =	vmax.f32 v9, v4;
	v4 =	vld [tilespmem:s21+$0xFFFFFE90];
	s21 =	simm.s32 $0xBA20  }
.LBB2_12:
0x1e4: {  	v10 =	vld [tilespmem:s21+$0xFFFFFE10];
	p0 =	sne.s32 s20, $0x2C;
	s22 =	smov.u32 s20;
	s20 =	sadd.s32 $0x1, s20  }
0x1e5: {  	v11 =	vld [tilespmem:s21+$0xFFFFFE00]  }
0x1e6: {  	v5 =	vmax.f32 v6, v5;
	v12 =	vld [tilespmem:s21+$0x190];
	v2 =	vmax.f32 v2, v63  }
0x1e7: {  	v5 =	vmax.f32 v8, v5;
	v13 =	vld [tilespmem:s21+$0xFFFFFE80];
	v3 =	vmax.f32 v3, v60  }
0x1e8: {  	v5 =	vmax.f32 v5, v9;
	v2 =	vmax.f32 v2, v62;
	v6 =	vld [tilespmem:s21+$0x0];
	v4 =	vmax.f32 v58, v4  }
0x1e9: {  	vm0 =	vgt.f32 v5, v61;
	v61 =	vmax.f32 v5, v61;
	v8 =	vld [tilespmem:s21+$0x110];
	v3 =	vmax.f32 v4, v3;
	v58 =	vmovc v10  }
0x1ea: {  	v1 =	vsel vm0, s19, v1;
	v4 =	vld [tilespmem:s21+$0x80];
	v2 =	vmax.f32 v3, v2  }
0x1eb: {  	v60 =	vld [tilespmem:s21+$0xFFFFFF90];
	vm0 =	vgt.f32 v2, v57;
	v57 =	vmax.f32 v2, v57  }
0x1ec: {  	v3 =	vld [tilespmem:s21+$0x100];
	v59 =	vsel vm0, s19, v59;
	s19 =	smov.u32 s22  }
0x1ed: {  	v9 =	vld [tilespmem:s21+$0x180]  }
0x1ee: {  	v63 =	vld [tilespmem:s21+$0x90];
	v62 =	vmax.f32 v8, v12  }
.Ltmp5:
0x1ef: {  	v5 =	vld [tilespmem:s21+$0xFFFFFF80];
	v4 =	vmax.f32 v6, v4;
	(pc) =	sbr.rel @p0 .LBB2_12-.Ltmp5, $4  }
0x1f0: {  	v8 =	vmax.f32 v11, v13;
	v6 =	vld [tilespmem:s21+$0xFFFFFF00]  }
0x1f1: {  	v2 =	vld [tilespmem:s21+$0x10]  }
0x1f2: {  	v9 =	vmax.f32 v3, v9;
	v3 =	vld [tilespmem:s21+$0xFFFFFF10]  }
0x1f3: {  	v9 =	vmax.f32 v4, v9;
	v4 =	vld [tilespmem:s21+$0xFFFFFE90];
	s21 =	sadd.s32 $0x400, s21  }
0x1f4: {  	_ = 	snop  }
0x1f5: {  	v5 =	vmax.f32 v6, v5  }
0x1f6: {  	v5 =	vmax.f32 v8, v5  }
0x1f7: {  	v5 =	vmax.f32 v5, v9  }
0x1f8: {  	vm0 =	vgt.f32 v5, v61  }
0x1f9: {  	v1 =	vsel vm0, s19, v1  }
0x1fa: {  	v6 =	vshll.u32 v1, $0xA  }
0x1fb: {  	v8 =	vor.u32 v21, v6  }
0x1fc: {  	v9 =	vor.u32 v20, v6  }
0x1fd: {  	v10 =	vor.u32 v19, v6  }
0x1fe: {  	v11 =	vor.u32 v18, v6  }
0x1ff: {  	v12 =	vor.u32 v17, v6  }
0x200: {  	v13 =	vor.u32 v16, v6;
	v8 =	vld.idx.msk [tilespmem:v8+s14+$0x0], $0xffff  }
0x201: {  	v6 =	vor.u32 v15, v6;
	v9 =	vld.idx.msk [tilespmem:v9+s14+$0x0], $0xffff  }
0x202: {  	v10 =	vld.idx.msk [tilespmem:v10+s14+$0x0], $0xffff  }
0x203: {  	v11 =	vld.idx.msk [tilespmem:v11+s14+$0x0], $0xffff  }
0x204: {  	v5 =	vmax.f32 v5, v61;
	v12 =	vld.idx.msk [tilespmem:v12+s14+$0x0], $0xffff  }
0x205: {  	v13 =	vld.idx.msk [tilespmem:v13+s14+$0x0], $0xffff;
	vm13 =	veq.f32 v8, v5  }
0x206: {  	v6 =	vld.idx.msk [tilespmem:v6+s14+$0x0], $0xffff;
	vm14 =	veq.f32 v9, v5;
	v8 =	vsel vm13, $0x6, v7  }
0x207: {  	vm15 =	veq.f32 v10, v5;
	v8 =	vsel vm14, $0x5, v8  }
0x208: {  	vm4 =	veq.f32 v11, v5;
	v8 =	vsel vm15, $0x4, v8  }
0x209: {  	vm5 =	veq.f32 v12, v5;
	v8 =	vsel vm4, $0x3, v8  }
0x20a: {  	vm6 =	veq.f32 v13, v5;
	v8 =	vsel vm5, $0x2, v8  }
0x20b: {  	vm7 =	veq.f32 v6, v5;
	v8 =	vsel vm6, $0x1, v8  }
0x20c: {  	v1 =	vshll.u32 v1, $0x3;
	v5 =	vsel vm7, $0x0, v8  }
0x20d: {  	v1 =	vadd.s32 v1, v5;
	_ =	sdelay $0x1  }
0x20e: {  	v2 =	vmax.f32 v2, v63;
	v3 =	vmax.f32 v3, v60;
	v4 =	vmax.f32 v58, v4  }
0x20f: {  	v2 =	vmax.f32 v2, v62;
	v3 =	vmax.f32 v4, v3  }
0x210: {  	v2 =	vmax.f32 v3, v2  }
0x211: {  	vm8 =	vgt.f32 v2, v57;
	v1 =	vld.idx.msk [tilespmem:v1+s10+$0x0], $0xffff  }
0x212: {  	v3 =	vsel vm8, s19, v59  }
0x213: {  	v4 =	vshll.u32 v3, $0xA  }
0x214: {  	v5 =	vor.u32 v28, v4  }
0x215: {  	v6 =	vor.u32 v27, v4  }
0x216: {  	v8 =	vor.u32 v26, v4;
	v1 =	vcvt.s32.f32 v1  }
0x217: {  	v9 =	vor.u32 v25, v4  }
0x218: {  	[tilespmem:$0x16A20] =	vst v1;
	v1 =	vor.u32 v24, v4  }
0x219: {  	v10 =	vor.u32 v23, v4;
	v5 =	vld.idx.msk [tilespmem:v5+s14+$0x0], $0xffff  }
0x21a: {  	v4 =	vor.u32 v22, v4;
	v6 =	vld.idx.msk [tilespmem:v6+s14+$0x0], $0xffff  }
0x21b: {  	v8 =	vld.idx.msk [tilespmem:v8+s14+$0x0], $0xffff  }
0x21c: {  	v9 =	vld.idx.msk [tilespmem:v9+s14+$0x0], $0xffff  }
0x21d: {  	v2 =	vmax.f32 v2, v57;
	v1 =	vld.idx.msk [tilespmem:v1+s14+$0x0], $0xffff  }
0x21e: {  	v10 =	vld.idx.msk [tilespmem:v10+s14+$0x0], $0xffff;
	vm9 =	veq.f32 v5, v2  }
0x21f: {  	v4 =	vld.idx.msk [tilespmem:v4+s14+$0x0], $0xffff;
	vm10 =	veq.f32 v6, v2;
	v5 =	vsel vm9, $0x6, v7  }
0x220: {  	vm11 =	veq.f32 v8, v2;
	v5 =	vsel vm10, $0x5, v5  }
0x221: {  	vm12 =	veq.f32 v9, v2;
	v5 =	vsel vm11, $0x4, v5  }
0x222: {  	v5 =	vsel vm12, $0x3, v5;
	vm13 =	veq.f32 v1, v2  }
0x223: {  	vm14 =	veq.f32 v10, v2;
	v1 =	vsel vm13, $0x2, v5  }
0x224: {  	vm15 =	veq.f32 v4, v2;
	v1 =	vsel vm14, $0x1, v1  }
0x225: {  	v2 =	vshll.u32 v3, $0x3;
	v1 =	vsel vm15, $0x0, v1  }
0x226: {  	v1 =	vadd.s32 v2, v1;
	_ =	sdelay $0x4  }
0x227: {  	v1 =	vld.idx.msk [tilespmem:v1+s10+$0x0], $0xffff;
	_ =	sdelay $0x4  }
0x228: {  	v1 =	vcvt.s32.f32 v1;
	_ =	sdelay $0x1  }
0x229: {  	s21 =	simm.s32 $0xB640;
	[tilespmem:$0x16A30] =	vst v1  }
0x22a: {  	v58 =	vld [tilespmem:s21+$0xFFFFFE10]  }
0x22b: {  	v3 =	vld [tilespmem:s21+$0xFFFFFE00]  }
0x22c: {  	v2 =	vld [tilespmem:s21+$0x190]  }
0x22d: {  	v4 =	vld [tilespmem:s21+$0xFFFFFE80]  }
0x22e: {  	v8 =	vld [tilespmem:s21+$0x0]  }
0x22f: {  	v9 =	vld [tilespmem:s21+$0x110]  }
0x230: {  	v10 =	vld [tilespmem:s21+$0x80]  }
0x231: {  	v60 =	vld [tilespmem:s21+$0xFFFFFF90]  }
0x232: {  	v11 =	vld [tilespmem:s21+$0x100]  }
0x233: {  	v12 =	vld [tilespmem:s21+$0x180]  }
0x234: {  	v63 =	vld [tilespmem:s21+$0x90]  }
0x235: {  	v5 =	vld [tilespmem:s21+$0xFFFFFF80]  }
0x236: {  	v6 =	vld [tilespmem:s21+$0xFFFFFF00]  }
0x237: {  	v61 =	vimm.f32 $-Inf;
	v57 =	vimm.f32 $-Inf;
	v62 =	vmax.f32 v9, v2;
	v2 =	vld [tilespmem:s21+$0x10]  }
0x238: {  	v9 =	vmax.f32 v8, v10;
	v8 =	vmax.f32 v3, v4;
	v4 =	vmax.f32 v11, v12;
	v3 =	vld [tilespmem:s21+$0xFFFFFF10]  }
0x239: {  	s20 =	simm.s32 $0x1;
	s19 =	simm.s32 $0x0;
	v59 =	vimm.s32 $0x0;
	v1 =	vimm.s32 $0x0;
	v9 =	vmax.f32 v9, v4;
	v4 =	vld [tilespmem:s21+$0xFFFFFE90];
	s21 =	simm.s32 $0xBA40  }
.LBB2_14:
0x23a: {  	v10 =	vld [tilespmem:s21+$0xFFFFFE10];
	p0 =	sne.s32 s20, $0x2C;
	s22 =	smov.u32 s20;
	s20 =	sadd.s32 $0x1, s20  }
0x23b: {  	v11 =	vld [tilespmem:s21+$0xFFFFFE00]  }
0x23c: {  	v5 =	vmax.f32 v6, v5;
	v12 =	vld [tilespmem:s21+$0x190];
	v2 =	vmax.f32 v2, v63  }
0x23d: {  	v5 =	vmax.f32 v8, v5;
	v13 =	vld [tilespmem:s21+$0xFFFFFE80];
	v3 =	vmax.f32 v3, v60  }
0x23e: {  	v5 =	vmax.f32 v5, v9;
	v2 =	vmax.f32 v2, v62;
	v6 =	vld [tilespmem:s21+$0x0];
	v4 =	vmax.f32 v58, v4  }
0x23f: {  	vm0 =	vgt.f32 v5, v61;
	v61 =	vmax.f32 v5, v61;
	v8 =	vld [tilespmem:s21+$0x110];
	v3 =	vmax.f32 v4, v3;
	v58 =	vmovc v10  }
0x240: {  	v1 =	vsel vm0, s19, v1;
	v4 =	vld [tilespmem:s21+$0x80];
	v2 =	vmax.f32 v3, v2  }
0x241: {  	v60 =	vld [tilespmem:s21+$0xFFFFFF90];
	vm0 =	vgt.f32 v2, v57;
	v57 =	vmax.f32 v2, v57  }
0x242: {  	v3 =	vld [tilespmem:s21+$0x100];
	v59 =	vsel vm0, s19, v59;
	s19 =	smov.u32 s22  }
0x243: {  	v9 =	vld [tilespmem:s21+$0x180]  }
0x244: {  	v63 =	vld [tilespmem:s21+$0x90];
	v62 =	vmax.f32 v8, v12  }
.Ltmp6:
0x245: {  	v5 =	vld [tilespmem:s21+$0xFFFFFF80];
	v4 =	vmax.f32 v6, v4;
	(pc) =	sbr.rel @p0 .LBB2_14-.Ltmp6, $4  }
0x246: {  	v8 =	vmax.f32 v11, v13;
	v6 =	vld [tilespmem:s21+$0xFFFFFF00]  }
0x247: {  	v2 =	vld [tilespmem:s21+$0x10]  }
0x248: {  	v9 =	vmax.f32 v3, v9;
	v3 =	vld [tilespmem:s21+$0xFFFFFF10]  }
0x249: {  	v9 =	vmax.f32 v4, v9;
	v4 =	vld [tilespmem:s21+$0xFFFFFE90];
	s21 =	sadd.s32 $0x400, s21  }
0x24a: {  	_ = 	snop  }
0x24b: {  	v5 =	vmax.f32 v6, v5  }
0x24c: {  	v5 =	vmax.f32 v8, v5  }
0x24d: {  	v5 =	vmax.f32 v5, v9  }
0x24e: {  	vm0 =	vgt.f32 v5, v61  }
0x24f: {  	v1 =	vsel vm0, s19, v1  }
0x250: {  	v6 =	vshll.u32 v1, $0xA  }
0x251: {  	v8 =	vor.u32 v35, v6  }
0x252: {  	v9 =	vor.u32 v34, v6  }
0x253: {  	v10 =	vor.u32 v33, v6  }
0x254: {  	v11 =	vor.u32 v32, v6  }
0x255: {  	v12 =	vor.u32 v31, v6  }
0x256: {  	v13 =	vor.u32 v30, v6;
	v8 =	vld.idx.msk [tilespmem:v8+s14+$0x0], $0xffff  }
0x257: {  	v6 =	vor.u32 v29, v6;
	v9 =	vld.idx.msk [tilespmem:v9+s14+$0x0], $0xffff  }
0x258: {  	v10 =	vld.idx.msk [tilespmem:v10+s14+$0x0], $0xffff  }
0x259: {  	v11 =	vld.idx.msk [tilespmem:v11+s14+$0x0], $0xffff  }
0x25a: {  	v5 =	vmax.f32 v5, v61;
	v12 =	vld.idx.msk [tilespmem:v12+s14+$0x0], $0xffff  }
0x25b: {  	v13 =	vld.idx.msk [tilespmem:v13+s14+$0x0], $0xffff;
	vm13 =	veq.f32 v8, v5  }
0x25c: {  	v6 =	vld.idx.msk [tilespmem:v6+s14+$0x0], $0xffff;
	vm14 =	veq.f32 v9, v5;
	v8 =	vsel vm13, $0x6, v7  }
0x25d: {  	vm15 =	veq.f32 v10, v5;
	v8 =	vsel vm14, $0x5, v8  }
0x25e: {  	vm4 =	veq.f32 v11, v5;
	v8 =	vsel vm15, $0x4, v8  }
0x25f: {  	vm5 =	veq.f32 v12, v5;
	v8 =	vsel vm4, $0x3, v8  }
0x260: {  	vm6 =	veq.f32 v13, v5;
	v8 =	vsel vm5, $0x2, v8  }
0x261: {  	vm7 =	veq.f32 v6, v5;
	v8 =	vsel vm6, $0x1, v8  }
0x262: {  	v1 =	vshll.u32 v1, $0x3;
	v5 =	vsel vm7, $0x0, v8  }
0x263: {  	v1 =	vadd.s32 v1, v5;
	_ =	sdelay $0x1  }
0x264: {  	v2 =	vmax.f32 v2, v63;
	v3 =	vmax.f32 v3, v60;
	v4 =	vmax.f32 v58, v4  }
0x265: {  	v2 =	vmax.f32 v2, v62;
	v3 =	vmax.f32 v4, v3  }
0x266: {  	v2 =	vmax.f32 v3, v2  }
0x267: {  	vm8 =	vgt.f32 v2, v57;
	v1 =	vld.idx.msk [tilespmem:v1+s10+$0x0], $0xffff  }
0x268: {  	v3 =	vsel vm8, s19, v59  }
0x269: {  	v4 =	vshll.u32 v3, $0xA  }
0x26a: {  	v5 =	vor.u32 v42, v4  }
0x26b: {  	v6 =	vor.u32 v41, v4  }
0x26c: {  	v8 =	vor.u32 v40, v4;
	v1 =	vcvt.s32.f32 v1  }
0x26d: {  	v9 =	vor.u32 v39, v4  }
0x26e: {  	[tilespmem:$0x16A40] =	vst v1;
	v1 =	vor.u32 v38, v4  }
0x26f: {  	v10 =	vor.u32 v37, v4;
	v5 =	vld.idx.msk [tilespmem:v5+s14+$0x0], $0xffff  }
0x270: {  	v4 =	vor.u32 v36, v4;
	v6 =	vld.idx.msk [tilespmem:v6+s14+$0x0], $0xffff  }
0x271: {  	v8 =	vld.idx.msk [tilespmem:v8+s14+$0x0], $0xffff  }
0x272: {  	v9 =	vld.idx.msk [tilespmem:v9+s14+$0x0], $0xffff  }
0x273: {  	v2 =	vmax.f32 v2, v57;
	v1 =	vld.idx.msk [tilespmem:v1+s14+$0x0], $0xffff  }
0x274: {  	v10 =	vld.idx.msk [tilespmem:v10+s14+$0x0], $0xffff;
	vm9 =	veq.f32 v5, v2  }
0x275: {  	v4 =	vld.idx.msk [tilespmem:v4+s14+$0x0], $0xffff;
	vm10 =	veq.f32 v6, v2;
	v5 =	vsel vm9, $0x6, v7  }
0x276: {  	vm11 =	veq.f32 v8, v2;
	v5 =	vsel vm10, $0x5, v5  }
0x277: {  	vm12 =	veq.f32 v9, v2;
	v5 =	vsel vm11, $0x4, v5  }
0x278: {  	v5 =	vsel vm12, $0x3, v5;
	vm13 =	veq.f32 v1, v2  }
0x279: {  	vm14 =	veq.f32 v10, v2;
	v1 =	vsel vm13, $0x2, v5  }
0x27a: {  	vm15 =	veq.f32 v4, v2;
	v1 =	vsel vm14, $0x1, v1  }
0x27b: {  	v2 =	vshll.u32 v3, $0x3;
	v1 =	vsel vm15, $0x0, v1  }
0x27c: {  	v1 =	vadd.s32 v2, v1;
	_ =	sdelay $0x4  }
0x27d: {  	v1 =	vld.idx.msk [tilespmem:v1+s10+$0x0], $0xffff;
	_ =	sdelay $0x4  }
0x27e: {  	v1 =	vcvt.s32.f32 v1;
	_ =	sdelay $0x1  }
0x27f: {  	s21 =	simm.s32 $0xB660;
	[tilespmem:$0x16A50] =	vst v1  }
0x280: {  	v58 =	vld [tilespmem:s21+$0xFFFFFE10]  }
0x281: {  	v3 =	vld [tilespmem:s21+$0xFFFFFE00]  }
0x282: {  	v2 =	vld [tilespmem:s21+$0x190]  }
0x283: {  	v4 =	vld [tilespmem:s21+$0xFFFFFE80]  }
0x284: {  	v8 =	vld [tilespmem:s21+$0x0]  }
0x285: {  	v9 =	vld [tilespmem:s21+$0x110]  }
0x286: {  	v10 =	vld [tilespmem:s21+$0x80]  }
0x287: {  	v60 =	vld [tilespmem:s21+$0xFFFFFF90]  }
0x288: {  	v11 =	vld [tilespmem:s21+$0x100]  }
0x289: {  	v12 =	vld [tilespmem:s21+$0x180]  }
0x28a: {  	v63 =	vld [tilespmem:s21+$0x90]  }
0x28b: {  	v5 =	vld [tilespmem:s21+$0xFFFFFF80]  }
0x28c: {  	v6 =	vld [tilespmem:s21+$0xFFFFFF00]  }
0x28d: {  	v61 =	vimm.f32 $-Inf;
	v57 =	vimm.f32 $-Inf;
	v62 =	vmax.f32 v9, v2;
	v2 =	vld [tilespmem:s21+$0x10]  }
0x28e: {  	v9 =	vmax.f32 v8, v10;
	v8 =	vmax.f32 v3, v4;
	v4 =	vmax.f32 v11, v12;
	v3 =	vld [tilespmem:s21+$0xFFFFFF10]  }
0x28f: {  	s20 =	simm.s32 $0x1;
	s19 =	simm.s32 $0x0;
	v59 =	vimm.s32 $0x0;
	v1 =	vimm.s32 $0x0;
	v9 =	vmax.f32 v9, v4;
	v4 =	vld [tilespmem:s21+$0xFFFFFE90];
	s21 =	simm.s32 $0xBA60  }
.LBB2_16:
0x290: {  	v10 =	vld [tilespmem:s21+$0xFFFFFE10];
	p0 =	sne.s32 s20, $0x2C;
	s22 =	smov.u32 s20;
	s20 =	sadd.s32 $0x1, s20  }
0x291: {  	v11 =	vld [tilespmem:s21+$0xFFFFFE00]  }
0x292: {  	v5 =	vmax.f32 v6, v5;
	v12 =	vld [tilespmem:s21+$0x190];
	v2 =	vmax.f32 v2, v63  }
0x293: {  	v5 =	vmax.f32 v8, v5;
	v13 =	vld [tilespmem:s21+$0xFFFFFE80];
	v3 =	vmax.f32 v3, v60  }
0x294: {  	v5 =	vmax.f32 v5, v9;
	v2 =	vmax.f32 v2, v62;
	v6 =	vld [tilespmem:s21+$0x0];
	v4 =	vmax.f32 v58, v4  }
0x295: {  	vm0 =	vgt.f32 v5, v61;
	v61 =	vmax.f32 v5, v61;
	v8 =	vld [tilespmem:s21+$0x110];
	v3 =	vmax.f32 v4, v3;
	v58 =	vmovc v10  }
0x296: {  	v1 =	vsel vm0, s19, v1;
	v4 =	vld [tilespmem:s21+$0x80];
	v2 =	vmax.f32 v3, v2  }
0x297: {  	v60 =	vld [tilespmem:s21+$0xFFFFFF90];
	vm0 =	vgt.f32 v2, v57;
	v57 =	vmax.f32 v2, v57  }
0x298: {  	v3 =	vld [tilespmem:s21+$0x100];
	v59 =	vsel vm0, s19, v59;
	s19 =	smov.u32 s22  }
0x299: {  	v9 =	vld [tilespmem:s21+$0x180]  }
0x29a: {  	v63 =	vld [tilespmem:s21+$0x90];
	v62 =	vmax.f32 v8, v12  }
.Ltmp7:
0x29b: {  	v5 =	vld [tilespmem:s21+$0xFFFFFF80];
	v4 =	vmax.f32 v6, v4;
	(pc) =	sbr.rel @p0 .LBB2_16-.Ltmp7, $4  }
0x29c: {  	v8 =	vmax.f32 v11, v13;
	v6 =	vld [tilespmem:s21+$0xFFFFFF00]  }
0x29d: {  	v2 =	vld [tilespmem:s21+$0x10]  }
0x29e: {  	v9 =	vmax.f32 v3, v9;
	v3 =	vld [tilespmem:s21+$0xFFFFFF10]  }
0x29f: {  	v9 =	vmax.f32 v4, v9;
	v4 =	vld [tilespmem:s21+$0xFFFFFE90];
	s21 =	sadd.s32 $0x400, s21  }
0x2a0: {  	_ = 	snop  }
0x2a1: {  	v5 =	vmax.f32 v6, v5  }
0x2a2: {  	v5 =	vmax.f32 v8, v5  }
0x2a3: {  	v5 =	vmax.f32 v5, v9  }
0x2a4: {  	vm0 =	vgt.f32 v5, v61  }
0x2a5: {  	v1 =	vsel vm0, s19, v1  }
0x2a6: {  	v6 =	vshll.u32 v1, $0xA  }
0x2a7: {  	v8 =	vor.u32 v49, v6  }
0x2a8: {  	v9 =	vor.u32 v48, v6  }
0x2a9: {  	v10 =	vor.u32 v47, v6  }
0x2aa: {  	v11 =	vor.u32 v46, v6  }
0x2ab: {  	v12 =	vor.u32 v45, v6  }
0x2ac: {  	v13 =	vor.u32 v44, v6;
	v8 =	vld.idx.msk [tilespmem:v8+s14+$0x0], $0xffff  }
0x2ad: {  	v6 =	vor.u32 v43, v6;
	v9 =	vld.idx.msk [tilespmem:v9+s14+$0x0], $0xffff  }
0x2ae: {  	v10 =	vld.idx.msk [tilespmem:v10+s14+$0x0], $0xffff  }
0x2af: {  	v11 =	vld.idx.msk [tilespmem:v11+s14+$0x0], $0xffff  }
0x2b0: {  	v5 =	vmax.f32 v5, v61;
	v12 =	vld.idx.msk [tilespmem:v12+s14+$0x0], $0xffff  }
0x2b1: {  	v13 =	vld.idx.msk [tilespmem:v13+s14+$0x0], $0xffff;
	vm13 =	veq.f32 v8, v5  }
0x2b2: {  	v6 =	vld.idx.msk [tilespmem:v6+s14+$0x0], $0xffff;
	vm14 =	veq.f32 v9, v5;
	v8 =	vsel vm13, $0x6, v7  }
0x2b3: {  	vm15 =	veq.f32 v10, v5;
	v8 =	vsel vm14, $0x5, v8  }
0x2b4: {  	vm4 =	veq.f32 v11, v5;
	v8 =	vsel vm15, $0x4, v8  }
0x2b5: {  	vm5 =	veq.f32 v12, v5;
	v8 =	vsel vm4, $0x3, v8  }
0x2b6: {  	vm6 =	veq.f32 v13, v5;
	v8 =	vsel vm5, $0x2, v8  }
0x2b7: {  	vm7 =	veq.f32 v6, v5;
	v8 =	vsel vm6, $0x1, v8  }
0x2b8: {  	v1 =	vshll.u32 v1, $0x3;
	v5 =	vsel vm7, $0x0, v8  }
0x2b9: {  	v1 =	vadd.s32 v1, v5;
	_ =	sdelay $0x1  }
0x2ba: {  	v2 =	vmax.f32 v2, v63;
	v3 =	vmax.f32 v3, v60;
	v4 =	vmax.f32 v58, v4  }
0x2bb: {  	v2 =	vmax.f32 v2, v62;
	v3 =	vmax.f32 v4, v3  }
0x2bc: {  	v2 =	vmax.f32 v3, v2  }
0x2bd: {  	vm8 =	vgt.f32 v2, v57;
	v1 =	vld.idx.msk [tilespmem:v1+s10+$0x0], $0xffff  }
0x2be: {  	v3 =	vsel vm8, s19, v59  }
0x2bf: {  	v4 =	vshll.u32 v3, $0xA  }
0x2c0: {  	v5 =	vor.u32 v56, v4  }
0x2c1: {  	v6 =	vor.u32 v55, v4  }
0x2c2: {  	v8 =	vor.u32 v54, v4;
	v1 =	vcvt.s32.f32 v1  }
0x2c3: {  	v9 =	vor.u32 v53, v4  }
0x2c4: {  	[tilespmem:$0x16A60] =	vst v1;
	v1 =	vor.u32 v52, v4  }
0x2c5: {  	v10 =	vor.u32 v51, v4;
	v5 =	vld.idx.msk [tilespmem:v5+s14+$0x0], $0xffff  }
0x2c6: {  	v4 =	vor.u32 v50, v4;
	v6 =	vld.idx.msk [tilespmem:v6+s14+$0x0], $0xffff  }
0x2c7: {  	v8 =	vld.idx.msk [tilespmem:v8+s14+$0x0], $0xffff  }
0x2c8: {  	v9 =	vld.idx.msk [tilespmem:v9+s14+$0x0], $0xffff  }
0x2c9: {  	v2 =	vmax.f32 v2, v57;
	v1 =	vld.idx.msk [tilespmem:v1+s14+$0x0], $0xffff  }
0x2ca: {  	v10 =	vld.idx.msk [tilespmem:v10+s14+$0x0], $0xffff;
	vm9 =	veq.f32 v5, v2  }
0x2cb: {  	v4 =	vld.idx.msk [tilespmem:v4+s14+$0x0], $0xffff;
	vm10 =	veq.f32 v6, v2;
	v5 =	vsel vm9, $0x6, v7  }
0x2cc: {  	vm11 =	veq.f32 v8, v2;
	v5 =	vsel vm10, $0x5, v5  }
0x2cd: {  	vm12 =	veq.f32 v9, v2;
	v5 =	vsel vm11, $0x4, v5  }
0x2ce: {  	v5 =	vsel vm12, $0x3, v5;
	vm13 =	veq.f32 v1, v2  }
0x2cf: {  	vm14 =	veq.f32 v10, v2;
	v1 =	vsel vm13, $0x2, v5  }
0x2d0: {  	vm15 =	veq.f32 v4, v2;
	v1 =	vsel vm14, $0x1, v1  }
0x2d1: {  	v2 =	vshll.u32 v3, $0x3;
	v1 =	vsel vm15, $0x0, v1  }
0x2d2: {  	v1 =	vadd.s32 v2, v1;
	_ =	sdelay $0x4  }
0x2d3: {  	v1 =	vld.idx.msk [tilespmem:v1+s10+$0x0], $0xffff;
	_ =	sdelay $0x4  }
0x2d4: {  	v1 =	vcvt.s32.f32 v1;
	_ =	sdelay $0x1  }
0x2d5: {  	[tilespmem:$0x16A70] =	vst v1  }
0x2d6: {  	[tilespmem:s14], [sflag:$0x2] =	stream.strided.gather [hbm4b:s7+s12], $0xB400, s13, s12, $0x38;
	[tilespmem:$0x16B80] =	vst v63  }
0x2d7: {  	_ =	swait.ge [sflag:s15], $0xB400  }
0x2d8: {  	[sflag:s15] =	ssyncset.done $0x0  }
0x2d9: {  	s21 =	simm.s32 $0x200;
	[sflag:s15] =	ssyncadd.s32 $0xFFFF4C00  }
0x2da: {  	v58 =	vld [tilespmem:s21+$0xFFFFFE10]  }
0x2db: {  	v3 =	vld [tilespmem:s21+$0xFFFFFE00]  }
0x2dc: {  	v2 =	vld [tilespmem:s21+$0x190]  }
0x2dd: {  	v4 =	vld [tilespmem:s21+$0xFFFFFE80]  }
0x2de: {  	v8 =	vld [tilespmem:s21+$0x0]  }
0x2df: {  	v9 =	vld [tilespmem:s21+$0x110]  }
0x2e0: {  	v10 =	vld [tilespmem:s21+$0x80]  }
0x2e1: {  	v60 =	vld [tilespmem:s21+$0xFFFFFF90]  }
0x2e2: {  	v11 =	vld [tilespmem:s21+$0x100]  }
0x2e3: {  	v12 =	vld [tilespmem:s21+$0x180]  }
0x2e4: {  	v63 =	vld [tilespmem:s21+$0x90]  }
0x2e5: {  	v5 =	vld [tilespmem:s21+$0xFFFFFF80]  }
0x2e6: {  	v6 =	vld [tilespmem:s21+$0xFFFFFF00]  }
0x2e7: {  	v61 =	vimm.f32 $-Inf;
	v57 =	vimm.f32 $-Inf;
	v62 =	vmax.f32 v9, v2;
	v2 =	vld [tilespmem:s21+$0x10]  }
0x2e8: {  	v9 =	vmax.f32 v8, v10;
	v8 =	vmax.f32 v3, v4;
	v4 =	vmax.f32 v11, v12;
	v3 =	vld [tilespmem:s21+$0xFFFFFF10]  }
0x2e9: {  	s20 =	simm.s32 $0x0;
	s19 =	simm.s32 $0x1;
	v59 =	vimm.s32 $0x0;
	v1 =	vimm.s32 $0x0;
	v9 =	vmax.f32 v9, v4;
	v4 =	vld [tilespmem:s21+$0xFFFFFE90];
	s21 =	simm.s32 $0x600  }
.LBB2_18:
0x2ea: {  	v10 =	vld [tilespmem:s21+$0xFFFFFE10];
	p0 =	sne.s32 s19, $0x2C;
	s22 =	smov.u32 s19;
	s19 =	sadd.s32 $0x1, s19  }
0x2eb: {  	v11 =	vld [tilespmem:s21+$0xFFFFFE00]  }
0x2ec: {  	v5 =	vmax.f32 v6, v5;
	v12 =	vld [tilespmem:s21+$0x190];
	v2 =	vmax.f32 v2, v63  }
0x2ed: {  	v5 =	vmax.f32 v8, v5;
	v13 =	vld [tilespmem:s21+$0xFFFFFE80];
	v3 =	vmax.f32 v3, v60  }
0x2ee: {  	v5 =	vmax.f32 v5, v9;
	v2 =	vmax.f32 v2, v62;
	v6 =	vld [tilespmem:s21+$0x0];
	v4 =	vmax.f32 v58, v4  }
0x2ef: {  	vm0 =	vgt.f32 v5, v61;
	v61 =	vmax.f32 v5, v61;
	v8 =	vld [tilespmem:s21+$0x110];
	v3 =	vmax.f32 v4, v3;
	v58 =	vmovc v10  }
0x2f0: {  	v1 =	vsel vm0, s20, v1;
	v4 =	vld [tilespmem:s21+$0x80];
	v2 =	vmax.f32 v3, v2  }
0x2f1: {  	v60 =	vld [tilespmem:s21+$0xFFFFFF90];
	vm0 =	vgt.f32 v2, v57;
	v57 =	vmax.f32 v2, v57  }
0x2f2: {  	v3 =	vld [tilespmem:s21+$0x100];
	v59 =	vsel vm0, s20, v59;
	s20 =	smov.u32 s22  }
0x2f3: {  	v9 =	vld [tilespmem:s21+$0x180]  }
0x2f4: {  	v63 =	vld [tilespmem:s21+$0x90];
	v62 =	vmax.f32 v8, v12  }
.Ltmp8:
0x2f5: {  	v5 =	vld [tilespmem:s21+$0xFFFFFF80];
	v4 =	vmax.f32 v6, v4;
	(pc) =	sbr.rel @p0 .LBB2_18-.Ltmp8, $4  }
0x2f6: {  	v8 =	vmax.f32 v11, v13;
	v6 =	vld [tilespmem:s21+$0xFFFFFF00]  }
0x2f7: {  	v2 =	vld [tilespmem:s21+$0x10]  }
0x2f8: {  	v9 =	vmax.f32 v3, v9;
	v3 =	vld [tilespmem:s21+$0xFFFFFF10]  }
0x2f9: {  	v9 =	vmax.f32 v4, v9;
	v4 =	vld [tilespmem:s21+$0xFFFFFE90];
	s21 =	sadd.s32 $0x400, s21  }
0x2fa: {  	_ = 	snop  }
0x2fb: {  	v5 =	vmax.f32 v6, v5  }
0x2fc: {  	v5 =	vmax.f32 v8, v5;
	v8 =	vld [tilespmem:$0x1FF90]  }
0x2fd: {  	v5 =	vmax.f32 v5, v9;
	v9 =	vld [tilespmem:$0x1FF80]  }
0x2fe: {  	v10 =	vld [tilespmem:$0x1FF70];
	vm0 =	vgt.f32 v5, v61  }
0x2ff: {  	v11 =	vld [tilespmem:$0x1FF60];
	v1 =	vsel vm0, s20, v1  }
0x300: {  	v12 =	vld [tilespmem:$0x1FF50];
	v6 =	vshll.u32 v1, $0xA  }
0x301: {  	v13 =	vld [tilespmem:$0x1FF40];
	v8 =	vor.u32 v8, v6  }
0x302: {  	v9 =	vor.u32 v9, v6  }
0x303: {  	v10 =	vor.u32 v10, v6  }
0x304: {  	v11 =	vor.u32 v11, v6  }
0x305: {  	s19 =	simm.s32 $0x0;
	v12 =	vor.u32 v12, v6  }
0x306: {  	v13 =	vor.u32 v13, v6;
	v8 =	vld.idx.msk [tilespmem:v8+s19+$0x0], $0xffff  }
0x307: {  	v6 =	vor.u32 v0, v6;
	v9 =	vld.idx.msk [tilespmem:v9+s19+$0x0], $0xffff  }
0x308: {  	v10 =	vld.idx.msk [tilespmem:v10+s19+$0x0], $0xffff  }
0x309: {  	v11 =	vld.idx.msk [tilespmem:v11+s19+$0x0], $0xffff  }
0x30a: {  	v5 =	vmax.f32 v5, v61;
	v12 =	vld.idx.msk [tilespmem:v12+s19+$0x0], $0xffff  }
0x30b: {  	v13 =	vld.idx.msk [tilespmem:v13+s19+$0x0], $0xffff;
	vm13 =	veq.f32 v8, v5  }
0x30c: {  	v6 =	vld.idx.msk [tilespmem:v6+s19+$0x0], $0xffff;
	v8 =	vsel vm13, $0x6, v7;
	vm14 =	veq.f32 v9, v5  }
0x30d: {  	vm15 =	veq.f32 v10, v5;
	v8 =	vsel vm14, $0x5, v8  }
0x30e: {  	vm4 =	veq.f32 v11, v5;
	v8 =	vsel vm15, $0x4, v8  }
0x30f: {  	vm5 =	veq.f32 v12, v5;
	v8 =	vsel vm4, $0x3, v8  }
0x310: {  	vm6 =	veq.f32 v13, v5;
	v8 =	vsel vm5, $0x2, v8  }
0x311: {  	vm7 =	veq.f32 v6, v5;
	v8 =	vsel vm6, $0x1, v8  }
0x312: {  	v1 =	vshll.u32 v1, $0x3;
	v5 =	vsel vm7, $0x0, v8  }
0x313: {  	v1 =	vadd.s32 v1, v5;
	_ =	sdelay $0x4  }
0x314: {  	v1 =	vld.idx.msk [tilespmem:v1+s10+$0x0], $0xffff;
	_ =	sdelay $0x1  }
0x315: {  	v2 =	vmax.f32 v2, v63;
	v3 =	vmax.f32 v3, v60;
	v4 =	vmax.f32 v58, v4  }
0x316: {  	v2 =	vmax.f32 v2, v62;
	v3 =	vmax.f32 v4, v3  }
0x317: {  	v2 =	vmax.f32 v3, v2;
	v6 =	vld [tilespmem:$0x1FFF0]  }
0x318: {  	vm8 =	vgt.f32 v2, v57;
	v8 =	vld [tilespmem:$0x1FFE0];
	v1 =	vcvt.s32.f32 v1  }
0x319: {  	v3 =	vsel vm8, s20, v59;
	v9 =	vld [tilespmem:$0x1FFD0]  }
0x31a: {  	v4 =	vshll.u32 v3, $0xA;
	[tilespmem:$0x16A80] =	vst v1;
	v1 =	vld [tilespmem:$0x1FFC0]  }
0x31b: {  	v10 =	vld [tilespmem:$0x1FFB0];
	v5 =	vor.u32 v14, v4  }
0x31c: {  	v11 =	vld [tilespmem:$0x1FFA0];
	v6 =	vor.u32 v6, v4  }
0x31d: {  	v8 =	vor.u32 v8, v4  }
0x31e: {  	v9 =	vor.u32 v9, v4  }
0x31f: {  	v1 =	vor.u32 v1, v4  }
0x320: {  	v10 =	vor.u32 v10, v4;
	v5 =	vld.idx.msk [tilespmem:v5+s19+$0x0], $0xffff  }
0x321: {  	v6 =	vld.idx.msk [tilespmem:v6+s19+$0x0], $0xffff;
	v4 =	vor.u32 v11, v4  }
0x322: {  	v8 =	vld.idx.msk [tilespmem:v8+s19+$0x0], $0xffff  }
0x323: {  	v9 =	vld.idx.msk [tilespmem:v9+s19+$0x0], $0xffff  }
0x324: {  	v2 =	vmax.f32 v2, v57;
	v1 =	vld.idx.msk [tilespmem:v1+s19+$0x0], $0xffff  }
0x325: {  	v10 =	vld.idx.msk [tilespmem:v10+s19+$0x0], $0xffff;
	vm9 =	veq.f32 v5, v2  }
0x326: {  	vm10 =	veq.f32 v6, v2;
	v5 =	vsel vm9, $0x6, v7;
	v4 =	vld.idx.msk [tilespmem:v4+s19+$0x0], $0xffff  }
0x327: {  	vm11 =	veq.f32 v8, v2;
	v5 =	vsel vm10, $0x5, v5  }
0x328: {  	vm12 =	veq.f32 v9, v2;
	v5 =	vsel vm11, $0x4, v5  }
0x329: {  	v5 =	vsel vm12, $0x3, v5;
	vm13 =	veq.f32 v1, v2  }
0x32a: {  	vm14 =	veq.f32 v10, v2;
	v1 =	vsel vm13, $0x2, v5  }
0x32b: {  	vm15 =	veq.f32 v4, v2;
	v1 =	vsel vm14, $0x1, v1  }
0x32c: {  	v2 =	vshll.u32 v3, $0x3;
	v1 =	vsel vm15, $0x0, v1  }
0x32d: {  	v1 =	vadd.s32 v2, v1;
	_ =	sdelay $0x4  }
0x32e: {  	v1 =	vld.idx.msk [tilespmem:v1+s10+$0x0], $0xffff;
	_ =	sdelay $0x4  }
0x32f: {  	v1 =	vcvt.s32.f32 v1;
	_ =	sdelay $0x1  }
0x330: {  	s21 =	simm.s32 $0x220;
	[tilespmem:$0x16A90] =	vst v1  }
0x331: {  	v58 =	vld [tilespmem:s21+$0xFFFFFE10]  }
0x332: {  	v3 =	vld [tilespmem:s21+$0xFFFFFE00]  }
0x333: {  	v2 =	vld [tilespmem:s21+$0x190]  }
0x334: {  	v4 =	vld [tilespmem:s21+$0xFFFFFE80]  }
0x335: {  	v8 =	vld [tilespmem:s21+$0x0]  }
0x336: {  	v9 =	vld [tilespmem:s21+$0x110]  }
0x337: {  	v10 =	vld [tilespmem:s21+$0x80]  }
0x338: {  	v60 =	vld [tilespmem:s21+$0xFFFFFF90]  }
0x339: {  	v11 =	vld [tilespmem:s21+$0x100]  }
0x33a: {  	v12 =	vld [tilespmem:s21+$0x180]  }
0x33b: {  	v63 =	vld [tilespmem:s21+$0x90]  }
0x33c: {  	v5 =	vld [tilespmem:s21+$0xFFFFFF80]  }
0x33d: {  	v6 =	vld [tilespmem:s21+$0xFFFFFF00]  }
0x33e: {  	v61 =	vimm.f32 $-Inf;
	v57 =	vimm.f32 $-Inf;
	v62 =	vmax.f32 v9, v2;
	v2 =	vld [tilespmem:s21+$0x10]  }
0x33f: {  	v9 =	vmax.f32 v8, v10;
	v8 =	vmax.f32 v3, v4;
	v4 =	vmax.f32 v11, v12;
	v3 =	vld [tilespmem:s21+$0xFFFFFF10]  }
0x340: {  	s20 =	simm.s32 $0x1;
	v59 =	vimm.s32 $0x0;
	v1 =	vimm.s32 $0x0;
	v9 =	vmax.f32 v9, v4;
	v4 =	vld [tilespmem:s21+$0xFFFFFE90];
	s21 =	simm.s32 $0x620  }
.LBB2_20:
0x341: {  	v10 =	vld [tilespmem:s21+$0xFFFFFE10];
	p0 =	sne.s32 s20, $0x2C;
	s22 =	smov.u32 s20;
	s20 =	sadd.s32 $0x1, s20  }
0x342: {  	v11 =	vld [tilespmem:s21+$0xFFFFFE00]  }
0x343: {  	v5 =	vmax.f32 v6, v5;
	v12 =	vld [tilespmem:s21+$0x190];
	v2 =	vmax.f32 v2, v63  }
0x344: {  	v5 =	vmax.f32 v8, v5;
	v13 =	vld [tilespmem:s21+$0xFFFFFE80];
	v3 =	vmax.f32 v3, v60  }
0x345: {  	v5 =	vmax.f32 v5, v9;
	v2 =	vmax.f32 v2, v62;
	v6 =	vld [tilespmem:s21+$0x0];
	v4 =	vmax.f32 v58, v4  }
0x346: {  	vm0 =	vgt.f32 v5, v61;
	v61 =	vmax.f32 v5, v61;
	v8 =	vld [tilespmem:s21+$0x110];
	v3 =	vmax.f32 v4, v3;
	v58 =	vmovc v10  }
0x347: {  	v1 =	vsel vm0, s19, v1;
	v4 =	vld [tilespmem:s21+$0x80];
	v2 =	vmax.f32 v3, v2  }
0x348: {  	v60 =	vld [tilespmem:s21+$0xFFFFFF90];
	vm0 =	vgt.f32 v2, v57;
	v57 =	vmax.f32 v2, v57  }
0x349: {  	v3 =	vld [tilespmem:s21+$0x100];
	v59 =	vsel vm0, s19, v59;
	s19 =	smov.u32 s22  }
0x34a: {  	v9 =	vld [tilespmem:s21+$0x180]  }
0x34b: {  	v63 =	vld [tilespmem:s21+$0x90];
	v62 =	vmax.f32 v8, v12  }
.Ltmp9:
0x34c: {  	v5 =	vld [tilespmem:s21+$0xFFFFFF80];
	v4 =	vmax.f32 v6, v4;
	(pc) =	sbr.rel @p0 .LBB2_20-.Ltmp9, $4  }
0x34d: {  	v8 =	vmax.f32 v11, v13;
	v6 =	vld [tilespmem:s21+$0xFFFFFF00]  }
0x34e: {  	v2 =	vld [tilespmem:s21+$0x10]  }
0x34f: {  	v9 =	vmax.f32 v3, v9;
	v3 =	vld [tilespmem:s21+$0xFFFFFF10]  }
0x350: {  	v9 =	vmax.f32 v4, v9;
	v4 =	vld [tilespmem:s21+$0xFFFFFE90];
	s21 =	sadd.s32 $0x400, s21  }
0x351: {  	_ = 	snop  }
0x352: {  	v5 =	vmax.f32 v6, v5  }
0x353: {  	v5 =	vmax.f32 v8, v5  }
0x354: {  	v5 =	vmax.f32 v5, v9  }
0x355: {  	vm0 =	vgt.f32 v5, v61  }
0x356: {  	v1 =	vsel vm0, s19, v1  }
0x357: {  	v6 =	vshll.u32 v1, $0xA  }
0x358: {  	v8 =	vor.u32 v21, v6  }
0x359: {  	v9 =	vor.u32 v20, v6  }
0x35a: {  	v10 =	vor.u32 v19, v6  }
0x35b: {  	v11 =	vor.u32 v18, v6  }
0x35c: {  	s20 =	simm.s32 $0x0;
	v12 =	vor.u32 v17, v6  }
0x35d: {  	v13 =	vor.u32 v16, v6;
	v8 =	vld.idx.msk [tilespmem:v8+s20+$0x0], $0xffff  }
0x35e: {  	v6 =	vor.u32 v15, v6;
	v9 =	vld.idx.msk [tilespmem:v9+s20+$0x0], $0xffff  }
0x35f: {  	v10 =	vld.idx.msk [tilespmem:v10+s20+$0x0], $0xffff  }
0x360: {  	v11 =	vld.idx.msk [tilespmem:v11+s20+$0x0], $0xffff  }
0x361: {  	v5 =	vmax.f32 v5, v61;
	v12 =	vld.idx.msk [tilespmem:v12+s20+$0x0], $0xffff  }
0x362: {  	v13 =	vld.idx.msk [tilespmem:v13+s20+$0x0], $0xffff;
	vm13 =	veq.f32 v8, v5  }
0x363: {  	v6 =	vld.idx.msk [tilespmem:v6+s20+$0x0], $0xffff;
	vm14 =	veq.f32 v9, v5;
	v8 =	vsel vm13, $0x6, v7  }
0x364: {  	vm15 =	veq.f32 v10, v5;
	v8 =	vsel vm14, $0x5, v8  }
0x365: {  	vm4 =	veq.f32 v11, v5;
	v8 =	vsel vm15, $0x4, v8  }
0x366: {  	vm5 =	veq.f32 v12, v5;
	v8 =	vsel vm4, $0x3, v8  }
0x367: {  	vm6 =	veq.f32 v13, v5;
	v8 =	vsel vm5, $0x2, v8  }
0x368: {  	vm7 =	veq.f32 v6, v5;
	v8 =	vsel vm6, $0x1, v8  }
0x369: {  	v1 =	vshll.u32 v1, $0x3;
	v5 =	vsel vm7, $0x0, v8  }
0x36a: {  	v1 =	vadd.s32 v1, v5;
	_ =	sdelay $0x1  }
0x36b: {  	v2 =	vmax.f32 v2, v63;
	v3 =	vmax.f32 v3, v60;
	v4 =	vmax.f32 v58, v4  }
0x36c: {  	v2 =	vmax.f32 v2, v62;
	v3 =	vmax.f32 v4, v3  }
0x36d: {  	v2 =	vmax.f32 v3, v2  }
0x36e: {  	vm8 =	vgt.f32 v2, v57;
	v1 =	vld.idx.msk [tilespmem:v1+s10+$0x0], $0xffff  }
0x36f: {  	v3 =	vsel vm8, s19, v59  }
0x370: {  	v4 =	vshll.u32 v3, $0xA  }
0x371: {  	v5 =	vor.u32 v28, v4  }
0x372: {  	v6 =	vor.u32 v27, v4  }
0x373: {  	v8 =	vor.u32 v26, v4;
	v1 =	vcvt.s32.f32 v1  }
0x374: {  	v9 =	vor.u32 v25, v4  }
0x375: {  	[tilespmem:$0x16AA0] =	vst v1;
	v1 =	vor.u32 v24, v4  }
0x376: {  	v10 =	vor.u32 v23, v4;
	v5 =	vld.idx.msk [tilespmem:v5+s20+$0x0], $0xffff  }
0x377: {  	v4 =	vor.u32 v22, v4;
	v6 =	vld.idx.msk [tilespmem:v6+s20+$0x0], $0xffff  }
0x378: {  	v8 =	vld.idx.msk [tilespmem:v8+s20+$0x0], $0xffff  }
0x379: {  	v9 =	vld.idx.msk [tilespmem:v9+s20+$0x0], $0xffff  }
0x37a: {  	v2 =	vmax.f32 v2, v57;
	v1 =	vld.idx.msk [tilespmem:v1+s20+$0x0], $0xffff  }
0x37b: {  	v10 =	vld.idx.msk [tilespmem:v10+s20+$0x0], $0xffff;
	vm9 =	veq.f32 v5, v2  }
0x37c: {  	v4 =	vld.idx.msk [tilespmem:v4+s20+$0x0], $0xffff;
	vm10 =	veq.f32 v6, v2;
	v5 =	vsel vm9, $0x6, v7  }
0x37d: {  	vm11 =	veq.f32 v8, v2;
	v5 =	vsel vm10, $0x5, v5  }
0x37e: {  	vm12 =	veq.f32 v9, v2;
	v5 =	vsel vm11, $0x4, v5  }
0x37f: {  	v5 =	vsel vm12, $0x3, v5;
	vm13 =	veq.f32 v1, v2  }
0x380: {  	vm14 =	veq.f32 v10, v2;
	v1 =	vsel vm13, $0x2, v5  }
0x381: {  	vm15 =	veq.f32 v4, v2;
	v1 =	vsel vm14, $0x1, v1  }
0x382: {  	v2 =	vshll.u32 v3, $0x3;
	v1 =	vsel vm15, $0x0, v1  }
0x383: {  	v1 =	vadd.s32 v2, v1;
	_ =	sdelay $0x4  }
0x384: {  	v1 =	vld.idx.msk [tilespmem:v1+s10+$0x0], $0xffff;
	_ =	sdelay $0x4  }
0x385: {  	v1 =	vcvt.s32.f32 v1;
	_ =	sdelay $0x1  }
0x386: {  	s21 =	simm.s32 $0x240;
	[tilespmem:$0x16AB0] =	vst v1  }
0x387: {  	v58 =	vld [tilespmem:s21+$0xFFFFFE10]  }
0x388: {  	v3 =	vld [tilespmem:s21+$0xFFFFFE00]  }
0x389: {  	v2 =	vld [tilespmem:s21+$0x190]  }
0x38a: {  	v4 =	vld [tilespmem:s21+$0xFFFFFE80]  }
0x38b: {  	v8 =	vld [tilespmem:s21+$0x0]  }
0x38c: {  	v9 =	vld [tilespmem:s21+$0x110]  }
0x38d: {  	v10 =	vld [tilespmem:s21+$0x80]  }
0x38e: {  	v60 =	vld [tilespmem:s21+$0xFFFFFF90]  }
0x38f: {  	v11 =	vld [tilespmem:s21+$0x100]  }
0x390: {  	v12 =	vld [tilespmem:s21+$0x180]  }
0x391: {  	v63 =	vld [tilespmem:s21+$0x90]  }
0x392: {  	v5 =	vld [tilespmem:s21+$0xFFFFFF80]  }
0x393: {  	v6 =	vld [tilespmem:s21+$0xFFFFFF00]  }
0x394: {  	v61 =	vimm.f32 $-Inf;
	v57 =	vimm.f32 $-Inf;
	v62 =	vmax.f32 v9, v2;
	v2 =	vld [tilespmem:s21+$0x10]  }
0x395: {  	v9 =	vmax.f32 v8, v10;
	v8 =	vmax.f32 v3, v4;
	v4 =	vmax.f32 v11, v12;
	v3 =	vld [tilespmem:s21+$0xFFFFFF10]  }
0x396: {  	s19 =	simm.s32 $0x1;
	v59 =	vimm.s32 $0x0;
	v1 =	vimm.s32 $0x0;
	v9 =	vmax.f32 v9, v4;
	v4 =	vld [tilespmem:s21+$0xFFFFFE90];
	s21 =	simm.s32 $0x640  }
.LBB2_22:
0x397: {  	v10 =	vld [tilespmem:s21+$0xFFFFFE10];
	p0 =	sne.s32 s19, $0x2C;
	s22 =	smov.u32 s19;
	s19 =	sadd.s32 $0x1, s19  }
0x398: {  	v11 =	vld [tilespmem:s21+$0xFFFFFE00]  }
0x399: {  	v5 =	vmax.f32 v6, v5;
	v12 =	vld [tilespmem:s21+$0x190];
	v2 =	vmax.f32 v2, v63  }
0x39a: {  	v5 =	vmax.f32 v8, v5;
	v13 =	vld [tilespmem:s21+$0xFFFFFE80];
	v3 =	vmax.f32 v3, v60  }
0x39b: {  	v5 =	vmax.f32 v5, v9;
	v2 =	vmax.f32 v2, v62;
	v6 =	vld [tilespmem:s21+$0x0];
	v4 =	vmax.f32 v58, v4  }
0x39c: {  	vm0 =	vgt.f32 v5, v61;
	v61 =	vmax.f32 v5, v61;
	v8 =	vld [tilespmem:s21+$0x110];
	v3 =	vmax.f32 v4, v3;
	v58 =	vmovc v10  }
0x39d: {  	v1 =	vsel vm0, s20, v1;
	v4 =	vld [tilespmem:s21+$0x80];
	v2 =	vmax.f32 v3, v2  }
0x39e: {  	v60 =	vld [tilespmem:s21+$0xFFFFFF90];
	vm0 =	vgt.f32 v2, v57;
	v57 =	vmax.f32 v2, v57  }
0x39f: {  	v3 =	vld [tilespmem:s21+$0x100];
	v59 =	vsel vm0, s20, v59;
	s20 =	smov.u32 s22  }
0x3a0: {  	v9 =	vld [tilespmem:s21+$0x180]  }
0x3a1: {  	v63 =	vld [tilespmem:s21+$0x90];
	v62 =	vmax.f32 v8, v12  }
.Ltmp10:
0x3a2: {  	v5 =	vld [tilespmem:s21+$0xFFFFFF80];
	v4 =	vmax.f32 v6, v4;
	(pc) =	sbr.rel @p0 .LBB2_22-.Ltmp10, $4  }
0x3a3: {  	v8 =	vmax.f32 v11, v13;
	v6 =	vld [tilespmem:s21+$0xFFFFFF00]  }
0x3a4: {  	v2 =	vld [tilespmem:s21+$0x10]  }
0x3a5: {  	v9 =	vmax.f32 v3, v9;
	v3 =	vld [tilespmem:s21+$0xFFFFFF10]  }
0x3a6: {  	v9 =	vmax.f32 v4, v9;
	v4 =	vld [tilespmem:s21+$0xFFFFFE90];
	s21 =	sadd.s32 $0x400, s21  }
0x3a7: {  	_ = 	snop  }
0x3a8: {  	v5 =	vmax.f32 v6, v5  }
0x3a9: {  	v5 =	vmax.f32 v8, v5  }
0x3aa: {  	v5 =	vmax.f32 v5, v9  }
0x3ab: {  	vm0 =	vgt.f32 v5, v61  }
0x3ac: {  	v1 =	vsel vm0, s20, v1  }
0x3ad: {  	v6 =	vshll.u32 v1, $0xA  }
0x3ae: {  	v8 =	vor.u32 v35, v6  }
0x3af: {  	v9 =	vor.u32 v34, v6  }
0x3b0: {  	v10 =	vor.u32 v33, v6  }
0x3b1: {  	v11 =	vor.u32 v32, v6  }
0x3b2: {  	s21 =	simm.s32 $0x0;
	v12 =	vor.u32 v31, v6  }
0x3b3: {  	v13 =	vor.u32 v30, v6;
	v8 =	vld.idx.msk [tilespmem:v8+s21+$0x0], $0xffff  }
0x3b4: {  	v6 =	vor.u32 v29, v6;
	v9 =	vld.idx.msk [tilespmem:v9+s21+$0x0], $0xffff  }
0x3b5: {  	v10 =	vld.idx.msk [tilespmem:v10+s21+$0x0], $0xffff  }
0x3b6: {  	v11 =	vld.idx.msk [tilespmem:v11+s21+$0x0], $0xffff  }
0x3b7: {  	v5 =	vmax.f32 v5, v61;
	v12 =	vld.idx.msk [tilespmem:v12+s21+$0x0], $0xffff  }
0x3b8: {  	v13 =	vld.idx.msk [tilespmem:v13+s21+$0x0], $0xffff;
	vm13 =	veq.f32 v8, v5  }
0x3b9: {  	v6 =	vld.idx.msk [tilespmem:v6+s21+$0x0], $0xffff;
	vm14 =	veq.f32 v9, v5;
	v8 =	vsel vm13, $0x6, v7  }
0x3ba: {  	vm15 =	veq.f32 v10, v5;
	v8 =	vsel vm14, $0x5, v8  }
0x3bb: {  	vm4 =	veq.f32 v11, v5;
	v8 =	vsel vm15, $0x4, v8  }
0x3bc: {  	vm5 =	veq.f32 v12, v5;
	v8 =	vsel vm4, $0x3, v8  }
0x3bd: {  	vm6 =	veq.f32 v13, v5;
	v8 =	vsel vm5, $0x2, v8  }
0x3be: {  	vm7 =	veq.f32 v6, v5;
	v8 =	vsel vm6, $0x1, v8  }
0x3bf: {  	v1 =	vshll.u32 v1, $0x3;
	v5 =	vsel vm7, $0x0, v8  }
0x3c0: {  	v1 =	vadd.s32 v1, v5;
	_ =	sdelay $0x1  }
0x3c1: {  	v2 =	vmax.f32 v2, v63;
	v3 =	vmax.f32 v3, v60;
	v4 =	vmax.f32 v58, v4  }
0x3c2: {  	v2 =	vmax.f32 v2, v62;
	v3 =	vmax.f32 v4, v3  }
0x3c3: {  	v2 =	vmax.f32 v3, v2  }
0x3c4: {  	vm8 =	vgt.f32 v2, v57;
	v1 =	vld.idx.msk [tilespmem:v1+s10+$0x0], $0xffff  }
0x3c5: {  	v3 =	vsel vm8, s20, v59  }
0x3c6: {  	v4 =	vshll.u32 v3, $0xA  }
0x3c7: {  	v5 =	vor.u32 v42, v4  }
0x3c8: {  	v6 =	vor.u32 v41, v4  }
0x3c9: {  	v8 =	vor.u32 v40, v4;
	v1 =	vcvt.s32.f32 v1  }
0x3ca: {  	v9 =	vor.u32 v39, v4  }
0x3cb: {  	[tilespmem:$0x16AC0] =	vst v1;
	v1 =	vor.u32 v38, v4  }
0x3cc: {  	v10 =	vor.u32 v37, v4;
	v5 =	vld.idx.msk [tilespmem:v5+s21+$0x0], $0xffff  }
0x3cd: {  	v4 =	vor.u32 v36, v4;
	v6 =	vld.idx.msk [tilespmem:v6+s21+$0x0], $0xffff  }
0x3ce: {  	v8 =	vld.idx.msk [tilespmem:v8+s21+$0x0], $0xffff  }
0x3cf: {  	v9 =	vld.idx.msk [tilespmem:v9+s21+$0x0], $0xffff  }
0x3d0: {  	v2 =	vmax.f32 v2, v57;
	v1 =	vld.idx.msk [tilespmem:v1+s21+$0x0], $0xffff  }
0x3d1: {  	v10 =	vld.idx.msk [tilespmem:v10+s21+$0x0], $0xffff;
	vm9 =	veq.f32 v5, v2  }
0x3d2: {  	v4 =	vld.idx.msk [tilespmem:v4+s21+$0x0], $0xffff;
	vm10 =	veq.f32 v6, v2;
	v5 =	vsel vm9, $0x6, v7  }
0x3d3: {  	vm11 =	veq.f32 v8, v2;
	v5 =	vsel vm10, $0x5, v5  }
0x3d4: {  	vm12 =	veq.f32 v9, v2;
	v5 =	vsel vm11, $0x4, v5  }
0x3d5: {  	v5 =	vsel vm12, $0x3, v5;
	vm13 =	veq.f32 v1, v2  }
0x3d6: {  	vm14 =	veq.f32 v10, v2;
	v1 =	vsel vm13, $0x2, v5  }
0x3d7: {  	vm15 =	veq.f32 v4, v2;
	v1 =	vsel vm14, $0x1, v1  }
0x3d8: {  	v2 =	vshll.u32 v3, $0x3;
	v1 =	vsel vm15, $0x0, v1  }
0x3d9: {  	v1 =	vadd.s32 v2, v1;
	_ =	sdelay $0x4  }
0x3da: {  	v1 =	vld.idx.msk [tilespmem:v1+s10+$0x0], $0xffff;
	_ =	sdelay $0x4  }
0x3db: {  	v1 =	vcvt.s32.f32 v1;
	_ =	sdelay $0x1  }
0x3dc: {  	s31 =	simm.s32 $0x260;
	[tilespmem:$0x16AD0] =	vst v1  }
0x3dd: {  	v58 =	vld [tilespmem:s31+$0xFFFFFE10]  }
0x3de: {  	v3 =	vld [tilespmem:s31+$0xFFFFFE00]  }
0x3df: {  	v2 =	vld [tilespmem:s31+$0x190]  }
0x3e0: {  	v4 =	vld [tilespmem:s31+$0xFFFFFE80]  }
0x3e1: {  	v8 =	vld [tilespmem:s31+$0x0]  }
0x3e2: {  	v9 =	vld [tilespmem:s31+$0x110]  }
0x3e3: {  	v10 =	vld [tilespmem:s31+$0x80]  }
0x3e4: {  	v60 =	vld [tilespmem:s31+$0xFFFFFF90]  }
0x3e5: {  	v11 =	vld [tilespmem:s31+$0x100]  }
0x3e6: {  	v12 =	vld [tilespmem:s31+$0x180]  }
0x3e7: {  	v63 =	vld [tilespmem:s31+$0x90]  }
0x3e8: {  	v5 =	vld [tilespmem:s31+$0xFFFFFF80]  }
0x3e9: {  	v6 =	vld [tilespmem:s31+$0xFFFFFF00]  }
0x3ea: {  	v61 =	vimm.f32 $-Inf;
	v57 =	vimm.f32 $-Inf;
	v62 =	vmax.f32 v9, v2;
	v2 =	vld [tilespmem:s31+$0x10]  }
0x3eb: {  	v9 =	vmax.f32 v8, v10;
	v8 =	vmax.f32 v3, v4;
	v4 =	vmax.f32 v11, v12;
	v3 =	vld [tilespmem:s31+$0xFFFFFF10]  }
0x3ec: {  	s19 =	simm.s32 $0x1;
	s20 =	simm.s32 $0x660;
	v59 =	vimm.s32 $0x0;
	v1 =	vimm.s32 $0x0;
	v9 =	vmax.f32 v9, v4;
	v4 =	vld [tilespmem:s31+$0xFFFFFE90]  }
.LBB2_24:
0x3ed: {  	v10 =	vld [tilespmem:s20+$0xFFFFFE10];
	p0 =	sne.s32 s19, $0x2C;
	s22 =	smov.u32 s19;
	s19 =	sadd.s32 $0x1, s19  }
0x3ee: {  	v11 =	vld [tilespmem:s20+$0xFFFFFE00]  }
0x3ef: {  	v5 =	vmax.f32 v6, v5;
	v12 =	vld [tilespmem:s20+$0x190];
	v2 =	vmax.f32 v2, v63  }
0x3f0: {  	v5 =	vmax.f32 v8, v5;
	v13 =	vld [tilespmem:s20+$0xFFFFFE80];
	v3 =	vmax.f32 v3, v60  }
0x3f1: {  	v5 =	vmax.f32 v5, v9;
	v2 =	vmax.f32 v2, v62;
	v6 =	vld [tilespmem:s20+$0x0];
	v4 =	vmax.f32 v58, v4  }
0x3f2: {  	vm0 =	vgt.f32 v5, v61;
	v61 =	vmax.f32 v5, v61;
	v8 =	vld [tilespmem:s20+$0x110];
	v3 =	vmax.f32 v4, v3;
	v58 =	vmovc v10  }
0x3f3: {  	v1 =	vsel vm0, s21, v1;
	v4 =	vld [tilespmem:s20+$0x80];
	v2 =	vmax.f32 v3, v2  }
0x3f4: {  	v60 =	vld [tilespmem:s20+$0xFFFFFF90];
	vm0 =	vgt.f32 v2, v57;
	v57 =	vmax.f32 v2, v57  }
0x3f5: {  	v3 =	vld [tilespmem:s20+$0x100];
	v59 =	vsel vm0, s21, v59;
	s21 =	smov.u32 s22  }
0x3f6: {  	v9 =	vld [tilespmem:s20+$0x180]  }
0x3f7: {  	v63 =	vld [tilespmem:s20+$0x90];
	v62 =	vmax.f32 v8, v12  }
.Ltmp11:
0x3f8: {  	v5 =	vld [tilespmem:s20+$0xFFFFFF80];
	v4 =	vmax.f32 v6, v4;
	(pc) =	sbr.rel @p0 .LBB2_24-.Ltmp11, $4  }
0x3f9: {  	v8 =	vmax.f32 v11, v13;
	v6 =	vld [tilespmem:s20+$0xFFFFFF00]  }
0x3fa: {  	v2 =	vld [tilespmem:s20+$0x10]  }
0x3fb: {  	v9 =	vmax.f32 v3, v9;
	v3 =	vld [tilespmem:s20+$0xFFFFFF10]  }
0x3fc: {  	v9 =	vmax.f32 v4, v9;
	v4 =	vld [tilespmem:s20+$0xFFFFFE90];
	s20 =	sadd.s32 $0x400, s20  }
0x3fd: {  	_ = 	snop  }
0x3fe: {  	v5 =	vmax.f32 v6, v5  }
0x3ff: {  	v5 =	vmax.f32 v8, v5  }
0x400: {  	v5 =	vmax.f32 v5, v9  }
0x401: {  	vm0 =	vgt.f32 v5, v61  }
0x402: {  	v1 =	vsel vm0, s21, v1  }
0x403: {  	v6 =	vshll.u32 v1, $0xA  }
0x404: {  	v8 =	vor.u32 v49, v6  }
0x405: {  	v9 =	vor.u32 v48, v6  }
0x406: {  	v10 =	vor.u32 v47, v6  }
0x407: {  	v11 =	vor.u32 v46, v6  }
0x408: {  	s19 =	simm.s32 $0x0;
	v12 =	vor.u32 v45, v6  }
0x409: {  	v13 =	vor.u32 v44, v6;
	v8 =	vld.idx.msk [tilespmem:v8+s19+$0x0], $0xffff  }
0x40a: {  	v6 =	vor.u32 v43, v6;
	v9 =	vld.idx.msk [tilespmem:v9+s19+$0x0], $0xffff  }
0x40b: {  	v10 =	vld.idx.msk [tilespmem:v10+s19+$0x0], $0xffff  }
0x40c: {  	v11 =	vld.idx.msk [tilespmem:v11+s19+$0x0], $0xffff  }
0x40d: {  	v5 =	vmax.f32 v5, v61;
	v12 =	vld.idx.msk [tilespmem:v12+s19+$0x0], $0xffff  }
0x40e: {  	v13 =	vld.idx.msk [tilespmem:v13+s19+$0x0], $0xffff;
	vm13 =	veq.f32 v8, v5  }
0x40f: {  	v6 =	vld.idx.msk [tilespmem:v6+s19+$0x0], $0xffff;
	vm14 =	veq.f32 v9, v5;
	v8 =	vsel vm13, $0x6, v7  }
0x410: {  	vm15 =	veq.f32 v10, v5;
	v8 =	vsel vm14, $0x5, v8  }
0x411: {  	vm4 =	veq.f32 v11, v5;
	v8 =	vsel vm15, $0x4, v8  }
0x412: {  	vm5 =	veq.f32 v12, v5;
	v8 =	vsel vm4, $0x3, v8  }
0x413: {  	vm6 =	veq.f32 v13, v5;
	v8 =	vsel vm5, $0x2, v8  }
0x414: {  	vm7 =	veq.f32 v6, v5;
	v8 =	vsel vm6, $0x1, v8  }
0x415: {  	v1 =	vshll.u32 v1, $0x3;
	v5 =	vsel vm7, $0x0, v8  }
0x416: {  	v1 =	vadd.s32 v1, v5;
	_ =	sdelay $0x1  }
0x417: {  	v2 =	vmax.f32 v2, v63;
	v3 =	vmax.f32 v3, v60;
	v4 =	vmax.f32 v58, v4  }
0x418: {  	v2 =	vmax.f32 v2, v62;
	v3 =	vmax.f32 v4, v3  }
0x419: {  	v2 =	vmax.f32 v3, v2  }
0x41a: {  	vm8 =	vgt.f32 v2, v57;
	v1 =	vld.idx.msk [tilespmem:v1+s10+$0x0], $0xffff  }
0x41b: {  	v3 =	vsel vm8, s21, v59  }
0x41c: {  	v4 =	vshll.u32 v3, $0xA  }
0x41d: {  	v5 =	vor.u32 v56, v4  }
0x41e: {  	v6 =	vor.u32 v55, v4  }
0x41f: {  	v8 =	vor.u32 v54, v4;
	v1 =	vcvt.s32.f32 v1  }
0x420: {  	v9 =	vor.u32 v53, v4  }
0x421: {  	[tilespmem:$0x16AE0] =	vst v1;
	v1 =	vor.u32 v52, v4  }
0x422: {  	v10 =	vor.u32 v51, v4;
	v5 =	vld.idx.msk [tilespmem:v5+s19+$0x0], $0xffff  }
0x423: {  	v4 =	vor.u32 v50, v4;
	v6 =	vld.idx.msk [tilespmem:v6+s19+$0x0], $0xffff  }
0x424: {  	v8 =	vld.idx.msk [tilespmem:v8+s19+$0x0], $0xffff  }
0x425: {  	v9 =	vld.idx.msk [tilespmem:v9+s19+$0x0], $0xffff  }
0x426: {  	v2 =	vmax.f32 v2, v57;
	v1 =	vld.idx.msk [tilespmem:v1+s19+$0x0], $0xffff  }
0x427: {  	v10 =	vld.idx.msk [tilespmem:v10+s19+$0x0], $0xffff;
	vm9 =	veq.f32 v5, v2  }
0x428: {  	v4 =	vld.idx.msk [tilespmem:v4+s19+$0x0], $0xffff;
	vm10 =	veq.f32 v6, v2;
	v5 =	vsel vm9, $0x6, v7  }
0x429: {  	vm11 =	veq.f32 v8, v2;
	v5 =	vsel vm10, $0x5, v5  }
0x42a: {  	vm12 =	veq.f32 v9, v2;
	v5 =	vsel vm11, $0x4, v5  }
0x42b: {  	v5 =	vsel vm12, $0x3, v5;
	vm13 =	veq.f32 v1, v2  }
0x42c: {  	vm14 =	veq.f32 v10, v2;
	v1 =	vsel vm13, $0x2, v5  }
0x42d: {  	vm15 =	veq.f32 v4, v2;
	v1 =	vsel vm14, $0x1, v1  }
0x42e: {  	v2 =	vshll.u32 v3, $0x3;
	v1 =	vsel vm15, $0x0, v1  }
0x42f: {  	v1 =	vadd.s32 v2, v1;
	_ =	sdelay $0x4  }
0x430: {  	v1 =	vld.idx.msk [tilespmem:v1+s10+$0x0], $0xffff;
	_ =	sdelay $0x4  }
0x431: {  	v1 =	vcvt.s32.f32 v1;
	_ =	sdelay $0x1  }
0x432: {  	[tilespmem:$0x16AF0] =	vst v1  }
0x433: {  	_ =	swait.ge [sflag:s16], $0xB400  }
0x434: {  	[sflag:s16] =	ssyncset.done $0x0  }
0x435: {  	s31 =	simm.s32 $0xB600;
	[sflag:s16] =	ssyncadd.s32 $0xFFFF4C00  }
0x436: {  	v58 =	vld [tilespmem:s31+$0xFFFFFE10]  }
0x437: {  	v3 =	vld [tilespmem:s31+$0xFFFFFE00]  }
0x438: {  	v2 =	vld [tilespmem:s31+$0x190]  }
0x439: {  	v4 =	vld [tilespmem:s31+$0xFFFFFE80]  }
0x43a: {  	v8 =	vld [tilespmem:s31+$0x0]  }
0x43b: {  	v9 =	vld [tilespmem:s31+$0x110]  }
0x43c: {  	v10 =	vld [tilespmem:s31+$0x80]  }
0x43d: {  	v60 =	vld [tilespmem:s31+$0xFFFFFF90]  }
0x43e: {  	v11 =	vld [tilespmem:s31+$0x100]  }
0x43f: {  	v12 =	vld [tilespmem:s31+$0x180]  }
0x440: {  	v63 =	vld [tilespmem:s31+$0x90]  }
0x441: {  	v5 =	vld [tilespmem:s31+$0xFFFFFF80]  }
0x442: {  	v6 =	vld [tilespmem:s31+$0xFFFFFF00]  }
0x443: {  	v61 =	vimm.f32 $-Inf;
	v57 =	vimm.f32 $-Inf;
	v62 =	vmax.f32 v9, v2;
	v2 =	vld [tilespmem:s31+$0x10]  }
0x444: {  	v9 =	vmax.f32 v8, v10;
	v8 =	vmax.f32 v3, v4;
	v4 =	vmax.f32 v11, v12;
	v3 =	vld [tilespmem:s31+$0xFFFFFF10]  }
0x445: {  	s20 =	simm.s32 $0x1;
	s21 =	simm.s32 $0xBA00;
	v59 =	vimm.s32 $0x0;
	v1 =	vimm.s32 $0x0;
	v9 =	vmax.f32 v9, v4;
	v4 =	vld [tilespmem:s31+$0xFFFFFE90]  }
.LBB2_26:
0x446: {  	v10 =	vld [tilespmem:s21+$0xFFFFFE10];
	p0 =	sne.s32 s20, $0x2C;
	s22 =	smov.u32 s20;
	s20 =	sadd.s32 $0x1, s20  }
0x447: {  	v11 =	vld [tilespmem:s21+$0xFFFFFE00]  }
0x448: {  	v5 =	vmax.f32 v6, v5;
	v12 =	vld [tilespmem:s21+$0x190];
	v2 =	vmax.f32 v2, v63  }
0x449: {  	v5 =	vmax.f32 v8, v5;
	v13 =	vld [tilespmem:s21+$0xFFFFFE80];
	v3 =	vmax.f32 v3, v60  }
0x44a: {  	v5 =	vmax.f32 v5, v9;
	v2 =	vmax.f32 v2, v62;
	v6 =	vld [tilespmem:s21+$0x0];
	v4 =	vmax.f32 v58, v4  }
0x44b: {  	vm0 =	vgt.f32 v5, v61;
	v61 =	vmax.f32 v5, v61;
	v8 =	vld [tilespmem:s21+$0x110];
	v3 =	vmax.f32 v4, v3;
	v58 =	vmovc v10  }
0x44c: {  	v1 =	vsel vm0, s19, v1;
	v4 =	vld [tilespmem:s21+$0x80];
	v2 =	vmax.f32 v3, v2  }
0x44d: {  	v60 =	vld [tilespmem:s21+$0xFFFFFF90];
	vm0 =	vgt.f32 v2, v57;
	v57 =	vmax.f32 v2, v57  }
0x44e: {  	v3 =	vld [tilespmem:s21+$0x100];
	v59 =	vsel vm0, s19, v59;
	s19 =	smov.u32 s22  }
0x44f: {  	v9 =	vld [tilespmem:s21+$0x180]  }
0x450: {  	v63 =	vld [tilespmem:s21+$0x90];
	v62 =	vmax.f32 v8, v12  }
.Ltmp12:
0x451: {  	v5 =	vld [tilespmem:s21+$0xFFFFFF80];
	v4 =	vmax.f32 v6, v4;
	(pc) =	sbr.rel @p0 .LBB2_26-.Ltmp12, $4  }
0x452: {  	v8 =	vmax.f32 v11, v13;
	v6 =	vld [tilespmem:s21+$0xFFFFFF00]  }
0x453: {  	v2 =	vld [tilespmem:s21+$0x10]  }
0x454: {  	v9 =	vmax.f32 v3, v9;
	v3 =	vld [tilespmem:s21+$0xFFFFFF10]  }
0x455: {  	v9 =	vmax.f32 v4, v9;
	v4 =	vld [tilespmem:s21+$0xFFFFFE90];
	s21 =	sadd.s32 $0x400, s21  }
0x456: {  	_ = 	snop  }
0x457: {  	v5 =	vmax.f32 v6, v5  }
0x458: {  	v5 =	vmax.f32 v8, v5;
	v8 =	vld [tilespmem:$0x1FF90]  }
0x459: {  	v5 =	vmax.f32 v5, v9;
	v9 =	vld [tilespmem:$0x1FF80]  }
0x45a: {  	v10 =	vld [tilespmem:$0x1FF70];
	vm0 =	vgt.f32 v5, v61  }
0x45b: {  	v11 =	vld [tilespmem:$0x1FF60];
	v1 =	vsel vm0, s19, v1  }
0x45c: {  	v12 =	vld [tilespmem:$0x1FF50];
	v6 =	vshll.u32 v1, $0xA  }
0x45d: {  	v13 =	vld [tilespmem:$0x1FF40];
	v8 =	vor.u32 v8, v6  }
0x45e: {  	v9 =	vor.u32 v9, v6  }
0x45f: {  	v10 =	vor.u32 v10, v6  }
0x460: {  	v11 =	vor.u32 v11, v6  }
0x461: {  	v12 =	vor.u32 v12, v6  }
0x462: {  	v13 =	vor.u32 v13, v6;
	v8 =	vld.idx.msk [tilespmem:v8+s14+$0x0], $0xffff  }
0x463: {  	v6 =	vor.u32 v0, v6;
	v9 =	vld.idx.msk [tilespmem:v9+s14+$0x0], $0xffff  }
0x464: {  	v10 =	vld.idx.msk [tilespmem:v10+s14+$0x0], $0xffff  }
0x465: {  	v11 =	vld.idx.msk [tilespmem:v11+s14+$0x0], $0xffff  }
0x466: {  	v5 =	vmax.f32 v5, v61;
	v12 =	vld.idx.msk [tilespmem:v12+s14+$0x0], $0xffff  }
0x467: {  	v13 =	vld.idx.msk [tilespmem:v13+s14+$0x0], $0xffff;
	vm13 =	veq.f32 v8, v5  }
0x468: {  	v6 =	vld.idx.msk [tilespmem:v6+s14+$0x0], $0xffff;
	v8 =	vsel vm13, $0x6, v7;
	vm14 =	veq.f32 v9, v5  }
0x469: {  	vm15 =	veq.f32 v10, v5;
	v8 =	vsel vm14, $0x5, v8  }
0x46a: {  	vm4 =	veq.f32 v11, v5;
	v8 =	vsel vm15, $0x4, v8  }
0x46b: {  	vm5 =	veq.f32 v12, v5;
	v8 =	vsel vm4, $0x3, v8  }
0x46c: {  	vm6 =	veq.f32 v13, v5;
	v8 =	vsel vm5, $0x2, v8  }
0x46d: {  	vm7 =	veq.f32 v6, v5;
	v8 =	vsel vm6, $0x1, v8  }
0x46e: {  	v1 =	vshll.u32 v1, $0x3;
	v5 =	vsel vm7, $0x0, v8  }
0x46f: {  	v1 =	vadd.s32 v1, v5;
	_ =	sdelay $0x4  }
0x470: {  	v1 =	vld.idx.msk [tilespmem:v1+s10+$0x0], $0xffff;
	_ =	sdelay $0x1  }
0x471: {  	v2 =	vmax.f32 v2, v63;
	v3 =	vmax.f32 v3, v60;
	v4 =	vmax.f32 v58, v4  }
0x472: {  	v2 =	vmax.f32 v2, v62;
	v3 =	vmax.f32 v4, v3  }
0x473: {  	v2 =	vmax.f32 v3, v2;
	v6 =	vld [tilespmem:$0x1FFF0]  }
0x474: {  	vm8 =	vgt.f32 v2, v57;
	v8 =	vld [tilespmem:$0x1FFE0];
	v1 =	vcvt.s32.f32 v1  }
0x475: {  	v3 =	vsel vm8, s19, v59;
	v9 =	vld [tilespmem:$0x1FFD0]  }
0x476: {  	v4 =	vshll.u32 v3, $0xA;
	[tilespmem:$0x16B00] =	vst v1;
	v1 =	vld [tilespmem:$0x1FFC0]  }
0x477: {  	v10 =	vld [tilespmem:$0x1FFB0];
	v5 =	vor.u32 v14, v4  }
0x478: {  	v11 =	vld [tilespmem:$0x1FFA0];
	v6 =	vor.u32 v6, v4  }
0x479: {  	v8 =	vor.u32 v8, v4  }
0x47a: {  	v9 =	vor.u32 v9, v4  }
0x47b: {  	v1 =	vor.u32 v1, v4  }
0x47c: {  	v10 =	vor.u32 v10, v4;
	v5 =	vld.idx.msk [tilespmem:v5+s14+$0x0], $0xffff  }
0x47d: {  	v6 =	vld.idx.msk [tilespmem:v6+s14+$0x0], $0xffff;
	v4 =	vor.u32 v11, v4  }
0x47e: {  	v8 =	vld.idx.msk [tilespmem:v8+s14+$0x0], $0xffff  }
0x47f: {  	v9 =	vld.idx.msk [tilespmem:v9+s14+$0x0], $0xffff  }
0x480: {  	v2 =	vmax.f32 v2, v57;
	v1 =	vld.idx.msk [tilespmem:v1+s14+$0x0], $0xffff  }
0x481: {  	v10 =	vld.idx.msk [tilespmem:v10+s14+$0x0], $0xffff;
	vm9 =	veq.f32 v5, v2  }
0x482: {  	vm10 =	veq.f32 v6, v2;
	v5 =	vsel vm9, $0x6, v7;
	v4 =	vld.idx.msk [tilespmem:v4+s14+$0x0], $0xffff  }
0x483: {  	vm11 =	veq.f32 v8, v2;
	v5 =	vsel vm10, $0x5, v5  }
0x484: {  	vm12 =	veq.f32 v9, v2;
	v5 =	vsel vm11, $0x4, v5  }
0x485: {  	v5 =	vsel vm12, $0x3, v5;
	vm13 =	veq.f32 v1, v2  }
0x486: {  	vm14 =	veq.f32 v10, v2;
	v1 =	vsel vm13, $0x2, v5  }
0x487: {  	vm15 =	veq.f32 v4, v2;
	v1 =	vsel vm14, $0x1, v1  }
0x488: {  	v2 =	vshll.u32 v3, $0x3;
	v1 =	vsel vm15, $0x0, v1  }
0x489: {  	v1 =	vadd.s32 v2, v1;
	_ =	sdelay $0x4  }
0x48a: {  	v1 =	vld.idx.msk [tilespmem:v1+s10+$0x0], $0xffff;
	_ =	sdelay $0x4  }
0x48b: {  	v1 =	vcvt.s32.f32 v1;
	_ =	sdelay $0x1  }
0x48c: {  	s21 =	simm.s32 $0xB620;
	[tilespmem:$0x16B10] =	vst v1  }
0x48d: {  	v58 =	vld [tilespmem:s21+$0xFFFFFE10]  }
0x48e: {  	v3 =	vld [tilespmem:s21+$0xFFFFFE00]  }
0x48f: {  	v2 =	vld [tilespmem:s21+$0x190]  }
0x490: {  	v4 =	vld [tilespmem:s21+$0xFFFFFE80]  }
0x491: {  	v8 =	vld [tilespmem:s21+$0x0]  }
0x492: {  	v9 =	vld [tilespmem:s21+$0x110]  }
0x493: {  	v10 =	vld [tilespmem:s21+$0x80]  }
0x494: {  	v60 =	vld [tilespmem:s21+$0xFFFFFF90]  }
0x495: {  	v11 =	vld [tilespmem:s21+$0x100]  }
0x496: {  	v12 =	vld [tilespmem:s21+$0x180]  }
0x497: {  	v63 =	vld [tilespmem:s21+$0x90]  }
0x498: {  	v5 =	vld [tilespmem:s21+$0xFFFFFF80]  }
0x499: {  	v6 =	vld [tilespmem:s21+$0xFFFFFF00]  }
0x49a: {  	v61 =	vimm.f32 $-Inf;
	v57 =	vimm.f32 $-Inf;
	v62 =	vmax.f32 v9, v2;
	v2 =	vld [tilespmem:s21+$0x10]  }
0x49b: {  	v9 =	vmax.f32 v8, v10;
	v8 =	vmax.f32 v3, v4;
	v4 =	vmax.f32 v11, v12;
	v3 =	vld [tilespmem:s21+$0xFFFFFF10]  }
0x49c: {  	s20 =	simm.s32 $0x1;
	s19 =	simm.s32 $0x0;
	v59 =	vimm.s32 $0x0;
	v1 =	vimm.s32 $0x0;
	v9 =	vmax.f32 v9, v4;
	v4 =	vld [tilespmem:s21+$0xFFFFFE90];
	s21 =	simm.s32 $0xBA20  }
.LBB2_28:
0x49d: {  	v10 =	vld [tilespmem:s21+$0xFFFFFE10];
	p0 =	sne.s32 s20, $0x2C;
	s22 =	smov.u32 s20;
	s20 =	sadd.s32 $0x1, s20  }
0x49e: {  	v11 =	vld [tilespmem:s21+$0xFFFFFE00]  }
0x49f: {  	v5 =	vmax.f32 v6, v5;
	v12 =	vld [tilespmem:s21+$0x190];
	v2 =	vmax.f32 v2, v63  }
0x4a0: {  	v5 =	vmax.f32 v8, v5;
	v13 =	vld [tilespmem:s21+$0xFFFFFE80];
	v3 =	vmax.f32 v3, v60  }
0x4a1: {  	v5 =	vmax.f32 v5, v9;
	v2 =	vmax.f32 v2, v62;
	v6 =	vld [tilespmem:s21+$0x0];
	v4 =	vmax.f32 v58, v4  }
0x4a2: {  	vm0 =	vgt.f32 v5, v61;
	v61 =	vmax.f32 v5, v61;
	v8 =	vld [tilespmem:s21+$0x110];
	v3 =	vmax.f32 v4, v3;
	v58 =	vmovc v10  }
0x4a3: {  	v1 =	vsel vm0, s19, v1;
	v4 =	vld [tilespmem:s21+$0x80];
	v2 =	vmax.f32 v3, v2  }
0x4a4: {  	v60 =	vld [tilespmem:s21+$0xFFFFFF90];
	vm0 =	vgt.f32 v2, v57;
	v57 =	vmax.f32 v2, v57  }
0x4a5: {  	v3 =	vld [tilespmem:s21+$0x100];
	v59 =	vsel vm0, s19, v59;
	s19 =	smov.u32 s22  }
0x4a6: {  	v9 =	vld [tilespmem:s21+$0x180]  }
0x4a7: {  	v63 =	vld [tilespmem:s21+$0x90];
	v62 =	vmax.f32 v8, v12  }
.Ltmp13:
0x4a8: {  	v5 =	vld [tilespmem:s21+$0xFFFFFF80];
	v4 =	vmax.f32 v6, v4;
	(pc) =	sbr.rel @p0 .LBB2_28-.Ltmp13, $4  }
0x4a9: {  	v8 =	vmax.f32 v11, v13;
	v6 =	vld [tilespmem:s21+$0xFFFFFF00]  }
0x4aa: {  	v2 =	vld [tilespmem:s21+$0x10]  }
0x4ab: {  	v9 =	vmax.f32 v3, v9;
	v3 =	vld [tilespmem:s21+$0xFFFFFF10]  }
0x4ac: {  	v9 =	vmax.f32 v4, v9;
	v4 =	vld [tilespmem:s21+$0xFFFFFE90];
	s21 =	sadd.s32 $0x400, s21  }
0x4ad: {  	_ = 	snop  }
0x4ae: {  	v5 =	vmax.f32 v6, v5  }
0x4af: {  	v5 =	vmax.f32 v8, v5  }
0x4b0: {  	v5 =	vmax.f32 v5, v9  }
0x4b1: {  	vm0 =	vgt.f32 v5, v61  }
0x4b2: {  	v1 =	vsel vm0, s19, v1  }
0x4b3: {  	v6 =	vshll.u32 v1, $0xA  }
0x4b4: {  	v8 =	vor.u32 v21, v6  }
0x4b5: {  	v9 =	vor.u32 v20, v6  }
0x4b6: {  	v10 =	vor.u32 v19, v6  }
0x4b7: {  	v11 =	vor.u32 v18, v6  }
0x4b8: {  	v12 =	vor.u32 v17, v6  }
0x4b9: {  	v13 =	vor.u32 v16, v6;
	v8 =	vld.idx.msk [tilespmem:v8+s14+$0x0], $0xffff  }
0x4ba: {  	v6 =	vor.u32 v15, v6;
	v9 =	vld.idx.msk [tilespmem:v9+s14+$0x0], $0xffff  }
0x4bb: {  	v10 =	vld.idx.msk [tilespmem:v10+s14+$0x0], $0xffff  }
0x4bc: {  	v11 =	vld.idx.msk [tilespmem:v11+s14+$0x0], $0xffff  }
0x4bd: {  	v5 =	vmax.f32 v5, v61;
	v12 =	vld.idx.msk [tilespmem:v12+s14+$0x0], $0xffff  }
0x4be: {  	v13 =	vld.idx.msk [tilespmem:v13+s14+$0x0], $0xffff;
	vm13 =	veq.f32 v8, v5  }
0x4bf: {  	v6 =	vld.idx.msk [tilespmem:v6+s14+$0x0], $0xffff;
	vm14 =	veq.f32 v9, v5;
	v8 =	vsel vm13, $0x6, v7  }
0x4c0: {  	vm15 =	veq.f32 v10, v5;
	v8 =	vsel vm14, $0x5, v8  }
0x4c1: {  	vm4 =	veq.f32 v11, v5;
	v8 =	vsel vm15, $0x4, v8  }
0x4c2: {  	vm5 =	veq.f32 v12, v5;
	v8 =	vsel vm4, $0x3, v8  }
0x4c3: {  	vm6 =	veq.f32 v13, v5;
	v8 =	vsel vm5, $0x2, v8  }
0x4c4: {  	vm7 =	veq.f32 v6, v5;
	v8 =	vsel vm6, $0x1, v8  }
0x4c5: {  	v1 =	vshll.u32 v1, $0x3;
	v5 =	vsel vm7, $0x0, v8  }
0x4c6: {  	v1 =	vadd.s32 v1, v5;
	_ =	sdelay $0x1  }
0x4c7: {  	v2 =	vmax.f32 v2, v63;
	v3 =	vmax.f32 v3, v60;
	v4 =	vmax.f32 v58, v4  }
0x4c8: {  	v2 =	vmax.f32 v2, v62;
	v3 =	vmax.f32 v4, v3  }
0x4c9: {  	v2 =	vmax.f32 v3, v2  }
0x4ca: {  	vm8 =	vgt.f32 v2, v57;
	v1 =	vld.idx.msk [tilespmem:v1+s10+$0x0], $0xffff  }
0x4cb: {  	v3 =	vsel vm8, s19, v59  }
0x4cc: {  	v4 =	vshll.u32 v3, $0xA  }
0x4cd: {  	v5 =	vor.u32 v28, v4  }
0x4ce: {  	v6 =	vor.u32 v27, v4  }
0x4cf: {  	v8 =	vor.u32 v26, v4;
	v1 =	vcvt.s32.f32 v1  }
0x4d0: {  	v9 =	vor.u32 v25, v4  }
0x4d1: {  	[tilespmem:$0x16B20] =	vst v1;
	v1 =	vor.u32 v24, v4  }
0x4d2: {  	v10 =	vor.u32 v23, v4;
	v5 =	vld.idx.msk [tilespmem:v5+s14+$0x0], $0xffff  }
0x4d3: {  	v4 =	vor.u32 v22, v4;
	v6 =	vld.idx.msk [tilespmem:v6+s14+$0x0], $0xffff  }
0x4d4: {  	v8 =	vld.idx.msk [tilespmem:v8+s14+$0x0], $0xffff  }
0x4d5: {  	v9 =	vld.idx.msk [tilespmem:v9+s14+$0x0], $0xffff  }
0x4d6: {  	v2 =	vmax.f32 v2, v57;
	v1 =	vld.idx.msk [tilespmem:v1+s14+$0x0], $0xffff  }
0x4d7: {  	v10 =	vld.idx.msk [tilespmem:v10+s14+$0x0], $0xffff;
	vm9 =	veq.f32 v5, v2  }
0x4d8: {  	v4 =	vld.idx.msk [tilespmem:v4+s14+$0x0], $0xffff;
	vm10 =	veq.f32 v6, v2;
	v5 =	vsel vm9, $0x6, v7  }
0x4d9: {  	vm11 =	veq.f32 v8, v2;
	v5 =	vsel vm10, $0x5, v5  }
0x4da: {  	vm12 =	veq.f32 v9, v2;
	v5 =	vsel vm11, $0x4, v5  }
0x4db: {  	v5 =	vsel vm12, $0x3, v5;
	vm13 =	veq.f32 v1, v2  }
0x4dc: {  	vm14 =	veq.f32 v10, v2;
	v1 =	vsel vm13, $0x2, v5  }
0x4dd: {  	vm15 =	veq.f32 v4, v2;
	v1 =	vsel vm14, $0x1, v1  }
0x4de: {  	v2 =	vshll.u32 v3, $0x3;
	v1 =	vsel vm15, $0x0, v1  }
0x4df: {  	v1 =	vadd.s32 v2, v1;
	_ =	sdelay $0x4  }
0x4e0: {  	v1 =	vld.idx.msk [tilespmem:v1+s10+$0x0], $0xffff;
	_ =	sdelay $0x4  }
0x4e1: {  	v1 =	vcvt.s32.f32 v1;
	_ =	sdelay $0x1  }
0x4e2: {  	s21 =	simm.s32 $0xB640;
	[tilespmem:$0x16B30] =	vst v1  }
0x4e3: {  	v58 =	vld [tilespmem:s21+$0xFFFFFE10]  }
0x4e4: {  	v3 =	vld [tilespmem:s21+$0xFFFFFE00]  }
0x4e5: {  	v2 =	vld [tilespmem:s21+$0x190]  }
0x4e6: {  	v4 =	vld [tilespmem:s21+$0xFFFFFE80]  }
0x4e7: {  	v8 =	vld [tilespmem:s21+$0x0]  }
0x4e8: {  	v9 =	vld [tilespmem:s21+$0x110]  }
0x4e9: {  	v10 =	vld [tilespmem:s21+$0x80]  }
0x4ea: {  	v60 =	vld [tilespmem:s21+$0xFFFFFF90]  }
0x4eb: {  	v11 =	vld [tilespmem:s21+$0x100]  }
0x4ec: {  	v12 =	vld [tilespmem:s21+$0x180]  }
0x4ed: {  	v63 =	vld [tilespmem:s21+$0x90]  }
0x4ee: {  	v5 =	vld [tilespmem:s21+$0xFFFFFF80]  }
0x4ef: {  	v6 =	vld [tilespmem:s21+$0xFFFFFF00]  }
0x4f0: {  	v61 =	vimm.f32 $-Inf;
	v57 =	vimm.f32 $-Inf;
	v62 =	vmax.f32 v9, v2;
	v2 =	vld [tilespmem:s21+$0x10]  }
0x4f1: {  	v9 =	vmax.f32 v8, v10;
	v8 =	vmax.f32 v3, v4;
	v4 =	vmax.f32 v11, v12;
	v3 =	vld [tilespmem:s21+$0xFFFFFF10]  }
0x4f2: {  	s20 =	simm.s32 $0x1;
	s19 =	simm.s32 $0x0;
	v59 =	vimm.s32 $0x0;
	v1 =	vimm.s32 $0x0;
	v9 =	vmax.f32 v9, v4;
	v4 =	vld [tilespmem:s21+$0xFFFFFE90];
	s21 =	simm.s32 $0xBA40  }
.LBB2_30:
0x4f3: {  	v10 =	vld [tilespmem:s21+$0xFFFFFE10];
	p0 =	sne.s32 s20, $0x2C;
	s22 =	smov.u32 s20;
	s20 =	sadd.s32 $0x1, s20  }
0x4f4: {  	v11 =	vld [tilespmem:s21+$0xFFFFFE00]  }
0x4f5: {  	v5 =	vmax.f32 v6, v5;
	v12 =	vld [tilespmem:s21+$0x190];
	v2 =	vmax.f32 v2, v63  }
0x4f6: {  	v5 =	vmax.f32 v8, v5;
	v13 =	vld [tilespmem:s21+$0xFFFFFE80];
	v3 =	vmax.f32 v3, v60  }
0x4f7: {  	v5 =	vmax.f32 v5, v9;
	v2 =	vmax.f32 v2, v62;
	v6 =	vld [tilespmem:s21+$0x0];
	v4 =	vmax.f32 v58, v4  }
0x4f8: {  	vm0 =	vgt.f32 v5, v61;
	v61 =	vmax.f32 v5, v61;
	v8 =	vld [tilespmem:s21+$0x110];
	v3 =	vmax.f32 v4, v3;
	v58 =	vmovc v10  }
0x4f9: {  	v1 =	vsel vm0, s19, v1;
	v4 =	vld [tilespmem:s21+$0x80];
	v2 =	vmax.f32 v3, v2  }
0x4fa: {  	v60 =	vld [tilespmem:s21+$0xFFFFFF90];
	vm0 =	vgt.f32 v2, v57;
	v57 =	vmax.f32 v2, v57  }
0x4fb: {  	v3 =	vld [tilespmem:s21+$0x100];
	v59 =	vsel vm0, s19, v59;
	s19 =	smov.u32 s22  }
0x4fc: {  	v9 =	vld [tilespmem:s21+$0x180]  }
0x4fd: {  	v63 =	vld [tilespmem:s21+$0x90];
	v62 =	vmax.f32 v8, v12  }
.Ltmp14:
0x4fe: {  	v5 =	vld [tilespmem:s21+$0xFFFFFF80];
	v4 =	vmax.f32 v6, v4;
	(pc) =	sbr.rel @p0 .LBB2_30-.Ltmp14, $4  }
0x4ff: {  	v8 =	vmax.f32 v11, v13;
	v6 =	vld [tilespmem:s21+$0xFFFFFF00]  }
0x500: {  	v2 =	vld [tilespmem:s21+$0x10]  }
0x501: {  	v9 =	vmax.f32 v3, v9;
	v3 =	vld [tilespmem:s21+$0xFFFFFF10]  }
0x502: {  	v9 =	vmax.f32 v4, v9;
	v4 =	vld [tilespmem:s21+$0xFFFFFE90];
	s21 =	sadd.s32 $0x400, s21  }
0x503: {  	_ = 	snop  }
0x504: {  	v5 =	vmax.f32 v6, v5  }
0x505: {  	v5 =	vmax.f32 v8, v5  }
0x506: {  	v5 =	vmax.f32 v5, v9  }
0x507: {  	vm0 =	vgt.f32 v5, v61  }
0x508: {  	v1 =	vsel vm0, s19, v1  }
0x509: {  	v6 =	vshll.u32 v1, $0xA  }
0x50a: {  	v8 =	vor.u32 v35, v6  }
0x50b: {  	v9 =	vor.u32 v34, v6  }
0x50c: {  	v10 =	vor.u32 v33, v6  }
0x50d: {  	v11 =	vor.u32 v32, v6  }
0x50e: {  	v12 =	vor.u32 v31, v6  }
0x50f: {  	v13 =	vor.u32 v30, v6;
	v8 =	vld.idx.msk [tilespmem:v8+s14+$0x0], $0xffff  }
0x510: {  	v6 =	vor.u32 v29, v6;
	v9 =	vld.idx.msk [tilespmem:v9+s14+$0x0], $0xffff  }
0x511: {  	v10 =	vld.idx.msk [tilespmem:v10+s14+$0x0], $0xffff  }
0x512: {  	v11 =	vld.idx.msk [tilespmem:v11+s14+$0x0], $0xffff  }
0x513: {  	v5 =	vmax.f32 v5, v61;
	v12 =	vld.idx.msk [tilespmem:v12+s14+$0x0], $0xffff  }
0x514: {  	v13 =	vld.idx.msk [tilespmem:v13+s14+$0x0], $0xffff;
	vm13 =	veq.f32 v8, v5  }
0x515: {  	v6 =	vld.idx.msk [tilespmem:v6+s14+$0x0], $0xffff;
	vm14 =	veq.f32 v9, v5;
	v8 =	vsel vm13, $0x6, v7  }
0x516: {  	vm15 =	veq.f32 v10, v5;
	v8 =	vsel vm14, $0x5, v8  }
0x517: {  	vm4 =	veq.f32 v11, v5;
	v8 =	vsel vm15, $0x4, v8  }
0x518: {  	vm5 =	veq.f32 v12, v5;
	v8 =	vsel vm4, $0x3, v8  }
0x519: {  	vm6 =	veq.f32 v13, v5;
	v8 =	vsel vm5, $0x2, v8  }
0x51a: {  	vm7 =	veq.f32 v6, v5;
	v8 =	vsel vm6, $0x1, v8  }
0x51b: {  	v1 =	vshll.u32 v1, $0x3;
	v5 =	vsel vm7, $0x0, v8  }
0x51c: {  	v1 =	vadd.s32 v1, v5;
	_ =	sdelay $0x1  }
0x51d: {  	v2 =	vmax.f32 v2, v63;
	v3 =	vmax.f32 v3, v60;
	v4 =	vmax.f32 v58, v4  }
0x51e: {  	v2 =	vmax.f32 v2, v62;
	v3 =	vmax.f32 v4, v3  }
0x51f: {  	v2 =	vmax.f32 v3, v2  }
0x520: {  	vm8 =	vgt.f32 v2, v57;
	v1 =	vld.idx.msk [tilespmem:v1+s10+$0x0], $0xffff  }
0x521: {  	v3 =	vsel vm8, s19, v59  }
0x522: {  	v4 =	vshll.u32 v3, $0xA  }
0x523: {  	v5 =	vor.u32 v42, v4  }
0x524: {  	v6 =	vor.u32 v41, v4  }
0x525: {  	v8 =	vor.u32 v40, v4;
	v1 =	vcvt.s32.f32 v1  }
0x526: {  	v9 =	vor.u32 v39, v4  }
0x527: {  	[tilespmem:$0x16B40] =	vst v1;
	v1 =	vor.u32 v38, v4  }
0x528: {  	v10 =	vor.u32 v37, v4;
	v5 =	vld.idx.msk [tilespmem:v5+s14+$0x0], $0xffff  }
0x529: {  	v4 =	vor.u32 v36, v4;
	v6 =	vld.idx.msk [tilespmem:v6+s14+$0x0], $0xffff  }
0x52a: {  	v8 =	vld.idx.msk [tilespmem:v8+s14+$0x0], $0xffff  }
0x52b: {  	v9 =	vld.idx.msk [tilespmem:v9+s14+$0x0], $0xffff  }
0x52c: {  	v2 =	vmax.f32 v2, v57;
	v1 =	vld.idx.msk [tilespmem:v1+s14+$0x0], $0xffff  }
0x52d: {  	v10 =	vld.idx.msk [tilespmem:v10+s14+$0x0], $0xffff;
	vm9 =	veq.f32 v5, v2  }
0x52e: {  	v4 =	vld.idx.msk [tilespmem:v4+s14+$0x0], $0xffff;
	vm10 =	veq.f32 v6, v2;
	v5 =	vsel vm9, $0x6, v7  }
0x52f: {  	vm11 =	veq.f32 v8, v2;
	v5 =	vsel vm10, $0x5, v5  }
0x530: {  	vm12 =	veq.f32 v9, v2;
	v5 =	vsel vm11, $0x4, v5  }
0x531: {  	v5 =	vsel vm12, $0x3, v5;
	vm13 =	veq.f32 v1, v2  }
0x532: {  	vm14 =	veq.f32 v10, v2;
	v1 =	vsel vm13, $0x2, v5  }
0x533: {  	vm15 =	veq.f32 v4, v2;
	v1 =	vsel vm14, $0x1, v1  }
0x534: {  	v2 =	vshll.u32 v3, $0x3;
	v1 =	vsel vm15, $0x0, v1  }
0x535: {  	v1 =	vadd.s32 v2, v1;
	_ =	sdelay $0x4  }
0x536: {  	v1 =	vld.idx.msk [tilespmem:v1+s10+$0x0], $0xffff;
	_ =	sdelay $0x4  }
0x537: {  	v1 =	vcvt.s32.f32 v1;
	_ =	sdelay $0x1  }
0x538: {  	s21 =	simm.s32 $0xB660;
	[tilespmem:$0x16B50] =	vst v1  }
0x539: {  	v58 =	vld [tilespmem:s21+$0xFFFFFE10]  }
0x53a: {  	v3 =	vld [tilespmem:s21+$0xFFFFFE00]  }
0x53b: {  	v2 =	vld [tilespmem:s21+$0x190]  }
0x53c: {  	v4 =	vld [tilespmem:s21+$0xFFFFFE80]  }
0x53d: {  	v8 =	vld [tilespmem:s21+$0x0]  }
0x53e: {  	v9 =	vld [tilespmem:s21+$0x110]  }
0x53f: {  	v10 =	vld [tilespmem:s21+$0x80]  }
0x540: {  	v60 =	vld [tilespmem:s21+$0xFFFFFF90]  }
0x541: {  	v11 =	vld [tilespmem:s21+$0x100]  }
0x542: {  	v12 =	vld [tilespmem:s21+$0x180]  }
0x543: {  	v63 =	vld [tilespmem:s21+$0x90]  }
0x544: {  	v5 =	vld [tilespmem:s21+$0xFFFFFF80]  }
0x545: {  	v6 =	vld [tilespmem:s21+$0xFFFFFF00]  }
0x546: {  	v61 =	vimm.f32 $-Inf;
	v57 =	vimm.f32 $-Inf;
	v62 =	vmax.f32 v9, v2;
	v2 =	vld [tilespmem:s21+$0x10]  }
0x547: {  	v9 =	vmax.f32 v8, v10;
	v8 =	vmax.f32 v3, v4;
	v4 =	vmax.f32 v11, v12;
	v3 =	vld [tilespmem:s21+$0xFFFFFF10]  }
0x548: {  	s20 =	simm.s32 $0x1;
	s19 =	simm.s32 $0x0;
	v59 =	vimm.s32 $0x0;
	v1 =	vimm.s32 $0x0;
	v9 =	vmax.f32 v9, v4;
	v4 =	vld [tilespmem:s21+$0xFFFFFE90];
	s21 =	simm.s32 $0xBA60  }
.LBB2_32:
0x549: {  	v10 =	vld [tilespmem:s21+$0xFFFFFE10];
	p0 =	sne.s32 s20, $0x2C;
	s22 =	smov.u32 s20;
	s20 =	sadd.s32 $0x1, s20  }
0x54a: {  	v11 =	vld [tilespmem:s21+$0xFFFFFE00]  }
0x54b: {  	v5 =	vmax.f32 v6, v5;
	v12 =	vld [tilespmem:s21+$0x190];
	v2 =	vmax.f32 v2, v63  }
0x54c: {  	v5 =	vmax.f32 v8, v5;
	v13 =	vld [tilespmem:s21+$0xFFFFFE80];
	v3 =	vmax.f32 v3, v60  }
0x54d: {  	v5 =	vmax.f32 v5, v9;
	v2 =	vmax.f32 v2, v62;
	v6 =	vld [tilespmem:s21+$0x0];
	v4 =	vmax.f32 v58, v4  }
0x54e: {  	vm0 =	vgt.f32 v5, v61;
	v61 =	vmax.f32 v5, v61;
	v8 =	vld [tilespmem:s21+$0x110];
	v3 =	vmax.f32 v4, v3;
	v58 =	vmovc v10  }
0x54f: {  	v1 =	vsel vm0, s19, v1;
	v4 =	vld [tilespmem:s21+$0x80];
	v2 =	vmax.f32 v3, v2  }
0x550: {  	v60 =	vld [tilespmem:s21+$0xFFFFFF90];
	vm0 =	vgt.f32 v2, v57;
	v57 =	vmax.f32 v2, v57  }
0x551: {  	v3 =	vld [tilespmem:s21+$0x100];
	v59 =	vsel vm0, s19, v59;
	s19 =	smov.u32 s22  }
0x552: {  	v9 =	vld [tilespmem:s21+$0x180]  }
0x553: {  	v63 =	vld [tilespmem:s21+$0x90];
	v62 =	vmax.f32 v8, v12  }
.Ltmp15:
0x554: {  	v5 =	vld [tilespmem:s21+$0xFFFFFF80];
	v4 =	vmax.f32 v6, v4;
	(pc) =	sbr.rel @p0 .LBB2_32-.Ltmp15, $4  }
0x555: {  	v8 =	vmax.f32 v11, v13;
	v6 =	vld [tilespmem:s21+$0xFFFFFF00]  }
0x556: {  	v2 =	vld [tilespmem:s21+$0x10]  }
0x557: {  	v9 =	vmax.f32 v3, v9;
	v3 =	vld [tilespmem:s21+$0xFFFFFF10]  }
0x558: {  	v9 =	vmax.f32 v4, v9;
	v4 =	vld [tilespmem:s21+$0xFFFFFE90];
	s21 =	sadd.s32 $0x400, s21  }
0x559: {  	_ = 	snop  }
0x55a: {  	v5 =	vmax.f32 v6, v5  }
0x55b: {  	v5 =	vmax.f32 v8, v5  }
0x55c: {  	v5 =	vmax.f32 v5, v9  }
0x55d: {  	vm0 =	vgt.f32 v5, v61  }
0x55e: {  	v1 =	vsel vm0, s19, v1  }
0x55f: {  	v6 =	vshll.u32 v1, $0xA  }
0x560: {  	v8 =	vor.u32 v49, v6  }
0x561: {  	v9 =	vor.u32 v48, v6  }
0x562: {  	v10 =	vor.u32 v47, v6  }
0x563: {  	v11 =	vor.u32 v46, v6  }
0x564: {  	v12 =	vor.u32 v45, v6  }
0x565: {  	v13 =	vor.u32 v44, v6;
	v8 =	vld.idx.msk [tilespmem:v8+s14+$0x0], $0xffff  }
0x566: {  	v6 =	vor.u32 v43, v6;
	v9 =	vld.idx.msk [tilespmem:v9+s14+$0x0], $0xffff  }
0x567: {  	v10 =	vld.idx.msk [tilespmem:v10+s14+$0x0], $0xffff  }
0x568: {  	v11 =	vld.idx.msk [tilespmem:v11+s14+$0x0], $0xffff  }
0x569: {  	v5 =	vmax.f32 v5, v61;
	v12 =	vld.idx.msk [tilespmem:v12+s14+$0x0], $0xffff  }
0x56a: {  	v13 =	vld.idx.msk [tilespmem:v13+s14+$0x0], $0xffff;
	vm13 =	veq.f32 v8, v5  }
0x56b: {  	v6 =	vld.idx.msk [tilespmem:v6+s14+$0x0], $0xffff;
	vm14 =	veq.f32 v9, v5;
	v8 =	vsel vm13, $0x6, v7  }
0x56c: {  	vm15 =	veq.f32 v10, v5;
	v8 =	vsel vm14, $0x5, v8  }
0x56d: {  	vm4 =	veq.f32 v11, v5;
	v8 =	vsel vm15, $0x4, v8  }
0x56e: {  	vm5 =	veq.f32 v12, v5;
	v8 =	vsel vm4, $0x3, v8  }
0x56f: {  	vm6 =	veq.f32 v13, v5;
	v8 =	vsel vm5, $0x2, v8  }
0x570: {  	vm7 =	veq.f32 v6, v5;
	v8 =	vsel vm6, $0x1, v8  }
0x571: {  	v1 =	vshll.u32 v1, $0x3;
	v5 =	vsel vm7, $0x0, v8  }
0x572: {  	v1 =	vadd.s32 v1, v5;
	_ =	sdelay $0x1  }
0x573: {  	v2 =	vmax.f32 v2, v63;
	v3 =	vmax.f32 v3, v60;
	v4 =	vmax.f32 v58, v4  }
0x574: {  	v2 =	vmax.f32 v2, v62;
	v3 =	vmax.f32 v4, v3  }
0x575: {  	v2 =	vmax.f32 v3, v2  }
0x576: {  	vm8 =	vgt.f32 v2, v57;
	v1 =	vld.idx.msk [tilespmem:v1+s10+$0x0], $0xffff  }
0x577: {  	v3 =	vsel vm8, s19, v59  }
0x578: {  	v4 =	vshll.u32 v3, $0xA  }
0x579: {  	v5 =	vor.u32 v56, v4  }
0x57a: {  	v6 =	vor.u32 v55, v4  }
0x57b: {  	v8 =	vor.u32 v54, v4;
	v1 =	vcvt.s32.f32 v1  }
0x57c: {  	v62 =	vor.u32 v53, v4  }
0x57d: {  	[tilespmem:$0x16B60] =	vst v1;
	v1 =	vor.u32 v52, v4  }
0x57e: {  	v63 =	vor.u32 v51, v4;
	v5 =	vld.idx.msk [tilespmem:v5+s14+$0x0], $0xffff  }
0x57f: {  	v4 =	vor.u32 v50, v4;
	v6 =	vld.idx.msk [tilespmem:v6+s14+$0x0], $0xffff  }
0x580: {  	v8 =	vld.idx.msk [tilespmem:v8+s14+$0x0], $0xffff  }
0x581: {  	v9 =	vld.idx.msk [tilespmem:v62+s14+$0x0], $0xffff  }
0x582: {  	v2 =	vmax.f32 v2, v57;
	v1 =	vld.idx.msk [tilespmem:v1+s14+$0x0], $0xffff  }
0x583: {  	v10 =	vld.idx.msk [tilespmem:v63+s14+$0x0], $0xffff;
	vm9 =	veq.f32 v5, v2  }
0x584: {  	v4 =	vld.idx.msk [tilespmem:v4+s14+$0x0], $0xffff;
	vm10 =	veq.f32 v6, v2;
	v5 =	vsel vm9, $0x6, v7  }
0x585: {  	vm11 =	veq.f32 v8, v2;
	v5 =	vsel vm10, $0x5, v5  }
0x586: {  	vm12 =	veq.f32 v9, v2;
	v5 =	vsel vm11, $0x4, v5  }
0x587: {  	v5 =	vsel vm12, $0x3, v5;
	vm13 =	veq.f32 v1, v2  }
0x588: {  	vm14 =	veq.f32 v10, v2;
	v1 =	vsel vm13, $0x2, v5  }
0x589: {  	vm15 =	veq.f32 v4, v2;
	v1 =	vsel vm14, $0x1, v1  }
0x58a: {  	v2 =	vshll.u32 v3, $0x3;
	v1 =	vsel vm15, $0x0, v1  }
0x58b: {  	v1 =	vadd.s32 v2, v1;
	_ =	sdelay $0x4  }
0x58c: {  	v1 =	vld.idx.msk [tilespmem:v1+s10+$0x0], $0xffff;
	_ =	sdelay $0x4  }
0x58d: {  	s18 =	sadd.s32 $0x1, s18;
	v1 =	vcvt.s32.f32 v1  }
0x58e: {  	p0 =	sne.s32 s18, s9  }
.Ltmp16:
0x58f: {  	[tilespmem:$0x16B70] =	vst v1;
	(pc) =	sbr.rel @p0 .LBB2_1-.Ltmp16, $4  }
0x590: {  	[hbm4b:s8+s3] =	stream.linear.scatter [tilespmem:s17], [sflag:$0x3], $0x200, $0x38;
	[tilespmem:$0x16B80] =	vst v63  }
0x591: {  	_ =	swait.ge [sflag:s11], $0x200  }
0x592: {  	[sflag:s11] =	ssyncset.done $0x0  }
0x593: {  	[sflag:s11] =	ssyncadd.s32 $0xFFFFFE00  }
0x594: {  	_ =	sfence.sel $0x180000  }
0x595: {  	[bflag:$0x0] =	sbarrier.arrive $0xFFFF  }
0x596: {  	p0 =	sne.s32 s2, $0x0;
	_ =	strace $0x90000047  }
0x597: {  	s0 =	sadd.s32 @!p0 $0x100000, s1;
	[bflag:$0x2] =	sbarrier.arrive $0xFFFF  }
0x598: {  	[sflag:s0] =	ssyncadd.tile.s32 @!p0 $0x1;
	_ =	shalt  }
.Lfunc_end2:
_tile_overlayer_lowered:
.L_overlay_start_2:
0x599: {  	(tag) =	ssettag $0x2  }
0x59a: {  	s0 =	rddreg [dreg:$0x0];
	s2 =	stileid.u32  }
0x59b: {  	s1 =	rddreg [dreg:$0x1];
	p0 =	sne.s32 s2, $0x0  }
0x59c: {  	s3 =	rddreg [dreg:$0x2];
	[bflag:$0x3] =	sbarrier.arrive $0xFFFF;
	s2 =	simm.s32 @!p0 $0x1C03  }
0x59d: {  	[timem:s3], [sflag:s2] =	dma.local @!p0 [hbm:s0], s1  }
0x59e: {  	s0 =	simm.s32 @!p0 $0x3  }
0x59f: {  	_ =	swait.ge @!p0 [sflag:s0], s1  }
0x5a0: {  	s1 =	ssub.s32 @!p0 $0x0, s1;
	[sflag:s0] =	ssyncset.done @!p0 $0x0  }
0x5a1: {  	[sflag:s0] =	ssyncadd.s32 @!p0 s1  }
0x5a2: {  	[bflag:$0x3] =	sbarrier.arrive $0xFFFF  }
0x5a3: {  	_ =	shalt  }

</sc_bundles>
